<compile_context>
chip_gen: v7x
topology: tpu7x:2x2x1
jax: 0.10.2.dev20260603
libtpu: 0.0.44.dev20260713+nightly
codegen_flags: <defaults>
</compile_context>

<pallas_src>
import functools

import jax
import jax.numpy as jnp
from jax import lax
from jax.experimental import pallas as pl
from jax.experimental.pallas import tpu as pltpu
from jax.experimental.pallas import tpu_sc as plsc

NC = 2
NS = 16
CH = 128
KB = 32
SCH = 128
NBUF = 2
LOOKAHEAD = 1



def _encoder(x, W1, b1, W2, b2):
    N, D = x.shape
    H = W2.shape[1]
    R = 1000
    grid = N // R

    def body(x_ref, w1_ref, b1_ref, w2_ref, b2_ref, o_ref):
        h1 = jnp.maximum(x_ref[...] @ w1_ref[...] + b1_ref[...], 0.0)
        o_ref[...] = h1 @ w2_ref[...] + b2_ref[...]

    return pl.pallas_call(
        body,
        grid=(grid,),
        in_specs=[
            pl.BlockSpec((R, D), lambda i: (i, 0)),
            pl.BlockSpec((D, H), lambda i: (0, 0)),
            pl.BlockSpec((1, H), lambda i: (0, 0)),
            pl.BlockSpec((H, H), lambda i: (0, 0)),
            pl.BlockSpec((1, H), lambda i: (0, 0)),
        ],
        out_specs=pl.BlockSpec((R, H), lambda i: (i, 0)),
        out_shape=jax.ShapeDtypeStruct((N, H), jnp.float32),
    )(x, W1, b1.reshape(1, H), W2, b2.reshape(1, H))


def _first_scale_matmul(h, degp, W):
    N, H = h.shape
    R = 1000
    grid = N // R

    def body(h_ref, d_ref, w_ref, mo_ref, dv_ref):
        deg = d_ref[0] + d_ref[1] + 1.0
        dinv = lax.rsqrt(deg)
        dv_ref[...] = dinv
        m = (h_ref[...] @ w_ref[...]) * dinv[:, :1]
        mo_ref[...] = m.reshape(R, 2, H // 2)

    return pl.pallas_call(
        body,
        grid=(grid,),
        in_specs=[
            pl.BlockSpec((R, H), lambda i: (i, 0)),
            pl.BlockSpec((2, R, 16), lambda i: (0, i, 0)),
            pl.BlockSpec((H, H), lambda i: (0, 0)),
        ],
        out_specs=[
            pl.BlockSpec((R, 2, H // 2), lambda i: (i, 0, 0)),
            pl.BlockSpec((R, 16), lambda i: (i, 0)),
        ],
        out_shape=[
            jax.ShapeDtypeStruct((N, 2, H // 2), jnp.float32),
            jax.ShapeDtypeStruct((N, 16), jnp.float32),
        ],
    )(h, degp, W)


def _layer_scale_matmul(Y, m, dinv16, b, W):
    Nc, N, Hh = Y.shape
    H = Nc * Hh
    R = 1000
    grid = N // R

    def body(y_ref, m_ref, dv_ref, b_ref, w_ref, mo_ref):
        y = y_ref[...]
        Yb = jnp.concatenate([y[0], y[1]], axis=-1)
        mb = m_ref[...].reshape(R, H)
        dinv = dv_ref[...][:, :1]
        hb = jnp.maximum(dinv * (Yb + mb) + b_ref[...], 0.0)
        mo_ref[...] = (dinv * (hb @ w_ref[...])).reshape(R, 2, Hh)

    return pl.pallas_call(
        body,
        grid=(grid,),
        in_specs=[
            pl.BlockSpec((2, R, Hh), lambda i: (0, i, 0)),
            pl.BlockSpec((R, 2, Hh), lambda i: (i, 0, 0)),
            pl.BlockSpec((R, 16), lambda i: (i, 0)),
            pl.BlockSpec((1, H), lambda i: (0, 0)),
            pl.BlockSpec((H, H), lambda i: (0, 0)),
        ],
        out_specs=pl.BlockSpec((R, 2, Hh), lambda i: (i, 0, 0)),
        out_shape=jax.ShapeDtypeStruct((N, 2, Hh), jnp.float32),
    )(Y, m, dinv16, b.reshape(1, H), W)


def _final_pool_proj(Y, m, dinv16, b, Wp1, bp1, Wp2, bp2):
    Nc, N, Hh = Y.shape
    H = Nc * Hh
    EMB = Wp2.shape[1]

    def body(y_ref, m_ref, dv_ref, b_ref, w1_ref, c1_ref, w2_ref, c2_ref,
             o_ref):
        y = y_ref[...]
        Yb = jnp.concatenate([y[0], y[1]], axis=-1)
        mb = m_ref[...].reshape(N, H)
        dinv = dv_ref[...][:, :1]
        h = jnp.maximum(dinv * (Yb + mb) + b_ref[...], 0.0)
        mean = jnp.sum(h, axis=0, keepdims=True) * (1.0 / N)
        mx = jnp.max(h, axis=0, keepdims=True)
        g = jnp.concatenate([mean, mx], axis=1)
        g = jnp.maximum(g @ w1_ref[...] + c1_ref[...], 0.0)
        o_ref[...] = g @ w2_ref[...] + c2_ref[...]

    return pl.pallas_call(
        body,
        out_shape=jax.ShapeDtypeStruct((1, EMB), jnp.float32),
    )(Y, m, dinv16, b.reshape(1, H), Wp1, bp1.reshape(1, -1), Wp2,
      bp2.reshape(1, EMB))



def _sc_degree(dstd, zrows, n_nodes):
    N = n_nodes
    NCHD = dstd.shape[1]
    ZR = 640
    ACC = NS * ZR
    NR0 = 640
    NRL = N - (NS - 1) * NR0
    mesh = plsc.VectorSubcoreMesh(core_axis_name="c", subcore_axis_name="s")

    @functools.partial(
        pl.kernel,
        out_type=jax.ShapeDtypeStruct((NC, N, 128), jnp.float32),
        mesh=mesh,
        scratch_types=[
            pltpu.VMEM((NCHD, CH), jnp.int32),
            pltpu.VMEM((CH, 128), jnp.float32),
            pltpu.VMEM_SHARED((ACC, 128), jnp.float32),
        ],
    )
    def k(dstd_hbm, z_hbm, out_hbm, idx_v, ones_v, acc):
        c = lax.axis_index("c")
        s = lax.axis_index("s")
        w = c * NS + s
        pltpu.sync_copy(dstd_hbm.at[w], idx_v)

        def ofill(i, carry):
            for g in range(8):
                ones_v[i, pl.ds(g * 16, 16)] = jnp.ones((16,), jnp.float32)
            return carry

        lax.fori_loop(0, CH, ofill, 0)
        pltpu.sync_copy(z_hbm, acc.at[pl.ds(s * ZR, ZR)])
        plsc.subcore_barrier()

        def body(j, carry):
            pltpu.sync_copy(ones_v, acc.at[idx_v.at[j]], add=True)
            return carry

        lax.fori_loop(0, NCHD, body, 0)
        plsc.subcore_barrier()

        @pl.when(s < NS - 1)
        def _():
            pltpu.sync_copy(acc.at[pl.ds(s * NR0, NR0)],
                            out_hbm.at[c, pl.ds(s * NR0, NR0)])

        @pl.when(s == NS - 1)
        def _():
            pltpu.sync_copy(acc.at[pl.ds((NS - 1) * NR0, NRL)],
                            out_hbm.at[c, pl.ds((NS - 1) * NR0, NRL)])

    return k(dstd, zrows)


def _sc_scatter(m_flat, srcg, dst3, zrows, n_nodes):
    N = n_nodes
    NCH = dst3.shape[1]
    ZR = 632
    ACC = NS * ZR
    NR0 = 640
    NRL = N - (NS - 1) * NR0
    mesh = plsc.VectorSubcoreMesh(core_axis_name="c", subcore_axis_name="s")

    @functools.partial(
        pl.kernel,
        out_type=jax.ShapeDtypeStruct((NC, N, 128), jnp.float32),
        mesh=mesh,
        scratch_types=[
            pltpu.VMEM((2, KB, SCH), jnp.int32),
            pltpu.VMEM((2, KB, SCH), jnp.int32),
            [pltpu.VMEM((SCH, 128), jnp.float32) for _ in range(NBUF)],
            pltpu.VMEM_SHARED((ACC, 128), jnp.float32),
            [pltpu.SemaphoreType.DMA for _ in range(NBUF)],
            [pltpu.SemaphoreType.DMA for _ in range(NBUF)],
        ],
    )
    def k(m_hbm, srcg_hbm, dst3_hbm, z_hbm, out_hbm,
          src_v, dst_v, rows, acc, gsem, asem):
        c = lax.axis_index("c")
        s = lax.axis_index("s")

        def stage(blk):
            pltpu.sync_copy(srcg_hbm.at[c, s, pl.ds(blk * KB, KB)],
                            src_v.at[blk % 2])
            pltpu.sync_copy(dst3_hbm.at[s, pl.ds(blk * KB, KB)],
                            dst_v.at[blk % 2])

        def sidx(j):
            return src_v.at[(j // KB) % 2, j % KB]

        def didx(j):
            return dst_v.at[(j // KB) % 2, j % KB]

        def wait_gather(p):
            pltpu.make_async_copy(m_hbm.at[pl.ds(0, SCH)], rows[p],
                                  gsem[p]).wait()

        def wait_add(p):
            pltpu.make_async_copy(rows[p], acc.at[pl.ds(0, SCH)],
                                  asem[p]).wait()

        def start_gather(j, p):
            @pl.when(j % KB == 0)
            def _():
                stage(j // KB)

            pltpu.async_copy(m_hbm.at[sidx(j)], rows[p], gsem[p])

        pltpu.sync_copy(z_hbm.at[pl.ds(0, ZR)], acc.at[pl.ds(s * ZR, ZR)])
        stage(0)
        plsc.subcore_barrier()
        for j in range(LOOKAHEAD):
            pltpu.async_copy(m_hbm.at[sidx(j)], rows[j], gsem[j])

        def body(t, carry):
            for p in range(NBUF):
                j = NBUF * t + p
                wait_gather(p)
                pltpu.async_copy(rows[p], acc.at[didx(j)], asem[p], add=True)
                jg = j + LOOKAHEAD
                pg = (p + LOOKAHEAD) % NBUF
                jw = jg - NBUF

                @pl.when(jg < NCH)
                def _():
                    @pl.when(jw >= 0)
                    def _():
                        wait_add(pg)

                    start_gather(jg, pg)

            return carry

        lax.fori_loop(0, NCH // NBUF, body, 0)
        for p in range(NBUF):
            wait_add(p)
        plsc.subcore_barrier()

        @pl.when(s < NS - 1)
        def _():
            pltpu.sync_copy(acc.at[pl.ds(s * NR0, NR0)],
                            out_hbm.at[c, pl.ds(s * NR0, NR0)])

        @pl.when(s == NS - 1)
        def _():
            pltpu.sync_copy(acc.at[pl.ds((NS - 1) * NR0, NRL)],
                            out_hbm.at[c, pl.ds((NS - 1) * NR0, NRL)])

    return k(m_flat, srcg, dst3, zrows)



def kernel(x, edge_index, W_enc1, b_enc1, W_enc2, b_enc2, W_conv0, b_conv0,
           W_conv1, b_conv1, W_conv2, b_conv2, W_proj1, b_proj1, W_proj2,
           b_proj2):
    N = x.shape[0]
    E = edge_index.shape[1]
    H = W_enc2.shape[1]
    src = edge_index[0]
    dst = edge_index[1]

    n_chunks = -(-E // (NS * SCH))
    NCH = -(-n_chunks // KB) * KB
    Epad = NS * NCH * SCH
    src_p = jnp.concatenate([src, jnp.zeros((Epad - E,), jnp.int32)])
    dst_p = jnp.concatenate([dst, jnp.full((Epad - E,), N, jnp.int32)])
    src3 = src_p.reshape(NS, NCH, SCH)
    dst3 = dst_p.reshape(NS, NCH, SCH)
    srcg = jnp.stack([2 * src3, 2 * src3 + 1])

    NW = NC * NS
    NCHD = -(-E // (NW * CH))
    EpadD = NW * NCHD * CH
    dstd = jnp.concatenate(
        [dst, jnp.full((EpadD - E,), N, jnp.int32)]).reshape(NW, NCHD, CH)

    z128 = jnp.zeros((640, 128), jnp.float32)

    degw = _sc_degree(dstd, z128, n_nodes=N)
    degp = jnp.broadcast_to(degw[:, :, :1], (NC, N, 16))
    h = _encoder(x, W_enc1, b_enc1, W_enc2, b_enc2)

    m, dinv16 = _first_scale_matmul(h, degp, W_conv0)
    Y = _sc_scatter(m.reshape(2 * N, H // 2), srcg, dst3, z128, n_nodes=N)
    m = _layer_scale_matmul(Y, m, dinv16, b_conv0, W_conv1)
    Y = _sc_scatter(m.reshape(2 * N, H // 2), srcg, dst3, z128, n_nodes=N)
    m = _layer_scale_matmul(Y, m, dinv16, b_conv1, W_conv2)
    Y = _sc_scatter(m.reshape(2 * N, H // 2), srcg, dst3, z128, n_nodes=N)
    return _final_pool_proj(Y, m, dinv16, b_conv2, W_proj1, b_proj1,
                            W_proj2, b_proj2)

# --- scband reference (transcript-rebuilt; emitter-appended) ---
"""Pipeline reference for scband-gaeencoder-36867999269271 (READ-ONLY COPY).

The authoritative reference and input builder live on the scoring server;
editing this copy changes nothing except your own understanding.
"""

import jax, jax.numpy as jnp
import numpy as np

N = 10000
E = 320000
D_IN = 128
H = 256
EMB = 128


def setup_inputs(seed: int = 0) -> dict:
    key = jax.random.key(seed)
    ks = jax.random.split(key, 20)
    inp = {}
    inp["x"] = jax.random.normal(ks[0], (N, D_IN), dtype=jnp.float32)
    inp["edge_index"] = jax.random.randint(ks[1], (2, E), 0, N, dtype=jnp.int32)
    # node_encoder: Linear(D_IN,H) -> ReLU -> Dropout -> Linear(H,H)
    inp["W_enc1"] = jax.random.normal(ks[2], (D_IN, H), dtype=jnp.float32) * (1.0 / np.sqrt(D_IN))
    inp["b_enc1"] = jnp.zeros((H,), dtype=jnp.float32)
    inp["W_enc2"] = jax.random.normal(ks[3], (H, H), dtype=jnp.float32) * (1.0 / np.sqrt(H))
    inp["b_enc2"] = jnp.zeros((H,), dtype=jnp.float32)
    # 3 GCN conv layers: Linear(H,H) each
    for i in range(3):
        inp[f"W_conv{i}"] = jax.random.normal(ks[4 + i], (H, H), dtype=jnp.float32) * (1.0 / np.sqrt(H))
        inp[f"b_conv{i}"] = jnp.zeros((H,), dtype=jnp.float32)
    # graph_projection: Linear(2H,H) -> ReLU -> Dropout -> Linear(H,EMB)
    inp["W_proj1"] = jax.random.normal(ks[8], (2 * H, H), dtype=jnp.float32) * (1.0 / np.sqrt(2 * H))
    inp["b_proj1"] = jnp.zeros((H,), dtype=jnp.float32)
    inp["W_proj2"] = jax.random.normal(ks[9], (H, EMB), dtype=jnp.float32) * (1.0 / np.sqrt(H))
    inp["b_proj2"] = jnp.zeros((EMB,), dtype=jnp.float32)
    return inp


def _gcn_conv(h, src, dst, W, b):
    n = h.shape[0]
    # add self-loops (PyG GCNConv default)
    loop = jnp.arange(n, dtype=src.dtype)
    s = jnp.concatenate([src, loop])
    d = jnp.concatenate([dst, loop])
    hW = h @ W
    deg = jax.ops.segment_sum(jnp.ones_like(d, dtype=hW.dtype), d, num_segments=n)
    dinv = jnp.where(deg > 0, 1.0 / jnp.sqrt(deg), 0.0)
    norm = dinv[s] * dinv[d]
    msg = hW[s] * norm[:, None]
    out = jax.ops.segment_sum(msg, d, num_segments=n)
    return out + b


def reference(x, edge_index, W_enc1, b_enc1, W_enc2, b_enc2, W_conv0, b_conv0, W_conv1, b_conv1, W_conv2, b_conv2, W_proj1, b_proj1, W_proj2, b_proj2):
    # node encoder (dropout inactive in eval)
    h = jax.nn.relu(x @ W_enc1 + b_enc1)
    h = h @ W_enc2 + b_enc2
    src = edge_index[0]
    dst = edge_index[1]
    for (W, b) in ((W_conv0, b_conv0), (W_conv1, b_conv1), (W_conv2, b_conv2)):
        h = _gcn_conv(h, src, dst, W, b)
        h = jax.nn.relu(h)
    # single-graph pooling (batch = zeros)
    mean_pool = jnp.mean(h, axis=0, keepdims=True)
    max_pool = jnp.max(h, axis=0, keepdims=True)
    graph_rep = jnp.concatenate([mean_pool, max_pool], axis=1)
    g = jax.nn.relu(graph_rep @ W_proj1 + b_proj1)
    graph_embedding = g @ W_proj2 + b_proj2
    return graph_embedding

if __name__ == "__main__":
    import jax
    _d = setup_inputs()
    print(jax.jit(kernel)(*tuple(_d.values())))

</pallas_src>

<mosaic_0001>
#map = affine_map<(d0, d1) -> (0, 0)>
#map1 = affine_map<(d0, d1) -> (0, 0, 0, 0)>
#map2 = affine_map<(d0, d1) -> (0, 0, 0)>
module attributes {stable_mosaic.version = 14 : i64} {
  func.func @k(%arg0: i32, %arg1: i32, %arg2: memref<20000x128xf32, #tpu.memory_space<hbm>>, %arg3: memref<2x16x160x128xi32, #tpu.memory_space<hbm>>, %arg4: memref<16x160x128xi32, #tpu.memory_space<hbm>>, %arg5: memref<640x128xf32, #tpu.memory_space<hbm>>, %arg6: memref<2x10000x128xf32, #tpu.memory_space<hbm>>, %arg7: memref<2x32x128xi32, #tpu.memory_space<vmem>>, %arg8: memref<2x32x128xi32, #tpu.memory_space<vmem>>, %arg9: memref<128x128xf32, #tpu.memory_space<vmem>>, %arg10: memref<128x128xf32, #tpu.memory_space<vmem>>, %arg11: memref<10112x128xf32, #tpu.memory_space<vmem_shared>>, %arg12: memref<!tpu.dma_semaphore, #tpu.memory_space<semaphore_mem>>, %arg13: memref<!tpu.dma_semaphore, #tpu.memory_space<semaphore_mem>>, %arg14: memref<!tpu.dma_semaphore, #tpu.memory_space<semaphore_mem>>, %arg15: memref<!tpu.dma_semaphore, #tpu.memory_space<semaphore_mem>>) attributes {dimension_semantics = [#tpu.dimension_semantics<core_parallel>, #tpu.dimension_semantics<subcore_parallel>], iteration_bounds = array<i64: 2, 16>, scalar_prefetch = 0 : i64, scratch_operands = 9 : i64, tpu.core_type = #tpu.core_type<sc_vector_subcore>, window_params = [{transform_indices = #map}, {transform_indices = #map1}, {transform_indices = #map2}, {transform_indices = #map}, {transform_indices = #map2}]} {
    %mul3A = arith.constant 632 : i32
    %mul3A_0 = arith.muli %arg1, %mul3A : i32
    "tpu.region"() ({
      %run_scoped3A_32 = tpu.sem_alloc : memref<!tpu.dma_semaphore, #tpu.memory_space<semaphore_mem>>
      %dma_start3A_33 = arith.constant 0 : i32
      %dma_start3A_34 = tpu.memref_slice %arg11[%mul3A_0, %dma_start3A_33] : memref<10112x128xf32, #tpu.memory_space<vmem_shared>> -> memref<632x128xf32, #tpu.memory_space<vmem_shared>>
      %dma_start3A_35 = arith.constant 0 : i32
      %dma_start3A_36 = arith.constant 0 : i32
      %dma_start3A_37 = tpu.memref_slice %arg5[%dma_start3A_35, %dma_start3A_36] : memref<640x128xf32, #tpu.memory_space<hbm>> -> memref<632x128xf32, #tpu.memory_space<hbm>>
      tpu.enqueue_dma source(%dma_start3A_37 : memref<632x128xf32, #tpu.memory_space<hbm>>) target(%dma_start3A_34 : memref<632x128xf32, #tpu.memory_space<vmem_shared>>) target_semaphore(%run_scoped3A_32 : memref<!tpu.dma_semaphore, #tpu.memory_space<semaphore_mem>>)
      %dma_wait3A_38 = arith.constant 0 : i32
      %dma_wait3A_39 = tpu.memref_slice %arg11[%mul3A_0, %dma_wait3A_38] : memref<10112x128xf32, #tpu.memory_space<vmem_shared>> -> memref<632x128xf32, #tpu.memory_space<vmem_shared>>
      %dma_wait3A_40 = arith.constant 0 : i32
      %dma_wait3A_41 = arith.constant 0 : i32
      %dma_wait3A_42 = tpu.memref_slice %arg5[%dma_wait3A_40, %dma_wait3A_41] : memref<640x128xf32, #tpu.memory_space<hbm>> -> memref<632x128xf32, #tpu.memory_space<hbm>>
      tpu.wait_dma2 semaphore(%run_scoped3A_32 : memref<!tpu.dma_semaphore, #tpu.memory_space<semaphore_mem>>) src(%dma_wait3A_42 : memref<632x128xf32, #tpu.memory_space<hbm>>) dst(%dma_wait3A_39 : memref<632x128xf32, #tpu.memory_space<vmem_shared>>)
      tpu.yield
    }) : () -> ()
    %run_scoped3A = arith.constant 0 : i32
    "tpu.region"() ({
      %run_scoped3A_32 = tpu.sem_alloc : memref<!tpu.dma_semaphore, #tpu.memory_space<semaphore_mem>>
      %dma_start3A_33 = arith.constant 0 : i32
      %dma_start3A_34 = arith.constant 0 : i32
      %dma_start3A_35 = tpu.memref_slice %arg7[%run_scoped3A, %dma_start3A_33, %dma_start3A_34] : memref<2x32x128xi32, #tpu.memory_space<vmem>> -> memref<1x32x128xi32, #tpu.memory_space<vmem>>
      %dma_start3A_36 = tpu.memref_squeeze %dma_start3A_35 : memref<1x32x128xi32, #tpu.memory_space<vmem>> -> memref<32x128xi32, #tpu.memory_space<vmem>>
      %dma_start3A_37 = arith.constant 0 : i32
      %dma_start3A_38 = arith.constant 0 : i32
      %dma_start3A_39 = tpu.memref_slice %arg3[%arg0, %arg1, %dma_start3A_37, %dma_start3A_38] : memref<2x16x160x128xi32, #tpu.memory_space<hbm>> -> memref<1x1x32x128xi32, #tpu.memory_space<hbm>>
      %dma_start3A_40 = tpu.memref_squeeze %dma_start3A_39 : memref<1x1x32x128xi32, #tpu.memory_space<hbm>> -> memref<32x128xi32, #tpu.memory_space<hbm>>
      %dma_start3A_41 = arith.constant 0 : i32
      %dma_start3A_42 = arith.constant 0 : i32
      %dma_start3A_43 = tpu.memref_slice %arg7[%run_scoped3A, %dma_start3A_41, %dma_start3A_42] : memref<2x32x128xi32, #tpu.memory_space<vmem>> -> memref<1x32x128xi32, #tpu.memory_space<vmem>>
      %dma_start3A_44 = tpu.memref_squeeze %dma_start3A_43 : memref<1x32x128xi32, #tpu.memory_space<vmem>> -> memref<32x128xi32, #tpu.memory_space<vmem>>
      %dma_start3A_45 = arith.constant 0 : i32
      %dma_start3A_46 = arith.constant 0 : i32
      %dma_start3A_47 = tpu.memref_slice %arg3[%arg0, %arg1, %dma_start3A_45, %dma_start3A_46] : memref<2x16x160x128xi32, #tpu.memory_space<hbm>> -> memref<1x1x32x128xi32, #tpu.memory_space<hbm>>
      %dma_start3A_48 = tpu.memref_squeeze %dma_start3A_47 : memref<1x1x32x128xi32, #tpu.memory_space<hbm>> -> memref<32x128xi32, #tpu.memory_space<hbm>>
      tpu.enqueue_dma source(%dma_start3A_48 : memref<32x128xi32, #tpu.memory_space<hbm>>) target(%dma_start3A_44 : memref<32x128xi32, #tpu.memory_space<vmem>>) target_semaphore(%run_scoped3A_32 : memref<!tpu.dma_semaphore, #tpu.memory_space<semaphore_mem>>)
      %dma_wait3A_49 = arith.constant 0 : i32
      %dma_wait3A_50 = arith.constant 0 : i32
      %dma_wait3A_51 = tpu.memref_slice %arg7[%run_scoped3A, %dma_wait3A_49, %dma_wait3A_50] : memref<2x32x128xi32, #tpu.memory_space<vmem>> -> memref<1x32x128xi32, #tpu.memory_space<vmem>>
      %dma_wait3A_52 = tpu.memref_squeeze %dma_wait3A_51 : memref<1x32x128xi32, #tpu.memory_space<vmem>> -> memref<32x128xi32, #tpu.memory_space<vmem>>
      %dma_wait3A_53 = arith.constant 0 : i32
      %dma_wait3A_54 = arith.constant 0 : i32
      %dma_wait3A_55 = tpu.memref_slice %arg3[%arg0, %arg1, %dma_wait3A_53, %dma_wait3A_54] : memref<2x16x160x128xi32, #tpu.memory_space<hbm>> -> memref<1x1x32x128xi32, #tpu.memory_space<hbm>>
      %dma_wait3A_56 = tpu.memref_squeeze %dma_wait3A_55 : memref<1x1x32x128xi32, #tpu.memory_space<hbm>> -> memref<32x128xi32, #tpu.memory_space<hbm>>
      %dma_wait3A_57 = arith.constant 0 : i32
      %dma_wait3A_58 = arith.constant 0 : i32
      %dma_wait3A_59 = tpu.memref_slice %arg7[%run_scoped3A, %dma_wait3A_57, %dma_wait3A_58] : memref<2x32x128xi32, #tpu.memory_space<vmem>> -> memref<1x32x128xi32, #tpu.memory_space<vmem>>
      %dma_wait3A_60 = tpu.memref_squeeze %dma_wait3A_59 : memref<1x32x128xi32, #tpu.memory_space<vmem>> -> memref<32x128xi32, #tpu.memory_space<vmem>>
      %dma_wait3A_61 = arith.constant 0 : i32
      %dma_wait3A_62 = arith.constant 0 : i32
      %dma_wait3A_63 = tpu.memref_slice %arg3[%arg0, %arg1, %dma_wait3A_61, %dma_wait3A_62] : memref<2x16x160x128xi32, #tpu.memory_space<hbm>> -> memref<1x1x32x128xi32, #tpu.memory_space<hbm>>
      %dma_wait3A_64 = tpu.memref_squeeze %dma_wait3A_63 : memref<1x1x32x128xi32, #tpu.memory_space<hbm>> -> memref<32x128xi32, #tpu.memory_space<hbm>>
      tpu.wait_dma2 semaphore(%run_scoped3A_32 : memref<!tpu.dma_semaphore, #tpu.memory_space<semaphore_mem>>) src(%dma_wait3A_64 : memref<32x128xi32, #tpu.memory_space<hbm>>) dst(%dma_wait3A_60 : memref<32x128xi32, #tpu.memory_space<vmem>>)
      tpu.yield
    }) : () -> ()
    %run_scoped3A_1 = arith.constant 0 : i32
    "tpu.region"() ({
      %run_scoped3A_32 = tpu.sem_alloc : memref<!tpu.dma_semaphore, #tpu.memory_space<semaphore_mem>>
      %dma_start3A_33 = arith.constant 0 : i32
      %dma_start3A_34 = arith.constant 0 : i32
      %dma_start3A_35 = tpu.memref_slice %arg8[%run_scoped3A_1, %dma_start3A_33, %dma_start3A_34] : memref<2x32x128xi32, #tpu.memory_space<vmem>> -> memref<1x32x128xi32, #tpu.memory_space<vmem>>
      %dma_start3A_36 = tpu.memref_squeeze %dma_start3A_35 : memref<1x32x128xi32, #tpu.memory_space<vmem>> -> memref<32x128xi32, #tpu.memory_space<vmem>>
      %dma_start3A_37 = arith.constant 0 : i32
      %dma_start3A_38 = arith.constant 0 : i32
      %dma_start3A_39 = tpu.memref_slice %arg4[%arg1, %dma_start3A_37, %dma_start3A_38] : memref<16x160x128xi32, #tpu.memory_space<hbm>> -> memref<1x32x128xi32, #tpu.memory_space<hbm>>
      %dma_start3A_40 = tpu.memref_squeeze %dma_start3A_39 : memref<1x32x128xi32, #tpu.memory_space<hbm>> -> memref<32x128xi32, #tpu.memory_space<hbm>>
      %dma_start3A_41 = arith.constant 0 : i32
      %dma_start3A_42 = arith.constant 0 : i32
      %dma_start3A_43 = tpu.memref_slice %arg8[%run_scoped3A_1, %dma_start3A_41, %dma_start3A_42] : memref<2x32x128xi32, #tpu.memory_space<vmem>> -> memref<1x32x128xi32, #tpu.memory_space<vmem>>
      %dma_start3A_44 = tpu.memref_squeeze %dma_start3A_43 : memref<1x32x128xi32, #tpu.memory_space<vmem>> -> memref<32x128xi32, #tpu.memory_space<vmem>>
      %dma_start3A_45 = arith.constant 0 : i32
      %dma_start3A_46 = arith.constant 0 : i32
      %dma_start3A_47 = tpu.memref_slice %arg4[%arg1, %dma_start3A_45, %dma_start3A_46] : memref<16x160x128xi32, #tpu.memory_space<hbm>> -> memref<1x32x128xi32, #tpu.memory_space<hbm>>
      %dma_start3A_48 = tpu.memref_squeeze %dma_start3A_47 : memref<1x32x128xi32, #tpu.memory_space<hbm>> -> memref<32x128xi32, #tpu.memory_space<hbm>>
      tpu.enqueue_dma source(%dma_start3A_48 : memref<32x128xi32, #tpu.memory_space<hbm>>) target(%dma_start3A_44 : memref<32x128xi32, #tpu.memory_space<vmem>>) target_semaphore(%run_scoped3A_32 : memref<!tpu.dma_semaphore, #tpu.memory_space<semaphore_mem>>)
      %dma_wait3A_49 = arith.constant 0 : i32
      %dma_wait3A_50 = arith.constant 0 : i32
      %dma_wait3A_51 = tpu.memref_slice %arg8[%run_scoped3A_1, %dma_wait3A_49, %dma_wait3A_50] : memref<2x32x128xi32, #tpu.memory_space<vmem>> -> memref<1x32x128xi32, #tpu.memory_space<vmem>>
      %dma_wait3A_52 = tpu.memref_squeeze %dma_wait3A_51 : memref<1x32x128xi32, #tpu.memory_space<vmem>> -> memref<32x128xi32, #tpu.memory_space<vmem>>
      %dma_wait3A_53 = arith.constant 0 : i32
      %dma_wait3A_54 = arith.constant 0 : i32
      %dma_wait3A_55 = tpu.memref_slice %arg4[%arg1, %dma_wait3A_53, %dma_wait3A_54] : memref<16x160x128xi32, #tpu.memory_space<hbm>> -> memref<1x32x128xi32, #tpu.memory_space<hbm>>
      %dma_wait3A_56 = tpu.memref_squeeze %dma_wait3A_55 : memref<1x32x128xi32, #tpu.memory_space<hbm>> -> memref<32x128xi32, #tpu.memory_space<hbm>>
      %dma_wait3A_57 = arith.constant 0 : i32
      %dma_wait3A_58 = arith.constant 0 : i32
      %dma_wait3A_59 = tpu.memref_slice %arg8[%run_scoped3A_1, %dma_wait3A_57, %dma_wait3A_58] : memref<2x32x128xi32, #tpu.memory_space<vmem>> -> memref<1x32x128xi32, #tpu.memory_space<vmem>>
      %dma_wait3A_60 = tpu.memref_squeeze %dma_wait3A_59 : memref<1x32x128xi32, #tpu.memory_space<vmem>> -> memref<32x128xi32, #tpu.memory_space<vmem>>
      %dma_wait3A_61 = arith.constant 0 : i32
      %dma_wait3A_62 = arith.constant 0 : i32
      %dma_wait3A_63 = tpu.memref_slice %arg4[%arg1, %dma_wait3A_61, %dma_wait3A_62] : memref<16x160x128xi32, #tpu.memory_space<hbm>> -> memref<1x32x128xi32, #tpu.memory_space<hbm>>
      %dma_wait3A_64 = tpu.memref_squeeze %dma_wait3A_63 : memref<1x32x128xi32, #tpu.memory_space<hbm>> -> memref<32x128xi32, #tpu.memory_space<hbm>>
      tpu.wait_dma2 semaphore(%run_scoped3A_32 : memref<!tpu.dma_semaphore, #tpu.memory_space<semaphore_mem>>) src(%dma_wait3A_64 : memref<32x128xi32, #tpu.memory_space<hbm>>) dst(%dma_wait3A_60 : memref<32x128xi32, #tpu.memory_space<vmem>>)
      tpu.yield
    }) : () -> ()
    %barrier3A = arith.constant 0 : index
    tpu.barrier barrier_id(%barrier3A)
    %dma_start3A = arith.constant 0 : i32
    %dma_start3A_2 = arith.constant 0 : i32
    %dma_start3A_3 = arith.constant 0 : i32
    %dma_start3A_4 = tpu.memref_slice %arg7[%dma_start3A, %dma_start3A_2, %dma_start3A_3] : memref<2x32x128xi32, #tpu.memory_space<vmem>> -> memref<1x1x128xi32, #tpu.memory_space<vmem>>
    %dma_start3A_5 = tpu.memref_squeeze %dma_start3A_4 : memref<1x1x128xi32, #tpu.memory_space<vmem>> -> memref<128xi32, #tpu.memory_space<vmem>>
    %dma_start3A_6 = arith.constant 0 : i32
    %dma_start3A_7 = arith.constant 0 : i32
    %dma_start3A_8 = tpu.memref_slice %arg2[%dma_start3A_6, %dma_start3A_7] : memref<20000x128xf32, #tpu.memory_space<hbm>> -> memref<20000x128xf32, #tpu.memory_space<hbm>>
    tpu.enqueue_indirect_dma source(%dma_start3A_8 : memref<20000x128xf32, #tpu.memory_space<hbm>>) target(%arg9 : memref<128x128xf32, #tpu.memory_space<vmem>>) offsets(%dma_start3A_5 : memref<128xi32, #tpu.memory_space<vmem>>) semaphore(%arg12 : memref<!tpu.dma_semaphore, #tpu.memory_space<semaphore_mem>>)
    %scan3A = arith.constant 0 : i32
    %scan3A_9 = arith.constant 0 : i32
    %scan3A_10 = arith.constant 80 : i32
    %scan3A_11 = arith.addi %scan3A_9, %scan3A_10 : i32
    %scan3A_12 = arith.constant 1 : i32
    scf.for %scan3A_32 = %scan3A_9 to %scan3A_11 step %scan3A_12  : i32 {
      %mul3A_33 = arith.constant 2 : i32
      %mul3A_34 = arith.muli %mul3A_33, %scan3A_32 : i32
      %add3A = arith.constant 0 : i32
      %add3A_35 = arith.addi %mul3A_34, %add3A : i32
      %dma_wait3A_36 = arith.constant 0 : i32
      %dma_wait3A_37 = arith.constant 0 : i32
      %dma_wait3A_38 = tpu.memref_slice %arg2[%dma_wait3A_36, %dma_wait3A_37] : memref<20000x128xf32, #tpu.memory_space<hbm>> -> memref<128x128xf32, #tpu.memory_space<hbm>>
      %dma_wait3A_39 = arith.constant 0 : i32
      %dma_wait3A_40 = arith.constant 0 : i32
      %dma_wait3A_41 = tpu.memref_slice %arg2[%dma_wait3A_39, %dma_wait3A_40] : memref<20000x128xf32, #tpu.memory_space<hbm>> -> memref<128x128xf32, #tpu.memory_space<hbm>>
      tpu.wait_dma2 semaphore(%arg12 : memref<!tpu.dma_semaphore, #tpu.memory_space<semaphore_mem>>) src(%dma_wait3A_41 : memref<128x128xf32, #tpu.memory_space<hbm>>) dst(%arg9 : memref<128x128xf32, #tpu.memory_space<vmem>>)
      %jit3A = arith.constant 32 : i32
      %div3A = arith.divsi %add3A_35, %jit3A : i32
      %sign3A = arith.constant 0 : i32
      %sign3A_42 = arith.cmpi sgt, %add3A_35, %sign3A : i32
      %sign3A_43 = arith.extui %sign3A_42 : i1 to i32
      %sign3A_44 = arith.constant 0 : i32
      %sign3A_45 = arith.cmpi slt, %add3A_35, %sign3A_44 : i32
      %sign3A_46 = arith.extui %sign3A_45 : i1 to i32
      %sign3A_47 = arith.subi %sign3A_43, %sign3A_46 : i32
      %sign3A_48 = arith.constant 0 : i32
      %sign3A_49 = arith.cmpi sgt, %jit3A, %sign3A_48 : i32
      %sign3A_50 = arith.extui %sign3A_49 : i1 to i32
      %sign3A_51 = arith.constant 0 : i32
      %sign3A_52 = arith.cmpi slt, %jit3A, %sign3A_51 : i32
      %sign3A_53 = arith.extui %sign3A_52 : i1 to i32
      %sign3A_54 = arith.subi %sign3A_50, %sign3A_53 : i32
      %ne3A = arith.cmpi ne, %sign3A_47, %sign3A_54 : i32
      %rem3A = arith.remsi %add3A_35, %jit3A : i32
      %ne3A_55 = arith.constant 0 : i32
      %ne3A_56 = arith.cmpi ne, %rem3A, %ne3A_55 : i32
      %and3A = arith.andi %ne3A, %ne3A_56 : i1
      %sub3A = arith.constant 1 : i32
      %sub3A_57 = arith.subi %div3A, %sub3A : i32
      %select_n3A = arith.select %and3A, %sub3A_57, %div3A : i32
      %jit3A_58 = arith.constant 2 : i32
      %eq3A_59 = arith.constant 0 : i32
      %eq3A_60 = arith.cmpi eq, %jit3A_58, %eq3A_59 : i32
      %jit3A_61 = arith.constant 1 : i32
      %select_n3A_62 = arith.select %eq3A_60, %jit3A_61, %jit3A_58 : i32
      %rem3A_63 = arith.remsi %select_n3A, %select_n3A_62 : i32
      %ne3A_64 = arith.constant 0 : i32
      %ne3A_65 = arith.cmpi ne, %rem3A_63, %ne3A_64 : i32
      %lt3A_66 = arith.constant 0 : i32
      %lt3A_67 = arith.cmpi slt, %rem3A_63, %lt3A_66 : i32
      %lt3A_68 = arith.constant 0 : i32
      %lt3A_69 = arith.cmpi slt, %select_n3A_62, %lt3A_68 : i32
      %ne3A_70 = arith.xori %lt3A_67, %lt3A_69 : i1
      %and3A_71 = arith.andi %ne3A_70, %ne3A_65 : i1
      %add3A_72 = arith.addi %rem3A_63, %select_n3A_62 : i32
      %select_n3A_73 = arith.select %and3A_71, %add3A_72, %rem3A_63 : i32
      %jit3A_74 = arith.constant 32 : i32
      %eq3A_75 = arith.constant 0 : i32
      %eq3A_76 = arith.cmpi eq, %jit3A_74, %eq3A_75 : i32
      %jit3A_77 = arith.constant 1 : i32
      %select_n3A_78 = arith.select %eq3A_76, %jit3A_77, %jit3A_74 : i32
      %rem3A_79 = arith.remsi %add3A_35, %select_n3A_78 : i32
      %ne3A_80 = arith.constant 0 : i32
      %ne3A_81 = arith.cmpi ne, %rem3A_79, %ne3A_80 : i32
      %lt3A_82 = arith.constant 0 : i32
      %lt3A_83 = arith.cmpi slt, %rem3A_79, %lt3A_82 : i32
      %lt3A_84 = arith.constant 0 : i32
      %lt3A_85 = arith.cmpi slt, %select_n3A_78, %lt3A_84 : i32
      %ne3A_86 = arith.xori %lt3A_83, %lt3A_85 : i1
      %and3A_87 = arith.andi %ne3A_86, %ne3A_81 : i1
      %add3A_88 = arith.addi %rem3A_79, %select_n3A_78 : i32
      %select_n3A_89 = arith.select %and3A_87, %add3A_88, %rem3A_79 : i32
      %dma_start3A_90 = arith.constant 0 : i32
      %dma_start3A_91 = tpu.memref_slice %arg8[%select_n3A_73, %select_n3A_89, %dma_start3A_90] : memref<2x32x128xi32, #tpu.memory_space<vmem>> -> memref<1x1x128xi32, #tpu.memory_space<vmem>>
      %dma_start3A_92 = tpu.memref_squeeze %dma_start3A_91 : memref<1x1x128xi32, #tpu.memory_space<vmem>> -> memref<128xi32, #tpu.memory_space<vmem>>
      %dma_start3A_93 = arith.constant 0 : i32
      %dma_start3A_94 = arith.constant 0 : i32
      %dma_start3A_95 = tpu.memref_slice %arg11[%dma_start3A_93, %dma_start3A_94] : memref<10112x128xf32, #tpu.memory_space<vmem_shared>> -> memref<10112x128xf32, #tpu.memory_space<vmem_shared>>
      tpu.enqueue_indirect_dma source(%arg9 : memref<128x128xf32, #tpu.memory_space<vmem>>) target(%dma_start3A_95 : memref<10112x128xf32, #tpu.memory_space<vmem_shared>>) offsets(%dma_start3A_92 : memref<128xi32, #tpu.memory_space<vmem>>) semaphore(%arg14 : memref<!tpu.dma_semaphore, #tpu.memory_space<semaphore_mem>>) {add = true}
      %add3A_96 = arith.constant 1 : i32
      %add3A_97 = arith.addi %add3A_35, %add3A_96 : i32
      %sub3A_98 = arith.constant 2 : i32
      %sub3A_99 = arith.subi %add3A_97, %sub3A_98 : i32
      %lt3A_100 = arith.constant 160 : i32
      %lt3A_101 = arith.cmpi slt, %add3A_97, %lt3A_100 : i32
      %convert_element_type3A_102 = arith.extui %lt3A_101 : i1 to i32
      %cond3A_103 = arith.constant 0 : i32
      %cond3A_104 = arith.cmpi ne, %convert_element_type3A_102, %cond3A_103 : i32
      scf.if %cond3A_104 {
        %ge3A = arith.constant 0 : i32
        %ge3A_186 = arith.cmpi sge, %sub3A_99, %ge3A : i32
        %convert_element_type3A_187 = arith.extui %ge3A_186 : i1 to i32
        %cond3A_188 = arith.constant 0 : i32
        %cond3A_189 = arith.cmpi ne, %convert_element_type3A_187, %cond3A_188 : i32
        scf.if %cond3A_189 {
          %dma_wait3A_273 = arith.constant 0 : i32
          %dma_wait3A_274 = arith.constant 0 : i32
          %dma_wait3A_275 = tpu.memref_slice %arg11[%dma_wait3A_273, %dma_wait3A_274] : memref<10112x128xf32, #tpu.memory_space<vmem_shared>> -> memref<128x128xf32, #tpu.memory_space<vmem_shared>>
          %dma_wait3A_276 = arith.constant 0 : i32
          %dma_wait3A_277 = arith.constant 0 : i32
          %dma_wait3A_278 = tpu.memref_slice %arg11[%dma_wait3A_276, %dma_wait3A_277] : memref<10112x128xf32, #tpu.memory_space<vmem_shared>> -> memref<128x128xf32, #tpu.memory_space<vmem_shared>>
          tpu.wait_dma2 semaphore(%arg15 : memref<!tpu.dma_semaphore, #tpu.memory_space<semaphore_mem>>) src(%arg10 : memref<128x128xf32, #tpu.memory_space<vmem>>) dst(%dma_wait3A_278 : memref<128x128xf32, #tpu.memory_space<vmem_shared>>)
        } else {
        }
        %jit3A_190 = arith.constant 32 : i32
        %eq3A_191 = arith.constant 0 : i32
        %eq3A_192 = arith.cmpi eq, %jit3A_190, %eq3A_191 : i32
        %jit3A_193 = arith.constant 1 : i32
        %select_n3A_194 = arith.select %eq3A_192, %jit3A_193, %jit3A_190 : i32
        %rem3A_195 = arith.remsi %add3A_97, %select_n3A_194 : i32
        %ne3A_196 = arith.constant 0 : i32
        %ne3A_197 = arith.cmpi ne, %rem3A_195, %ne3A_196 : i32
        %lt3A_198 = arith.constant 0 : i32
        %lt3A_199 = arith.cmpi slt, %rem3A_195, %lt3A_198 : i32
        %lt3A_200 = arith.constant 0 : i32
        %lt3A_201 = arith.cmpi slt, %select_n3A_194, %lt3A_200 : i32
        %ne3A_202 = arith.xori %lt3A_199, %lt3A_201 : i1
        %and3A_203 = arith.andi %ne3A_202, %ne3A_197 : i1
        %add3A_204 = arith.addi %rem3A_195, %select_n3A_194 : i32
        %select_n3A_205 = arith.select %and3A_203, %add3A_204, %rem3A_195 : i32
        %eq3A_206 = arith.constant 0 : i32
        %eq3A_207 = arith.cmpi eq, %select_n3A_205, %eq3A_206 : i32
        %convert_element_type3A_208 = arith.extui %eq3A_207 : i1 to i32
        %cond3A_209 = arith.constant 0 : i32
        %cond3A_210 = arith.cmpi ne, %convert_element_type3A_208, %cond3A_209 : i32
        scf.if %cond3A_210 {
          %jit3A_273 = arith.constant 32 : i32
          %div3A_274 = arith.divsi %add3A_97, %jit3A_273 : i32
          %sign3A_275 = arith.constant 0 : i32
          %sign3A_276 = arith.cmpi sgt, %add3A_97, %sign3A_275 : i32
          %sign3A_277 = arith.extui %sign3A_276 : i1 to i32
          %sign3A_278 = arith.constant 0 : i32
          %sign3A_279 = arith.cmpi slt, %add3A_97, %sign3A_278 : i32
          %sign3A_280 = arith.extui %sign3A_279 : i1 to i32
          %sign3A_281 = arith.subi %sign3A_277, %sign3A_280 : i32
          %sign3A_282 = arith.constant 0 : i32
          %sign3A_283 = arith.cmpi sgt, %jit3A_273, %sign3A_282 : i32
          %sign3A_284 = arith.extui %sign3A_283 : i1 to i32
          %sign3A_285 = arith.constant 0 : i32
          %sign3A_286 = arith.cmpi slt, %jit3A_273, %sign3A_285 : i32
          %sign3A_287 = arith.extui %sign3A_286 : i1 to i32
          %sign3A_288 = arith.subi %sign3A_284, %sign3A_287 : i32
          %ne3A_289 = arith.cmpi ne, %sign3A_281, %sign3A_288 : i32
          %rem3A_290 = arith.remsi %add3A_97, %jit3A_273 : i32
          %ne3A_291 = arith.constant 0 : i32
          %ne3A_292 = arith.cmpi ne, %rem3A_290, %ne3A_291 : i32
          %and3A_293 = arith.andi %ne3A_289, %ne3A_292 : i1
          %sub3A_294 = arith.constant 1 : i32
          %sub3A_295 = arith.subi %div3A_274, %sub3A_294 : i32
          %select_n3A_296 = arith.select %and3A_293, %sub3A_295, %div3A_274 : i32
          %mul3A_297 = arith.constant 32 : i32
          %mul3A_298 = arith.muli %select_n3A_296, %mul3A_297 : i32
          %jit3A_299 = arith.constant 2 : i32
          %eq3A_300 = arith.constant 0 : i32
          %eq3A_301 = arith.cmpi eq, %jit3A_299, %eq3A_300 : i32
          %jit3A_302 = arith.constant 1 : i32
          %select_n3A_303 = arith.select %eq3A_301, %jit3A_302, %jit3A_299 : i32
          %rem3A_304 = arith.remsi %select_n3A_296, %select_n3A_303 : i32
          %ne3A_305 = arith.constant 0 : i32
          %ne3A_306 = arith.cmpi ne, %rem3A_304, %ne3A_305 : i32
          %lt3A_307 = arith.constant 0 : i32
          %lt3A_308 = arith.cmpi slt, %rem3A_304, %lt3A_307 : i32
          %lt3A_309 = arith.constant 0 : i32
          %lt3A_310 = arith.cmpi slt, %select_n3A_303, %lt3A_309 : i32
          %ne3A_311 = arith.xori %lt3A_308, %lt3A_310 : i1
          %and3A_312 = arith.andi %ne3A_311, %ne3A_306 : i1
          %add3A_313 = arith.addi %rem3A_304, %select_n3A_303 : i32
          %select_n3A_314 = arith.select %and3A_312, %add3A_313, %rem3A_304 : i32
          "tpu.region"() ({
            %run_scoped3A_333 = tpu.sem_alloc : memref<!tpu.dma_semaphore, #tpu.memory_space<semaphore_mem>>
            %dma_start3A_334 = arith.constant 0 : i32
            %dma_start3A_335 = arith.constant 0 : i32
            %dma_start3A_336 = tpu.memref_slice %arg7[%select_n3A_314, %dma_start3A_334, %dma_start3A_335] : memref<2x32x128xi32, #tpu.memory_space<vmem>> -> memref<1x32x128xi32, #tpu.memory_space<vmem>>
            %dma_start3A_337 = tpu.memref_squeeze %dma_start3A_336 : memref<1x32x128xi32, #tpu.memory_space<vmem>> -> memref<32x128xi32, #tpu.memory_space<vmem>>
            %dma_start3A_338 = arith.constant 0 : i32
            %dma_start3A_339 = tpu.memref_slice %arg3[%arg0, %arg1, %mul3A_298, %dma_start3A_338] : memref<2x16x160x128xi32, #tpu.memory_space<hbm>> -> memref<1x1x32x128xi32, #tpu.memory_space<hbm>>
            %dma_start3A_340 = tpu.memref_squeeze %dma_start3A_339 : memref<1x1x32x128xi32, #tpu.memory_space<hbm>> -> memref<32x128xi32, #tpu.memory_space<hbm>>
            %dma_start3A_341 = arith.constant 0 : i32
            %dma_start3A_342 = arith.constant 0 : i32
            %dma_start3A_343 = tpu.memref_slice %arg7[%select_n3A_314, %dma_start3A_341, %dma_start3A_342] : memref<2x32x128xi32, #tpu.memory_space<vmem>> -> memref<1x32x128xi32, #tpu.memory_space<vmem>>
            %dma_start3A_344 = tpu.memref_squeeze %dma_start3A_343 : memref<1x32x128xi32, #tpu.memory_space<vmem>> -> memref<32x128xi32, #tpu.memory_space<vmem>>
            %dma_start3A_345 = arith.constant 0 : i32
            %dma_start3A_346 = tpu.memref_slice %arg3[%arg0, %arg1, %mul3A_298, %dma_start3A_345] : memref<2x16x160x128xi32, #tpu.memory_space<hbm>> -> memref<1x1x32x128xi32, #tpu.memory_space<hbm>>
            %dma_start3A_347 = tpu.memref_squeeze %dma_start3A_346 : memref<1x1x32x128xi32, #tpu.memory_space<hbm>> -> memref<32x128xi32, #tpu.memory_space<hbm>>
            tpu.enqueue_dma source(%dma_start3A_347 : memref<32x128xi32, #tpu.memory_space<hbm>>) target(%dma_start3A_344 : memref<32x128xi32, #tpu.memory_space<vmem>>) target_semaphore(%run_scoped3A_333 : memref<!tpu.dma_semaphore, #tpu.memory_space<semaphore_mem>>)
            %dma_wait3A_348 = arith.constant 0 : i32
            %dma_wait3A_349 = arith.constant 0 : i32
            %dma_wait3A_350 = tpu.memref_slice %arg7[%select_n3A_314, %dma_wait3A_348, %dma_wait3A_349] : memref<2x32x128xi32, #tpu.memory_space<vmem>> -> memref<1x32x128xi32, #tpu.memory_space<vmem>>
            %dma_wait3A_351 = tpu.memref_squeeze %dma_wait3A_350 : memref<1x32x128xi32, #tpu.memory_space<vmem>> -> memref<32x128xi32, #tpu.memory_space<vmem>>
            %dma_wait3A_352 = arith.constant 0 : i32
            %dma_wait3A_353 = tpu.memref_slice %arg3[%arg0, %arg1, %mul3A_298, %dma_wait3A_352] : memref<2x16x160x128xi32, #tpu.memory_space<hbm>> -> memref<1x1x32x128xi32, #tpu.memory_space<hbm>>
            %dma_wait3A_354 = tpu.memref_squeeze %dma_wait3A_353 : memref<1x1x32x128xi32, #tpu.memory_space<hbm>> -> memref<32x128xi32, #tpu.memory_space<hbm>>
            %dma_wait3A_355 = arith.constant 0 : i32
            %dma_wait3A_356 = arith.constant 0 : i32
            %dma_wait3A_357 = tpu.memref_slice %arg7[%select_n3A_314, %dma_wait3A_355, %dma_wait3A_356] : memref<2x32x128xi32, #tpu.memory_space<vmem>> -> memref<1x32x128xi32, #tpu.memory_space<vmem>>
            %dma_wait3A_358 = tpu.memref_squeeze %dma_wait3A_357 : memref<1x32x128xi32, #tpu.memory_space<vmem>> -> memref<32x128xi32, #tpu.memory_space<vmem>>
            %dma_wait3A_359 = arith.constant 0 : i32
            %dma_wait3A_360 = tpu.memref_slice %arg3[%arg0, %arg1, %mul3A_298, %dma_wait3A_359] : memref<2x16x160x128xi32, #tpu.memory_space<hbm>> -> memref<1x1x32x128xi32, #tpu.memory_space<hbm>>
            %dma_wait3A_361 = tpu.memref_squeeze %dma_wait3A_360 : memref<1x1x32x128xi32, #tpu.memory_space<hbm>> -> memref<32x128xi32, #tpu.memory_space<hbm>>
            tpu.wait_dma2 semaphore(%run_scoped3A_333 : memref<!tpu.dma_semaphore, #tpu.memory_space<semaphore_mem>>) src(%dma_wait3A_361 : memref<32x128xi32, #tpu.memory_space<hbm>>) dst(%dma_wait3A_358 : memref<32x128xi32, #tpu.memory_space<vmem>>)
            tpu.yield
          }) : () -> ()
          %mul3A_315 = arith.constant 32 : i32
          %mul3A_316 = arith.muli %select_n3A_296, %mul3A_315 : i32
          %jit3A_317 = arith.constant 2 : i32
          %eq3A_318 = arith.constant 0 : i32
          %eq3A_319 = arith.cmpi eq, %jit3A_317, %eq3A_318 : i32
          %jit3A_320 = arith.constant 1 : i32
          %select_n3A_321 = arith.select %eq3A_319, %jit3A_320, %jit3A_317 : i32
          %rem3A_322 = arith.remsi %select_n3A_296, %select_n3A_321 : i32
          %ne3A_323 = arith.constant 0 : i32
          %ne3A_324 = arith.cmpi ne, %rem3A_322, %ne3A_323 : i32
          %lt3A_325 = arith.constant 0 : i32
          %lt3A_326 = arith.cmpi slt, %rem3A_322, %lt3A_325 : i32
          %lt3A_327 = arith.constant 0 : i32
          %lt3A_328 = arith.cmpi slt, %select_n3A_321, %lt3A_327 : i32
          %ne3A_329 = arith.xori %lt3A_326, %lt3A_328 : i1
          %and3A_330 = arith.andi %ne3A_329, %ne3A_324 : i1
          %add3A_331 = arith.addi %rem3A_322, %select_n3A_321 : i32
          %select_n3A_332 = arith.select %and3A_330, %add3A_331, %rem3A_322 : i32
          "tpu.region"() ({
            %run_scoped3A_333 = tpu.sem_alloc : memref<!tpu.dma_semaphore, #tpu.memory_space<semaphore_mem>>
            %dma_start3A_334 = arith.constant 0 : i32
            %dma_start3A_335 = arith.constant 0 : i32
            %dma_start3A_336 = tpu.memref_slice %arg8[%select_n3A_332, %dma_start3A_334, %dma_start3A_335] : memref<2x32x128xi32, #tpu.memory_space<vmem>> -> memref<1x32x128xi32, #tpu.memory_space<vmem>>
            %dma_start3A_337 = tpu.memref_squeeze %dma_start3A_336 : memref<1x32x128xi32, #tpu.memory_space<vmem>> -> memref<32x128xi32, #tpu.memory_space<vmem>>
            %dma_start3A_338 = arith.constant 0 : i32
            %dma_start3A_339 = tpu.memref_slice %arg4[%arg1, %mul3A_316, %dma_start3A_338] : memref<16x160x128xi32, #tpu.memory_space<hbm>> -> memref<1x32x128xi32, #tpu.memory_space<hbm>>
            %dma_start3A_340 = tpu.memref_squeeze %dma_start3A_339 : memref<1x32x128xi32, #tpu.memory_space<hbm>> -> memref<32x128xi32, #tpu.memory_space<hbm>>
            %dma_start3A_341 = arith.constant 0 : i32
            %dma_start3A_342 = arith.constant 0 : i32
            %dma_start3A_343 = tpu.memref_slice %arg8[%select_n3A_332, %dma_start3A_341, %dma_start3A_342] : memref<2x32x128xi32, #tpu.memory_space<vmem>> -> memref<1x32x128xi32, #tpu.memory_space<vmem>>
            %dma_start3A_344 = tpu.memref_squeeze %dma_start3A_343 : memref<1x32x128xi32, #tpu.memory_space<vmem>> -> memref<32x128xi32, #tpu.memory_space<vmem>>
            %dma_start3A_345 = arith.constant 0 : i32
            %dma_start3A_346 = tpu.memref_slice %arg4[%arg1, %mul3A_316, %dma_start3A_345] : memref<16x160x128xi32, #tpu.memory_space<hbm>> -> memref<1x32x128xi32, #tpu.memory_space<hbm>>
            %dma_start3A_347 = tpu.memref_squeeze %dma_start3A_346 : memref<1x32x128xi32, #tpu.memory_space<hbm>> -> memref<32x128xi32, #tpu.memory_space<hbm>>
            tpu.enqueue_dma source(%dma_start3A_347 : memref<32x128xi32, #tpu.memory_space<hbm>>) target(%dma_start3A_344 : memref<32x128xi32, #tpu.memory_space<vmem>>) target_semaphore(%run_scoped3A_333 : memref<!tpu.dma_semaphore, #tpu.memory_space<semaphore_mem>>)
            %dma_wait3A_348 = arith.constant 0 : i32
            %dma_wait3A_349 = arith.constant 0 : i32
            %dma_wait3A_350 = tpu.memref_slice %arg8[%select_n3A_332, %dma_wait3A_348, %dma_wait3A_349] : memref<2x32x128xi32, #tpu.memory_space<vmem>> -> memref<1x32x128xi32, #tpu.memory_space<vmem>>
            %dma_wait3A_351 = tpu.memref_squeeze %dma_wait3A_350 : memref<1x32x128xi32, #tpu.memory_space<vmem>> -> memref<32x128xi32, #tpu.memory_space<vmem>>
            %dma_wait3A_352 = arith.constant 0 : i32
            %dma_wait3A_353 = tpu.memref_slice %arg4[%arg1, %mul3A_316, %dma_wait3A_352] : memref<16x160x128xi32, #tpu.memory_space<hbm>> -> memref<1x32x128xi32, #tpu.memory_space<hbm>>
            %dma_wait3A_354 = tpu.memref_squeeze %dma_wait3A_353 : memref<1x32x128xi32, #tpu.memory_space<hbm>> -> memref<32x128xi32, #tpu.memory_space<hbm>>
            %dma_wait3A_355 = arith.constant 0 : i32
            %dma_wait3A_356 = arith.constant 0 : i32
            %dma_wait3A_357 = tpu.memref_slice %arg8[%select_n3A_332, %dma_wait3A_355, %dma_wait3A_356] : memref<2x32x128xi32, #tpu.memory_space<vmem>> -> memref<1x32x128xi32, #tpu.memory_space<vmem>>
            %dma_wait3A_358 = tpu.memref_squeeze %dma_wait3A_357 : memref<1x32x128xi32, #tpu.memory_space<vmem>> -> memref<32x128xi32, #tpu.memory_space<vmem>>
            %dma_wait3A_359 = arith.constant 0 : i32
            %dma_wait3A_360 = tpu.memref_slice %arg4[%arg1, %mul3A_316, %dma_wait3A_359] : memref<16x160x128xi32, #tpu.memory_space<hbm>> -> memref<1x32x128xi32, #tpu.memory_space<hbm>>
            %dma_wait3A_361 = tpu.memref_squeeze %dma_wait3A_360 : memref<1x32x128xi32, #tpu.memory_space<hbm>> -> memref<32x128xi32, #tpu.memory_space<hbm>>
            tpu.wait_dma2 semaphore(%run_scoped3A_333 : memref<!tpu.dma_semaphore, #tpu.memory_space<semaphore_mem>>) src(%dma_wait3A_361 : memref<32x128xi32, #tpu.memory_space<hbm>>) dst(%dma_wait3A_358 : memref<32x128xi32, #tpu.memory_space<vmem>>)
            tpu.yield
          }) : () -> ()
        } else {
        }
        %jit3A_211 = arith.constant 32 : i32
        %div3A_212 = arith.divsi %add3A_97, %jit3A_211 : i32
        %sign3A_213 = arith.constant 0 : i32
        %sign3A_214 = arith.cmpi sgt, %add3A_97, %sign3A_213 : i32
        %sign3A_215 = arith.extui %sign3A_214 : i1 to i32
        %sign3A_216 = arith.constant 0 : i32
        %sign3A_217 = arith.cmpi slt, %add3A_97, %sign3A_216 : i32
        %sign3A_218 = arith.extui %sign3A_217 : i1 to i32
        %sign3A_219 = arith.subi %sign3A_215, %sign3A_218 : i32
        %sign3A_220 = arith.constant 0 : i32
        %sign3A_221 = arith.cmpi sgt, %jit3A_211, %sign3A_220 : i32
        %sign3A_222 = arith.extui %sign3A_221 : i1 to i32
        %sign3A_223 = arith.constant 0 : i32
        %sign3A_224 = arith.cmpi slt, %jit3A_211, %sign3A_223 : i32
        %sign3A_225 = arith.extui %sign3A_224 : i1 to i32
        %sign3A_226 = arith.subi %sign3A_222, %sign3A_225 : i32
        %ne3A_227 = arith.cmpi ne, %sign3A_219, %sign3A_226 : i32
        %rem3A_228 = arith.remsi %add3A_97, %jit3A_211 : i32
        %ne3A_229 = arith.constant 0 : i32
        %ne3A_230 = arith.cmpi ne, %rem3A_228, %ne3A_229 : i32
        %and3A_231 = arith.andi %ne3A_227, %ne3A_230 : i1
        %sub3A_232 = arith.constant 1 : i32
        %sub3A_233 = arith.subi %div3A_212, %sub3A_232 : i32
        %select_n3A_234 = arith.select %and3A_231, %sub3A_233, %div3A_212 : i32
        %jit3A_235 = arith.constant 2 : i32
        %eq3A_236 = arith.constant 0 : i32
        %eq3A_237 = arith.cmpi eq, %jit3A_235, %eq3A_236 : i32
        %jit3A_238 = arith.constant 1 : i32
        %select_n3A_239 = arith.select %eq3A_237, %jit3A_238, %jit3A_235 : i32
        %rem3A_240 = arith.remsi %select_n3A_234, %select_n3A_239 : i32
        %ne3A_241 = arith.constant 0 : i32
        %ne3A_242 = arith.cmpi ne, %rem3A_240, %ne3A_241 : i32
        %lt3A_243 = arith.constant 0 : i32
        %lt3A_244 = arith.cmpi slt, %rem3A_240, %lt3A_243 : i32
        %lt3A_245 = arith.constant 0 : i32
        %lt3A_246 = arith.cmpi slt, %select_n3A_239, %lt3A_245 : i32
        %ne3A_247 = arith.xori %lt3A_244, %lt3A_246 : i1
        %and3A_248 = arith.andi %ne3A_247, %ne3A_242 : i1
        %add3A_249 = arith.addi %rem3A_240, %select_n3A_239 : i32
        %select_n3A_250 = arith.select %and3A_248, %add3A_249, %rem3A_240 : i32
        %jit3A_251 = arith.constant 32 : i32
        %eq3A_252 = arith.constant 0 : i32
        %eq3A_253 = arith.cmpi eq, %jit3A_251, %eq3A_252 : i32
        %jit3A_254 = arith.constant 1 : i32
        %select_n3A_255 = arith.select %eq3A_253, %jit3A_254, %jit3A_251 : i32
        %rem3A_256 = arith.remsi %add3A_97, %select_n3A_255 : i32
        %ne3A_257 = arith.constant 0 : i32
        %ne3A_258 = arith.cmpi ne, %rem3A_256, %ne3A_257 : i32
        %lt3A_259 = arith.constant 0 : i32
        %lt3A_260 = arith.cmpi slt, %rem3A_256, %lt3A_259 : i32
        %lt3A_261 = arith.constant 0 : i32
        %lt3A_262 = arith.cmpi slt, %select_n3A_255, %lt3A_261 : i32
        %ne3A_263 = arith.xori %lt3A_260, %lt3A_262 : i1
        %and3A_264 = arith.andi %ne3A_263, %ne3A_258 : i1
        %add3A_265 = arith.addi %rem3A_256, %select_n3A_255 : i32
        %select_n3A_266 = arith.select %and3A_264, %add3A_265, %rem3A_256 : i32
        %dma_start3A_267 = arith.constant 0 : i32
        %dma_start3A_268 = tpu.memref_slice %arg7[%select_n3A_250, %select_n3A_266, %dma_start3A_267] : memref<2x32x128xi32, #tpu.memory_space<vmem>> -> memref<1x1x128xi32, #tpu.memory_space<vmem>>
        %dma_start3A_269 = tpu.memref_squeeze %dma_start3A_268 : memref<1x1x128xi32, #tpu.memory_space<vmem>> -> memref<128xi32, #tpu.memory_space<vmem>>
        %dma_start3A_270 = arith.constant 0 : i32
        %dma_start3A_271 = arith.constant 0 : i32
        %dma_start3A_272 = tpu.memref_slice %arg2[%dma_start3A_270, %dma_start3A_271] : memref<20000x128xf32, #tpu.memory_space<hbm>> -> memref<20000x128xf32, #tpu.memory_space<hbm>>
        tpu.enqueue_indirect_dma source(%dma_start3A_272 : memref<20000x128xf32, #tpu.memory_space<hbm>>) target(%arg10 : memref<128x128xf32, #tpu.memory_space<vmem>>) offsets(%dma_start3A_269 : memref<128xi32, #tpu.memory_space<vmem>>) semaphore(%arg13 : memref<!tpu.dma_semaphore, #tpu.memory_space<semaphore_mem>>)
      } else {
      }
      %mul3A_105 = arith.constant 2 : i32
      %mul3A_106 = arith.muli %mul3A_105, %scan3A_32 : i32
      %add3A_107 = arith.constant 1 : i32
      %add3A_108 = arith.addi %mul3A_106, %add3A_107 : i32
      %dma_wait3A_109 = arith.constant 0 : i32
      %dma_wait3A_110 = arith.constant 0 : i32
      %dma_wait3A_111 = tpu.memref_slice %arg2[%dma_wait3A_109, %dma_wait3A_110] : memref<20000x128xf32, #tpu.memory_space<hbm>> -> memref<128x128xf32, #tpu.memory_space<hbm>>
      %dma_wait3A_112 = arith.constant 0 : i32
      %dma_wait3A_113 = arith.constant 0 : i32
      %dma_wait3A_114 = tpu.memref_slice %arg2[%dma_wait3A_112, %dma_wait3A_113] : memref<20000x128xf32, #tpu.memory_space<hbm>> -> memref<128x128xf32, #tpu.memory_space<hbm>>
      tpu.wait_dma2 semaphore(%arg13 : memref<!tpu.dma_semaphore, #tpu.memory_space<semaphore_mem>>) src(%dma_wait3A_114 : memref<128x128xf32, #tpu.memory_space<hbm>>) dst(%arg10 : memref<128x128xf32, #tpu.memory_space<vmem>>)
      %jit3A_115 = arith.constant 32 : i32
      %div3A_116 = arith.divsi %add3A_108, %jit3A_115 : i32
      %sign3A_117 = arith.constant 0 : i32
      %sign3A_118 = arith.cmpi sgt, %add3A_108, %sign3A_117 : i32
      %sign3A_119 = arith.extui %sign3A_118 : i1 to i32
      %sign3A_120 = arith.constant 0 : i32
      %sign3A_121 = arith.cmpi slt, %add3A_108, %sign3A_120 : i32
      %sign3A_122 = arith.extui %sign3A_121 : i1 to i32
      %sign3A_123 = arith.subi %sign3A_119, %sign3A_122 : i32
      %sign3A_124 = arith.constant 0 : i32
      %sign3A_125 = arith.cmpi sgt, %jit3A_115, %sign3A_124 : i32
      %sign3A_126 = arith.extui %sign3A_125 : i1 to i32
      %sign3A_127 = arith.constant 0 : i32
      %sign3A_128 = arith.cmpi slt, %jit3A_115, %sign3A_127 : i32
      %sign3A_129 = arith.extui %sign3A_128 : i1 to i32
      %sign3A_130 = arith.subi %sign3A_126, %sign3A_129 : i32
      %ne3A_131 = arith.cmpi ne, %sign3A_123, %sign3A_130 : i32
      %rem3A_132 = arith.remsi %add3A_108, %jit3A_115 : i32
      %ne3A_133 = arith.constant 0 : i32
      %ne3A_134 = arith.cmpi ne, %rem3A_132, %ne3A_133 : i32
      %and3A_135 = arith.andi %ne3A_131, %ne3A_134 : i1
      %sub3A_136 = arith.constant 1 : i32
      %sub3A_137 = arith.subi %div3A_116, %sub3A_136 : i32
      %select_n3A_138 = arith.select %and3A_135, %sub3A_137, %div3A_116 : i32
      %jit3A_139 = arith.constant 2 : i32
      %eq3A_140 = arith.constant 0 : i32
      %eq3A_141 = arith.cmpi eq, %jit3A_139, %eq3A_140 : i32
      %jit3A_142 = arith.constant 1 : i32
      %select_n3A_143 = arith.select %eq3A_141, %jit3A_142, %jit3A_139 : i32
      %rem3A_144 = arith.remsi %select_n3A_138, %select_n3A_143 : i32
      %ne3A_145 = arith.constant 0 : i32
      %ne3A_146 = arith.cmpi ne, %rem3A_144, %ne3A_145 : i32
      %lt3A_147 = arith.constant 0 : i32
      %lt3A_148 = arith.cmpi slt, %rem3A_144, %lt3A_147 : i32
      %lt3A_149 = arith.constant 0 : i32
      %lt3A_150 = arith.cmpi slt, %select_n3A_143, %lt3A_149 : i32
      %ne3A_151 = arith.xori %lt3A_148, %lt3A_150 : i1
      %and3A_152 = arith.andi %ne3A_151, %ne3A_146 : i1
      %add3A_153 = arith.addi %rem3A_144, %select_n3A_143 : i32
      %select_n3A_154 = arith.select %and3A_152, %add3A_153, %rem3A_144 : i32
      %jit3A_155 = arith.constant 32 : i32
      %eq3A_156 = arith.constant 0 : i32
      %eq3A_157 = arith.cmpi eq, %jit3A_155, %eq3A_156 : i32
      %jit3A_158 = arith.constant 1 : i32
      %select_n3A_159 = arith.select %eq3A_157, %jit3A_158, %jit3A_155 : i32
      %rem3A_160 = arith.remsi %add3A_108, %select_n3A_159 : i32
      %ne3A_161 = arith.constant 0 : i32
      %ne3A_162 = arith.cmpi ne, %rem3A_160, %ne3A_161 : i32
      %lt3A_163 = arith.constant 0 : i32
      %lt3A_164 = arith.cmpi slt, %rem3A_160, %lt3A_163 : i32
      %lt3A_165 = arith.constant 0 : i32
      %lt3A_166 = arith.cmpi slt, %select_n3A_159, %lt3A_165 : i32
      %ne3A_167 = arith.xori %lt3A_164, %lt3A_166 : i1
      %and3A_168 = arith.andi %ne3A_167, %ne3A_162 : i1
      %add3A_169 = arith.addi %rem3A_160, %select_n3A_159 : i32
      %select_n3A_170 = arith.select %and3A_168, %add3A_169, %rem3A_160 : i32
      %dma_start3A_171 = arith.constant 0 : i32
      %dma_start3A_172 = tpu.memref_slice %arg8[%select_n3A_154, %select_n3A_170, %dma_start3A_171] : memref<2x32x128xi32, #tpu.memory_space<vmem>> -> memref<1x1x128xi32, #tpu.memory_space<vmem>>
      %dma_start3A_173 = tpu.memref_squeeze %dma_start3A_172 : memref<1x1x128xi32, #tpu.memory_space<vmem>> -> memref<128xi32, #tpu.memory_space<vmem>>
      %dma_start3A_174 = arith.constant 0 : i32
      %dma_start3A_175 = arith.constant 0 : i32
      %dma_start3A_176 = tpu.memref_slice %arg11[%dma_start3A_174, %dma_start3A_175] : memref<10112x128xf32, #tpu.memory_space<vmem_shared>> -> memref<10112x128xf32, #tpu.memory_space<vmem_shared>>
      tpu.enqueue_indirect_dma source(%arg10 : memref<128x128xf32, #tpu.memory_space<vmem>>) target(%dma_start3A_176 : memref<10112x128xf32, #tpu.memory_space<vmem_shared>>) offsets(%dma_start3A_173 : memref<128xi32, #tpu.memory_space<vmem>>) semaphore(%arg15 : memref<!tpu.dma_semaphore, #tpu.memory_space<semaphore_mem>>) {add = true}
      %add3A_177 = arith.constant 1 : i32
      %add3A_178 = arith.addi %add3A_108, %add3A_177 : i32
      %sub3A_179 = arith.constant 2 : i32
      %sub3A_180 = arith.subi %add3A_178, %sub3A_179 : i32
      %lt3A_181 = arith.constant 160 : i32
      %lt3A_182 = arith.cmpi slt, %add3A_178, %lt3A_181 : i32
      %convert_element_type3A_183 = arith.extui %lt3A_182 : i1 to i32
      %cond3A_184 = arith.constant 0 : i32
      %cond3A_185 = arith.cmpi ne, %convert_element_type3A_183, %cond3A_184 : i32
      scf.if %cond3A_185 {
        %ge3A = arith.constant 0 : i32
        %ge3A_186 = arith.cmpi sge, %sub3A_180, %ge3A : i32
        %convert_element_type3A_187 = arith.extui %ge3A_186 : i1 to i32
        %cond3A_188 = arith.constant 0 : i32
        %cond3A_189 = arith.cmpi ne, %convert_element_type3A_187, %cond3A_188 : i32
        scf.if %cond3A_189 {
          %dma_wait3A_273 = arith.constant 0 : i32
          %dma_wait3A_274 = arith.constant 0 : i32
          %dma_wait3A_275 = tpu.memref_slice %arg11[%dma_wait3A_273, %dma_wait3A_274] : memref<10112x128xf32, #tpu.memory_space<vmem_shared>> -> memref<128x128xf32, #tpu.memory_space<vmem_shared>>
          %dma_wait3A_276 = arith.constant 0 : i32
          %dma_wait3A_277 = arith.constant 0 : i32
          %dma_wait3A_278 = tpu.memref_slice %arg11[%dma_wait3A_276, %dma_wait3A_277] : memref<10112x128xf32, #tpu.memory_space<vmem_shared>> -> memref<128x128xf32, #tpu.memory_space<vmem_shared>>
          tpu.wait_dma2 semaphore(%arg14 : memref<!tpu.dma_semaphore, #tpu.memory_space<semaphore_mem>>) src(%arg9 : memref<128x128xf32, #tpu.memory_space<vmem>>) dst(%dma_wait3A_278 : memref<128x128xf32, #tpu.memory_space<vmem_shared>>)
        } else {
        }
        %jit3A_190 = arith.constant 32 : i32
        %eq3A_191 = arith.constant 0 : i32
        %eq3A_192 = arith.cmpi eq, %jit3A_190, %eq3A_191 : i32
        %jit3A_193 = arith.constant 1 : i32
        %select_n3A_194 = arith.select %eq3A_192, %jit3A_193, %jit3A_190 : i32
        %rem3A_195 = arith.remsi %add3A_178, %select_n3A_194 : i32
        %ne3A_196 = arith.constant 0 : i32
        %ne3A_197 = arith.cmpi ne, %rem3A_195, %ne3A_196 : i32
        %lt3A_198 = arith.constant 0 : i32
        %lt3A_199 = arith.cmpi slt, %rem3A_195, %lt3A_198 : i32
        %lt3A_200 = arith.constant 0 : i32
        %lt3A_201 = arith.cmpi slt, %select_n3A_194, %lt3A_200 : i32
        %ne3A_202 = arith.xori %lt3A_199, %lt3A_201 : i1
        %and3A_203 = arith.andi %ne3A_202, %ne3A_197 : i1
        %add3A_204 = arith.addi %rem3A_195, %select_n3A_194 : i32
        %select_n3A_205 = arith.select %and3A_203, %add3A_204, %rem3A_195 : i32
        %eq3A_206 = arith.constant 0 : i32
        %eq3A_207 = arith.cmpi eq, %select_n3A_205, %eq3A_206 : i32
        %convert_element_type3A_208 = arith.extui %eq3A_207 : i1 to i32
        %cond3A_209 = arith.constant 0 : i32
        %cond3A_210 = arith.cmpi ne, %convert_element_type3A_208, %cond3A_209 : i32
        scf.if %cond3A_210 {
          %jit3A_273 = arith.constant 32 : i32
          %div3A_274 = arith.divsi %add3A_178, %jit3A_273 : i32
          %sign3A_275 = arith.constant 0 : i32
          %sign3A_276 = arith.cmpi sgt, %add3A_178, %sign3A_275 : i32
          %sign3A_277 = arith.extui %sign3A_276 : i1 to i32
          %sign3A_278 = arith.constant 0 : i32
          %sign3A_279 = arith.cmpi slt, %add3A_178, %sign3A_278 : i32
          %sign3A_280 = arith.extui %sign3A_279 : i1 to i32
          %sign3A_281 = arith.subi %sign3A_277, %sign3A_280 : i32
          %sign3A_282 = arith.constant 0 : i32
          %sign3A_283 = arith.cmpi sgt, %jit3A_273, %sign3A_282 : i32
          %sign3A_284 = arith.extui %sign3A_283 : i1 to i32
          %sign3A_285 = arith.constant 0 : i32
          %sign3A_286 = arith.cmpi slt, %jit3A_273, %sign3A_285 : i32
          %sign3A_287 = arith.extui %sign3A_286 : i1 to i32
          %sign3A_288 = arith.subi %sign3A_284, %sign3A_287 : i32
          %ne3A_289 = arith.cmpi ne, %sign3A_281, %sign3A_288 : i32
          %rem3A_290 = arith.remsi %add3A_178, %jit3A_273 : i32
          %ne3A_291 = arith.constant 0 : i32
          %ne3A_292 = arith.cmpi ne, %rem3A_290, %ne3A_291 : i32
          %and3A_293 = arith.andi %ne3A_289, %ne3A_292 : i1
          %sub3A_294 = arith.constant 1 : i32
          %sub3A_295 = arith.subi %div3A_274, %sub3A_294 : i32
          %select_n3A_296 = arith.select %and3A_293, %sub3A_295, %div3A_274 : i32
          %mul3A_297 = arith.constant 32 : i32
          %mul3A_298 = arith.muli %select_n3A_296, %mul3A_297 : i32
          %jit3A_299 = arith.constant 2 : i32
          %eq3A_300 = arith.constant 0 : i32
          %eq3A_301 = arith.cmpi eq, %jit3A_299, %eq3A_300 : i32
          %jit3A_302 = arith.constant 1 : i32
          %select_n3A_303 = arith.select %eq3A_301, %jit3A_302, %jit3A_299 : i32
          %rem3A_304 = arith.remsi %select_n3A_296, %select_n3A_303 : i32
          %ne3A_305 = arith.constant 0 : i32
          %ne3A_306 = arith.cmpi ne, %rem3A_304, %ne3A_305 : i32
          %lt3A_307 = arith.constant 0 : i32
          %lt3A_308 = arith.cmpi slt, %rem3A_304, %lt3A_307 : i32
          %lt3A_309 = arith.constant 0 : i32
          %lt3A_310 = arith.cmpi slt, %select_n3A_303, %lt3A_309 : i32
          %ne3A_311 = arith.xori %lt3A_308, %lt3A_310 : i1
          %and3A_312 = arith.andi %ne3A_311, %ne3A_306 : i1
          %add3A_313 = arith.addi %rem3A_304, %select_n3A_303 : i32
          %select_n3A_314 = arith.select %and3A_312, %add3A_313, %rem3A_304 : i32
          "tpu.region"() ({
            %run_scoped3A_333 = tpu.sem_alloc : memref<!tpu.dma_semaphore, #tpu.memory_space<semaphore_mem>>
            %dma_start3A_334 = arith.constant 0 : i32
            %dma_start3A_335 = arith.constant 0 : i32
            %dma_start3A_336 = tpu.memref_slice %arg7[%select_n3A_314, %dma_start3A_334, %dma_start3A_335] : memref<2x32x128xi32, #tpu.memory_space<vmem>> -> memref<1x32x128xi32, #tpu.memory_space<vmem>>
            %dma_start3A_337 = tpu.memref_squeeze %dma_start3A_336 : memref<1x32x128xi32, #tpu.memory_space<vmem>> -> memref<32x128xi32, #tpu.memory_space<vmem>>
            %dma_start3A_338 = arith.constant 0 : i32
            %dma_start3A_339 = tpu.memref_slice %arg3[%arg0, %arg1, %mul3A_298, %dma_start3A_338] : memref<2x16x160x128xi32, #tpu.memory_space<hbm>> -> memref<1x1x32x128xi32, #tpu.memory_space<hbm>>
            %dma_start3A_340 = tpu.memref_squeeze %dma_start3A_339 : memref<1x1x32x128xi32, #tpu.memory_space<hbm>> -> memref<32x128xi32, #tpu.memory_space<hbm>>
            %dma_start3A_341 = arith.constant 0 : i32
            %dma_start3A_342 = arith.constant 0 : i32
            %dma_start3A_343 = tpu.memref_slice %arg7[%select_n3A_314, %dma_start3A_341, %dma_start3A_342] : memref<2x32x128xi32, #tpu.memory_space<vmem>> -> memref<1x32x128xi32, #tpu.memory_space<vmem>>
            %dma_start3A_344 = tpu.memref_squeeze %dma_start3A_343 : memref<1x32x128xi32, #tpu.memory_space<vmem>> -> memref<32x128xi32, #tpu.memory_space<vmem>>
            %dma_start3A_345 = arith.constant 0 : i32
            %dma_start3A_346 = tpu.memref_slice %arg3[%arg0, %arg1, %mul3A_298, %dma_start3A_345] : memref<2x16x160x128xi32, #tpu.memory_space<hbm>> -> memref<1x1x32x128xi32, #tpu.memory_space<hbm>>
            %dma_start3A_347 = tpu.memref_squeeze %dma_start3A_346 : memref<1x1x32x128xi32, #tpu.memory_space<hbm>> -> memref<32x128xi32, #tpu.memory_space<hbm>>
            tpu.enqueue_dma source(%dma_start3A_347 : memref<32x128xi32, #tpu.memory_space<hbm>>) target(%dma_start3A_344 : memref<32x128xi32, #tpu.memory_space<vmem>>) target_semaphore(%run_scoped3A_333 : memref<!tpu.dma_semaphore, #tpu.memory_space<semaphore_mem>>)
            %dma_wait3A_348 = arith.constant 0 : i32
            %dma_wait3A_349 = arith.constant 0 : i32
            %dma_wait3A_350 = tpu.memref_slice %arg7[%select_n3A_314, %dma_wait3A_348, %dma_wait3A_349] : memref<2x32x128xi32, #tpu.memory_space<vmem>> -> memref<1x32x128xi32, #tpu.memory_space<vmem>>
            %dma_wait3A_351 = tpu.memref_squeeze %dma_wait3A_350 : memref<1x32x128xi32, #tpu.memory_space<vmem>> -> memref<32x128xi32, #tpu.memory_space<vmem>>
            %dma_wait3A_352 = arith.constant 0 : i32
            %dma_wait3A_353 = tpu.memref_slice %arg3[%arg0, %arg1, %mul3A_298, %dma_wait3A_352] : memref<2x16x160x128xi32, #tpu.memory_space<hbm>> -> memref<1x1x32x128xi32, #tpu.memory_space<hbm>>
            %dma_wait3A_354 = tpu.memref_squeeze %dma_wait3A_353 : memref<1x1x32x128xi32, #tpu.memory_space<hbm>> -> memref<32x128xi32, #tpu.memory_space<hbm>>
            %dma_wait3A_355 = arith.constant 0 : i32
            %dma_wait3A_356 = arith.constant 0 : i32
            %dma_wait3A_357 = tpu.memref_slice %arg7[%select_n3A_314, %dma_wait3A_355, %dma_wait3A_356] : memref<2x32x128xi32, #tpu.memory_space<vmem>> -> memref<1x32x128xi32, #tpu.memory_space<vmem>>
            %dma_wait3A_358 = tpu.memref_squeeze %dma_wait3A_357 : memref<1x32x128xi32, #tpu.memory_space<vmem>> -> memref<32x128xi32, #tpu.memory_space<vmem>>
            %dma_wait3A_359 = arith.constant 0 : i32
            %dma_wait3A_360 = tpu.memref_slice %arg3[%arg0, %arg1, %mul3A_298, %dma_wait3A_359] : memref<2x16x160x128xi32, #tpu.memory_space<hbm>> -> memref<1x1x32x128xi32, #tpu.memory_space<hbm>>
            %dma_wait3A_361 = tpu.memref_squeeze %dma_wait3A_360 : memref<1x1x32x128xi32, #tpu.memory_space<hbm>> -> memref<32x128xi32, #tpu.memory_space<hbm>>
            tpu.wait_dma2 semaphore(%run_scoped3A_333 : memref<!tpu.dma_semaphore, #tpu.memory_space<semaphore_mem>>) src(%dma_wait3A_361 : memref<32x128xi32, #tpu.memory_space<hbm>>) dst(%dma_wait3A_358 : memref<32x128xi32, #tpu.memory_space<vmem>>)
            tpu.yield
          }) : () -> ()
          %mul3A_315 = arith.constant 32 : i32
          %mul3A_316 = arith.muli %select_n3A_296, %mul3A_315 : i32
          %jit3A_317 = arith.constant 2 : i32
          %eq3A_318 = arith.constant 0 : i32
          %eq3A_319 = arith.cmpi eq, %jit3A_317, %eq3A_318 : i32
          %jit3A_320 = arith.constant 1 : i32
          %select_n3A_321 = arith.select %eq3A_319, %jit3A_320, %jit3A_317 : i32
          %rem3A_322 = arith.remsi %select_n3A_296, %select_n3A_321 : i32
          %ne3A_323 = arith.constant 0 : i32
          %ne3A_324 = arith.cmpi ne, %rem3A_322, %ne3A_323 : i32
          %lt3A_325 = arith.constant 0 : i32
          %lt3A_326 = arith.cmpi slt, %rem3A_322, %lt3A_325 : i32
          %lt3A_327 = arith.constant 0 : i32
          %lt3A_328 = arith.cmpi slt, %select_n3A_321, %lt3A_327 : i32
          %ne3A_329 = arith.xori %lt3A_326, %lt3A_328 : i1
          %and3A_330 = arith.andi %ne3A_329, %ne3A_324 : i1
          %add3A_331 = arith.addi %rem3A_322, %select_n3A_321 : i32
          %select_n3A_332 = arith.select %and3A_330, %add3A_331, %rem3A_322 : i32
          "tpu.region"() ({
            %run_scoped3A_333 = tpu.sem_alloc : memref<!tpu.dma_semaphore, #tpu.memory_space<semaphore_mem>>
            %dma_start3A_334 = arith.constant 0 : i32
            %dma_start3A_335 = arith.constant 0 : i32
            %dma_start3A_336 = tpu.memref_slice %arg8[%select_n3A_332, %dma_start3A_334, %dma_start3A_335] : memref<2x32x128xi32, #tpu.memory_space<vmem>> -> memref<1x32x128xi32, #tpu.memory_space<vmem>>
            %dma_start3A_337 = tpu.memref_squeeze %dma_start3A_336 : memref<1x32x128xi32, #tpu.memory_space<vmem>> -> memref<32x128xi32, #tpu.memory_space<vmem>>
            %dma_start3A_338 = arith.constant 0 : i32
            %dma_start3A_339 = tpu.memref_slice %arg4[%arg1, %mul3A_316, %dma_start3A_338] : memref<16x160x128xi32, #tpu.memory_space<hbm>> -> memref<1x32x128xi32, #tpu.memory_space<hbm>>
            %dma_start3A_340 = tpu.memref_squeeze %dma_start3A_339 : memref<1x32x128xi32, #tpu.memory_space<hbm>> -> memref<32x128xi32, #tpu.memory_space<hbm>>
            %dma_start3A_341 = arith.constant 0 : i32
            %dma_start3A_342 = arith.constant 0 : i32
            %dma_start3A_343 = tpu.memref_slice %arg8[%select_n3A_332, %dma_start3A_341, %dma_start3A_342] : memref<2x32x128xi32, #tpu.memory_space<vmem>> -> memref<1x32x128xi32, #tpu.memory_space<vmem>>
            %dma_start3A_344 = tpu.memref_squeeze %dma_start3A_343 : memref<1x32x128xi32, #tpu.memory_space<vmem>> -> memref<32x128xi32, #tpu.memory_space<vmem>>
            %dma_start3A_345 = arith.constant 0 : i32
            %dma_start3A_346 = tpu.memref_slice %arg4[%arg1, %mul3A_316, %dma_start3A_345] : memref<16x160x128xi32, #tpu.memory_space<hbm>> -> memref<1x32x128xi32, #tpu.memory_space<hbm>>
            %dma_start3A_347 = tpu.memref_squeeze %dma_start3A_346 : memref<1x32x128xi32, #tpu.memory_space<hbm>> -> memref<32x128xi32, #tpu.memory_space<hbm>>
            tpu.enqueue_dma source(%dma_start3A_347 : memref<32x128xi32, #tpu.memory_space<hbm>>) target(%dma_start3A_344 : memref<32x128xi32, #tpu.memory_space<vmem>>) target_semaphore(%run_scoped3A_333 : memref<!tpu.dma_semaphore, #tpu.memory_space<semaphore_mem>>)
            %dma_wait3A_348 = arith.constant 0 : i32
            %dma_wait3A_349 = arith.constant 0 : i32
            %dma_wait3A_350 = tpu.memref_slice %arg8[%select_n3A_332, %dma_wait3A_348, %dma_wait3A_349] : memref<2x32x128xi32, #tpu.memory_space<vmem>> -> memref<1x32x128xi32, #tpu.memory_space<vmem>>
            %dma_wait3A_351 = tpu.memref_squeeze %dma_wait3A_350 : memref<1x32x128xi32, #tpu.memory_space<vmem>> -> memref<32x128xi32, #tpu.memory_space<vmem>>
            %dma_wait3A_352 = arith.constant 0 : i32
            %dma_wait3A_353 = tpu.memref_slice %arg4[%arg1, %mul3A_316, %dma_wait3A_352] : memref<16x160x128xi32, #tpu.memory_space<hbm>> -> memref<1x32x128xi32, #tpu.memory_space<hbm>>
            %dma_wait3A_354 = tpu.memref_squeeze %dma_wait3A_353 : memref<1x32x128xi32, #tpu.memory_space<hbm>> -> memref<32x128xi32, #tpu.memory_space<hbm>>
            %dma_wait3A_355 = arith.constant 0 : i32
            %dma_wait3A_356 = arith.constant 0 : i32
            %dma_wait3A_357 = tpu.memref_slice %arg8[%select_n3A_332, %dma_wait3A_355, %dma_wait3A_356] : memref<2x32x128xi32, #tpu.memory_space<vmem>> -> memref<1x32x128xi32, #tpu.memory_space<vmem>>
            %dma_wait3A_358 = tpu.memref_squeeze %dma_wait3A_357 : memref<1x32x128xi32, #tpu.memory_space<vmem>> -> memref<32x128xi32, #tpu.memory_space<vmem>>
            %dma_wait3A_359 = arith.constant 0 : i32
            %dma_wait3A_360 = tpu.memref_slice %arg4[%arg1, %mul3A_316, %dma_wait3A_359] : memref<16x160x128xi32, #tpu.memory_space<hbm>> -> memref<1x32x128xi32, #tpu.memory_space<hbm>>
            %dma_wait3A_361 = tpu.memref_squeeze %dma_wait3A_360 : memref<1x32x128xi32, #tpu.memory_space<hbm>> -> memref<32x128xi32, #tpu.memory_space<hbm>>
            tpu.wait_dma2 semaphore(%run_scoped3A_333 : memref<!tpu.dma_semaphore, #tpu.memory_space<semaphore_mem>>) src(%dma_wait3A_361 : memref<32x128xi32, #tpu.memory_space<hbm>>) dst(%dma_wait3A_358 : memref<32x128xi32, #tpu.memory_space<vmem>>)
            tpu.yield
          }) : () -> ()
        } else {
        }
        %jit3A_211 = arith.constant 32 : i32
        %div3A_212 = arith.divsi %add3A_178, %jit3A_211 : i32
        %sign3A_213 = arith.constant 0 : i32
        %sign3A_214 = arith.cmpi sgt, %add3A_178, %sign3A_213 : i32
        %sign3A_215 = arith.extui %sign3A_214 : i1 to i32
        %sign3A_216 = arith.constant 0 : i32
        %sign3A_217 = arith.cmpi slt, %add3A_178, %sign3A_216 : i32
        %sign3A_218 = arith.extui %sign3A_217 : i1 to i32
        %sign3A_219 = arith.subi %sign3A_215, %sign3A_218 : i32
        %sign3A_220 = arith.constant 0 : i32
        %sign3A_221 = arith.cmpi sgt, %jit3A_211, %sign3A_220 : i32
        %sign3A_222 = arith.extui %sign3A_221 : i1 to i32
        %sign3A_223 = arith.constant 0 : i32
        %sign3A_224 = arith.cmpi slt, %jit3A_211, %sign3A_223 : i32
        %sign3A_225 = arith.extui %sign3A_224 : i1 to i32
        %sign3A_226 = arith.subi %sign3A_222, %sign3A_225 : i32
        %ne3A_227 = arith.cmpi ne, %sign3A_219, %sign3A_226 : i32
        %rem3A_228 = arith.remsi %add3A_178, %jit3A_211 : i32
        %ne3A_229 = arith.constant 0 : i32
        %ne3A_230 = arith.cmpi ne, %rem3A_228, %ne3A_229 : i32
        %and3A_231 = arith.andi %ne3A_227, %ne3A_230 : i1
        %sub3A_232 = arith.constant 1 : i32
        %sub3A_233 = arith.subi %div3A_212, %sub3A_232 : i32
        %select_n3A_234 = arith.select %and3A_231, %sub3A_233, %div3A_212 : i32
        %jit3A_235 = arith.constant 2 : i32
        %eq3A_236 = arith.constant 0 : i32
        %eq3A_237 = arith.cmpi eq, %jit3A_235, %eq3A_236 : i32
        %jit3A_238 = arith.constant 1 : i32
        %select_n3A_239 = arith.select %eq3A_237, %jit3A_238, %jit3A_235 : i32
        %rem3A_240 = arith.remsi %select_n3A_234, %select_n3A_239 : i32
        %ne3A_241 = arith.constant 0 : i32
        %ne3A_242 = arith.cmpi ne, %rem3A_240, %ne3A_241 : i32
        %lt3A_243 = arith.constant 0 : i32
        %lt3A_244 = arith.cmpi slt, %rem3A_240, %lt3A_243 : i32
        %lt3A_245 = arith.constant 0 : i32
        %lt3A_246 = arith.cmpi slt, %select_n3A_239, %lt3A_245 : i32
        %ne3A_247 = arith.xori %lt3A_244, %lt3A_246 : i1
        %and3A_248 = arith.andi %ne3A_247, %ne3A_242 : i1
        %add3A_249 = arith.addi %rem3A_240, %select_n3A_239 : i32
        %select_n3A_250 = arith.select %and3A_248, %add3A_249, %rem3A_240 : i32
        %jit3A_251 = arith.constant 32 : i32
        %eq3A_252 = arith.constant 0 : i32
        %eq3A_253 = arith.cmpi eq, %jit3A_251, %eq3A_252 : i32
        %jit3A_254 = arith.constant 1 : i32
        %select_n3A_255 = arith.select %eq3A_253, %jit3A_254, %jit3A_251 : i32
        %rem3A_256 = arith.remsi %add3A_178, %select_n3A_255 : i32
        %ne3A_257 = arith.constant 0 : i32
        %ne3A_258 = arith.cmpi ne, %rem3A_256, %ne3A_257 : i32
        %lt3A_259 = arith.constant 0 : i32
        %lt3A_260 = arith.cmpi slt, %rem3A_256, %lt3A_259 : i32
        %lt3A_261 = arith.constant 0 : i32
        %lt3A_262 = arith.cmpi slt, %select_n3A_255, %lt3A_261 : i32
        %ne3A_263 = arith.xori %lt3A_260, %lt3A_262 : i1
        %and3A_264 = arith.andi %ne3A_263, %ne3A_258 : i1
        %add3A_265 = arith.addi %rem3A_256, %select_n3A_255 : i32
        %select_n3A_266 = arith.select %and3A_264, %add3A_265, %rem3A_256 : i32
        %dma_start3A_267 = arith.constant 0 : i32
        %dma_start3A_268 = tpu.memref_slice %arg7[%select_n3A_250, %select_n3A_266, %dma_start3A_267] : memref<2x32x128xi32, #tpu.memory_space<vmem>> -> memref<1x1x128xi32, #tpu.memory_space<vmem>>
        %dma_start3A_269 = tpu.memref_squeeze %dma_start3A_268 : memref<1x1x128xi32, #tpu.memory_space<vmem>> -> memref<128xi32, #tpu.memory_space<vmem>>
        %dma_start3A_270 = arith.constant 0 : i32
        %dma_start3A_271 = arith.constant 0 : i32
        %dma_start3A_272 = tpu.memref_slice %arg2[%dma_start3A_270, %dma_start3A_271] : memref<20000x128xf32, #tpu.memory_space<hbm>> -> memref<20000x128xf32, #tpu.memory_space<hbm>>
        tpu.enqueue_indirect_dma source(%dma_start3A_272 : memref<20000x128xf32, #tpu.memory_space<hbm>>) target(%arg9 : memref<128x128xf32, #tpu.memory_space<vmem>>) offsets(%dma_start3A_269 : memref<128xi32, #tpu.memory_space<vmem>>) semaphore(%arg12 : memref<!tpu.dma_semaphore, #tpu.memory_space<semaphore_mem>>)
      } else {
      }
    }
    %scan3A_13 = arith.constant 80 : i32
    %dma_wait3A = arith.constant 0 : i32
    %dma_wait3A_14 = arith.constant 0 : i32
    %dma_wait3A_15 = tpu.memref_slice %arg11[%dma_wait3A, %dma_wait3A_14] : memref<10112x128xf32, #tpu.memory_space<vmem_shared>> -> memref<128x128xf32, #tpu.memory_space<vmem_shared>>
    %dma_wait3A_16 = arith.constant 0 : i32
    %dma_wait3A_17 = arith.constant 0 : i32
    %dma_wait3A_18 = tpu.memref_slice %arg11[%dma_wait3A_16, %dma_wait3A_17] : memref<10112x128xf32, #tpu.memory_space<vmem_shared>> -> memref<128x128xf32, #tpu.memory_space<vmem_shared>>
    tpu.wait_dma2 semaphore(%arg14 : memref<!tpu.dma_semaphore, #tpu.memory_space<semaphore_mem>>) src(%arg9 : memref<128x128xf32, #tpu.memory_space<vmem>>) dst(%dma_wait3A_18 : memref<128x128xf32, #tpu.memory_space<vmem_shared>>)
    %dma_wait3A_19 = arith.constant 0 : i32
    %dma_wait3A_20 = arith.constant 0 : i32
    %dma_wait3A_21 = tpu.memref_slice %arg11[%dma_wait3A_19, %dma_wait3A_20] : memref<10112x128xf32, #tpu.memory_space<vmem_shared>> -> memref<128x128xf32, #tpu.memory_space<vmem_shared>>
    %dma_wait3A_22 = arith.constant 0 : i32
    %dma_wait3A_23 = arith.constant 0 : i32
    %dma_wait3A_24 = tpu.memref_slice %arg11[%dma_wait3A_22, %dma_wait3A_23] : memref<10112x128xf32, #tpu.memory_space<vmem_shared>> -> memref<128x128xf32, #tpu.memory_space<vmem_shared>>
    tpu.wait_dma2 semaphore(%arg15 : memref<!tpu.dma_semaphore, #tpu.memory_space<semaphore_mem>>) src(%arg10 : memref<128x128xf32, #tpu.memory_space<vmem>>) dst(%dma_wait3A_24 : memref<128x128xf32, #tpu.memory_space<vmem_shared>>)
    %barrier3A_25 = arith.constant 0 : index
    tpu.barrier barrier_id(%barrier3A_25)
    %lt3A = arith.constant 15 : i32
    %lt3A_26 = arith.cmpi slt, %arg1, %lt3A : i32
    %convert_element_type3A = arith.extui %lt3A_26 : i1 to i32
    %cond3A = arith.constant 0 : i32
    %cond3A_27 = arith.cmpi ne, %convert_element_type3A, %cond3A : i32
    scf.if %cond3A_27 {
      %mul3A_32 = arith.constant 640 : i32
      %mul3A_33 = arith.muli %arg1, %mul3A_32 : i32
      %mul3A_34 = arith.constant 640 : i32
      %mul3A_35 = arith.muli %arg1, %mul3A_34 : i32
      "tpu.region"() ({
        %run_scoped3A_36 = tpu.sem_alloc : memref<!tpu.dma_semaphore, #tpu.memory_space<semaphore_mem>>
        %dma_start3A_37 = arith.constant 0 : i32
        %dma_start3A_38 = tpu.memref_slice %arg6[%arg0, %mul3A_35, %dma_start3A_37] : memref<2x10000x128xf32, #tpu.memory_space<hbm>> -> memref<1x640x128xf32, #tpu.memory_space<hbm>>
        %dma_start3A_39 = tpu.memref_squeeze %dma_start3A_38 : memref<1x640x128xf32, #tpu.memory_space<hbm>> -> memref<640x128xf32, #tpu.memory_space<hbm>>
        %dma_start3A_40 = arith.constant 0 : i32
        %dma_start3A_41 = tpu.memref_slice %arg11[%mul3A_33, %dma_start3A_40] : memref<10112x128xf32, #tpu.memory_space<vmem_shared>> -> memref<640x128xf32, #tpu.memory_space<vmem_shared>>
        tpu.enqueue_dma source(%dma_start3A_41 : memref<640x128xf32, #tpu.memory_space<vmem_shared>>) target(%dma_start3A_39 : memref<640x128xf32, #tpu.memory_space<hbm>>) target_semaphore(%run_scoped3A_36 : memref<!tpu.dma_semaphore, #tpu.memory_space<semaphore_mem>>)
        %dma_wait3A_42 = arith.constant 0 : i32
        %dma_wait3A_43 = tpu.memref_slice %arg6[%arg0, %mul3A_35, %dma_wait3A_42] : memref<2x10000x128xf32, #tpu.memory_space<hbm>> -> memref<1x640x128xf32, #tpu.memory_space<hbm>>
        %dma_wait3A_44 = tpu.memref_squeeze %dma_wait3A_43 : memref<1x640x128xf32, #tpu.memory_space<hbm>> -> memref<640x128xf32, #tpu.memory_space<hbm>>
        %dma_wait3A_45 = arith.constant 0 : i32
        %dma_wait3A_46 = tpu.memref_slice %arg11[%mul3A_33, %dma_wait3A_45] : memref<10112x128xf32, #tpu.memory_space<vmem_shared>> -> memref<640x128xf32, #tpu.memory_space<vmem_shared>>
        tpu.wait_dma2 semaphore(%run_scoped3A_36 : memref<!tpu.dma_semaphore, #tpu.memory_space<semaphore_mem>>) src(%dma_wait3A_46 : memref<640x128xf32, #tpu.memory_space<vmem_shared>>) dst(%dma_wait3A_44 : memref<640x128xf32, #tpu.memory_space<hbm>>)
        tpu.yield
      }) : () -> ()
    } else {
    }
    %eq3A = arith.constant 15 : i32
    %eq3A_28 = arith.cmpi eq, %arg1, %eq3A : i32
    %convert_element_type3A_29 = arith.extui %eq3A_28 : i1 to i32
    %cond3A_30 = arith.constant 0 : i32
    %cond3A_31 = arith.cmpi ne, %convert_element_type3A_29, %cond3A_30 : i32
    scf.if %cond3A_31 {
      "tpu.region"() ({
        %run_scoped3A_32 = tpu.sem_alloc : memref<!tpu.dma_semaphore, #tpu.memory_space<semaphore_mem>>
        %dma_start3A_33 = arith.constant 9600 : i32
        %dma_start3A_34 = arith.constant 0 : i32
        %dma_start3A_35 = tpu.memref_slice %arg6[%arg0, %dma_start3A_33, %dma_start3A_34] : memref<2x10000x128xf32, #tpu.memory_space<hbm>> -> memref<1x400x128xf32, #tpu.memory_space<hbm>>
        %dma_start3A_36 = tpu.memref_squeeze %dma_start3A_35 : memref<1x400x128xf32, #tpu.memory_space<hbm>> -> memref<400x128xf32, #tpu.memory_space<hbm>>
        %dma_start3A_37 = arith.constant 9600 : i32
        %dma_start3A_38 = arith.constant 0 : i32
        %dma_start3A_39 = tpu.memref_slice %arg11[%dma_start3A_37, %dma_start3A_38] : memref<10112x128xf32, #tpu.memory_space<vmem_shared>> -> memref<400x128xf32, #tpu.memory_space<vmem_shared>>
        tpu.enqueue_dma source(%dma_start3A_39 : memref<400x128xf32, #tpu.memory_space<vmem_shared>>) target(%dma_start3A_36 : memref<400x128xf32, #tpu.memory_space<hbm>>) target_semaphore(%run_scoped3A_32 : memref<!tpu.dma_semaphore, #tpu.memory_space<semaphore_mem>>)
        %dma_wait3A_40 = arith.constant 9600 : i32
        %dma_wait3A_41 = arith.constant 0 : i32
        %dma_wait3A_42 = tpu.memref_slice %arg6[%arg0, %dma_wait3A_40, %dma_wait3A_41] : memref<2x10000x128xf32, #tpu.memory_space<hbm>> -> memref<1x400x128xf32, #tpu.memory_space<hbm>>
        %dma_wait3A_43 = tpu.memref_squeeze %dma_wait3A_42 : memref<1x400x128xf32, #tpu.memory_space<hbm>> -> memref<400x128xf32, #tpu.memory_space<hbm>>
        %dma_wait3A_44 = arith.constant 9600 : i32
        %dma_wait3A_45 = arith.constant 0 : i32
        %dma_wait3A_46 = tpu.memref_slice %arg11[%dma_wait3A_44, %dma_wait3A_45] : memref<10112x128xf32, #tpu.memory_space<vmem_shared>> -> memref<400x128xf32, #tpu.memory_space<vmem_shared>>
        tpu.wait_dma2 semaphore(%run_scoped3A_32 : memref<!tpu.dma_semaphore, #tpu.memory_space<semaphore_mem>>) src(%dma_wait3A_46 : memref<400x128xf32, #tpu.memory_space<vmem_shared>>) dst(%dma_wait3A_43 : memref<400x128xf32, #tpu.memory_space<hbm>>)
        tpu.yield
      }) : () -> ()
    } else {
    }
    return
  }
}

#map = affine_map<(d0, d1) -> (0, 0)>
#map1 = affine_map<(d0, d1) -> (0, 0, 0, 0)>
#map2 = affine_map<(d0, d1) -> (0, 0, 0)>
module attributes {stable_mosaic.version = 14 : i64} {
  func.func @k(%arg0: i32, %arg1: i32, %arg2: memref<20000x128xf32, #tpu.memory_space<hbm>>, %arg3: memref<2x16x160x128xi32, #tpu.memory_space<hbm>>, %arg4: memref<16x160x128xi32, #tpu.memory_space<hbm>>, %arg5: memref<640x128xf32, #tpu.memory_space<hbm>>, %arg6: memref<2x10000x128xf32, #tpu.memory_space<hbm>>, %arg7: memref<2x32x128xi32, #tpu.memory_space<vmem>>, %arg8: memref<2x32x128xi32, #tpu.memory_space<vmem>>, %arg9: memref<128x128xf32, #tpu.memory_space<vmem>>, %arg10: memref<128x128xf32, #tpu.memory_space<vmem>>, %arg11: memref<10112x128xf32, #tpu.memory_space<vmem_shared>>, %arg12: memref<!tpu.dma_semaphore, #tpu.memory_space<semaphore_mem>>, %arg13: memref<!tpu.dma_semaphore, #tpu.memory_space<semaphore_mem>>, %arg14: memref<!tpu.dma_semaphore, #tpu.memory_space<semaphore_mem>>, %arg15: memref<!tpu.dma_semaphore, #tpu.memory_space<semaphore_mem>>) attributes {dimension_semantics = [#tpu.dimension_semantics<core_parallel>, #tpu.dimension_semantics<subcore_parallel>], iteration_bounds = array<i64: 2, 16>, scalar_prefetch = 0 : i64, scratch_operands = 9 : i64, tpu.core_type = #tpu.core_type<sc_vector_subcore>, window_params = [{transform_indices = #map}, {transform_indices = #map1}, {transform_indices = #map2}, {transform_indices = #map}, {transform_indices = #map2}]} {
    %mul3A = arith.constant 632 : i32
    %mul3A_0 = arith.muli %arg1, %mul3A : i32
    "tpu.region"() ({
      %run_scoped3A_32 = tpu.sem_alloc : memref<!tpu.dma_semaphore, #tpu.memory_space<semaphore_mem>>
      %dma_start3A_33 = arith.constant 0 : i32
      %dma_start3A_34 = tpu.memref_slice %arg11[%mul3A_0, %dma_start3A_33] : memref<10112x128xf32, #tpu.memory_space<vmem_shared>> -> memref<632x128xf32, #tpu.memory_space<vmem_shared>>
      %dma_start3A_35 = arith.constant 0 : i32
      %dma_start3A_36 = arith.constant 0 : i32
      %dma_start3A_37 = tpu.memref_slice %arg5[%dma_start3A_35, %dma_start3A_36] : memref<640x128xf32, #tpu.memory_space<hbm>> -> memref<632x128xf32, #tpu.memory_space<hbm>>
      tpu.enqueue_dma source(%dma_start3A_37 : memref<632x128xf32, #tpu.memory_space<hbm>>) target(%dma_start3A_34 : memref<632x128xf32, #tpu.memory_space<vmem_shared>>) target_semaphore(%run_scoped3A_32 : memref<!tpu.dma_semaphore, #tpu.memory_space<semaphore_mem>>)
      %dma_wait3A_38 = arith.constant 0 : i32
      %dma_wait3A_39 = tpu.memref_slice %arg11[%mul3A_0, %dma_wait3A_38] : memref<10112x128xf32, #tpu.memory_space<vmem_shared>> -> memref<632x128xf32, #tpu.memory_space<vmem_shared>>
      %dma_wait3A_40 = arith.constant 0 : i32
      %dma_wait3A_41 = arith.constant 0 : i32
      %dma_wait3A_42 = tpu.memref_slice %arg5[%dma_wait3A_40, %dma_wait3A_41] : memref<640x128xf32, #tpu.memory_space<hbm>> -> memref<632x128xf32, #tpu.memory_space<hbm>>
      tpu.wait_dma2 semaphore(%run_scoped3A_32 : memref<!tpu.dma_semaphore, #tpu.memory_space<semaphore_mem>>) src(%dma_wait3A_42 : memref<632x128xf32, #tpu.memory_space<hbm>>) dst(%dma_wait3A_39 : memref<632x128xf32, #tpu.memory_space<vmem_shared>>)
      tpu.yield
    }) : () -> ()
    %run_scoped3A = arith.constant 0 : i32
    "tpu.region"() ({
      %run_scoped3A_32 = tpu.sem_alloc : memref<!tpu.dma_semaphore, #tpu.memory_space<semaphore_mem>>
      %dma_start3A_33 = arith.constant 0 : i32
      %dma_start3A_34 = arith.constant 0 : i32
      %dma_start3A_35 = tpu.memref_slice %arg7[%run_scoped3A, %dma_start3A_33, %dma_start3A_34] : memref<2x32x128xi32, #tpu.memory_space<vmem>> -> memref<1x32x128xi32, #tpu.memory_space<vmem>>
      %dma_start3A_36 = tpu.memref_squeeze %dma_start3A_35 : memref<1x32x128xi32, #tpu.memory_space<vmem>> -> memref<32x128xi32, #tpu.memory_space<vmem>>
      %dma_start3A_37 = arith.constant 0 : i32
      %dma_start3A_38 = arith.constant 0 : i32
      %dma_start3A_39 = tpu.memref_slice %arg3[%arg0, %arg1, %dma_start3A_37, %dma_start3A_38] : memref<2x16x160x128xi32, #tpu.memory_space<hbm>> -> memref<1x1x32x128xi32, #tpu.memory_space<hbm>>
      %dma_start3A_40 = tpu.memref_squeeze %dma_start3A_39 : memref<1x1x32x128xi32, #tpu.memory_space<hbm>> -> memref<32x128xi32, #tpu.memory_space<hbm>>
      %dma_start3A_41 = arith.constant 0 : i32
      %dma_start3A_42 = arith.constant 0 : i32
      %dma_start3A_43 = tpu.memref_slice %arg7[%run_scoped3A, %dma_start3A_41, %dma_start3A_42] : memref<2x32x128xi32, #tpu.memory_space<vmem>> -> memref<1x32x128xi32, #tpu.memory_space<vmem>>
      %dma_start3A_44 = tpu.memref_squeeze %dma_start3A_43 : memref<1x32x128xi32, #tpu.memory_space<vmem>> -> memref<32x128xi32, #tpu.memory_space<vmem>>
      %dma_start3A_45 = arith.constant 0 : i32
      %dma_start3A_46 = arith.constant 0 : i32
      %dma_start3A_47 = tpu.memref_slice %arg3[%arg0, %arg1, %dma_start3A_45, %dma_start3A_46] : memref<2x16x160x128xi32, #tpu.memory_space<hbm>> -> memref<1x1x32x128xi32, #tpu.memory_space<hbm>>
      %dma_start3A_48 = tpu.memref_squeeze %dma_start3A_47 : memref<1x1x32x128xi32, #tpu.memory_space<hbm>> -> memref<32x128xi32, #tpu.memory_space<hbm>>
      tpu.enqueue_dma source(%dma_start3A_48 : memref<32x128xi32, #tpu.memory_space<hbm>>) target(%dma_start3A_44 : memref<32x128xi32, #tpu.memory_space<vmem>>) target_semaphore(%run_scoped3A_32 : memref<!tpu.dma_semaphore, #tpu.memory_space<semaphore_mem>>)
      %dma_wait3A_49 = arith.constant 0 : i32
      %dma_wait3A_50 = arith.constant 0 : i32
      %dma_wait3A_51 = tpu.memref_slice %arg7[%run_scoped3A, %dma_wait3A_49, %dma_wait3A_50] : memref<2x32x128xi32, #tpu.memory_space<vmem>> -> memref<1x32x128xi32, #tpu.memory_space<vmem>>
      %dma_wait3A_52 = tpu.memref_squeeze %dma_wait3A_51 : memref<1x32x128xi32, #tpu.memory_space<vmem>> -> memref<32x128xi32, #tpu.memory_space<vmem>>
      %dma_wait3A_53 = arith.constant 0 : i32
      %dma_wait3A_54 = arith.constant 0 : i32
      %dma_wait3A_55 = tpu.memref_slice %arg3[%arg0, %arg1, %dma_wait3A_53, %dma_wait3A_54] : memref<2x16x160x128xi32, #tpu.memory_space<hbm>> -> memref<1x1x32x128xi32, #tpu.memory_space<hbm>>
      %dma_wait3A_56 = tpu.memref_squeeze %dma_wait3A_55 : memref<1x1x32x128xi32, #tpu.memory_space<hbm>> -> memref<32x128xi32, #tpu.memory_space<hbm>>
      %dma_wait3A_57 = arith.constant 0 : i32
      %dma_wait3A_58 = arith.constant 0 : i32
      %dma_wait3A_59 = tpu.memref_slice %arg7[%run_scoped3A, %dma_wait3A_57, %dma_wait3A_58] : memref<2x32x128xi32, #tpu.memory_space<vmem>> -> memref<1x32x128xi32, #tpu.memory_space<vmem>>
      %dma_wait3A_60 = tpu.memref_squeeze %dma_wait3A_59 : memref<1x32x128xi32, #tpu.memory_space<vmem>> -> memref<32x128xi32, #tpu.memory_space<vmem>>
      %dma_wait3A_61 = arith.constant 0 : i32
      %dma_wait3A_62 = arith.constant 0 : i32
      %dma_wait3A_63 = tpu.memref_slice %arg3[%arg0, %arg1, %dma_wait3A_61, %dma_wait3A_62] : memref<2x16x160x128xi32, #tpu.memory_space<hbm>> -> memref<1x1x32x128xi32, #tpu.memory_space<hbm>>
      %dma_wait3A_64 = tpu.memref_squeeze %dma_wait3A_63 : memref<1x1x32x128xi32, #tpu.memory_space<hbm>> -> memref<32x128xi32, #tpu.memory_space<hbm>>
      tpu.wait_dma2 semaphore(%run_scoped3A_32 : memref<!tpu.dma_semaphore, #tpu.memory_space<semaphore_mem>>) src(%dma_wait3A_64 : memref<32x128xi32, #tpu.memory_space<hbm>>) dst(%dma_wait3A_60 : memref<32x128xi32, #tpu.memory_space<vmem>>)
      tpu.yield
    }) : () -> ()
    %run_scoped3A_1 = arith.constant 0 : i32
    "tpu.region"() ({
      %run_scoped3A_32 = tpu.sem_alloc : memref<!tpu.dma_semaphore, #tpu.memory_space<semaphore_mem>>
      %dma_start3A_33 = arith.constant 0 : i32
      %dma_start3A_34 = arith.constant 0 : i32
      %dma_start3A_35 = tpu.memref_slice %arg8[%run_scoped3A_1, %dma_start3A_33, %dma_start3A_34] : memref<2x32x128xi32, #tpu.memory_space<vmem>> -> memref<1x32x128xi32, #tpu.memory_space<vmem>>
      %dma_start3A_36 = tpu.memref_squeeze %dma_start3A_35 : memref<1x32x128xi32, #tpu.memory_space<vmem>> -> memref<32x128xi32, #tpu.memory_space<vmem>>
      %dma_start3A_37 = arith.constant 0 : i32
      %dma_start3A_38 = arith.constant 0 : i32
      %dma_start3A_39 = tpu.memref_slice %arg4[%arg1, %dma_start3A_37, %dma_start3A_38] : memref<16x160x128xi32, #tpu.memory_space<hbm>> -> memref<1x32x128xi32, #tpu.memory_space<hbm>>
      %dma_start3A_40 = tpu.memref_squeeze %dma_start3A_39 : memref<1x32x128xi32, #tpu.memory_space<hbm>> -> memref<32x128xi32, #tpu.memory_space<hbm>>
      %dma_start3A_41 = arith.constant 0 : i32
      %dma_start3A_42 = arith.constant 0 : i32
      %dma_start3A_43 = tpu.memref_slice %arg8[%run_scoped3A_1, %dma_start3A_41, %dma_start3A_42] : memref<2x32x128xi32, #tpu.memory_space<vmem>> -> memref<1x32x128xi32, #tpu.memory_space<vmem>>
      %dma_start3A_44 = tpu.memref_squeeze %dma_start3A_43 : memref<1x32x128xi32, #tpu.memory_space<vmem>> -> memref<32x128xi32, #tpu.memory_space<vmem>>
      %dma_start3A_45 = arith.constant 0 : i32
      %dma_start3A_46 = arith.constant 0 : i32
      %dma_start3A_47 = tpu.memref_slice %arg4[%arg1, %dma_start3A_45, %dma_start3A_46] : memref<16x160x128xi32, #tpu.memory_space<hbm>> -> memref<1x32x128xi32, #tpu.memory_space<hbm>>
      %dma_start3A_48 = tpu.memref_squeeze %dma_start3A_47 : memref<1x32x128xi32, #tpu.memory_space<hbm>> -> memref<32x128xi32, #tpu.memory_space<hbm>>
      tpu.enqueue_dma source(%dma_start3A_48 : memref<32x128xi32, #tpu.memory_space<hbm>>) target(%dma_start3A_44 : memref<32x128xi32, #tpu.memory_space<vmem>>) target_semaphore(%run_scoped3A_32 : memref<!tpu.dma_semaphore, #tpu.memory_space<semaphore_mem>>)
      %dma_wait3A_49 = arith.constant 0 : i32
      %dma_wait3A_50 = arith.constant 0 : i32
      %dma_wait3A_51 = tpu.memref_slice %arg8[%run_scoped3A_1, %dma_wait3A_49, %dma_wait3A_50] : memref<2x32x128xi32, #tpu.memory_space<vmem>> -> memref<1x32x128xi32, #tpu.memory_space<vmem>>
      %dma_wait3A_52 = tpu.memref_squeeze %dma_wait3A_51 : memref<1x32x128xi32, #tpu.memory_space<vmem>> -> memref<32x128xi32, #tpu.memory_space<vmem>>
      %dma_wait3A_53 = arith.constant 0 : i32
      %dma_wait3A_54 = arith.constant 0 : i32
      %dma_wait3A_55 = tpu.memref_slice %arg4[%arg1, %dma_wait3A_53, %dma_wait3A_54] : memref<16x160x128xi32, #tpu.memory_space<hbm>> -> memref<1x32x128xi32, #tpu.memory_space<hbm>>
      %dma_wait3A_56 = tpu.memref_squeeze %dma_wait3A_55 : memref<1x32x128xi32, #tpu.memory_space<hbm>> -> memref<32x128xi32, #tpu.memory_space<hbm>>
      %dma_wait3A_57 = arith.constant 0 : i32
      %dma_wait3A_58 = arith.constant 0 : i32
      %dma_wait3A_59 = tpu.memref_slice %arg8[%run_scoped3A_1, %dma_wait3A_57, %dma_wait3A_58] : memref<2x32x128xi32, #tpu.memory_space<vmem>> -> memref<1x32x128xi32, #tpu.memory_space<vmem>>
      %dma_wait3A_60 = tpu.memref_squeeze %dma_wait3A_59 : memref<1x32x128xi32, #tpu.memory_space<vmem>> -> memref<32x128xi32, #tpu.memory_space<vmem>>
      %dma_wait3A_61 = arith.constant 0 : i32
      %dma_wait3A_62 = arith.constant 0 : i32
      %dma_wait3A_63 = tpu.memref_slice %arg4[%arg1, %dma_wait3A_61, %dma_wait3A_62] : memref<16x160x128xi32, #tpu.memory_space<hbm>> -> memref<1x32x128xi32, #tpu.memory_space<hbm>>
      %dma_wait3A_64 = tpu.memref_squeeze %dma_wait3A_63 : memref<1x32x128xi32, #tpu.memory_space<hbm>> -> memref<32x128xi32, #tpu.memory_space<hbm>>
      tpu.wait_dma2 semaphore(%run_scoped3A_32 : memref<!tpu.dma_semaphore, #tpu.memory_space<semaphore_mem>>) src(%dma_wait3A_64 : memref<32x128xi32, #tpu.memory_space<hbm>>) dst(%dma_wait3A_60 : memref<32x128xi32, #tpu.memory_space<vmem>>)
      tpu.yield
    }) : () -> ()
    %barrier3A = arith.constant 0 : index
    tpu.barrier barrier_id(%barrier3A)
    %dma_start3A = arith.constant 0 : i32
    %dma_start3A_2 = arith.constant 0 : i32
    %dma_start3A_3 = arith.constant 0 : i32
    %dma_start3A_4 = tpu.memref_slice %arg7[%dma_start3A, %dma_start3A_2, %dma_start3A_3] : memref<2x32x128xi32, #tpu.memory_space<vmem>> -> memref<1x1x128xi32, #tpu.memory_space<vmem>>
    %dma_start3A_5 = tpu.memref_squeeze %dma_start3A_4 : memref<1x1x128xi32, #tpu.memory_space<vmem>> -> memref<128xi32, #tpu.memory_space<vmem>>
    %dma_start3A_6 = arith.constant 0 : i32
    %dma_start3A_7 = arith.constant 0 : i32
    %dma_start3A_8 = tpu.memref_slice %arg2[%dma_start3A_6, %dma_start3A_7] : memref<20000x128xf32, #tpu.memory_space<hbm>> -> memref<20000x128xf32, #tpu.memory_space<hbm>>
    tpu.enqueue_indirect_dma source(%dma_start3A_8 : memref<20000x128xf32, #tpu.memory_space<hbm>>) target(%arg9 : memref<128x128xf32, #tpu.memory_space<vmem>>) offsets(%dma_start3A_5 : memref<128xi32, #tpu.memory_space<vmem>>) semaphore(%arg12 : memref<!tpu.dma_semaphore, #tpu.memory_space<semaphore_mem>>)
    %scan3A = arith.constant 0 : i32
    %scan3A_9 = arith.constant 0 : i32
    %scan3A_10 = arith.constant 80 : i32
    %scan3A_11 = arith.addi %scan3A_9, %scan3A_10 : i32
    %scan3A_12 = arith.constant 1 : i32
    scf.for %scan3A_32 = %scan3A_9 to %scan3A_11 step %scan3A_12  : i32 {
      %mul3A_33 = arith.constant 2 : i32
      %mul3A_34 = arith.muli %mul3A_33, %scan3A_32 : i32
      %add3A = arith.constant 0 : i32
      %add3A_35 = arith.addi %mul3A_34, %add3A : i32
      %dma_wait3A_36 = arith.constant 0 : i32
      %dma_wait3A_37 = arith.constant 0 : i32
      %dma_wait3A_38 = tpu.memref_slice %arg2[%dma_wait3A_36, %dma_wait3A_37] : memref<20000x128xf32, #tpu.memory_space<hbm>> -> memref<128x128xf32, #tpu.memory_space<hbm>>
      %dma_wait3A_39 = arith.constant 0 : i32
      %dma_wait3A_40 = arith.constant 0 : i32
      %dma_wait3A_41 = tpu.memref_slice %arg2[%dma_wait3A_39, %dma_wait3A_40] : memref<20000x128xf32, #tpu.memory_space<hbm>> -> memref<128x128xf32, #tpu.memory_space<hbm>>
      tpu.wait_dma2 semaphore(%arg12 : memref<!tpu.dma_semaphore, #tpu.memory_space<semaphore_mem>>) src(%dma_wait3A_41 : memref<128x128xf32, #tpu.memory_space<hbm>>) dst(%arg9 : memref<128x128xf32, #tpu.memory_space<vmem>>)
      %jit3A = arith.constant 32 : i32
      %div3A = arith.divsi %add3A_35, %jit3A : i32
      %sign3A = arith.constant 0 : i32
      %sign3A_42 = arith.cmpi sgt, %add3A_35, %sign3A : i32
      %sign3A_43 = arith.extui %sign3A_42 : i1 to i32
      %sign3A_44 = arith.constant 0 : i32
      %sign3A_45 = arith.cmpi slt, %add3A_35, %sign3A_44 : i32
      %sign3A_46 = arith.extui %sign3A_45 : i1 to i32
      %sign3A_47 = arith.subi %sign3A_43, %sign3A_46 : i32
      %sign3A_48 = arith.constant 0 : i32
      %sign3A_49 = arith.cmpi sgt, %jit3A, %sign3A_48 : i32
      %sign3A_50 = arith.extui %sign3A_49 : i1 to i32
      %sign3A_51 = arith.constant 0 : i32
      %sign3A_52 = arith.cmpi slt, %jit3A, %sign3A_51 : i32
      %sign3A_53 = arith.extui %sign3A_52 : i1 to i32
      %sign3A_54 = arith.subi %sign3A_50, %sign3A_53 : i32
      %ne3A = arith.cmpi ne, %sign3A_47, %sign3A_54 : i32
      %rem3A = arith.remsi %add3A_35, %jit3A : i32
      %ne3A_55 = arith.constant 0 : i32
      %ne3A_56 = arith.cmpi ne, %rem3A, %ne3A_55 : i32
      %and3A = arith.andi %ne3A, %ne3A_56 : i1
      %sub3A = arith.constant 1 : i32
      %sub3A_57 = arith.subi %div3A, %sub3A : i32
      %select_n3A = arith.select %and3A, %sub3A_57, %div3A : i32
      %jit3A_58 = arith.constant 2 : i32
      %eq3A_59 = arith.constant 0 : i32
      %eq3A_60 = arith.cmpi eq, %jit3A_58, %eq3A_59 : i32
      %jit3A_61 = arith.constant 1 : i32
      %select_n3A_62 = arith.select %eq3A_60, %jit3A_61, %jit3A_58 : i32
      %rem3A_63 = arith.remsi %select_n3A, %select_n3A_62 : i32
      %ne3A_64 = arith.constant 0 : i32
      %ne3A_65 = arith.cmpi ne, %rem3A_63, %ne3A_64 : i32
      %lt3A_66 = arith.constant 0 : i32
      %lt3A_67 = arith.cmpi slt, %rem3A_63, %lt3A_66 : i32
      %lt3A_68 = arith.constant 0 : i32
      %lt3A_69 = arith.cmpi slt, %select_n3A_62, %lt3A_68 : i32
      %ne3A_70 = arith.xori %lt3A_67, %lt3A_69 : i1
      %and3A_71 = arith.andi %ne3A_70, %ne3A_65 : i1
      %add3A_72 = arith.addi %rem3A_63, %select_n3A_62 : i32
      %select_n3A_73 = arith.select %and3A_71, %add3A_72, %rem3A_63 : i32
      %jit3A_74 = arith.constant 32 : i32
      %eq3A_75 = arith.constant 0 : i32
      %eq3A_76 = arith.cmpi eq, %jit3A_74, %eq3A_75 : i32
      %jit3A_77 = arith.constant 1 : i32
      %select_n3A_78 = arith.select %eq3A_76, %jit3A_77, %jit3A_74 : i32
      %rem3A_79 = arith.remsi %add3A_35, %select_n3A_78 : i32
      %ne3A_80 = arith.constant 0 : i32
      %ne3A_81 = arith.cmpi ne, %rem3A_79, %ne3A_80 : i32
      %lt3A_82 = arith.constant 0 : i32
      %lt3A_83 = arith.cmpi slt, %rem3A_79, %lt3A_82 : i32
      %lt3A_84 = arith.constant 0 : i32
      %lt3A_85 = arith.cmpi slt, %select_n3A_78, %lt3A_84 : i32
      %ne3A_86 = arith.xori %lt3A_83, %lt3A_85 : i1
      %and3A_87 = arith.andi %ne3A_86, %ne3A_81 : i1
      %add3A_88 = arith.addi %rem3A_79, %select_n3A_78 : i32
      %select_n3A_89 = arith.select %and3A_87, %add3A_88, %rem3A_79 : i32
      %dma_start3A_90 = arith.constant 0 : i32
      %dma_start3A_91 = tpu.memref_slice %arg8[%select_n3A_73, %select_n3A_89, %dma_start3A_90] : memref<2x32x128xi32, #tpu.memory_space<vmem>> -> memref<1x1x128xi32, #tpu.memory_space<vmem>>
      %dma_start3A_92 = tpu.memref_squeeze %dma_start3A_91 : memref<1x1x128xi32, #tpu.memory_space<vmem>> -> memref<128xi32, #tpu.memory_space<vmem>>
      %dma_start3A_93 = arith.constant 0 : i32
      %dma_start3A_94 = arith.constant 0 : i32
      %dma_start3A_95 = tpu.memref_slice %arg11[%dma_start3A_93, %dma_start3A_94] : memref<10112x128xf32, #tpu.memory_space<vmem_shared>> -> memref<10112x128xf32, #tpu.memory_space<vmem_shared>>
      tpu.enqueue_indirect_dma source(%arg9 : memref<128x128xf32, #tpu.memory_space<vmem>>) target(%dma_start3A_95 : memref<10112x128xf32, #tpu.memory_space<vmem_shared>>) offsets(%dma_start3A_92 : memref<128xi32, #tpu.memory_space<vmem>>) semaphore(%arg14 : memref<!tpu.dma_semaphore, #tpu.memory_space<semaphore_mem>>) {add = true}
      %add3A_96 = arith.constant 1 : i32
      %add3A_97 = arith.addi %add3A_35, %add3A_96 : i32
      %sub3A_98 = arith.constant 2 : i32
      %sub3A_99 = arith.subi %add3A_97, %sub3A_98 : i32
      %lt3A_100 = arith.constant 160 : i32
      %lt3A_101 = arith.cmpi slt, %add3A_97, %lt3A_100 : i32
      %convert_element_type3A_102 = arith.extui %lt3A_101 : i1 to i32
      %cond3A_103 = arith.constant 0 : i32
      %cond3A_104 = arith.cmpi ne, %convert_element_type3A_102, %cond3A_103 : i32
      scf.if %cond3A_104 {
        %ge3A = arith.constant 0 : i32
        %ge3A_186 = arith.cmpi sge, %sub3A_99, %ge3A : i32
        %convert_element_type3A_187 = arith.extui %ge3A_186 : i1 to i32
        %cond3A_188 = arith.constant 0 : i32
        %cond3A_189 = arith.cmpi ne, %convert_element_type3A_187, %cond3A_188 : i32
        scf.if %cond3A_189 {
          %dma_wait3A_273 = arith.constant 0 : i32
          %dma_wait3A_274 = arith.constant 0 : i32
          %dma_wait3A_275 = tpu.memref_slice %arg11[%dma_wait3A_273, %dma_wait3A_274] : memref<10112x128xf32, #tpu.memory_space<vmem_shared>> -> memref<128x128xf32, #tpu.memory_space<vmem_shared>>
          %dma_wait3A_276 = arith.constant 0 : i32
          %dma_wait3A_277 = arith.constant 0 : i32
          %dma_wait3A_278 = tpu.memref_slice %arg11[%dma_wait3A_276, %dma_wait3A_277] : memref<10112x128xf32, #tpu.memory_space<vmem_shared>> -> memref<128x128xf32, #tpu.memory_space<vmem_shared>>
          tpu.wait_dma2 semaphore(%arg15 : memref<!tpu.dma_semaphore, #tpu.memory_space<semaphore_mem>>) src(%arg10 : memref<128x128xf32, #tpu.memory_space<vmem>>) dst(%dma_wait3A_278 : memref<128x128xf32, #tpu.memory_space<vmem_shared>>)
        } else {
        }
        %jit3A_190 = arith.constant 32 : i32
        %eq3A_191 = arith.constant 0 : i32
        %eq3A_192 = arith.cmpi eq, %jit3A_190, %eq3A_191 : i32
        %jit3A_193 = arith.constant 1 : i32
        %select_n3A_194 = arith.select %eq3A_192, %jit3A_193, %jit3A_190 : i32
        %rem3A_195 = arith.remsi %add3A_97, %select_n3A_194 : i32
        %ne3A_196 = arith.constant 0 : i32
        %ne3A_197 = arith.cmpi ne, %rem3A_195, %ne3A_196 : i32
        %lt3A_198 = arith.constant 0 : i32
        %lt3A_199 = arith.cmpi slt, %rem3A_195, %lt3A_198 : i32
        %lt3A_200 = arith.constant 0 : i32
        %lt3A_201 = arith.cmpi slt, %select_n3A_194, %lt3A_200 : i32
        %ne3A_202 = arith.xori %lt3A_199, %lt3A_201 : i1
        %and3A_203 = arith.andi %ne3A_202, %ne3A_197 : i1
        %add3A_204 = arith.addi %rem3A_195, %select_n3A_194 : i32
        %select_n3A_205 = arith.select %and3A_203, %add3A_204, %rem3A_195 : i32
        %eq3A_206 = arith.constant 0 : i32
        %eq3A_207 = arith.cmpi eq, %select_n3A_205, %eq3A_206 : i32
        %convert_element_type3A_208 = arith.extui %eq3A_207 : i1 to i32
        %cond3A_209 = arith.constant 0 : i32
        %cond3A_210 = arith.cmpi ne, %convert_element_type3A_208, %cond3A_209 : i32
        scf.if %cond3A_210 {
          %jit3A_273 = arith.constant 32 : i32
          %div3A_274 = arith.divsi %add3A_97, %jit3A_273 : i32
          %sign3A_275 = arith.constant 0 : i32
          %sign3A_276 = arith.cmpi sgt, %add3A_97, %sign3A_275 : i32
          %sign3A_277 = arith.extui %sign3A_276 : i1 to i32
          %sign3A_278 = arith.constant 0 : i32
          %sign3A_279 = arith.cmpi slt, %add3A_97, %sign3A_278 : i32
          %sign3A_280 = arith.extui %sign3A_279 : i1 to i32
          %sign3A_281 = arith.subi %sign3A_277, %sign3A_280 : i32
          %sign3A_282 = arith.constant 0 : i32
          %sign3A_283 = arith.cmpi sgt, %jit3A_273, %sign3A_282 : i32
          %sign3A_284 = arith.extui %sign3A_283 : i1 to i32
          %sign3A_285 = arith.constant 0 : i32
          %sign3A_286 = arith.cmpi slt, %jit3A_273, %sign3A_285 : i32
          %sign3A_287 = arith.extui %sign3A_286 : i1 to i32
          %sign3A_288 = arith.subi %sign3A_284, %sign3A_287 : i32
          %ne3A_289 = arith.cmpi ne, %sign3A_281, %sign3A_288 : i32
          %rem3A_290 = arith.remsi %add3A_97, %jit3A_273 : i32
          %ne3A_291 = arith.constant 0 : i32
          %ne3A_292 = arith.cmpi ne, %rem3A_290, %ne3A_291 : i32
          %and3A_293 = arith.andi %ne3A_289, %ne3A_292 : i1
          %sub3A_294 = arith.constant 1 : i32
          %sub3A_295 = arith.subi %div3A_274, %sub3A_294 : i32
          %select_n3A_296 = arith.select %and3A_293, %sub3A_295, %div3A_274 : i32
          %mul3A_297 = arith.constant 32 : i32
          %mul3A_298 = arith.muli %select_n3A_296, %mul3A_297 : i32
          %jit3A_299 = arith.constant 2 : i32
          %eq3A_300 = arith.constant 0 : i32
          %eq3A_301 = arith.cmpi eq, %jit3A_299, %eq3A_300 : i32
          %jit3A_302 = arith.constant 1 : i32
          %select_n3A_303 = arith.select %eq3A_301, %jit3A_302, %jit3A_299 : i32
          %rem3A_304 = arith.remsi %select_n3A_296, %select_n3A_303 : i32
          %ne3A_305 = arith.constant 0 : i32
          %ne3A_306 = arith.cmpi ne, %rem3A_304, %ne3A_305 : i32
          %lt3A_307 = arith.constant 0 : i32
          %lt3A_308 = arith.cmpi slt, %rem3A_304, %lt3A_307 : i32
          %lt3A_309 = arith.constant 0 : i32
          %lt3A_310 = arith.cmpi slt, %select_n3A_303, %lt3A_309 : i32
          %ne3A_311 = arith.xori %lt3A_308, %lt3A_310 : i1
          %and3A_312 = arith.andi %ne3A_311, %ne3A_306 : i1
          %add3A_313 = arith.addi %rem3A_304, %select_n3A_303 : i32
          %select_n3A_314 = arith.select %and3A_312, %add3A_313, %rem3A_304 : i32
          "tpu.region"() ({
            %run_scoped3A_333 = tpu.sem_alloc : memref<!tpu.dma_semaphore, #tpu.memory_space<semaphore_mem>>
            %dma_start3A_334 = arith.constant 0 : i32
            %dma_start3A_335 = arith.constant 0 : i32
            %dma_start3A_336 = tpu.memref_slice %arg7[%select_n3A_314, %dma_start3A_334, %dma_start3A_335] : memref<2x32x128xi32, #tpu.memory_space<vmem>> -> memref<1x32x128xi32, #tpu.memory_space<vmem>>
            %dma_start3A_337 = tpu.memref_squeeze %dma_start3A_336 : memref<1x32x128xi32, #tpu.memory_space<vmem>> -> memref<32x128xi32, #tpu.memory_space<vmem>>
            %dma_start3A_338 = arith.constant 0 : i32
            %dma_start3A_339 = tpu.memref_slice %arg3[%arg0, %arg1, %mul3A_298, %dma_start3A_338] : memref<2x16x160x128xi32, #tpu.memory_space<hbm>> -> memref<1x1x32x128xi32, #tpu.memory_space<hbm>>
            %dma_start3A_340 = tpu.memref_squeeze %dma_start3A_339 : memref<1x1x32x128xi32, #tpu.memory_space<hbm>> -> memref<32x128xi32, #tpu.memory_space<hbm>>
            %dma_start3A_341 = arith.constant 0 : i32
            %dma_start3A_342 = arith.constant 0 : i32
            %dma_start3A_343 = tpu.memref_slice %arg7[%select_n3A_314, %dma_start3A_341, %dma_start3A_342] : memref<2x32x128xi32, #tpu.memory_space<vmem>> -> memref<1x32x128xi32, #tpu.memory_space<vmem>>
            %dma_start3A_344 = tpu.memref_squeeze %dma_start3A_343 : memref<1x32x128xi32, #tpu.memory_space<vmem>> -> memref<32x128xi32, #tpu.memory_space<vmem>>
            %dma_start3A_345 = arith.constant 0 : i32
            %dma_start3A_346 = tpu.memref_slice %arg3[%arg0, %arg1, %mul3A_298, %dma_start3A_345] : memref<2x16x160x128xi32, #tpu.memory_space<hbm>> -> memref<1x1x32x128xi32, #tpu.memory_space<hbm>>
            %dma_start3A_347 = tpu.memref_squeeze %dma_start3A_346 : memref<1x1x32x128xi32, #tpu.memory_space<hbm>> -> memref<32x128xi32, #tpu.memory_space<hbm>>
            tpu.enqueue_dma source(%dma_start3A_347 : memref<32x128xi32, #tpu.memory_space<hbm>>) target(%dma_start3A_344 : memref<32x128xi32, #tpu.memory_space<vmem>>) target_semaphore(%run_scoped3A_333 : memref<!tpu.dma_semaphore, #tpu.memory_space<semaphore_mem>>)
            %dma_wait3A_348 = arith.constant 0 : i32
            %dma_wait3A_349 = arith.constant 0 : i32
            %dma_wait3A_350 = tpu.memref_slice %arg7[%select_n3A_314, %dma_wait3A_348, %dma_wait3A_349] : memref<2x32x128xi32, #tpu.memory_space<vmem>> -> memref<1x32x128xi32, #tpu.memory_space<vmem>>
            %dma_wait3A_351 = tpu.memref_squeeze %dma_wait3A_350 : memref<1x32x128xi32, #tpu.memory_space<vmem>> -> memref<32x128xi32, #tpu.memory_space<vmem>>
            %dma_wait3A_352 = arith.constant 0 : i32
            %dma_wait3A_353 = tpu.memref_slice %arg3[%arg0, %arg1, %mul3A_298, %dma_wait3A_352] : memref<2x16x160x128xi32, #tpu.memory_space<hbm>> -> memref<1x1x32x128xi32, #tpu.memory_space<hbm>>
            %dma_wait3A_354 = tpu.memref_squeeze %dma_wait3A_353 : memref<1x1x32x128xi32, #tpu.memory_space<hbm>> -> memref<32x128xi32, #tpu.memory_space<hbm>>
            %dma_wait3A_355 = arith.constant 0 : i32
            %dma_wait3A_356 = arith.constant 0 : i32
            %dma_wait3A_357 = tpu.memref_slice %arg7[%select_n3A_314, %dma_wait3A_355, %dma_wait3A_356] : memref<2x32x128xi32, #tpu.memory_space<vmem>> -> memref<1x32x128xi32, #tpu.memory_space<vmem>>
            %dma_wait3A_358 = tpu.memref_squeeze %dma_wait3A_357 : memref<1x32x128xi32, #tpu.memory_space<vmem>> -> memref<32x128xi32, #tpu.memory_space<vmem>>
            %dma_wait3A_359 = arith.constant 0 : i32
            %dma_wait3A_360 = tpu.memref_slice %arg3[%arg0, %arg1, %mul3A_298, %dma_wait3A_359] : memref<2x16x160x128xi32, #tpu.memory_space<hbm>> -> memref<1x1x32x128xi32, #tpu.memory_space<hbm>>
            %dma_wait3A_361 = tpu.memref_squeeze %dma_wait3A_360 : memref<1x1x32x128xi32, #tpu.memory_space<hbm>> -> memref<32x128xi32, #tpu.memory_space<hbm>>
            tpu.wait_dma2 semaphore(%run_scoped3A_333 : memref<!tpu.dma_semaphore, #tpu.memory_space<semaphore_mem>>) src(%dma_wait3A_361 : memref<32x128xi32, #tpu.memory_space<hbm>>) dst(%dma_wait3A_358 : memref<32x128xi32, #tpu.memory_space<vmem>>)
            tpu.yield
          }) : () -> ()
          %mul3A_315 = arith.constant 32 : i32
          %mul3A_316 = arith.muli %select_n3A_296, %mul3A_315 : i32
          %jit3A_317 = arith.constant 2 : i32
          %eq3A_318 = arith.constant 0 : i32
          %eq3A_319 = arith.cmpi eq, %jit3A_317, %eq3A_318 : i32
          %jit3A_320 = arith.constant 1 : i32
          %select_n3A_321 = arith.select %eq3A_319, %jit3A_320, %jit3A_317 : i32
          %rem3A_322 = arith.remsi %select_n3A_296, %select_n3A_321 : i32
          %ne3A_323 = arith.constant 0 : i32
          %ne3A_324 = arith.cmpi ne, %rem3A_322, %ne3A_323 : i32
          %lt3A_325 = arith.constant 0 : i32
          %lt3A_326 = arith.cmpi slt, %rem3A_322, %lt3A_325 : i32
          %lt3A_327 = arith.constant 0 : i32
          %lt3A_328 = arith.cmpi slt, %select_n3A_321, %lt3A_327 : i32
          %ne3A_329 = arith.xori %lt3A_326, %lt3A_328 : i1
          %and3A_330 = arith.andi %ne3A_329, %ne3A_324 : i1
          %add3A_331 = arith.addi %rem3A_322, %select_n3A_321 : i32
          %select_n3A_332 = arith.select %and3A_330, %add3A_331, %rem3A_322 : i32
          "tpu.region"() ({
            %run_scoped3A_333 = tpu.sem_alloc : memref<!tpu.dma_semaphore, #tpu.memory_space<semaphore_mem>>
            %dma_start3A_334 = arith.constant 0 : i32
            %dma_start3A_335 = arith.constant 0 : i32
            %dma_start3A_336 = tpu.memref_slice %arg8[%select_n3A_332, %dma_start3A_334, %dma_start3A_335] : memref<2x32x128xi32, #tpu.memory_space<vmem>> -> memref<1x32x128xi32, #tpu.memory_space<vmem>>
            %dma_start3A_337 = tpu.memref_squeeze %dma_start3A_336 : memref<1x32x128xi32, #tpu.memory_space<vmem>> -> memref<32x128xi32, #tpu.memory_space<vmem>>
            %dma_start3A_338 = arith.constant 0 : i32
            %dma_start3A_339 = tpu.memref_slice %arg4[%arg1, %mul3A_316, %dma_start3A_338] : memref<16x160x128xi32, #tpu.memory_space<hbm>> -> memref<1x32x128xi32, #tpu.memory_space<hbm>>
            %dma_start3A_340 = tpu.memref_squeeze %dma_start3A_339 : memref<1x32x128xi32, #tpu.memory_space<hbm>> -> memref<32x128xi32, #tpu.memory_space<hbm>>
            %dma_start3A_341 = arith.constant 0 : i32
            %dma_start3A_342 = arith.constant 0 : i32
            %dma_start3A_343 = tpu.memref_slice %arg8[%select_n3A_332, %dma_start3A_341, %dma_start3A_342] : memref<2x32x128xi32, #tpu.memory_space<vmem>> -> memref<1x32x128xi32, #tpu.memory_space<vmem>>
            %dma_start3A_344 = tpu.memref_squeeze %dma_start3A_343 : memref<1x32x128xi32, #tpu.memory_space<vmem>> -> memref<32x128xi32, #tpu.memory_space<vmem>>
            %dma_start3A_345 = arith.constant 0 : i32
            %dma_start3A_346 = tpu.memref_slice %arg4[%arg1, %mul3A_316, %dma_start3A_345] : memref<16x160x128xi32, #tpu.memory_space<hbm>> -> memref<1x32x128xi32, #tpu.memory_space<hbm>>
            %dma_start3A_347 = tpu.memref_squeeze %dma_start3A_346 : memref<1x32x128xi32, #tpu.memory_space<hbm>> -> memref<32x128xi32, #tpu.memory_space<hbm>>
            tpu.enqueue_dma source(%dma_start3A_347 : memref<32x128xi32, #tpu.memory_space<hbm>>) target(%dma_start3A_344 : memref<32x128xi32, #tpu.memory_space<vmem>>) target_semaphore(%run_scoped3A_333 : memref<!tpu.dma_semaphore, #tpu.memory_space<semaphore_mem>>)
            %dma_wait3A_348 = arith.constant 0 : i32
            %dma_wait3A_349 = arith.constant 0 : i32
            %dma_wait3A_350 = tpu.memref_slice %arg8[%select_n3A_332, %dma_wait3A_348, %dma_wait3A_349] : memref<2x32x128xi32, #tpu.memory_space<vmem>> -> memref<1x32x128xi32, #tpu.memory_space<vmem>>
            %dma_wait3A_351 = tpu.memref_squeeze %dma_wait3A_350 : memref<1x32x128xi32, #tpu.memory_space<vmem>> -> memref<32x128xi32, #tpu.memory_space<vmem>>
            %dma_wait3A_352 = arith.constant 0 : i32
            %dma_wait3A_353 = tpu.memref_slice %arg4[%arg1, %mul3A_316, %dma_wait3A_352] : memref<16x160x128xi32, #tpu.memory_space<hbm>> -> memref<1x32x128xi32, #tpu.memory_space<hbm>>
            %dma_wait3A_354 = tpu.memref_squeeze %dma_wait3A_353 : memref<1x32x128xi32, #tpu.memory_space<hbm>> -> memref<32x128xi32, #tpu.memory_space<hbm>>
            %dma_wait3A_355 = arith.constant 0 : i32
            %dma_wait3A_356 = arith.constant 0 : i32
            %dma_wait3A_357 = tpu.memref_slice %arg8[%select_n3A_332, %dma_wait3A_355, %dma_wait3A_356] : memref<2x32x128xi32, #tpu.memory_space<vmem>> -> memref<1x32x128xi32, #tpu.memory_space<vmem>>
            %dma_wait3A_358 = tpu.memref_squeeze %dma_wait3A_357 : memref<1x32x128xi32, #tpu.memory_space<vmem>> -> memref<32x128xi32, #tpu.memory_space<vmem>>
            %dma_wait3A_359 = arith.constant 0 : i32
            %dma_wait3A_360 = tpu.memref_slice %arg4[%arg1, %mul3A_316, %dma_wait3A_359] : memref<16x160x128xi32, #tpu.memory_space<hbm>> -> memref<1x32x128xi32, #tpu.memory_space<hbm>>
            %dma_wait3A_361 = tpu.memref_squeeze %dma_wait3A_360 : memref<1x32x128xi32, #tpu.memory_space<hbm>> -> memref<32x128xi32, #tpu.memory_space<hbm>>
            tpu.wait_dma2 semaphore(%run_scoped3A_333 : memref<!tpu.dma_semaphore, #tpu.memory_space<semaphore_mem>>) src(%dma_wait3A_361 : memref<32x128xi32, #tpu.memory_space<hbm>>) dst(%dma_wait3A_358 : memref<32x128xi32, #tpu.memory_space<vmem>>)
            tpu.yield
          }) : () -> ()
        } else {
        }
        %jit3A_211 = arith.constant 32 : i32
        %div3A_212 = arith.divsi %add3A_97, %jit3A_211 : i32
        %sign3A_213 = arith.constant 0 : i32
        %sign3A_214 = arith.cmpi sgt, %add3A_97, %sign3A_213 : i32
        %sign3A_215 = arith.extui %sign3A_214 : i1 to i32
        %sign3A_216 = arith.constant 0 : i32
        %sign3A_217 = arith.cmpi slt, %add3A_97, %sign3A_216 : i32
        %sign3A_218 = arith.extui %sign3A_217 : i1 to i32
        %sign3A_219 = arith.subi %sign3A_215, %sign3A_218 : i32
        %sign3A_220 = arith.constant 0 : i32
        %sign3A_221 = arith.cmpi sgt, %jit3A_211, %sign3A_220 : i32
        %sign3A_222 = arith.extui %sign3A_221 : i1 to i32
        %sign3A_223 = arith.constant 0 : i32
        %sign3A_224 = arith.cmpi slt, %jit3A_211, %sign3A_223 : i32
        %sign3A_225 = arith.extui %sign3A_224 : i1 to i32
        %sign3A_226 = arith.subi %sign3A_222, %sign3A_225 : i32
        %ne3A_227 = arith.cmpi ne, %sign3A_219, %sign3A_226 : i32
        %rem3A_228 = arith.remsi %add3A_97, %jit3A_211 : i32
        %ne3A_229 = arith.constant 0 : i32
        %ne3A_230 = arith.cmpi ne, %rem3A_228, %ne3A_229 : i32
        %and3A_231 = arith.andi %ne3A_227, %ne3A_230 : i1
        %sub3A_232 = arith.constant 1 : i32
        %sub3A_233 = arith.subi %div3A_212, %sub3A_232 : i32
        %select_n3A_234 = arith.select %and3A_231, %sub3A_233, %div3A_212 : i32
        %jit3A_235 = arith.constant 2 : i32
        %eq3A_236 = arith.constant 0 : i32
        %eq3A_237 = arith.cmpi eq, %jit3A_235, %eq3A_236 : i32
        %jit3A_238 = arith.constant 1 : i32
        %select_n3A_239 = arith.select %eq3A_237, %jit3A_238, %jit3A_235 : i32
        %rem3A_240 = arith.remsi %select_n3A_234, %select_n3A_239 : i32
        %ne3A_241 = arith.constant 0 : i32
        %ne3A_242 = arith.cmpi ne, %rem3A_240, %ne3A_241 : i32
        %lt3A_243 = arith.constant 0 : i32
        %lt3A_244 = arith.cmpi slt, %rem3A_240, %lt3A_243 : i32
        %lt3A_245 = arith.constant 0 : i32
        %lt3A_246 = arith.cmpi slt, %select_n3A_239, %lt3A_245 : i32
        %ne3A_247 = arith.xori %lt3A_244, %lt3A_246 : i1
        %and3A_248 = arith.andi %ne3A_247, %ne3A_242 : i1
        %add3A_249 = arith.addi %rem3A_240, %select_n3A_239 : i32
        %select_n3A_250 = arith.select %and3A_248, %add3A_249, %rem3A_240 : i32
        %jit3A_251 = arith.constant 32 : i32
        %eq3A_252 = arith.constant 0 : i32
        %eq3A_253 = arith.cmpi eq, %jit3A_251, %eq3A_252 : i32
        %jit3A_254 = arith.constant 1 : i32
        %select_n3A_255 = arith.select %eq3A_253, %jit3A_254, %jit3A_251 : i32
        %rem3A_256 = arith.remsi %add3A_97, %select_n3A_255 : i32
        %ne3A_257 = arith.constant 0 : i32
        %ne3A_258 = arith.cmpi ne, %rem3A_256, %ne3A_257 : i32
        %lt3A_259 = arith.constant 0 : i32
        %lt3A_260 = arith.cmpi slt, %rem3A_256, %lt3A_259 : i32
        %lt3A_261 = arith.constant 0 : i32
        %lt3A_262 = arith.cmpi slt, %select_n3A_255, %lt3A_261 : i32
        %ne3A_263 = arith.xori %lt3A_260, %lt3A_262 : i1
        %and3A_264 = arith.andi %ne3A_263, %ne3A_258 : i1
        %add3A_265 = arith.addi %rem3A_256, %select_n3A_255 : i32
        %select_n3A_266 = arith.select %and3A_264, %add3A_265, %rem3A_256 : i32
        %dma_start3A_267 = arith.constant 0 : i32
        %dma_start3A_268 = tpu.memref_slice %arg7[%select_n3A_250, %select_n3A_266, %dma_start3A_267] : memref<2x32x128xi32, #tpu.memory_space<vmem>> -> memref<1x1x128xi32, #tpu.memory_space<vmem>>
        %dma_start3A_269 = tpu.memref_squeeze %dma_start3A_268 : memref<1x1x128xi32, #tpu.memory_space<vmem>> -> memref<128xi32, #tpu.memory_space<vmem>>
        %dma_start3A_270 = arith.constant 0 : i32
        %dma_start3A_271 = arith.constant 0 : i32
        %dma_start3A_272 = tpu.memref_slice %arg2[%dma_start3A_270, %dma_start3A_271] : memref<20000x128xf32, #tpu.memory_space<hbm>> -> memref<20000x128xf32, #tpu.memory_space<hbm>>
        tpu.enqueue_indirect_dma source(%dma_start3A_272 : memref<20000x128xf32, #tpu.memory_space<hbm>>) target(%arg10 : memref<128x128xf32, #tpu.memory_space<vmem>>) offsets(%dma_start3A_269 : memref<128xi32, #tpu.memory_space<vmem>>) semaphore(%arg13 : memref<!tpu.dma_semaphore, #tpu.memory_space<semaphore_mem>>)
      } else {
      }
      %mul3A_105 = arith.constant 2 : i32
      %mul3A_106 = arith.muli %mul3A_105, %scan3A_32 : i32
      %add3A_107 = arith.constant 1 : i32
      %add3A_108 = arith.addi %mul3A_106, %add3A_107 : i32
      %dma_wait3A_109 = arith.constant 0 : i32
      %dma_wait3A_110 = arith.constant 0 : i32
      %dma_wait3A_111 = tpu.memref_slice %arg2[%dma_wait3A_109, %dma_wait3A_110] : memref<20000x128xf32, #tpu.memory_space<hbm>> -> memref<128x128xf32, #tpu.memory_space<hbm>>
      %dma_wait3A_112 = arith.constant 0 : i32
      %dma_wait3A_113 = arith.constant 0 : i32
      %dma_wait3A_114 = tpu.memref_slice %arg2[%dma_wait3A_112, %dma_wait3A_113] : memref<20000x128xf32, #tpu.memory_space<hbm>> -> memref<128x128xf32, #tpu.memory_space<hbm>>
      tpu.wait_dma2 semaphore(%arg13 : memref<!tpu.dma_semaphore, #tpu.memory_space<semaphore_mem>>) src(%dma_wait3A_114 : memref<128x128xf32, #tpu.memory_space<hbm>>) dst(%arg10 : memref<128x128xf32, #tpu.memory_space<vmem>>)
      %jit3A_115 = arith.constant 32 : i32
      %div3A_116 = arith.divsi %add3A_108, %jit3A_115 : i32
      %sign3A_117 = arith.constant 0 : i32
      %sign3A_118 = arith.cmpi sgt, %add3A_108, %sign3A_117 : i32
      %sign3A_119 = arith.extui %sign3A_118 : i1 to i32
      %sign3A_120 = arith.constant 0 : i32
      %sign3A_121 = arith.cmpi slt, %add3A_108, %sign3A_120 : i32
      %sign3A_122 = arith.extui %sign3A_121 : i1 to i32
      %sign3A_123 = arith.subi %sign3A_119, %sign3A_122 : i32
      %sign3A_124 = arith.constant 0 : i32
      %sign3A_125 = arith.cmpi sgt, %jit3A_115, %sign3A_124 : i32
      %sign3A_126 = arith.extui %sign3A_125 : i1 to i32
      %sign3A_127 = arith.constant 0 : i32
      %sign3A_128 = arith.cmpi slt, %jit3A_115, %sign3A_127 : i32
      %sign3A_129 = arith.extui %sign3A_128 : i1 to i32
      %sign3A_130 = arith.subi %sign3A_126, %sign3A_129 : i32
      %ne3A_131 = arith.cmpi ne, %sign3A_123, %sign3A_130 : i32
      %rem3A_132 = arith.remsi %add3A_108, %jit3A_115 : i32
      %ne3A_133 = arith.constant 0 : i32
      %ne3A_134 = arith.cmpi ne, %rem3A_132, %ne3A_133 : i32
      %and3A_135 = arith.andi %ne3A_131, %ne3A_134 : i1
      %sub3A_136 = arith.constant 1 : i32
      %sub3A_137 = arith.subi %div3A_116, %sub3A_136 : i32
      %select_n3A_138 = arith.select %and3A_135, %sub3A_137, %div3A_116 : i32
      %jit3A_139 = arith.constant 2 : i32
      %eq3A_140 = arith.constant 0 : i32
      %eq3A_141 = arith.cmpi eq, %jit3A_139, %eq3A_140 : i32
      %jit3A_142 = arith.constant 1 : i32
      %select_n3A_143 = arith.select %eq3A_141, %jit3A_142, %jit3A_139 : i32
      %rem3A_144 = arith.remsi %select_n3A_138, %select_n3A_143 : i32
      %ne3A_145 = arith.constant 0 : i32
      %ne3A_146 = arith.cmpi ne, %rem3A_144, %ne3A_145 : i32
      %lt3A_147 = arith.constant 0 : i32
      %lt3A_148 = arith.cmpi slt, %rem3A_144, %lt3A_147 : i32
      %lt3A_149 = arith.constant 0 : i32
      %lt3A_150 = arith.cmpi slt, %select_n3A_143, %lt3A_149 : i32
      %ne3A_151 = arith.xori %lt3A_148, %lt3A_150 : i1
      %and3A_152 = arith.andi %ne3A_151, %ne3A_146 : i1
      %add3A_153 = arith.addi %rem3A_144, %select_n3A_143 : i32
      %select_n3A_154 = arith.select %and3A_152, %add3A_153, %rem3A_144 : i32
      %jit3A_155 = arith.constant 32 : i32
      %eq3A_156 = arith.constant 0 : i32
      %eq3A_157 = arith.cmpi eq, %jit3A_155, %eq3A_156 : i32
      %jit3A_158 = arith.constant 1 : i32
      %select_n3A_159 = arith.select %eq3A_157, %jit3A_158, %jit3A_155 : i32
      %rem3A_160 = arith.remsi %add3A_108, %select_n3A_159 : i32
      %ne3A_161 = arith.constant 0 : i32
      %ne3A_162 = arith.cmpi ne, %rem3A_160, %ne3A_161 : i32
      %lt3A_163 = arith.constant 0 : i32
      %lt3A_164 = arith.cmpi slt, %rem3A_160, %lt3A_163 : i32
      %lt3A_165 = arith.constant 0 : i32
      %lt3A_166 = arith.cmpi slt, %select_n3A_159, %lt3A_165 : i32
      %ne3A_167 = arith.xori %lt3A_164, %lt3A_166 : i1
      %and3A_168 = arith.andi %ne3A_167, %ne3A_162 : i1
      %add3A_169 = arith.addi %rem3A_160, %select_n3A_159 : i32
      %select_n3A_170 = arith.select %and3A_168, %add3A_169, %rem3A_160 : i32
      %dma_start3A_171 = arith.constant 0 : i32
      %dma_start3A_172 = tpu.memref_slice %arg8[%select_n3A_154, %select_n3A_170, %dma_start3A_171] : memref<2x32x128xi32, #tpu.memory_space<vmem>> -> memref<1x1x128xi32, #tpu.memory_space<vmem>>
      %dma_start3A_173 = tpu.memref_squeeze %dma_start3A_172 : memref<1x1x128xi32, #tpu.memory_space<vmem>> -> memref<128xi32, #tpu.memory_space<vmem>>
      %dma_start3A_174 = arith.constant 0 : i32
      %dma_start3A_175 = arith.constant 0 : i32
      %dma_start3A_176 = tpu.memref_slice %arg11[%dma_start3A_174, %dma_start3A_175] : memref<10112x128xf32, #tpu.memory_space<vmem_shared>> -> memref<10112x128xf32, #tpu.memory_space<vmem_shared>>
      tpu.enqueue_indirect_dma source(%arg10 : memref<128x128xf32, #tpu.memory_space<vmem>>) target(%dma_start3A_176 : memref<10112x128xf32, #tpu.memory_space<vmem_shared>>) offsets(%dma_start3A_173 : memref<128xi32, #tpu.memory_space<vmem>>) semaphore(%arg15 : memref<!tpu.dma_semaphore, #tpu.memory_space<semaphore_mem>>) {add = true}
      %add3A_177 = arith.constant 1 : i32
      %add3A_178 = arith.addi %add3A_108, %add3A_177 : i32
      %sub3A_179 = arith.constant 2 : i32
      %sub3A_180 = arith.subi %add3A_178, %sub3A_179 : i32
      %lt3A_181 = arith.constant 160 : i32
      %lt3A_182 = arith.cmpi slt, %add3A_178, %lt3A_181 : i32
      %convert_element_type3A_183 = arith.extui %lt3A_182 : i1 to i32
      %cond3A_184 = arith.constant 0 : i32
      %cond3A_185 = arith.cmpi ne, %convert_element_type3A_183, %cond3A_184 : i32
      scf.if %cond3A_185 {
        %ge3A = arith.constant 0 : i32
        %ge3A_186 = arith.cmpi sge, %sub3A_180, %ge3A : i32
        %convert_element_type3A_187 = arith.extui %ge3A_186 : i1 to i32
        %cond3A_188 = arith.constant 0 : i32
        %cond3A_189 = arith.cmpi ne, %convert_element_type3A_187, %cond3A_188 : i32
        scf.if %cond3A_189 {
          %dma_wait3A_273 = arith.constant 0 : i32
          %dma_wait3A_274 = arith.constant 0 : i32
          %dma_wait3A_275 = tpu.memref_slice %arg11[%dma_wait3A_273, %dma_wait3A_274] : memref<10112x128xf32, #tpu.memory_space<vmem_shared>> -> memref<128x128xf32, #tpu.memory_space<vmem_shared>>
          %dma_wait3A_276 = arith.constant 0 : i32
          %dma_wait3A_277 = arith.constant 0 : i32
          %dma_wait3A_278 = tpu.memref_slice %arg11[%dma_wait3A_276, %dma_wait3A_277] : memref<10112x128xf32, #tpu.memory_space<vmem_shared>> -> memref<128x128xf32, #tpu.memory_space<vmem_shared>>
          tpu.wait_dma2 semaphore(%arg14 : memref<!tpu.dma_semaphore, #tpu.memory_space<semaphore_mem>>) src(%arg9 : memref<128x128xf32, #tpu.memory_space<vmem>>) dst(%dma_wait3A_278 : memref<128x128xf32, #tpu.memory_space<vmem_shared>>)
        } else {
        }
        %jit3A_190 = arith.constant 32 : i32
        %eq3A_191 = arith.constant 0 : i32
        %eq3A_192 = arith.cmpi eq, %jit3A_190, %eq3A_191 : i32
        %jit3A_193 = arith.constant 1 : i32
        %select_n3A_194 = arith.select %eq3A_192, %jit3A_193, %jit3A_190 : i32
        %rem3A_195 = arith.remsi %add3A_178, %select_n3A_194 : i32
        %ne3A_196 = arith.constant 0 : i32
        %ne3A_197 = arith.cmpi ne, %rem3A_195, %ne3A_196 : i32
        %lt3A_198 = arith.constant 0 : i32
        %lt3A_199 = arith.cmpi slt, %rem3A_195, %lt3A_198 : i32
        %lt3A_200 = arith.constant 0 : i32
        %lt3A_201 = arith.cmpi slt, %select_n3A_194, %lt3A_200 : i32
        %ne3A_202 = arith.xori %lt3A_199, %lt3A_201 : i1
        %and3A_203 = arith.andi %ne3A_202, %ne3A_197 : i1
        %add3A_204 = arith.addi %rem3A_195, %select_n3A_194 : i32
        %select_n3A_205 = arith.select %and3A_203, %add3A_204, %rem3A_195 : i32
        %eq3A_206 = arith.constant 0 : i32
        %eq3A_207 = arith.cmpi eq, %select_n3A_205, %eq3A_206 : i32
        %convert_element_type3A_208 = arith.extui %eq3A_207 : i1 to i32
        %cond3A_209 = arith.constant 0 : i32
        %cond3A_210 = arith.cmpi ne, %convert_element_type3A_208, %cond3A_209 : i32
        scf.if %cond3A_210 {
          %jit3A_273 = arith.constant 32 : i32
          %div3A_274 = arith.divsi %add3A_178, %jit3A_273 : i32
          %sign3A_275 = arith.constant 0 : i32
          %sign3A_276 = arith.cmpi sgt, %add3A_178, %sign3A_275 : i32
          %sign3A_277 = arith.extui %sign3A_276 : i1 to i32
          %sign3A_278 = arith.constant 0 : i32
          %sign3A_279 = arith.cmpi slt, %add3A_178, %sign3A_278 : i32
          %sign3A_280 = arith.extui %sign3A_279 : i1 to i32
          %sign3A_281 = arith.subi %sign3A_277, %sign3A_280 : i32
          %sign3A_282 = arith.constant 0 : i32
          %sign3A_283 = arith.cmpi sgt, %jit3A_273, %sign3A_282 : i32
          %sign3A_284 = arith.extui %sign3A_283 : i1 to i32
          %sign3A_285 = arith.constant 0 : i32
          %sign3A_286 = arith.cmpi slt, %jit3A_273, %sign3A_285 : i32
          %sign3A_287 = arith.extui %sign3A_286 : i1 to i32
          %sign3A_288 = arith.subi %sign3A_284, %sign3A_287 : i32
          %ne3A_289 = arith.cmpi ne, %sign3A_281, %sign3A_288 : i32
          %rem3A_290 = arith.remsi %add3A_178, %jit3A_273 : i32
          %ne3A_291 = arith.constant 0 : i32
          %ne3A_292 = arith.cmpi ne, %rem3A_290, %ne3A_291 : i32
          %and3A_293 = arith.andi %ne3A_289, %ne3A_292 : i1
          %sub3A_294 = arith.constant 1 : i32
          %sub3A_295 = arith.subi %div3A_274, %sub3A_294 : i32
          %select_n3A_296 = arith.select %and3A_293, %sub3A_295, %div3A_274 : i32
          %mul3A_297 = arith.constant 32 : i32
          %mul3A_298 = arith.muli %select_n3A_296, %mul3A_297 : i32
          %jit3A_299 = arith.constant 2 : i32
          %eq3A_300 = arith.constant 0 : i32
          %eq3A_301 = arith.cmpi eq, %jit3A_299, %eq3A_300 : i32
          %jit3A_302 = arith.constant 1 : i32
          %select_n3A_303 = arith.select %eq3A_301, %jit3A_302, %jit3A_299 : i32
          %rem3A_304 = arith.remsi %select_n3A_296, %select_n3A_303 : i32
          %ne3A_305 = arith.constant 0 : i32
          %ne3A_306 = arith.cmpi ne, %rem3A_304, %ne3A_305 : i32
          %lt3A_307 = arith.constant 0 : i32
          %lt3A_308 = arith.cmpi slt, %rem3A_304, %lt3A_307 : i32
          %lt3A_309 = arith.constant 0 : i32
          %lt3A_310 = arith.cmpi slt, %select_n3A_303, %lt3A_309 : i32
          %ne3A_311 = arith.xori %lt3A_308, %lt3A_310 : i1
          %and3A_312 = arith.andi %ne3A_311, %ne3A_306 : i1
          %add3A_313 = arith.addi %rem3A_304, %select_n3A_303 : i32
          %select_n3A_314 = arith.select %and3A_312, %add3A_313, %rem3A_304 : i32
          "tpu.region"() ({
            %run_scoped3A_333 = tpu.sem_alloc : memref<!tpu.dma_semaphore, #tpu.memory_space<semaphore_mem>>
            %dma_start3A_334 = arith.constant 0 : i32
            %dma_start3A_335 = arith.constant 0 : i32
            %dma_start3A_336 = tpu.memref_slice %arg7[%select_n3A_314, %dma_start3A_334, %dma_start3A_335] : memref<2x32x128xi32, #tpu.memory_space<vmem>> -> memref<1x32x128xi32, #tpu.memory_space<vmem>>
            %dma_start3A_337 = tpu.memref_squeeze %dma_start3A_336 : memref<1x32x128xi32, #tpu.memory_space<vmem>> -> memref<32x128xi32, #tpu.memory_space<vmem>>
            %dma_start3A_338 = arith.constant 0 : i32
            %dma_start3A_339 = tpu.memref_slice %arg3[%arg0, %arg1, %mul3A_298, %dma_start3A_338] : memref<2x16x160x128xi32, #tpu.memory_space<hbm>> -> memref<1x1x32x128xi32, #tpu.memory_space<hbm>>
            %dma_start3A_340 = tpu.memref_squeeze %dma_start3A_339 : memref<1x1x32x128xi32, #tpu.memory_space<hbm>> -> memref<32x128xi32, #tpu.memory_space<hbm>>
            %dma_start3A_341 = arith.constant 0 : i32
            %dma_start3A_342 = arith.constant 0 : i32
            %dma_start3A_343 = tpu.memref_slice %arg7[%select_n3A_314, %dma_start3A_341, %dma_start3A_342] : memref<2x32x128xi32, #tpu.memory_space<vmem>> -> memref<1x32x128xi32, #tpu.memory_space<vmem>>
            %dma_start3A_344 = tpu.memref_squeeze %dma_start3A_343 : memref<1x32x128xi32, #tpu.memory_space<vmem>> -> memref<32x128xi32, #tpu.memory_space<vmem>>
            %dma_start3A_345 = arith.constant 0 : i32
            %dma_start3A_346 = tpu.memref_slice %arg3[%arg0, %arg1, %mul3A_298, %dma_start3A_345] : memref<2x16x160x128xi32, #tpu.memory_space<hbm>> -> memref<1x1x32x128xi32, #tpu.memory_space<hbm>>
            %dma_start3A_347 = tpu.memref_squeeze %dma_start3A_346 : memref<1x1x32x128xi32, #tpu.memory_space<hbm>> -> memref<32x128xi32, #tpu.memory_space<hbm>>
            tpu.enqueue_dma source(%dma_start3A_347 : memref<32x128xi32, #tpu.memory_space<hbm>>) target(%dma_start3A_344 : memref<32x128xi32, #tpu.memory_space<vmem>>) target_semaphore(%run_scoped3A_333 : memref<!tpu.dma_semaphore, #tpu.memory_space<semaphore_mem>>)
            %dma_wait3A_348 = arith.constant 0 : i32
            %dma_wait3A_349 = arith.constant 0 : i32
            %dma_wait3A_350 = tpu.memref_slice %arg7[%select_n3A_314, %dma_wait3A_348, %dma_wait3A_349] : memref<2x32x128xi32, #tpu.memory_space<vmem>> -> memref<1x32x128xi32, #tpu.memory_space<vmem>>
            %dma_wait3A_351 = tpu.memref_squeeze %dma_wait3A_350 : memref<1x32x128xi32, #tpu.memory_space<vmem>> -> memref<32x128xi32, #tpu.memory_space<vmem>>
            %dma_wait3A_352 = arith.constant 0 : i32
            %dma_wait3A_353 = tpu.memref_slice %arg3[%arg0, %arg1, %mul3A_298, %dma_wait3A_352] : memref<2x16x160x128xi32, #tpu.memory_space<hbm>> -> memref<1x1x32x128xi32, #tpu.memory_space<hbm>>
            %dma_wait3A_354 = tpu.memref_squeeze %dma_wait3A_353 : memref<1x1x32x128xi32, #tpu.memory_space<hbm>> -> memref<32x128xi32, #tpu.memory_space<hbm>>
            %dma_wait3A_355 = arith.constant 0 : i32
            %dma_wait3A_356 = arith.constant 0 : i32
            %dma_wait3A_357 = tpu.memref_slice %arg7[%select_n3A_314, %dma_wait3A_355, %dma_wait3A_356] : memref<2x32x128xi32, #tpu.memory_space<vmem>> -> memref<1x32x128xi32, #tpu.memory_space<vmem>>
            %dma_wait3A_358 = tpu.memref_squeeze %dma_wait3A_357 : memref<1x32x128xi32, #tpu.memory_space<vmem>> -> memref<32x128xi32, #tpu.memory_space<vmem>>
            %dma_wait3A_359 = arith.constant 0 : i32
            %dma_wait3A_360 = tpu.memref_slice %arg3[%arg0, %arg1, %mul3A_298, %dma_wait3A_359] : memref<2x16x160x128xi32, #tpu.memory_space<hbm>> -> memref<1x1x32x128xi32, #tpu.memory_space<hbm>>
            %dma_wait3A_361 = tpu.memref_squeeze %dma_wait3A_360 : memref<1x1x32x128xi32, #tpu.memory_space<hbm>> -> memref<32x128xi32, #tpu.memory_space<hbm>>
            tpu.wait_dma2 semaphore(%run_scoped3A_333 : memref<!tpu.dma_semaphore, #tpu.memory_space<semaphore_mem>>) src(%dma_wait3A_361 : memref<32x128xi32, #tpu.memory_space<hbm>>) dst(%dma_wait3A_358 : memref<32x128xi32, #tpu.memory_space<vmem>>)
            tpu.yield
          }) : () -> ()
          %mul3A_315 = arith.constant 32 : i32
          %mul3A_316 = arith.muli %select_n3A_296, %mul3A_315 : i32
          %jit3A_317 = arith.constant 2 : i32
          %eq3A_318 = arith.constant 0 : i32
          %eq3A_319 = arith.cmpi eq, %jit3A_317, %eq3A_318 : i32
          %jit3A_320 = arith.constant 1 : i32
          %select_n3A_321 = arith.select %eq3A_319, %jit3A_320, %jit3A_317 : i32
          %rem3A_322 = arith.remsi %select_n3A_296, %select_n3A_321 : i32
          %ne3A_323 = arith.constant 0 : i32
          %ne3A_324 = arith.cmpi ne, %rem3A_322, %ne3A_323 : i32
          %lt3A_325 = arith.constant 0 : i32
          %lt3A_326 = arith.cmpi slt, %rem3A_322, %lt3A_325 : i32
          %lt3A_327 = arith.constant 0 : i32
          %lt3A_328 = arith.cmpi slt, %select_n3A_321, %lt3A_327 : i32
          %ne3A_329 = arith.xori %lt3A_326, %lt3A_328 : i1
          %and3A_330 = arith.andi %ne3A_329, %ne3A_324 : i1
          %add3A_331 = arith.addi %rem3A_322, %select_n3A_321 : i32
          %select_n3A_332 = arith.select %and3A_330, %add3A_331, %rem3A_322 : i32
          "tpu.region"() ({
            %run_scoped3A_333 = tpu.sem_alloc : memref<!tpu.dma_semaphore, #tpu.memory_space<semaphore_mem>>
            %dma_start3A_334 = arith.constant 0 : i32
            %dma_start3A_335 = arith.constant 0 : i32
            %dma_start3A_336 = tpu.memref_slice %arg8[%select_n3A_332, %dma_start3A_334, %dma_start3A_335] : memref<2x32x128xi32, #tpu.memory_space<vmem>> -> memref<1x32x128xi32, #tpu.memory_space<vmem>>
            %dma_start3A_337 = tpu.memref_squeeze %dma_start3A_336 : memref<1x32x128xi32, #tpu.memory_space<vmem>> -> memref<32x128xi32, #tpu.memory_space<vmem>>
            %dma_start3A_338 = arith.constant 0 : i32
            %dma_start3A_339 = tpu.memref_slice %arg4[%arg1, %mul3A_316, %dma_start3A_338] : memref<16x160x128xi32, #tpu.memory_space<hbm>> -> memref<1x32x128xi32, #tpu.memory_space<hbm>>
            %dma_start3A_340 = tpu.memref_squeeze %dma_start3A_339 : memref<1x32x128xi32, #tpu.memory_space<hbm>> -> memref<32x128xi32, #tpu.memory_space<hbm>>
            %dma_start3A_341 = arith.constant 0 : i32
            %dma_start3A_342 = arith.constant 0 : i32
            %dma_start3A_343 = tpu.memref_slice %arg8[%select_n3A_332, %dma_start3A_341, %dma_start3A_342] : memref<2x32x128xi32, #tpu.memory_space<vmem>> -> memref<1x32x128xi32, #tpu.memory_space<vmem>>
            %dma_start3A_344 = tpu.memref_squeeze %dma_start3A_343 : memref<1x32x128xi32, #tpu.memory_space<vmem>> -> memref<32x128xi32, #tpu.memory_space<vmem>>
            %dma_start3A_345 = arith.constant 0 : i32
            %dma_start3A_346 = tpu.memref_slice %arg4[%arg1, %mul3A_316, %dma_start3A_345] : memref<16x160x128xi32, #tpu.memory_space<hbm>> -> memref<1x32x128xi32, #tpu.memory_space<hbm>>
            %dma_start3A_347 = tpu.memref_squeeze %dma_start3A_346 : memref<1x32x128xi32, #tpu.memory_space<hbm>> -> memref<32x128xi32, #tpu.memory_space<hbm>>
            tpu.enqueue_dma source(%dma_start3A_347 : memref<32x128xi32, #tpu.memory_space<hbm>>) target(%dma_start3A_344 : memref<32x128xi32, #tpu.memory_space<vmem>>) target_semaphore(%run_scoped3A_333 : memref<!tpu.dma_semaphore, #tpu.memory_space<semaphore_mem>>)
            %dma_wait3A_348 = arith.constant 0 : i32
            %dma_wait3A_349 = arith.constant 0 : i32
            %dma_wait3A_350 = tpu.memref_slice %arg8[%select_n3A_332, %dma_wait3A_348, %dma_wait3A_349] : memref<2x32x128xi32, #tpu.memory_space<vmem>> -> memref<1x32x128xi32, #tpu.memory_space<vmem>>
            %dma_wait3A_351 = tpu.memref_squeeze %dma_wait3A_350 : memref<1x32x128xi32, #tpu.memory_space<vmem>> -> memref<32x128xi32, #tpu.memory_space<vmem>>
            %dma_wait3A_352 = arith.constant 0 : i32
            %dma_wait3A_353 = tpu.memref_slice %arg4[%arg1, %mul3A_316, %dma_wait3A_352] : memref<16x160x128xi32, #tpu.memory_space<hbm>> -> memref<1x32x128xi32, #tpu.memory_space<hbm>>
            %dma_wait3A_354 = tpu.memref_squeeze %dma_wait3A_353 : memref<1x32x128xi32, #tpu.memory_space<hbm>> -> memref<32x128xi32, #tpu.memory_space<hbm>>
            %dma_wait3A_355 = arith.constant 0 : i32
            %dma_wait3A_356 = arith.constant 0 : i32
            %dma_wait3A_357 = tpu.memref_slice %arg8[%select_n3A_332, %dma_wait3A_355, %dma_wait3A_356] : memref<2x32x128xi32, #tpu.memory_space<vmem>> -> memref<1x32x128xi32, #tpu.memory_space<vmem>>
            %dma_wait3A_358 = tpu.memref_squeeze %dma_wait3A_357 : memref<1x32x128xi32, #tpu.memory_space<vmem>> -> memref<32x128xi32, #tpu.memory_space<vmem>>
            %dma_wait3A_359 = arith.constant 0 : i32
            %dma_wait3A_360 = tpu.memref_slice %arg4[%arg1, %mul3A_316, %dma_wait3A_359] : memref<16x160x128xi32, #tpu.memory_space<hbm>> -> memref<1x32x128xi32, #tpu.memory_space<hbm>>
            %dma_wait3A_361 = tpu.memref_squeeze %dma_wait3A_360 : memref<1x32x128xi32, #tpu.memory_space<hbm>> -> memref<32x128xi32, #tpu.memory_space<hbm>>
            tpu.wait_dma2 semaphore(%run_scoped3A_333 : memref<!tpu.dma_semaphore, #tpu.memory_space<semaphore_mem>>) src(%dma_wait3A_361 : memref<32x128xi32, #tpu.memory_space<hbm>>) dst(%dma_wait3A_358 : memref<32x128xi32, #tpu.memory_space<vmem>>)
            tpu.yield
          }) : () -> ()
        } else {
        }
        %jit3A_211 = arith.constant 32 : i32
        %div3A_212 = arith.divsi %add3A_178, %jit3A_211 : i32
        %sign3A_213 = arith.constant 0 : i32
        %sign3A_214 = arith.cmpi sgt, %add3A_178, %sign3A_213 : i32
        %sign3A_215 = arith.extui %sign3A_214 : i1 to i32
        %sign3A_216 = arith.constant 0 : i32
        %sign3A_217 = arith.cmpi slt, %add3A_178, %sign3A_216 : i32
        %sign3A_218 = arith.extui %sign3A_217 : i1 to i32
        %sign3A_219 = arith.subi %sign3A_215, %sign3A_218 : i32
        %sign3A_220 = arith.constant 0 : i32
        %sign3A_221 = arith.cmpi sgt, %jit3A_211, %sign3A_220 : i32
        %sign3A_222 = arith.extui %sign3A_221 : i1 to i32
        %sign3A_223 = arith.constant 0 : i32
        %sign3A_224 = arith.cmpi slt, %jit3A_211, %sign3A_223 : i32
        %sign3A_225 = arith.extui %sign3A_224 : i1 to i32
        %sign3A_226 = arith.subi %sign3A_222, %sign3A_225 : i32
        %ne3A_227 = arith.cmpi ne, %sign3A_219, %sign3A_226 : i32
        %rem3A_228 = arith.remsi %add3A_178, %jit3A_211 : i32
        %ne3A_229 = arith.constant 0 : i32
        %ne3A_230 = arith.cmpi ne, %rem3A_228, %ne3A_229 : i32
        %and3A_231 = arith.andi %ne3A_227, %ne3A_230 : i1
        %sub3A_232 = arith.constant 1 : i32
        %sub3A_233 = arith.subi %div3A_212, %sub3A_232 : i32
        %select_n3A_234 = arith.select %and3A_231, %sub3A_233, %div3A_212 : i32
        %jit3A_235 = arith.constant 2 : i32
        %eq3A_236 = arith.constant 0 : i32
        %eq3A_237 = arith.cmpi eq, %jit3A_235, %eq3A_236 : i32
        %jit3A_238 = arith.constant 1 : i32
        %select_n3A_239 = arith.select %eq3A_237, %jit3A_238, %jit3A_235 : i32
        %rem3A_240 = arith.remsi %select_n3A_234, %select_n3A_239 : i32
        %ne3A_241 = arith.constant 0 : i32
        %ne3A_242 = arith.cmpi ne, %rem3A_240, %ne3A_241 : i32
        %lt3A_243 = arith.constant 0 : i32
        %lt3A_244 = arith.cmpi slt, %rem3A_240, %lt3A_243 : i32
        %lt3A_245 = arith.constant 0 : i32
        %lt3A_246 = arith.cmpi slt, %select_n3A_239, %lt3A_245 : i32
        %ne3A_247 = arith.xori %lt3A_244, %lt3A_246 : i1
        %and3A_248 = arith.andi %ne3A_247, %ne3A_242 : i1
        %add3A_249 = arith.addi %rem3A_240, %select_n3A_239 : i32
        %select_n3A_250 = arith.select %and3A_248, %add3A_249, %rem3A_240 : i32
        %jit3A_251 = arith.constant 32 : i32
        %eq3A_252 = arith.constant 0 : i32
        %eq3A_253 = arith.cmpi eq, %jit3A_251, %eq3A_252 : i32
        %jit3A_254 = arith.constant 1 : i32
        %select_n3A_255 = arith.select %eq3A_253, %jit3A_254, %jit3A_251 : i32
        %rem3A_256 = arith.remsi %add3A_178, %select_n3A_255 : i32
        %ne3A_257 = arith.constant 0 : i32
        %ne3A_258 = arith.cmpi ne, %rem3A_256, %ne3A_257 : i32
        %lt3A_259 = arith.constant 0 : i32
        %lt3A_260 = arith.cmpi slt, %rem3A_256, %lt3A_259 : i32
        %lt3A_261 = arith.constant 0 : i32
        %lt3A_262 = arith.cmpi slt, %select_n3A_255, %lt3A_261 : i32
        %ne3A_263 = arith.xori %lt3A_260, %lt3A_262 : i1
        %and3A_264 = arith.andi %ne3A_263, %ne3A_258 : i1
        %add3A_265 = arith.addi %rem3A_256, %select_n3A_255 : i32
        %select_n3A_266 = arith.select %and3A_264, %add3A_265, %rem3A_256 : i32
        %dma_start3A_267 = arith.constant 0 : i32
        %dma_start3A_268 = tpu.memref_slice %arg7[%select_n3A_250, %select_n3A_266, %dma_start3A_267] : memref<2x32x128xi32, #tpu.memory_space<vmem>> -> memref<1x1x128xi32, #tpu.memory_space<vmem>>
        %dma_start3A_269 = tpu.memref_squeeze %dma_start3A_268 : memref<1x1x128xi32, #tpu.memory_space<vmem>> -> memref<128xi32, #tpu.memory_space<vmem>>
        %dma_start3A_270 = arith.constant 0 : i32
        %dma_start3A_271 = arith.constant 0 : i32
        %dma_start3A_272 = tpu.memref_slice %arg2[%dma_start3A_270, %dma_start3A_271] : memref<20000x128xf32, #tpu.memory_space<hbm>> -> memref<20000x128xf32, #tpu.memory_space<hbm>>
        tpu.enqueue_indirect_dma source(%dma_start3A_272 : memref<20000x128xf32, #tpu.memory_space<hbm>>) target(%arg9 : memref<128x128xf32, #tpu.memory_space<vmem>>) offsets(%dma_start3A_269 : memref<128xi32, #tpu.memory_space<vmem>>) semaphore(%arg12 : memref<!tpu.dma_semaphore, #tpu.memory_space<semaphore_mem>>)
      } else {
      }
    }
    %scan3A_13 = arith.constant 80 : i32
    %dma_wait3A = arith.constant 0 : i32
    %dma_wait3A_14 = arith.constant 0 : i32
    %dma_wait3A_15 = tpu.memref_slice %arg11[%dma_wait3A, %dma_wait3A_14] : memref<10112x128xf32, #tpu.memory_space<vmem_shared>> -> memref<128x128xf32, #tpu.memory_space<vmem_shared>>
    %dma_wait3A_16 = arith.constant 0 : i32
    %dma_wait3A_17 = arith.constant 0 : i32
    %dma_wait3A_18 = tpu.memref_slice %arg11[%dma_wait3A_16, %dma_wait3A_17] : memref<10112x128xf32, #tpu.memory_space<vmem_shared>> -> memref<128x128xf32, #tpu.memory_space<vmem_shared>>
    tpu.wait_dma2 semaphore(%arg14 : memref<!tpu.dma_semaphore, #tpu.memory_space<semaphore_mem>>) src(%arg9 : memref<128x128xf32, #tpu.memory_space<vmem>>) dst(%dma_wait3A_18 : memref<128x128xf32, #tpu.memory_space<vmem_shared>>)
    %dma_wait3A_19 = arith.constant 0 : i32
    %dma_wait3A_20 = arith.constant 0 : i32
    %dma_wait3A_21 = tpu.memref_slice %arg11[%dma_wait3A_19, %dma_wait3A_20] : memref<10112x128xf32, #tpu.memory_space<vmem_shared>> -> memref<128x128xf32, #tpu.memory_space<vmem_shared>>
    %dma_wait3A_22 = arith.constant 0 : i32
    %dma_wait3A_23 = arith.constant 0 : i32
    %dma_wait3A_24 = tpu.memref_slice %arg11[%dma_wait3A_22, %dma_wait3A_23] : memref<10112x128xf32, #tpu.memory_space<vmem_shared>> -> memref<128x128xf32, #tpu.memory_space<vmem_shared>>
    tpu.wait_dma2 semaphore(%arg15 : memref<!tpu.dma_semaphore, #tpu.memory_space<semaphore_mem>>) src(%arg10 : memref<128x128xf32, #tpu.memory_space<vmem>>) dst(%dma_wait3A_24 : memref<128x128xf32, #tpu.memory_space<vmem_shared>>)
    %barrier3A_25 = arith.constant 0 : index
    tpu.barrier barrier_id(%barrier3A_25)
    %lt3A = arith.constant 15 : i32
    %lt3A_26 = arith.cmpi slt, %arg1, %lt3A : i32
    %convert_element_type3A = arith.extui %lt3A_26 : i1 to i32
    %cond3A = arith.constant 0 : i32
    %cond3A_27 = arith.cmpi ne, %convert_element_type3A, %cond3A : i32
    scf.if %cond3A_27 {
      %mul3A_32 = arith.constant 640 : i32
      %mul3A_33 = arith.muli %arg1, %mul3A_32 : i32
      %mul3A_34 = arith.constant 640 : i32
      %mul3A_35 = arith.muli %arg1, %mul3A_34 : i32
      "tpu.region"() ({
        %run_scoped3A_36 = tpu.sem_alloc : memref<!tpu.dma_semaphore, #tpu.memory_space<semaphore_mem>>
        %dma_start3A_37 = arith.constant 0 : i32
        %dma_start3A_38 = tpu.memref_slice %arg6[%arg0, %mul3A_35, %dma_start3A_37] : memref<2x10000x128xf32, #tpu.memory_space<hbm>> -> memref<1x640x128xf32, #tpu.memory_space<hbm>>
        %dma_start3A_39 = tpu.memref_squeeze %dma_start3A_38 : memref<1x640x128xf32, #tpu.memory_space<hbm>> -> memref<640x128xf32, #tpu.memory_space<hbm>>
        %dma_start3A_40 = arith.constant 0 : i32
        %dma_start3A_41 = tpu.memref_slice %arg11[%mul3A_33, %dma_start3A_40] : memref<10112x128xf32, #tpu.memory_space<vmem_shared>> -> memref<640x128xf32, #tpu.memory_space<vmem_shared>>
        tpu.enqueue_dma source(%dma_start3A_41 : memref<640x128xf32, #tpu.memory_space<vmem_shared>>) target(%dma_start3A_39 : memref<640x128xf32, #tpu.memory_space<hbm>>) target_semaphore(%run_scoped3A_36 : memref<!tpu.dma_semaphore, #tpu.memory_space<semaphore_mem>>)
        %dma_wait3A_42 = arith.constant 0 : i32
        %dma_wait3A_43 = tpu.memref_slice %arg6[%arg0, %mul3A_35, %dma_wait3A_42] : memref<2x10000x128xf32, #tpu.memory_space<hbm>> -> memref<1x640x128xf32, #tpu.memory_space<hbm>>
        %dma_wait3A_44 = tpu.memref_squeeze %dma_wait3A_43 : memref<1x640x128xf32, #tpu.memory_space<hbm>> -> memref<640x128xf32, #tpu.memory_space<hbm>>
        %dma_wait3A_45 = arith.constant 0 : i32
        %dma_wait3A_46 = tpu.memref_slice %arg11[%mul3A_33, %dma_wait3A_45] : memref<10112x128xf32, #tpu.memory_space<vmem_shared>> -> memref<640x128xf32, #tpu.memory_space<vmem_shared>>
        tpu.wait_dma2 semaphore(%run_scoped3A_36 : memref<!tpu.dma_semaphore, #tpu.memory_space<semaphore_mem>>) src(%dma_wait3A_46 : memref<640x128xf32, #tpu.memory_space<vmem_shared>>) dst(%dma_wait3A_44 : memref<640x128xf32, #tpu.memory_space<hbm>>)
        tpu.yield
      }) : () -> ()
    } else {
    }
    %eq3A = arith.constant 15 : i32
    %eq3A_28 = arith.cmpi eq, %arg1, %eq3A : i32
    %convert_element_type3A_29 = arith.extui %eq3A_28 : i1 to i32
    %cond3A_30 = arith.constant 0 : i32
    %cond3A_31 = arith.cmpi ne, %convert_element_type3A_29, %cond3A_30 : i32
    scf.if %cond3A_31 {
      "tpu.region"() ({
        %run_scoped3A_32 = tpu.sem_alloc : memref<!tpu.dma_semaphore, #tpu.memory_space<semaphore_mem>>
        %dma_start3A_33 = arith.constant 9600 : i32
        %dma_start3A_34 = arith.constant 0 : i32
        %dma_start3A_35 = tpu.memref_slice %arg6[%arg0, %dma_start3A_33, %dma_start3A_34] : memref<2x10000x128xf32, #tpu.memory_space<hbm>> -> memref<1x400x128xf32, #tpu.memory_space<hbm>>
        %dma_start3A_36 = tpu.memref_squeeze %dma_start3A_35 : memref<1x400x128xf32, #tpu.memory_space<hbm>> -> memref<400x128xf32, #tpu.memory_space<hbm>>
        %dma_start3A_37 = arith.constant 9600 : i32
        %dma_start3A_38 = arith.constant 0 : i32
        %dma_start3A_39 = tpu.memref_slice %arg11[%dma_start3A_37, %dma_start3A_38] : memref<10112x128xf32, #tpu.memory_space<vmem_shared>> -> memref<400x128xf32, #tpu.memory_space<vmem_shared>>
        tpu.enqueue_dma source(%dma_start3A_39 : memref<400x128xf32, #tpu.memory_space<vmem_shared>>) target(%dma_start3A_36 : memref<400x128xf32, #tpu.memory_space<hbm>>) target_semaphore(%run_scoped3A_32 : memref<!tpu.dma_semaphore, #tpu.memory_space<semaphore_mem>>)
        %dma_wait3A_40 = arith.constant 9600 : i32
        %dma_wait3A_41 = arith.constant 0 : i32
        %dma_wait3A_42 = tpu.memref_slice %arg6[%arg0, %dma_wait3A_40, %dma_wait3A_41] : memref<2x10000x128xf32, #tpu.memory_space<hbm>> -> memref<1x400x128xf32, #tpu.memory_space<hbm>>
        %dma_wait3A_43 = tpu.memref_squeeze %dma_wait3A_42 : memref<1x400x128xf32, #tpu.memory_space<hbm>> -> memref<400x128xf32, #tpu.memory_space<hbm>>
        %dma_wait3A_44 = arith.constant 9600 : i32
        %dma_wait3A_45 = arith.constant 0 : i32
        %dma_wait3A_46 = tpu.memref_slice %arg11[%dma_wait3A_44, %dma_wait3A_45] : memref<10112x128xf32, #tpu.memory_space<vmem_shared>> -> memref<400x128xf32, #tpu.memory_space<vmem_shared>>
        tpu.wait_dma2 semaphore(%run_scoped3A_32 : memref<!tpu.dma_semaphore, #tpu.memory_space<semaphore_mem>>) src(%dma_wait3A_46 : memref<400x128xf32, #tpu.memory_space<vmem_shared>>) dst(%dma_wait3A_43 : memref<400x128xf32, #tpu.memory_space<hbm>>)
        tpu.yield
      }) : () -> ()
    } else {
    }
    return
  }
}

#map = affine_map<(d0, d1) -> (0, 0)>
#map1 = affine_map<(d0, d1) -> (0, 0, 0, 0)>
#map2 = affine_map<(d0, d1) -> (0, 0, 0)>
module attributes {stable_mosaic.version = 14 : i64} {
  func.func @k(%arg0: i32, %arg1: i32, %arg2: memref<20000x128xf32, #tpu.memory_space<hbm>>, %arg3: memref<2x16x160x128xi32, #tpu.memory_space<hbm>>, %arg4: memref<16x160x128xi32, #tpu.memory_space<hbm>>, %arg5: memref<640x128xf32, #tpu.memory_space<hbm>>, %arg6: memref<2x10000x128xf32, #tpu.memory_space<hbm>>, %arg7: memref<2x32x128xi32, #tpu.memory_space<vmem>>, %arg8: memref<2x32x128xi32, #tpu.memory_space<vmem>>, %arg9: memref<128x128xf32, #tpu.memory_space<vmem>>, %arg10: memref<128x128xf32, #tpu.memory_space<vmem>>, %arg11: memref<10112x128xf32, #tpu.memory_space<vmem_shared>>, %arg12: memref<!tpu.dma_semaphore, #tpu.memory_space<semaphore_mem>>, %arg13: memref<!tpu.dma_semaphore, #tpu.memory_space<semaphore_mem>>, %arg14: memref<!tpu.dma_semaphore, #tpu.memory_space<semaphore_mem>>, %arg15: memref<!tpu.dma_semaphore, #tpu.memory_space<semaphore_mem>>) attributes {dimension_semantics = [#tpu.dimension_semantics<core_parallel>, #tpu.dimension_semantics<subcore_parallel>], iteration_bounds = array<i64: 2, 16>, scalar_prefetch = 0 : i64, scratch_operands = 9 : i64, tpu.core_type = #tpu.core_type<sc_vector_subcore>, window_params = [{transform_indices = #map}, {transform_indices = #map1}, {transform_indices = #map2}, {transform_indices = #map}, {transform_indices = #map2}]} {
    %mul3A = arith.constant 632 : i32
    %mul3A_0 = arith.muli %arg1, %mul3A : i32
    "tpu.region"() ({
      %run_scoped3A_32 = tpu.sem_alloc : memref<!tpu.dma_semaphore, #tpu.memory_space<semaphore_mem>>
      %dma_start3A_33 = arith.constant 0 : i32
      %dma_start3A_34 = tpu.memref_slice %arg11[%mul3A_0, %dma_start3A_33] : memref<10112x128xf32, #tpu.memory_space<vmem_shared>> -> memref<632x128xf32, #tpu.memory_space<vmem_shared>>
      %dma_start3A_35 = arith.constant 0 : i32
      %dma_start3A_36 = arith.constant 0 : i32
      %dma_start3A_37 = tpu.memref_slice %arg5[%dma_start3A_35, %dma_start3A_36] : memref<640x128xf32, #tpu.memory_space<hbm>> -> memref<632x128xf32, #tpu.memory_space<hbm>>
      tpu.enqueue_dma source(%dma_start3A_37 : memref<632x128xf32, #tpu.memory_space<hbm>>) target(%dma_start3A_34 : memref<632x128xf32, #tpu.memory_space<vmem_shared>>) target_semaphore(%run_scoped3A_32 : memref<!tpu.dma_semaphore, #tpu.memory_space<semaphore_mem>>)
      %dma_wait3A_38 = arith.constant 0 : i32
      %dma_wait3A_39 = tpu.memref_slice %arg11[%mul3A_0, %dma_wait3A_38] : memref<10112x128xf32, #tpu.memory_space<vmem_shared>> -> memref<632x128xf32, #tpu.memory_space<vmem_shared>>
      %dma_wait3A_40 = arith.constant 0 : i32
      %dma_wait3A_41 = arith.constant 0 : i32
      %dma_wait3A_42 = tpu.memref_slice %arg5[%dma_wait3A_40, %dma_wait3A_41] : memref<640x128xf32, #tpu.memory_space<hbm>> -> memref<632x128xf32, #tpu.memory_space<hbm>>
      tpu.wait_dma2 semaphore(%run_scoped3A_32 : memref<!tpu.dma_semaphore, #tpu.memory_space<semaphore_mem>>) src(%dma_wait3A_42 : memref<632x128xf32, #tpu.memory_space<hbm>>) dst(%dma_wait3A_39 : memref<632x128xf32, #tpu.memory_space<vmem_shared>>)
      tpu.yield
    }) : () -> ()
    %run_scoped3A = arith.constant 0 : i32
    "tpu.region"() ({
      %run_scoped3A_32 = tpu.sem_alloc : memref<!tpu.dma_semaphore, #tpu.memory_space<semaphore_mem>>
      %dma_start3A_33 = arith.constant 0 : i32
      %dma_start3A_34 = arith.constant 0 : i32
      %dma_start3A_35 = tpu.memref_slice %arg7[%run_scoped3A, %dma_start3A_33, %dma_start3A_34] : memref<2x32x128xi32, #tpu.memory_space<vmem>> -> memref<1x32x128xi32, #tpu.memory_space<vmem>>
      %dma_start3A_36 = tpu.memref_squeeze %dma_start3A_35 : memref<1x32x128xi32, #tpu.memory_space<vmem>> -> memref<32x128xi32, #tpu.memory_space<vmem>>
      %dma_start3A_37 = arith.constant 0 : i32
      %dma_start3A_38 = arith.constant 0 : i32
      %dma_start3A_39 = tpu.memref_slice %arg3[%arg0, %arg1, %dma_start3A_37, %dma_start3A_38] : memref<2x16x160x128xi32, #tpu.memory_space<hbm>> -> memref<1x1x32x128xi32, #tpu.memory_space<hbm>>
      %dma_start3A_40 = tpu.memref_squeeze %dma_start3A_39 : memref<1x1x32x128xi32, #tpu.memory_space<hbm>> -> memref<32x128xi32, #tpu.memory_space<hbm>>
      %dma_start3A_41 = arith.constant 0 : i32
      %dma_start3A_42 = arith.constant 0 : i32
      %dma_start3A_43 = tpu.memref_slice %arg7[%run_scoped3A, %dma_start3A_41, %dma_start3A_42] : memref<2x32x128xi32, #tpu.memory_space<vmem>> -> memref<1x32x128xi32, #tpu.memory_space<vmem>>
      %dma_start3A_44 = tpu.memref_squeeze %dma_start3A_43 : memref<1x32x128xi32, #tpu.memory_space<vmem>> -> memref<32x128xi32, #tpu.memory_space<vmem>>
      %dma_start3A_45 = arith.constant 0 : i32
      %dma_start3A_46 = arith.constant 0 : i32
      %dma_start3A_47 = tpu.memref_slice %arg3[%arg0, %arg1, %dma_start3A_45, %dma_start3A_46] : memref<2x16x160x128xi32, #tpu.memory_space<hbm>> -> memref<1x1x32x128xi32, #tpu.memory_space<hbm>>
      %dma_start3A_48 = tpu.memref_squeeze %dma_start3A_47 : memref<1x1x32x128xi32, #tpu.memory_space<hbm>> -> memref<32x128xi32, #tpu.memory_space<hbm>>
      tpu.enqueue_dma source(%dma_start3A_48 : memref<32x128xi32, #tpu.memory_space<hbm>>) target(%dma_start3A_44 : memref<32x128xi32, #tpu.memory_space<vmem>>) target_semaphore(%run_scoped3A_32 : memref<!tpu.dma_semaphore, #tpu.memory_space<semaphore_mem>>)
      %dma_wait3A_49 = arith.constant 0 : i32
      %dma_wait3A_50 = arith.constant 0 : i32
      %dma_wait3A_51 = tpu.memref_slice %arg7[%run_scoped3A, %dma_wait3A_49, %dma_wait3A_50] : memref<2x32x128xi32, #tpu.memory_space<vmem>> -> memref<1x32x128xi32, #tpu.memory_space<vmem>>
      %dma_wait3A_52 = tpu.memref_squeeze %dma_wait3A_51 : memref<1x32x128xi32, #tpu.memory_space<vmem>> -> memref<32x128xi32, #tpu.memory_space<vmem>>
      %dma_wait3A_53 = arith.constant 0 : i32
      %dma_wait3A_54 = arith.constant 0 : i32
      %dma_wait3A_55 = tpu.memref_slice %arg3[%arg0, %arg1, %dma_wait3A_53, %dma_wait3A_54] : memref<2x16x160x128xi32, #tpu.memory_space<hbm>> -> memref<1x1x32x128xi32, #tpu.memory_space<hbm>>
      %dma_wait3A_56 = tpu.memref_squeeze %dma_wait3A_55 : memref<1x1x32x128xi32, #tpu.memory_space<hbm>> -> memref<32x128xi32, #tpu.memory_space<hbm>>
      %dma_wait3A_57 = arith.constant 0 : i32
      %dma_wait3A_58 = arith.constant 0 : i32
      %dma_wait3A_59 = tpu.memref_slice %arg7[%run_scoped3A, %dma_wait3A_57, %dma_wait3A_58] : memref<2x32x128xi32, #tpu.memory_space<vmem>> -> memref<1x32x128xi32, #tpu.memory_space<vmem>>
      %dma_wait3A_60 = tpu.memref_squeeze %dma_wait3A_59 : memref<1x32x128xi32, #tpu.memory_space<vmem>> -> memref<32x128xi32, #tpu.memory_space<vmem>>
      %dma_wait3A_61 = arith.constant 0 : i32
      %dma_wait3A_62 = arith.constant 0 : i32
      %dma_wait3A_63 = tpu.memref_slice %arg3[%arg0, %arg1, %dma_wait3A_61, %dma_wait3A_62] : memref<2x16x160x128xi32, #tpu.memory_space<hbm>> -> memref<1x1x32x128xi32, #tpu.memory_space<hbm>>
      %dma_wait3A_64 = tpu.memref_squeeze %dma_wait3A_63 : memref<1x1x32x128xi32, #tpu.memory_space<hbm>> -> memref<32x128xi32, #tpu.memory_space<hbm>>
      tpu.wait_dma2 semaphore(%run_scoped3A_32 : memref<!tpu.dma_semaphore, #tpu.memory_space<semaphore_mem>>) src(%dma_wait3A_64 : memref<32x128xi32, #tpu.memory_space<hbm>>) dst(%dma_wait3A_60 : memref<32x128xi32, #tpu.memory_space<vmem>>)
      tpu.yield
    }) : () -> ()
    %run_scoped3A_1 = arith.constant 0 : i32
    "tpu.region"() ({
      %run_scoped3A_32 = tpu.sem_alloc : memref<!tpu.dma_semaphore, #tpu.memory_space<semaphore_mem>>
      %dma_start3A_33 = arith.constant 0 : i32
      %dma_start3A_34 = arith.constant 0 : i32
      %dma_start3A_35 = tpu.memref_slice %arg8[%run_scoped3A_1, %dma_start3A_33, %dma_start3A_34] : memref<2x32x128xi32, #tpu.memory_space<vmem>> -> memref<1x32x128xi32, #tpu.memory_space<vmem>>
      %dma_start3A_36 = tpu.memref_squeeze %dma_start3A_35 : memref<1x32x128xi32, #tpu.memory_space<vmem>> -> memref<32x128xi32, #tpu.memory_space<vmem>>
      %dma_start3A_37 = arith.constant 0 : i32
      %dma_start3A_38 = arith.constant 0 : i32
      %dma_start3A_39 = tpu.memref_slice %arg4[%arg1, %dma_start3A_37, %dma_start3A_38] : memref<16x160x128xi32, #tpu.memory_space<hbm>> -> memref<1x32x128xi32, #tpu.memory_space<hbm>>
      %dma_start3A_40 = tpu.memref_squeeze %dma_start3A_39 : memref<1x32x128xi32, #tpu.memory_space<hbm>> -> memref<32x128xi32, #tpu.memory_space<hbm>>
      %dma_start3A_41 = arith.constant 0 : i32
      %dma_start3A_42 = arith.constant 0 : i32
      %dma_start3A_43 = tpu.memref_slice %arg8[%run_scoped3A_1, %dma_start3A_41, %dma_start3A_42] : memref<2x32x128xi32, #tpu.memory_space<vmem>> -> memref<1x32x128xi32, #tpu.memory_space<vmem>>
      %dma_start3A_44 = tpu.memref_squeeze %dma_start3A_43 : memref<1x32x128xi32, #tpu.memory_space<vmem>> -> memref<32x128xi32, #tpu.memory_space<vmem>>
      %dma_start3A_45 = arith.constant 0 : i32
      %dma_start3A_46 = arith.constant 0 : i32
      %dma_start3A_47 = tpu.memref_slice %arg4[%arg1, %dma_start3A_45, %dma_start3A_46] : memref<16x160x128xi32, #tpu.memory_space<hbm>> -> memref<1x32x128xi32, #tpu.memory_space<hbm>>
      %dma_start3A_48 = tpu.memref_squeeze %dma_start3A_47 : memref<1x32x128xi32, #tpu.memory_space<hbm>> -> memref<32x128xi32, #tpu.memory_space<hbm>>
      tpu.enqueue_dma source(%dma_start3A_48 : memref<32x128xi32, #tpu.memory_space<hbm>>) target(%dma_start3A_44 : memref<32x128xi32, #tpu.memory_space<vmem>>) target_semaphore(%run_scoped3A_32 : memref<!tpu.dma_semaphore, #tpu.memory_space<semaphore_mem>>)
      %dma_wait3A_49 = arith.constant 0 : i32
      %dma_wait3A_50 = arith.constant 0 : i32
      %dma_wait3A_51 = tpu.memref_slice %arg8[%run_scoped3A_1, %dma_wait3A_49, %dma_wait3A_50] : memref<2x32x128xi32, #tpu.memory_space<vmem>> -> memref<1x32x128xi32, #tpu.memory_space<vmem>>
      %dma_wait3A_52 = tpu.memref_squeeze %dma_wait3A_51 : memref<1x32x128xi32, #tpu.memory_space<vmem>> -> memref<32x128xi32, #tpu.memory_space<vmem>>
      %dma_wait3A_53 = arith.constant 0 : i32
      %dma_wait3A_54 = arith.constant 0 : i32
      %dma_wait3A_55 = tpu.memref_slice %arg4[%arg1, %dma_wait3A_53, %dma_wait3A_54] : memref<16x160x128xi32, #tpu.memory_space<hbm>> -> memref<1x32x128xi32, #tpu.memory_space<hbm>>
      %dma_wait3A_56 = tpu.memref_squeeze %dma_wait3A_55 : memref<1x32x128xi32, #tpu.memory_space<hbm>> -> memref<32x128xi32, #tpu.memory_space<hbm>>
      %dma_wait3A_57 = arith.constant 0 : i32
      %dma_wait3A_58 = arith.constant 0 : i32
      %dma_wait3A_59 = tpu.memref_slice %arg8[%run_scoped3A_1, %dma_wait3A_57, %dma_wait3A_58] : memref<2x32x128xi32, #tpu.memory_space<vmem>> -> memref<1x32x128xi32, #tpu.memory_space<vmem>>
      %dma_wait3A_60 = tpu.memref_squeeze %dma_wait3A_59 : memref<1x32x128xi32, #tpu.memory_space<vmem>> -> memref<32x128xi32, #tpu.memory_space<vmem>>
      %dma_wait3A_61 = arith.constant 0 : i32
      %dma_wait3A_62 = arith.constant 0 : i32
      %dma_wait3A_63 = tpu.memref_slice %arg4[%arg1, %dma_wait3A_61, %dma_wait3A_62] : memref<16x160x128xi32, #tpu.memory_space<hbm>> -> memref<1x32x128xi32, #tpu.memory_space<hbm>>
      %dma_wait3A_64 = tpu.memref_squeeze %dma_wait3A_63 : memref<1x32x128xi32, #tpu.memory_space<hbm>> -> memref<32x128xi32, #tpu.memory_space<hbm>>
      tpu.wait_dma2 semaphore(%run_scoped3A_32 : memref<!tpu.dma_semaphore, #tpu.memory_space<semaphore_mem>>) src(%dma_wait3A_64 : memref<32x128xi32, #tpu.memory_space<hbm>>) dst(%dma_wait3A_60 : memref<32x128xi32, #tpu.memory_space<vmem>>)
      tpu.yield
    }) : () -> ()
    %barrier3A = arith.constant 0 : index
    tpu.barrier barrier_id(%barrier3A)
    %dma_start3A = arith.constant 0 : i32
    %dma_start3A_2 = arith.constant 0 : i32
    %dma_start3A_3 = arith.constant 0 : i32
    %dma_start3A_4 = tpu.memref_slice %arg7[%dma_start3A, %dma_start3A_2, %dma_start3A_3] : memref<2x32x128xi32, #tpu.memory_space<vmem>> -> memref<1x1x128xi32, #tpu.memory_space<vmem>>
    %dma_start3A_5 = tpu.memref_squeeze %dma_start3A_4 : memref<1x1x128xi32, #tpu.memory_space<vmem>> -> memref<128xi32, #tpu.memory_space<vmem>>
    %dma_start3A_6 = arith.constant 0 : i32
    %dma_start3A_7 = arith.constant 0 : i32
    %dma_start3A_8 = tpu.memref_slice %arg2[%dma_start3A_6, %dma_start3A_7] : memref<20000x128xf32, #tpu.memory_space<hbm>> -> memref<20000x128xf32, #tpu.memory_space<hbm>>
    tpu.enqueue_indirect_dma source(%dma_start3A_8 : memref<20000x128xf32, #tpu.memory_space<hbm>>) target(%arg9 : memref<128x128xf32, #tpu.memory_space<vmem>>) offsets(%dma_start3A_5 : memref<128xi32, #tpu.memory_space<vmem>>) semaphore(%arg12 : memref<!tpu.dma_semaphore, #tpu.memory_space<semaphore_mem>>)
    %scan3A = arith.constant 0 : i32
    %scan3A_9 = arith.constant 0 : i32
    %scan3A_10 = arith.constant 80 : i32
    %scan3A_11 = arith.addi %scan3A_9, %scan3A_10 : i32
    %scan3A_12 = arith.constant 1 : i32
    scf.for %scan3A_32 = %scan3A_9 to %scan3A_11 step %scan3A_12  : i32 {
      %mul3A_33 = arith.constant 2 : i32
      %mul3A_34 = arith.muli %mul3A_33, %scan3A_32 : i32
      %add3A = arith.constant 0 : i32
      %add3A_35 = arith.addi %mul3A_34, %add3A : i32
      %dma_wait3A_36 = arith.constant 0 : i32
      %dma_wait3A_37 = arith.constant 0 : i32
      %dma_wait3A_38 = tpu.memref_slice %arg2[%dma_wait3A_36, %dma_wait3A_37] : memref<20000x128xf32, #tpu.memory_space<hbm>> -> memref<128x128xf32, #tpu.memory_space<hbm>>
      %dma_wait3A_39 = arith.constant 0 : i32
      %dma_wait3A_40 = arith.constant 0 : i32
      %dma_wait3A_41 = tpu.memref_slice %arg2[%dma_wait3A_39, %dma_wait3A_40] : memref<20000x128xf32, #tpu.memory_space<hbm>> -> memref<128x128xf32, #tpu.memory_space<hbm>>
      tpu.wait_dma2 semaphore(%arg12 : memref<!tpu.dma_semaphore, #tpu.memory_space<semaphore_mem>>) src(%dma_wait3A_41 : memref<128x128xf32, #tpu.memory_space<hbm>>) dst(%arg9 : memref<128x128xf32, #tpu.memory_space<vmem>>)
      %jit3A = arith.constant 32 : i32
      %div3A = arith.divsi %add3A_35, %jit3A : i32
      %sign3A = arith.constant 0 : i32
      %sign3A_42 = arith.cmpi sgt, %add3A_35, %sign3A : i32
      %sign3A_43 = arith.extui %sign3A_42 : i1 to i32
      %sign3A_44 = arith.constant 0 : i32
      %sign3A_45 = arith.cmpi slt, %add3A_35, %sign3A_44 : i32
      %sign3A_46 = arith.extui %sign3A_45 : i1 to i32
      %sign3A_47 = arith.subi %sign3A_43, %sign3A_46 : i32
      %sign3A_48 = arith.constant 0 : i32
      %sign3A_49 = arith.cmpi sgt, %jit3A, %sign3A_48 : i32
      %sign3A_50 = arith.extui %sign3A_49 : i1 to i32
      %sign3A_51 = arith.constant 0 : i32
      %sign3A_52 = arith.cmpi slt, %jit3A, %sign3A_51 : i32
      %sign3A_53 = arith.extui %sign3A_52 : i1 to i32
      %sign3A_54 = arith.subi %sign3A_50, %sign3A_53 : i32
      %ne3A = arith.cmpi ne, %sign3A_47, %sign3A_54 : i32
      %rem3A = arith.remsi %add3A_35, %jit3A : i32
      %ne3A_55 = arith.constant 0 : i32
      %ne3A_56 = arith.cmpi ne, %rem3A, %ne3A_55 : i32
      %and3A = arith.andi %ne3A, %ne3A_56 : i1
      %sub3A = arith.constant 1 : i32
      %sub3A_57 = arith.subi %div3A, %sub3A : i32
      %select_n3A = arith.select %and3A, %sub3A_57, %div3A : i32
      %jit3A_58 = arith.constant 2 : i32
      %eq3A_59 = arith.constant 0 : i32
      %eq3A_60 = arith.cmpi eq, %jit3A_58, %eq3A_59 : i32
      %jit3A_61 = arith.constant 1 : i32
      %select_n3A_62 = arith.select %eq3A_60, %jit3A_61, %jit3A_58 : i32
      %rem3A_63 = arith.remsi %select_n3A, %select_n3A_62 : i32
      %ne3A_64 = arith.constant 0 : i32
      %ne3A_65 = arith.cmpi ne, %rem3A_63, %ne3A_64 : i32
      %lt3A_66 = arith.constant 0 : i32
      %lt3A_67 = arith.cmpi slt, %rem3A_63, %lt3A_66 : i32
      %lt3A_68 = arith.constant 0 : i32
      %lt3A_69 = arith.cmpi slt, %select_n3A_62, %lt3A_68 : i32
      %ne3A_70 = arith.xori %lt3A_67, %lt3A_69 : i1
      %and3A_71 = arith.andi %ne3A_70, %ne3A_65 : i1
      %add3A_72 = arith.addi %rem3A_63, %select_n3A_62 : i32
      %select_n3A_73 = arith.select %and3A_71, %add3A_72, %rem3A_63 : i32
      %jit3A_74 = arith.constant 32 : i32
      %eq3A_75 = arith.constant 0 : i32
      %eq3A_76 = arith.cmpi eq, %jit3A_74, %eq3A_75 : i32
      %jit3A_77 = arith.constant 1 : i32
      %select_n3A_78 = arith.select %eq3A_76, %jit3A_77, %jit3A_74 : i32
      %rem3A_79 = arith.remsi %add3A_35, %select_n3A_78 : i32
      %ne3A_80 = arith.constant 0 : i32
      %ne3A_81 = arith.cmpi ne, %rem3A_79, %ne3A_80 : i32
      %lt3A_82 = arith.constant 0 : i32
      %lt3A_83 = arith.cmpi slt, %rem3A_79, %lt3A_82 : i32
      %lt3A_84 = arith.constant 0 : i32
      %lt3A_85 = arith.cmpi slt, %select_n3A_78, %lt3A_84 : i32
      %ne3A_86 = arith.xori %lt3A_83, %lt3A_85 : i1
      %and3A_87 = arith.andi %ne3A_86, %ne3A_81 : i1
      %add3A_88 = arith.addi %rem3A_79, %select_n3A_78 : i32
      %select_n3A_89 = arith.select %and3A_87, %add3A_88, %rem3A_79 : i32
      %dma_start3A_90 = arith.constant 0 : i32
      %dma_start3A_91 = tpu.memref_slice %arg8[%select_n3A_73, %select_n3A_89, %dma_start3A_90] : memref<2x32x128xi32, #tpu.memory_space<vmem>> -> memref<1x1x128xi32, #tpu.memory_space<vmem>>
      %dma_start3A_92 = tpu.memref_squeeze %dma_start3A_91 : memref<1x1x128xi32, #tpu.memory_space<vmem>> -> memref<128xi32, #tpu.memory_space<vmem>>
      %dma_start3A_93 = arith.constant 0 : i32
      %dma_start3A_94 = arith.constant 0 : i32
      %dma_start3A_95 = tpu.memref_slice %arg11[%dma_start3A_93, %dma_start3A_94] : memref<10112x128xf32, #tpu.memory_space<vmem_shared>> -> memref<10112x128xf32, #tpu.memory_space<vmem_shared>>
      tpu.enqueue_indirect_dma source(%arg9 : memref<128x128xf32, #tpu.memory_space<vmem>>) target(%dma_start3A_95 : memref<10112x128xf32, #tpu.memory_space<vmem_shared>>) offsets(%dma_start3A_92 : memref<128xi32, #tpu.memory_space<vmem>>) semaphore(%arg14 : memref<!tpu.dma_semaphore, #tpu.memory_space<semaphore_mem>>) {add = true}
      %add3A_96 = arith.constant 1 : i32
      %add3A_97 = arith.addi %add3A_35, %add3A_96 : i32
      %sub3A_98 = arith.constant 2 : i32
      %sub3A_99 = arith.subi %add3A_97, %sub3A_98 : i32
      %lt3A_100 = arith.constant 160 : i32
      %lt3A_101 = arith.cmpi slt, %add3A_97, %lt3A_100 : i32
      %convert_element_type3A_102 = arith.extui %lt3A_101 : i1 to i32
      %cond3A_103 = arith.constant 0 : i32
      %cond3A_104 = arith.cmpi ne, %convert_element_type3A_102, %cond3A_103 : i32
      scf.if %cond3A_104 {
        %ge3A = arith.constant 0 : i32
        %ge3A_186 = arith.cmpi sge, %sub3A_99, %ge3A : i32
        %convert_element_type3A_187 = arith.extui %ge3A_186 : i1 to i32
        %cond3A_188 = arith.constant 0 : i32
        %cond3A_189 = arith.cmpi ne, %convert_element_type3A_187, %cond3A_188 : i32
        scf.if %cond3A_189 {
          %dma_wait3A_273 = arith.constant 0 : i32
          %dma_wait3A_274 = arith.constant 0 : i32
          %dma_wait3A_275 = tpu.memref_slice %arg11[%dma_wait3A_273, %dma_wait3A_274] : memref<10112x128xf32, #tpu.memory_space<vmem_shared>> -> memref<128x128xf32, #tpu.memory_space<vmem_shared>>
          %dma_wait3A_276 = arith.constant 0 : i32
          %dma_wait3A_277 = arith.constant 0 : i32
          %dma_wait3A_278 = tpu.memref_slice %arg11[%dma_wait3A_276, %dma_wait3A_277] : memref<10112x128xf32, #tpu.memory_space<vmem_shared>> -> memref<128x128xf32, #tpu.memory_space<vmem_shared>>
          tpu.wait_dma2 semaphore(%arg15 : memref<!tpu.dma_semaphore, #tpu.memory_space<semaphore_mem>>) src(%arg10 : memref<128x128xf32, #tpu.memory_space<vmem>>) dst(%dma_wait3A_278 : memref<128x128xf32, #tpu.memory_space<vmem_shared>>)
        } else {
        }
        %jit3A_190 = arith.constant 32 : i32
        %eq3A_191 = arith.constant 0 : i32
        %eq3A_192 = arith.cmpi eq, %jit3A_190, %eq3A_191 : i32
        %jit3A_193 = arith.constant 1 : i32
        %select_n3A_194 = arith.select %eq3A_192, %jit3A_193, %jit3A_190 : i32
        %rem3A_195 = arith.remsi %add3A_97, %select_n3A_194 : i32
        %ne3A_196 = arith.constant 0 : i32
        %ne3A_197 = arith.cmpi ne, %rem3A_195, %ne3A_196 : i32
        %lt3A_198 = arith.constant 0 : i32
        %lt3A_199 = arith.cmpi slt, %rem3A_195, %lt3A_198 : i32
        %lt3A_200 = arith.constant 0 : i32
        %lt3A_201 = arith.cmpi slt, %select_n3A_194, %lt3A_200 : i32
        %ne3A_202 = arith.xori %lt3A_199, %lt3A_201 : i1
        %and3A_203 = arith.andi %ne3A_202, %ne3A_197 : i1
        %add3A_204 = arith.addi %rem3A_195, %select_n3A_194 : i32
        %select_n3A_205 = arith.select %and3A_203, %add3A_204, %rem3A_195 : i32
        %eq3A_206 = arith.constant 0 : i32
        %eq3A_207 = arith.cmpi eq, %select_n3A_205, %eq3A_206 : i32
        %convert_element_type3A_208 = arith.extui %eq3A_207 : i1 to i32
        %cond3A_209 = arith.constant 0 : i32
        %cond3A_210 = arith.cmpi ne, %convert_element_type3A_208, %cond3A_209 : i32
        scf.if %cond3A_210 {
          %jit3A_273 = arith.constant 32 : i32
          %div3A_274 = arith.divsi %add3A_97, %jit3A_273 : i32
          %sign3A_275 = arith.constant 0 : i32
          %sign3A_276 = arith.cmpi sgt, %add3A_97, %sign3A_275 : i32
          %sign3A_277 = arith.extui %sign3A_276 : i1 to i32
          %sign3A_278 = arith.constant 0 : i32
          %sign3A_279 = arith.cmpi slt, %add3A_97, %sign3A_278 : i32
          %sign3A_280 = arith.extui %sign3A_279 : i1 to i32
          %sign3A_281 = arith.subi %sign3A_277, %sign3A_280 : i32
          %sign3A_282 = arith.constant 0 : i32
          %sign3A_283 = arith.cmpi sgt, %jit3A_273, %sign3A_282 : i32
          %sign3A_284 = arith.extui %sign3A_283 : i1 to i32
          %sign3A_285 = arith.constant 0 : i32
          %sign3A_286 = arith.cmpi slt, %jit3A_273, %sign3A_285 : i32
          %sign3A_287 = arith.extui %sign3A_286 : i1 to i32
          %sign3A_288 = arith.subi %sign3A_284, %sign3A_287 : i32
          %ne3A_289 = arith.cmpi ne, %sign3A_281, %sign3A_288 : i32
          %rem3A_290 = arith.remsi %add3A_97, %jit3A_273 : i32
          %ne3A_291 = arith.constant 0 : i32
          %ne3A_292 = arith.cmpi ne, %rem3A_290, %ne3A_291 : i32
          %and3A_293 = arith.andi %ne3A_289, %ne3A_292 : i1
          %sub3A_294 = arith.constant 1 : i32
          %sub3A_295 = arith.subi %div3A_274, %sub3A_294 : i32
          %select_n3A_296 = arith.select %and3A_293, %sub3A_295, %div3A_274 : i32
          %mul3A_297 = arith.constant 32 : i32
          %mul3A_298 = arith.muli %select_n3A_296, %mul3A_297 : i32
          %jit3A_299 = arith.constant 2 : i32
          %eq3A_300 = arith.constant 0 : i32
          %eq3A_301 = arith.cmpi eq, %jit3A_299, %eq3A_300 : i32
          %jit3A_302 = arith.constant 1 : i32
          %select_n3A_303 = arith.select %eq3A_301, %jit3A_302, %jit3A_299 : i32
          %rem3A_304 = arith.remsi %select_n3A_296, %select_n3A_303 : i32
          %ne3A_305 = arith.constant 0 : i32
          %ne3A_306 = arith.cmpi ne, %rem3A_304, %ne3A_305 : i32
          %lt3A_307 = arith.constant 0 : i32
          %lt3A_308 = arith.cmpi slt, %rem3A_304, %lt3A_307 : i32
          %lt3A_309 = arith.constant 0 : i32
          %lt3A_310 = arith.cmpi slt, %select_n3A_303, %lt3A_309 : i32
          %ne3A_311 = arith.xori %lt3A_308, %lt3A_310 : i1
          %and3A_312 = arith.andi %ne3A_311, %ne3A_306 : i1
          %add3A_313 = arith.addi %rem3A_304, %select_n3A_303 : i32
          %select_n3A_314 = arith.select %and3A_312, %add3A_313, %rem3A_304 : i32
          "tpu.region"() ({
            %run_scoped3A_333 = tpu.sem_alloc : memref<!tpu.dma_semaphore, #tpu.memory_space<semaphore_mem>>
            %dma_start3A_334 = arith.constant 0 : i32
            %dma_start3A_335 = arith.constant 0 : i32
            %dma_start3A_336 = tpu.memref_slice %arg7[%select_n3A_314, %dma_start3A_334, %dma_start3A_335] : memref<2x32x128xi32, #tpu.memory_space<vmem>> -> memref<1x32x128xi32, #tpu.memory_space<vmem>>
            %dma_start3A_337 = tpu.memref_squeeze %dma_start3A_336 : memref<1x32x128xi32, #tpu.memory_space<vmem>> -> memref<32x128xi32, #tpu.memory_space<vmem>>
            %dma_start3A_338 = arith.constant 0 : i32
            %dma_start3A_339 = tpu.memref_slice %arg3[%arg0, %arg1, %mul3A_298, %dma_start3A_338] : memref<2x16x160x128xi32, #tpu.memory_space<hbm>> -> memref<1x1x32x128xi32, #tpu.memory_space<hbm>>
            %dma_start3A_340 = tpu.memref_squeeze %dma_start3A_339 : memref<1x1x32x128xi32, #tpu.memory_space<hbm>> -> memref<32x128xi32, #tpu.memory_space<hbm>>
            %dma_start3A_341 = arith.constant 0 : i32
            %dma_start3A_342 = arith.constant 0 : i32
            %dma_start3A_343 = tpu.memref_slice %arg7[%select_n3A_314, %dma_start3A_341, %dma_start3A_342] : memref<2x32x128xi32, #tpu.memory_space<vmem>> -> memref<1x32x128xi32, #tpu.memory_space<vmem>>
            %dma_start3A_344 = tpu.memref_squeeze %dma_start3A_343 : memref<1x32x128xi32, #tpu.memory_space<vmem>> -> memref<32x128xi32, #tpu.memory_space<vmem>>
            %dma_start3A_345 = arith.constant 0 : i32
            %dma_start3A_346 = tpu.memref_slice %arg3[%arg0, %arg1, %mul3A_298, %dma_start3A_345] : memref<2x16x160x128xi32, #tpu.memory_space<hbm>> -> memref<1x1x32x128xi32, #tpu.memory_space<hbm>>
            %dma_start3A_347 = tpu.memref_squeeze %dma_start3A_346 : memref<1x1x32x128xi32, #tpu.memory_space<hbm>> -> memref<32x128xi32, #tpu.memory_space<hbm>>
            tpu.enqueue_dma source(%dma_start3A_347 : memref<32x128xi32, #tpu.memory_space<hbm>>) target(%dma_start3A_344 : memref<32x128xi32, #tpu.memory_space<vmem>>) target_semaphore(%run_scoped3A_333 : memref<!tpu.dma_semaphore, #tpu.memory_space<semaphore_mem>>)
            %dma_wait3A_348 = arith.constant 0 : i32
            %dma_wait3A_349 = arith.constant 0 : i32
            %dma_wait3A_350 = tpu.memref_slice %arg7[%select_n3A_314, %dma_wait3A_348, %dma_wait3A_349] : memref<2x32x128xi32, #tpu.memory_space<vmem>> -> memref<1x32x128xi32, #tpu.memory_space<vmem>>
            %dma_wait3A_351 = tpu.memref_squeeze %dma_wait3A_350 : memref<1x32x128xi32, #tpu.memory_space<vmem>> -> memref<32x128xi32, #tpu.memory_space<vmem>>
            %dma_wait3A_352 = arith.constant 0 : i32
            %dma_wait3A_353 = tpu.memref_slice %arg3[%arg0, %arg1, %mul3A_298, %dma_wait3A_352] : memref<2x16x160x128xi32, #tpu.memory_space<hbm>> -> memref<1x1x32x128xi32, #tpu.memory_space<hbm>>
            %dma_wait3A_354 = tpu.memref_squeeze %dma_wait3A_353 : memref<1x1x32x128xi32, #tpu.memory_space<hbm>> -> memref<32x128xi32, #tpu.memory_space<hbm>>
            %dma_wait3A_355 = arith.constant 0 : i32
            %dma_wait3A_356 = arith.constant 0 : i32
            %dma_wait3A_357 = tpu.memref_slice %arg7[%select_n3A_314, %dma_wait3A_355, %dma_wait3A_356] : memref<2x32x128xi32, #tpu.memory_space<vmem>> -> memref<1x32x128xi32, #tpu.memory_space<vmem>>
            %dma_wait3A_358 = tpu.memref_squeeze %dma_wait3A_357 : memref<1x32x128xi32, #tpu.memory_space<vmem>> -> memref<32x128xi32, #tpu.memory_space<vmem>>
            %dma_wait3A_359 = arith.constant 0 : i32
            %dma_wait3A_360 = tpu.memref_slice %arg3[%arg0, %arg1, %mul3A_298, %dma_wait3A_359] : memref<2x16x160x128xi32, #tpu.memory_space<hbm>> -> memref<1x1x32x128xi32, #tpu.memory_space<hbm>>
            %dma_wait3A_361 = tpu.memref_squeeze %dma_wait3A_360 : memref<1x1x32x128xi32, #tpu.memory_space<hbm>> -> memref<32x128xi32, #tpu.memory_space<hbm>>
            tpu.wait_dma2 semaphore(%run_scoped3A_333 : memref<!tpu.dma_semaphore, #tpu.memory_space<semaphore_mem>>) src(%dma_wait3A_361 : memref<32x128xi32, #tpu.memory_space<hbm>>) dst(%dma_wait3A_358 : memref<32x128xi32, #tpu.memory_space<vmem>>)
            tpu.yield
          }) : () -> ()
          %mul3A_315 = arith.constant 32 : i32
          %mul3A_316 = arith.muli %select_n3A_296, %mul3A_315 : i32
          %jit3A_317 = arith.constant 2 : i32
          %eq3A_318 = arith.constant 0 : i32
          %eq3A_319 = arith.cmpi eq, %jit3A_317, %eq3A_318 : i32
          %jit3A_320 = arith.constant 1 : i32
          %select_n3A_321 = arith.select %eq3A_319, %jit3A_320, %jit3A_317 : i32
          %rem3A_322 = arith.remsi %select_n3A_296, %select_n3A_321 : i32
          %ne3A_323 = arith.constant 0 : i32
          %ne3A_324 = arith.cmpi ne, %rem3A_322, %ne3A_323 : i32
          %lt3A_325 = arith.constant 0 : i32
          %lt3A_326 = arith.cmpi slt, %rem3A_322, %lt3A_325 : i32
          %lt3A_327 = arith.constant 0 : i32
          %lt3A_328 = arith.cmpi slt, %select_n3A_321, %lt3A_327 : i32
          %ne3A_329 = arith.xori %lt3A_326, %lt3A_328 : i1
          %and3A_330 = arith.andi %ne3A_329, %ne3A_324 : i1
          %add3A_331 = arith.addi %rem3A_322, %select_n3A_321 : i32
          %select_n3A_332 = arith.select %and3A_330, %add3A_331, %rem3A_322 : i32
          "tpu.region"() ({
            %run_scoped3A_333 = tpu.sem_alloc : memref<!tpu.dma_semaphore, #tpu.memory_space<semaphore_mem>>
            %dma_start3A_334 = arith.constant 0 : i32
            %dma_start3A_335 = arith.constant 0 : i32
            %dma_start3A_336 = tpu.memref_slice %arg8[%select_n3A_332, %dma_start3A_334, %dma_start3A_335] : memref<2x32x128xi32, #tpu.memory_space<vmem>> -> memref<1x32x128xi32, #tpu.memory_space<vmem>>
            %dma_start3A_337 = tpu.memref_squeeze %dma_start3A_336 : memref<1x32x128xi32, #tpu.memory_space<vmem>> -> memref<32x128xi32, #tpu.memory_space<vmem>>
            %dma_start3A_338 = arith.constant 0 : i32
            %dma_start3A_339 = tpu.memref_slice %arg4[%arg1, %mul3A_316, %dma_start3A_338] : memref<16x160x128xi32, #tpu.memory_space<hbm>> -> memref<1x32x128xi32, #tpu.memory_space<hbm>>
            %dma_start3A_340 = tpu.memref_squeeze %dma_start3A_339 : memref<1x32x128xi32, #tpu.memory_space<hbm>> -> memref<32x128xi32, #tpu.memory_space<hbm>>
            %dma_start3A_341 = arith.constant 0 : i32
            %dma_start3A_342 = arith.constant 0 : i32
            %dma_start3A_343 = tpu.memref_slice %arg8[%select_n3A_332, %dma_start3A_341, %dma_start3A_342] : memref<2x32x128xi32, #tpu.memory_space<vmem>> -> memref<1x32x128xi32, #tpu.memory_space<vmem>>
            %dma_start3A_344 = tpu.memref_squeeze %dma_start3A_343 : memref<1x32x128xi32, #tpu.memory_space<vmem>> -> memref<32x128xi32, #tpu.memory_space<vmem>>
            %dma_start3A_345 = arith.constant 0 : i32
            %dma_start3A_346 = tpu.memref_slice %arg4[%arg1, %mul3A_316, %dma_start3A_345] : memref<16x160x128xi32, #tpu.memory_space<hbm>> -> memref<1x32x128xi32, #tpu.memory_space<hbm>>
            %dma_start3A_347 = tpu.memref_squeeze %dma_start3A_346 : memref<1x32x128xi32, #tpu.memory_space<hbm>> -> memref<32x128xi32, #tpu.memory_space<hbm>>
            tpu.enqueue_dma source(%dma_start3A_347 : memref<32x128xi32, #tpu.memory_space<hbm>>) target(%dma_start3A_344 : memref<32x128xi32, #tpu.memory_space<vmem>>) target_semaphore(%run_scoped3A_333 : memref<!tpu.dma_semaphore, #tpu.memory_space<semaphore_mem>>)
            %dma_wait3A_348 = arith.constant 0 : i32
            %dma_wait3A_349 = arith.constant 0 : i32
            %dma_wait3A_350 = tpu.memref_slice %arg8[%select_n3A_332, %dma_wait3A_348, %dma_wait3A_349] : memref<2x32x128xi32, #tpu.memory_space<vmem>> -> memref<1x32x128xi32, #tpu.memory_space<vmem>>
            %dma_wait3A_351 = tpu.memref_squeeze %dma_wait3A_350 : memref<1x32x128xi32, #tpu.memory_space<vmem>> -> memref<32x128xi32, #tpu.memory_space<vmem>>
            %dma_wait3A_352 = arith.constant 0 : i32
            %dma_wait3A_353 = tpu.memref_slice %arg4[%arg1, %mul3A_316, %dma_wait3A_352] : memref<16x160x128xi32, #tpu.memory_space<hbm>> -> memref<1x32x128xi32, #tpu.memory_space<hbm>>
            %dma_wait3A_354 = tpu.memref_squeeze %dma_wait3A_353 : memref<1x32x128xi32, #tpu.memory_space<hbm>> -> memref<32x128xi32, #tpu.memory_space<hbm>>
            %dma_wait3A_355 = arith.constant 0 : i32
            %dma_wait3A_356 = arith.constant 0 : i32
            %dma_wait3A_357 = tpu.memref_slice %arg8[%select_n3A_332, %dma_wait3A_355, %dma_wait3A_356] : memref<2x32x128xi32, #tpu.memory_space<vmem>> -> memref<1x32x128xi32, #tpu.memory_space<vmem>>
            %dma_wait3A_358 = tpu.memref_squeeze %dma_wait3A_357 : memref<1x32x128xi32, #tpu.memory_space<vmem>> -> memref<32x128xi32, #tpu.memory_space<vmem>>
            %dma_wait3A_359 = arith.constant 0 : i32
            %dma_wait3A_360 = tpu.memref_slice %arg4[%arg1, %mul3A_316, %dma_wait3A_359] : memref<16x160x128xi32, #tpu.memory_space<hbm>> -> memref<1x32x128xi32, #tpu.memory_space<hbm>>
            %dma_wait3A_361 = tpu.memref_squeeze %dma_wait3A_360 : memref<1x32x128xi32, #tpu.memory_space<hbm>> -> memref<32x128xi32, #tpu.memory_space<hbm>>
            tpu.wait_dma2 semaphore(%run_scoped3A_333 : memref<!tpu.dma_semaphore, #tpu.memory_space<semaphore_mem>>) src(%dma_wait3A_361 : memref<32x128xi32, #tpu.memory_space<hbm>>) dst(%dma_wait3A_358 : memref<32x128xi32, #tpu.memory_space<vmem>>)
            tpu.yield
          }) : () -> ()
        } else {
        }
        %jit3A_211 = arith.constant 32 : i32
        %div3A_212 = arith.divsi %add3A_97, %jit3A_211 : i32
        %sign3A_213 = arith.constant 0 : i32
        %sign3A_214 = arith.cmpi sgt, %add3A_97, %sign3A_213 : i32
        %sign3A_215 = arith.extui %sign3A_214 : i1 to i32
        %sign3A_216 = arith.constant 0 : i32
        %sign3A_217 = arith.cmpi slt, %add3A_97, %sign3A_216 : i32
        %sign3A_218 = arith.extui %sign3A_217 : i1 to i32
        %sign3A_219 = arith.subi %sign3A_215, %sign3A_218 : i32
        %sign3A_220 = arith.constant 0 : i32
        %sign3A_221 = arith.cmpi sgt, %jit3A_211, %sign3A_220 : i32
        %sign3A_222 = arith.extui %sign3A_221 : i1 to i32
        %sign3A_223 = arith.constant 0 : i32
        %sign3A_224 = arith.cmpi slt, %jit3A_211, %sign3A_223 : i32
        %sign3A_225 = arith.extui %sign3A_224 : i1 to i32
        %sign3A_226 = arith.subi %sign3A_222, %sign3A_225 : i32
        %ne3A_227 = arith.cmpi ne, %sign3A_219, %sign3A_226 : i32
        %rem3A_228 = arith.remsi %add3A_97, %jit3A_211 : i32
        %ne3A_229 = arith.constant 0 : i32
        %ne3A_230 = arith.cmpi ne, %rem3A_228, %ne3A_229 : i32
        %and3A_231 = arith.andi %ne3A_227, %ne3A_230 : i1
        %sub3A_232 = arith.constant 1 : i32
        %sub3A_233 = arith.subi %div3A_212, %sub3A_232 : i32
        %select_n3A_234 = arith.select %and3A_231, %sub3A_233, %div3A_212 : i32
        %jit3A_235 = arith.constant 2 : i32
        %eq3A_236 = arith.constant 0 : i32
        %eq3A_237 = arith.cmpi eq, %jit3A_235, %eq3A_236 : i32
        %jit3A_238 = arith.constant 1 : i32
        %select_n3A_239 = arith.select %eq3A_237, %jit3A_238, %jit3A_235 : i32
        %rem3A_240 = arith.remsi %select_n3A_234, %select_n3A_239 : i32
        %ne3A_241 = arith.constant 0 : i32
        %ne3A_242 = arith.cmpi ne, %rem3A_240, %ne3A_241 : i32
        %lt3A_243 = arith.constant 0 : i32
        %lt3A_244 = arith.cmpi slt, %rem3A_240, %lt3A_243 : i32
        %lt3A_245 = arith.constant 0 : i32
        %lt3A_246 = arith.cmpi slt, %select_n3A_239, %lt3A_245 : i32
        %ne3A_247 = arith.xori %lt3A_244, %lt3A_246 : i1
        %and3A_248 = arith.andi %ne3A_247, %ne3A_242 : i1
        %add3A_249 = arith.addi %rem3A_240, %select_n3A_239 : i32
        %select_n3A_250 = arith.select %and3A_248, %add3A_249, %rem3A_240 : i32
        %jit3A_251 = arith.constant 32 : i32
        %eq3A_252 = arith.constant 0 : i32
        %eq3A_253 = arith.cmpi eq, %jit3A_251, %eq3A_252 : i32
        %jit3A_254 = arith.constant 1 : i32
        %select_n3A_255 = arith.select %eq3A_253, %jit3A_254, %jit3A_251 : i32
        %rem3A_256 = arith.remsi %add3A_97, %select_n3A_255 : i32
        %ne3A_257 = arith.constant 0 : i32
        %ne3A_258 = arith.cmpi ne, %rem3A_256, %ne3A_257 : i32
        %lt3A_259 = arith.constant 0 : i32
        %lt3A_260 = arith.cmpi slt, %rem3A_256, %lt3A_259 : i32
        %lt3A_261 = arith.constant 0 : i32
        %lt3A_262 = arith.cmpi slt, %select_n3A_255, %lt3A_261 : i32
        %ne3A_263 = arith.xori %lt3A_260, %lt3A_262 : i1
        %and3A_264 = arith.andi %ne3A_263, %ne3A_258 : i1
        %add3A_265 = arith.addi %rem3A_256, %select_n3A_255 : i32
        %select_n3A_266 = arith.select %and3A_264, %add3A_265, %rem3A_256 : i32
        %dma_start3A_267 = arith.constant 0 : i32
        %dma_start3A_268 = tpu.memref_slice %arg7[%select_n3A_250, %select_n3A_266, %dma_start3A_267] : memref<2x32x128xi32, #tpu.memory_space<vmem>> -> memref<1x1x128xi32, #tpu.memory_space<vmem>>
        %dma_start3A_269 = tpu.memref_squeeze %dma_start3A_268 : memref<1x1x128xi32, #tpu.memory_space<vmem>> -> memref<128xi32, #tpu.memory_space<vmem>>
        %dma_start3A_270 = arith.constant 0 : i32
        %dma_start3A_271 = arith.constant 0 : i32
        %dma_start3A_272 = tpu.memref_slice %arg2[%dma_start3A_270, %dma_start3A_271] : memref<20000x128xf32, #tpu.memory_space<hbm>> -> memref<20000x128xf32, #tpu.memory_space<hbm>>
        tpu.enqueue_indirect_dma source(%dma_start3A_272 : memref<20000x128xf32, #tpu.memory_space<hbm>>) target(%arg10 : memref<128x128xf32, #tpu.memory_space<vmem>>) offsets(%dma_start3A_269 : memref<128xi32, #tpu.memory_space<vmem>>) semaphore(%arg13 : memref<!tpu.dma_semaphore, #tpu.memory_space<semaphore_mem>>)
      } else {
      }
      %mul3A_105 = arith.constant 2 : i32
      %mul3A_106 = arith.muli %mul3A_105, %scan3A_32 : i32
      %add3A_107 = arith.constant 1 : i32
      %add3A_108 = arith.addi %mul3A_106, %add3A_107 : i32
      %dma_wait3A_109 = arith.constant 0 : i32
      %dma_wait3A_110 = arith.constant 0 : i32
      %dma_wait3A_111 = tpu.memref_slice %arg2[%dma_wait3A_109, %dma_wait3A_110] : memref<20000x128xf32, #tpu.memory_space<hbm>> -> memref<128x128xf32, #tpu.memory_space<hbm>>
      %dma_wait3A_112 = arith.constant 0 : i32
      %dma_wait3A_113 = arith.constant 0 : i32
      %dma_wait3A_114 = tpu.memref_slice %arg2[%dma_wait3A_112, %dma_wait3A_113] : memref<20000x128xf32, #tpu.memory_space<hbm>> -> memref<128x128xf32, #tpu.memory_space<hbm>>
      tpu.wait_dma2 semaphore(%arg13 : memref<!tpu.dma_semaphore, #tpu.memory_space<semaphore_mem>>) src(%dma_wait3A_114 : memref<128x128xf32, #tpu.memory_space<hbm>>) dst(%arg10 : memref<128x128xf32, #tpu.memory_space<vmem>>)
      %jit3A_115 = arith.constant 32 : i32
      %div3A_116 = arith.divsi %add3A_108, %jit3A_115 : i32
      %sign3A_117 = arith.constant 0 : i32
      %sign3A_118 = arith.cmpi sgt, %add3A_108, %sign3A_117 : i32
      %sign3A_119 = arith.extui %sign3A_118 : i1 to i32
      %sign3A_120 = arith.constant 0 : i32
      %sign3A_121 = arith.cmpi slt, %add3A_108, %sign3A_120 : i32
      %sign3A_122 = arith.extui %sign3A_121 : i1 to i32
      %sign3A_123 = arith.subi %sign3A_119, %sign3A_122 : i32
      %sign3A_124 = arith.constant 0 : i32
      %sign3A_125 = arith.cmpi sgt, %jit3A_115, %sign3A_124 : i32
      %sign3A_126 = arith.extui %sign3A_125 : i1 to i32
      %sign3A_127 = arith.constant 0 : i32
      %sign3A_128 = arith.cmpi slt, %jit3A_115, %sign3A_127 : i32
      %sign3A_129 = arith.extui %sign3A_128 : i1 to i32
      %sign3A_130 = arith.subi %sign3A_126, %sign3A_129 : i32
      %ne3A_131 = arith.cmpi ne, %sign3A_123, %sign3A_130 : i32
      %rem3A_132 = arith.remsi %add3A_108, %jit3A_115 : i32
      %ne3A_133 = arith.constant 0 : i32
      %ne3A_134 = arith.cmpi ne, %rem3A_132, %ne3A_133 : i32
      %and3A_135 = arith.andi %ne3A_131, %ne3A_134 : i1
      %sub3A_136 = arith.constant 1 : i32
      %sub3A_137 = arith.subi %div3A_116, %sub3A_136 : i32
      %select_n3A_138 = arith.select %and3A_135, %sub3A_137, %div3A_116 : i32
      %jit3A_139 = arith.constant 2 : i32
      %eq3A_140 = arith.constant 0 : i32
      %eq3A_141 = arith.cmpi eq, %jit3A_139, %eq3A_140 : i32
      %jit3A_142 = arith.constant 1 : i32
      %select_n3A_143 = arith.select %eq3A_141, %jit3A_142, %jit3A_139 : i32
      %rem3A_144 = arith.remsi %select_n3A_138, %select_n3A_143 : i32
      %ne3A_145 = arith.constant 0 : i32
      %ne3A_146 = arith.cmpi ne, %rem3A_144, %ne3A_145 : i32
      %lt3A_147 = arith.constant 0 : i32
      %lt3A_148 = arith.cmpi slt, %rem3A_144, %lt3A_147 : i32
      %lt3A_149 = arith.constant 0 : i32
      %lt3A_150 = arith.cmpi slt, %select_n3A_143, %lt3A_149 : i32
      %ne3A_151 = arith.xori %lt3A_148, %lt3A_150 : i1
      %and3A_152 = arith.andi %ne3A_151, %ne3A_146 : i1
      %add3A_153 = arith.addi %rem3A_144, %select_n3A_143 : i32
      %select_n3A_154 = arith.select %and3A_152, %add3A_153, %rem3A_144 : i32
      %jit3A_155 = arith.constant 32 : i32
      %eq3A_156 = arith.constant 0 : i32
      %eq3A_157 = arith.cmpi eq, %jit3A_155, %eq3A_156 : i32
      %jit3A_158 = arith.constant 1 : i32
      %select_n3A_159 = arith.select %eq3A_157, %jit3A_158, %jit3A_155 : i32
      %rem3A_160 = arith.remsi %add3A_108, %select_n3A_159 : i32
      %ne3A_161 = arith.constant 0 : i32
      %ne3A_162 = arith.cmpi ne, %rem3A_160, %ne3A_161 : i32
      %lt3A_163 = arith.constant 0 : i32
      %lt3A_164 = arith.cmpi slt, %rem3A_160, %lt3A_163 : i32
      %lt3A_165 = arith.constant 0 : i32
      %lt3A_166 = arith.cmpi slt, %select_n3A_159, %lt3A_165 : i32
      %ne3A_167 = arith.xori %lt3A_164, %lt3A_166 : i1
      %and3A_168 = arith.andi %ne3A_167, %ne3A_162 : i1
      %add3A_169 = arith.addi %rem3A_160, %select_n3A_159 : i32
      %select_n3A_170 = arith.select %and3A_168, %add3A_169, %rem3A_160 : i32
      %dma_start3A_171 = arith.constant 0 : i32
      %dma_start3A_172 = tpu.memref_slice %arg8[%select_n3A_154, %select_n3A_170, %dma_start3A_171] : memref<2x32x128xi32, #tpu.memory_space<vmem>> -> memref<1x1x128xi32, #tpu.memory_space<vmem>>
      %dma_start3A_173 = tpu.memref_squeeze %dma_start3A_172 : memref<1x1x128xi32, #tpu.memory_space<vmem>> -> memref<128xi32, #tpu.memory_space<vmem>>
      %dma_start3A_174 = arith.constant 0 : i32
      %dma_start3A_175 = arith.constant 0 : i32
      %dma_start3A_176 = tpu.memref_slice %arg11[%dma_start3A_174, %dma_start3A_175] : memref<10112x128xf32, #tpu.memory_space<vmem_shared>> -> memref<10112x128xf32, #tpu.memory_space<vmem_shared>>
      tpu.enqueue_indirect_dma source(%arg10 : memref<128x128xf32, #tpu.memory_space<vmem>>) target(%dma_start3A_176 : memref<10112x128xf32, #tpu.memory_space<vmem_shared>>) offsets(%dma_start3A_173 : memref<128xi32, #tpu.memory_space<vmem>>) semaphore(%arg15 : memref<!tpu.dma_semaphore, #tpu.memory_space<semaphore_mem>>) {add = true}
      %add3A_177 = arith.constant 1 : i32
      %add3A_178 = arith.addi %add3A_108, %add3A_177 : i32
      %sub3A_179 = arith.constant 2 : i32
      %sub3A_180 = arith.subi %add3A_178, %sub3A_179 : i32
      %lt3A_181 = arith.constant 160 : i32
      %lt3A_182 = arith.cmpi slt, %add3A_178, %lt3A_181 : i32
      %convert_element_type3A_183 = arith.extui %lt3A_182 : i1 to i32
      %cond3A_184 = arith.constant 0 : i32
      %cond3A_185 = arith.cmpi ne, %convert_element_type3A_183, %cond3A_184 : i32
      scf.if %cond3A_185 {
        %ge3A = arith.constant 0 : i32
        %ge3A_186 = arith.cmpi sge, %sub3A_180, %ge3A : i32
        %convert_element_type3A_187 = arith.extui %ge3A_186 : i1 to i32
        %cond3A_188 = arith.constant 0 : i32
        %cond3A_189 = arith.cmpi ne, %convert_element_type3A_187, %cond3A_188 : i32
        scf.if %cond3A_189 {
          %dma_wait3A_273 = arith.constant 0 : i32
          %dma_wait3A_274 = arith.constant 0 : i32
          %dma_wait3A_275 = tpu.memref_slice %arg11[%dma_wait3A_273, %dma_wait3A_274] : memref<10112x128xf32, #tpu.memory_space<vmem_shared>> -> memref<128x128xf32, #tpu.memory_space<vmem_shared>>
          %dma_wait3A_276 = arith.constant 0 : i32
          %dma_wait3A_277 = arith.constant 0 : i32
          %dma_wait3A_278 = tpu.memref_slice %arg11[%dma_wait3A_276, %dma_wait3A_277] : memref<10112x128xf32, #tpu.memory_space<vmem_shared>> -> memref<128x128xf32, #tpu.memory_space<vmem_shared>>
          tpu.wait_dma2 semaphore(%arg14 : memref<!tpu.dma_semaphore, #tpu.memory_space<semaphore_mem>>) src(%arg9 : memref<128x128xf32, #tpu.memory_space<vmem>>) dst(%dma_wait3A_278 : memref<128x128xf32, #tpu.memory_space<vmem_shared>>)
        } else {
        }
        %jit3A_190 = arith.constant 32 : i32
        %eq3A_191 = arith.constant 0 : i32
        %eq3A_192 = arith.cmpi eq, %jit3A_190, %eq3A_191 : i32
        %jit3A_193 = arith.constant 1 : i32
        %select_n3A_194 = arith.select %eq3A_192, %jit3A_193, %jit3A_190 : i32
        %rem3A_195 = arith.remsi %add3A_178, %select_n3A_194 : i32
        %ne3A_196 = arith.constant 0 : i32
        %ne3A_197 = arith.cmpi ne, %rem3A_195, %ne3A_196 : i32
        %lt3A_198 = arith.constant 0 : i32
        %lt3A_199 = arith.cmpi slt, %rem3A_195, %lt3A_198 : i32
        %lt3A_200 = arith.constant 0 : i32
        %lt3A_201 = arith.cmpi slt, %select_n3A_194, %lt3A_200 : i32
        %ne3A_202 = arith.xori %lt3A_199, %lt3A_201 : i1
        %and3A_203 = arith.andi %ne3A_202, %ne3A_197 : i1
        %add3A_204 = arith.addi %rem3A_195, %select_n3A_194 : i32
        %select_n3A_205 = arith.select %and3A_203, %add3A_204, %rem3A_195 : i32
        %eq3A_206 = arith.constant 0 : i32
        %eq3A_207 = arith.cmpi eq, %select_n3A_205, %eq3A_206 : i32
        %convert_element_type3A_208 = arith.extui %eq3A_207 : i1 to i32
        %cond3A_209 = arith.constant 0 : i32
        %cond3A_210 = arith.cmpi ne, %convert_element_type3A_208, %cond3A_209 : i32
        scf.if %cond3A_210 {
          %jit3A_273 = arith.constant 32 : i32
          %div3A_274 = arith.divsi %add3A_178, %jit3A_273 : i32
          %sign3A_275 = arith.constant 0 : i32
          %sign3A_276 = arith.cmpi sgt, %add3A_178, %sign3A_275 : i32
          %sign3A_277 = arith.extui %sign3A_276 : i1 to i32
          %sign3A_278 = arith.constant 0 : i32
          %sign3A_279 = arith.cmpi slt, %add3A_178, %sign3A_278 : i32
          %sign3A_280 = arith.extui %sign3A_279 : i1 to i32
          %sign3A_281 = arith.subi %sign3A_277, %sign3A_280 : i32
          %sign3A_282 = arith.constant 0 : i32
          %sign3A_283 = arith.cmpi sgt, %jit3A_273, %sign3A_282 : i32
          %sign3A_284 = arith.extui %sign3A_283 : i1 to i32
          %sign3A_285 = arith.constant 0 : i32
          %sign3A_286 = arith.cmpi slt, %jit3A_273, %sign3A_285 : i32
          %sign3A_287 = arith.extui %sign3A_286 : i1 to i32
          %sign3A_288 = arith.subi %sign3A_284, %sign3A_287 : i32
          %ne3A_289 = arith.cmpi ne, %sign3A_281, %sign3A_288 : i32
          %rem3A_290 = arith.remsi %add3A_178, %jit3A_273 : i32
          %ne3A_291 = arith.constant 0 : i32
          %ne3A_292 = arith.cmpi ne, %rem3A_290, %ne3A_291 : i32
          %and3A_293 = arith.andi %ne3A_289, %ne3A_292 : i1
          %sub3A_294 = arith.constant 1 : i32
          %sub3A_295 = arith.subi %div3A_274, %sub3A_294 : i32
          %select_n3A_296 = arith.select %and3A_293, %sub3A_295, %div3A_274 : i32
          %mul3A_297 = arith.constant 32 : i32
          %mul3A_298 = arith.muli %select_n3A_296, %mul3A_297 : i32
          %jit3A_299 = arith.constant 2 : i32
          %eq3A_300 = arith.constant 0 : i32
          %eq3A_301 = arith.cmpi eq, %jit3A_299, %eq3A_300 : i32
          %jit3A_302 = arith.constant 1 : i32
          %select_n3A_303 = arith.select %eq3A_301, %jit3A_302, %jit3A_299 : i32
          %rem3A_304 = arith.remsi %select_n3A_296, %select_n3A_303 : i32
          %ne3A_305 = arith.constant 0 : i32
          %ne3A_306 = arith.cmpi ne, %rem3A_304, %ne3A_305 : i32
          %lt3A_307 = arith.constant 0 : i32
          %lt3A_308 = arith.cmpi slt, %rem3A_304, %lt3A_307 : i32
          %lt3A_309 = arith.constant 0 : i32
          %lt3A_310 = arith.cmpi slt, %select_n3A_303, %lt3A_309 : i32
          %ne3A_311 = arith.xori %lt3A_308, %lt3A_310 : i1
          %and3A_312 = arith.andi %ne3A_311, %ne3A_306 : i1
          %add3A_313 = arith.addi %rem3A_304, %select_n3A_303 : i32
          %select_n3A_314 = arith.select %and3A_312, %add3A_313, %rem3A_304 : i32
          "tpu.region"() ({
            %run_scoped3A_333 = tpu.sem_alloc : memref<!tpu.dma_semaphore, #tpu.memory_space<semaphore_mem>>
            %dma_start3A_334 = arith.constant 0 : i32
            %dma_start3A_335 = arith.constant 0 : i32
            %dma_start3A_336 = tpu.memref_slice %arg7[%select_n3A_314, %dma_start3A_334, %dma_start3A_335] : memref<2x32x128xi32, #tpu.memory_space<vmem>> -> memref<1x32x128xi32, #tpu.memory_space<vmem>>
            %dma_start3A_337 = tpu.memref_squeeze %dma_start3A_336 : memref<1x32x128xi32, #tpu.memory_space<vmem>> -> memref<32x128xi32, #tpu.memory_space<vmem>>
            %dma_start3A_338 = arith.constant 0 : i32
            %dma_start3A_339 = tpu.memref_slice %arg3[%arg0, %arg1, %mul3A_298, %dma_start3A_338] : memref<2x16x160x128xi32, #tpu.memory_space<hbm>> -> memref<1x1x32x128xi32, #tpu.memory_space<hbm>>
            %dma_start3A_340 = tpu.memref_squeeze %dma_start3A_339 : memref<1x1x32x128xi32, #tpu.memory_space<hbm>> -> memref<32x128xi32, #tpu.memory_space<hbm>>
            %dma_start3A_341 = arith.constant 0 : i32
            %dma_start3A_342 = arith.constant 0 : i32
            %dma_start3A_343 = tpu.memref_slice %arg7[%select_n3A_314, %dma_start3A_341, %dma_start3A_342] : memref<2x32x128xi32, #tpu.memory_space<vmem>> -> memref<1x32x128xi32, #tpu.memory_space<vmem>>
            %dma_start3A_344 = tpu.memref_squeeze %dma_start3A_343 : memref<1x32x128xi32, #tpu.memory_space<vmem>> -> memref<32x128xi32, #tpu.memory_space<vmem>>
            %dma_start3A_345 = arith.constant 0 : i32
            %dma_start3A_346 = tpu.memref_slice %arg3[%arg0, %arg1, %mul3A_298, %dma_start3A_345] : memref<2x16x160x128xi32, #tpu.memory_space<hbm>> -> memref<1x1x32x128xi32, #tpu.memory_space<hbm>>
            %dma_start3A_347 = tpu.memref_squeeze %dma_start3A_346 : memref<1x1x32x128xi32, #tpu.memory_space<hbm>> -> memref<32x128xi32, #tpu.memory_space<hbm>>
            tpu.enqueue_dma source(%dma_start3A_347 : memref<32x128xi32, #tpu.memory_space<hbm>>) target(%dma_start3A_344 : memref<32x128xi32, #tpu.memory_space<vmem>>) target_semaphore(%run_scoped3A_333 : memref<!tpu.dma_semaphore, #tpu.memory_space<semaphore_mem>>)
            %dma_wait3A_348 = arith.constant 0 : i32
            %dma_wait3A_349 = arith.constant 0 : i32
            %dma_wait3A_350 = tpu.memref_slice %arg7[%select_n3A_314, %dma_wait3A_348, %dma_wait3A_349] : memref<2x32x128xi32, #tpu.memory_space<vmem>> -> memref<1x32x128xi32, #tpu.memory_space<vmem>>
            %dma_wait3A_351 = tpu.memref_squeeze %dma_wait3A_350 : memref<1x32x128xi32, #tpu.memory_space<vmem>> -> memref<32x128xi32, #tpu.memory_space<vmem>>
            %dma_wait3A_352 = arith.constant 0 : i32
            %dma_wait3A_353 = tpu.memref_slice %arg3[%arg0, %arg1, %mul3A_298, %dma_wait3A_352] : memref<2x16x160x128xi32, #tpu.memory_space<hbm>> -> memref<1x1x32x128xi32, #tpu.memory_space<hbm>>
            %dma_wait3A_354 = tpu.memref_squeeze %dma_wait3A_353 : memref<1x1x32x128xi32, #tpu.memory_space<hbm>> -> memref<32x128xi32, #tpu.memory_space<hbm>>
            %dma_wait3A_355 = arith.constant 0 : i32
            %dma_wait3A_356 = arith.constant 0 : i32
            %dma_wait3A_357 = tpu.memref_slice %arg7[%select_n3A_314, %dma_wait3A_355, %dma_wait3A_356] : memref<2x32x128xi32, #tpu.memory_space<vmem>> -> memref<1x32x128xi32, #tpu.memory_space<vmem>>
            %dma_wait3A_358 = tpu.memref_squeeze %dma_wait3A_357 : memref<1x32x128xi32, #tpu.memory_space<vmem>> -> memref<32x128xi32, #tpu.memory_space<vmem>>
            %dma_wait3A_359 = arith.constant 0 : i32
            %dma_wait3A_360 = tpu.memref_slice %arg3[%arg0, %arg1, %mul3A_298, %dma_wait3A_359] : memref<2x16x160x128xi32, #tpu.memory_space<hbm>> -> memref<1x1x32x128xi32, #tpu.memory_space<hbm>>
            %dma_wait3A_361 = tpu.memref_squeeze %dma_wait3A_360 : memref<1x1x32x128xi32, #tpu.memory_space<hbm>> -> memref<32x128xi32, #tpu.memory_space<hbm>>
            tpu.wait_dma2 semaphore(%run_scoped3A_333 : memref<!tpu.dma_semaphore, #tpu.memory_space<semaphore_mem>>) src(%dma_wait3A_361 : memref<32x128xi32, #tpu.memory_space<hbm>>) dst(%dma_wait3A_358 : memref<32x128xi32, #tpu.memory_space<vmem>>)
            tpu.yield
          }) : () -> ()
          %mul3A_315 = arith.constant 32 : i32
          %mul3A_316 = arith.muli %select_n3A_296, %mul3A_315 : i32
          %jit3A_317 = arith.constant 2 : i32
          %eq3A_318 = arith.constant 0 : i32
          %eq3A_319 = arith.cmpi eq, %jit3A_317, %eq3A_318 : i32
          %jit3A_320 = arith.constant 1 : i32
          %select_n3A_321 = arith.select %eq3A_319, %jit3A_320, %jit3A_317 : i32
          %rem3A_322 = arith.remsi %select_n3A_296, %select_n3A_321 : i32
          %ne3A_323 = arith.constant 0 : i32
          %ne3A_324 = arith.cmpi ne, %rem3A_322, %ne3A_323 : i32
          %lt3A_325 = arith.constant 0 : i32
          %lt3A_326 = arith.cmpi slt, %rem3A_322, %lt3A_325 : i32
          %lt3A_327 = arith.constant 0 : i32
          %lt3A_328 = arith.cmpi slt, %select_n3A_321, %lt3A_327 : i32
          %ne3A_329 = arith.xori %lt3A_326, %lt3A_328 : i1
          %and3A_330 = arith.andi %ne3A_329, %ne3A_324 : i1
          %add3A_331 = arith.addi %rem3A_322, %select_n3A_321 : i32
          %select_n3A_332 = arith.select %and3A_330, %add3A_331, %rem3A_322 : i32
          "tpu.region"() ({
            %run_scoped3A_333 = tpu.sem_alloc : memref<!tpu.dma_semaphore, #tpu.memory_space<semaphore_mem>>
            %dma_start3A_334 = arith.constant 0 : i32
            %dma_start3A_335 = arith.constant 0 : i32
            %dma_start3A_336 = tpu.memref_slice %arg8[%select_n3A_332, %dma_start3A_334, %dma_start3A_335] : memref<2x32x128xi32, #tpu.memory_space<vmem>> -> memref<1x32x128xi32, #tpu.memory_space<vmem>>
            %dma_start3A_337 = tpu.memref_squeeze %dma_start3A_336 : memref<1x32x128xi32, #tpu.memory_space<vmem>> -> memref<32x128xi32, #tpu.memory_space<vmem>>
            %dma_start3A_338 = arith.constant 0 : i32
            %dma_start3A_339 = tpu.memref_slice %arg4[%arg1, %mul3A_316, %dma_start3A_338] : memref<16x160x128xi32, #tpu.memory_space<hbm>> -> memref<1x32x128xi32, #tpu.memory_space<hbm>>
            %dma_start3A_340 = tpu.memref_squeeze %dma_start3A_339 : memref<1x32x128xi32, #tpu.memory_space<hbm>> -> memref<32x128xi32, #tpu.memory_space<hbm>>
            %dma_start3A_341 = arith.constant 0 : i32
            %dma_start3A_342 = arith.constant 0 : i32
            %dma_start3A_343 = tpu.memref_slice %arg8[%select_n3A_332, %dma_start3A_341, %dma_start3A_342] : memref<2x32x128xi32, #tpu.memory_space<vmem>> -> memref<1x32x128xi32, #tpu.memory_space<vmem>>
            %dma_start3A_344 = tpu.memref_squeeze %dma_start3A_343 : memref<1x32x128xi32, #tpu.memory_space<vmem>> -> memref<32x128xi32, #tpu.memory_space<vmem>>
            %dma_start3A_345 = arith.constant 0 : i32
            %dma_start3A_346 = tpu.memref_slice %arg4[%arg1, %mul3A_316, %dma_start3A_345] : memref<16x160x128xi32, #tpu.memory_space<hbm>> -> memref<1x32x128xi32, #tpu.memory_space<hbm>>
            %dma_start3A_347 = tpu.memref_squeeze %dma_start3A_346 : memref<1x32x128xi32, #tpu.memory_space<hbm>> -> memref<32x128xi32, #tpu.memory_space<hbm>>
            tpu.enqueue_dma source(%dma_start3A_347 : memref<32x128xi32, #tpu.memory_space<hbm>>) target(%dma_start3A_344 : memref<32x128xi32, #tpu.memory_space<vmem>>) target_semaphore(%run_scoped3A_333 : memref<!tpu.dma_semaphore, #tpu.memory_space<semaphore_mem>>)
            %dma_wait3A_348 = arith.constant 0 : i32
            %dma_wait3A_349 = arith.constant 0 : i32
            %dma_wait3A_350 = tpu.memref_slice %arg8[%select_n3A_332, %dma_wait3A_348, %dma_wait3A_349] : memref<2x32x128xi32, #tpu.memory_space<vmem>> -> memref<1x32x128xi32, #tpu.memory_space<vmem>>
            %dma_wait3A_351 = tpu.memref_squeeze %dma_wait3A_350 : memref<1x32x128xi32, #tpu.memory_space<vmem>> -> memref<32x128xi32, #tpu.memory_space<vmem>>
            %dma_wait3A_352 = arith.constant 0 : i32
            %dma_wait3A_353 = tpu.memref_slice %arg4[%arg1, %mul3A_316, %dma_wait3A_352] : memref<16x160x128xi32, #tpu.memory_space<hbm>> -> memref<1x32x128xi32, #tpu.memory_space<hbm>>
            %dma_wait3A_354 = tpu.memref_squeeze %dma_wait3A_353 : memref<1x32x128xi32, #tpu.memory_space<hbm>> -> memref<32x128xi32, #tpu.memory_space<hbm>>
            %dma_wait3A_355 = arith.constant 0 : i32
            %dma_wait3A_356 = arith.constant 0 : i32
            %dma_wait3A_357 = tpu.memref_slice %arg8[%select_n3A_332, %dma_wait3A_355, %dma_wait3A_356] : memref<2x32x128xi32, #tpu.memory_space<vmem>> -> memref<1x32x128xi32, #tpu.memory_space<vmem>>
            %dma_wait3A_358 = tpu.memref_squeeze %dma_wait3A_357 : memref<1x32x128xi32, #tpu.memory_space<vmem>> -> memref<32x128xi32, #tpu.memory_space<vmem>>
            %dma_wait3A_359 = arith.constant 0 : i32
            %dma_wait3A_360 = tpu.memref_slice %arg4[%arg1, %mul3A_316, %dma_wait3A_359] : memref<16x160x128xi32, #tpu.memory_space<hbm>> -> memref<1x32x128xi32, #tpu.memory_space<hbm>>
            %dma_wait3A_361 = tpu.memref_squeeze %dma_wait3A_360 : memref<1x32x128xi32, #tpu.memory_space<hbm>> -> memref<32x128xi32, #tpu.memory_space<hbm>>
            tpu.wait_dma2 semaphore(%run_scoped3A_333 : memref<!tpu.dma_semaphore, #tpu.memory_space<semaphore_mem>>) src(%dma_wait3A_361 : memref<32x128xi32, #tpu.memory_space<hbm>>) dst(%dma_wait3A_358 : memref<32x128xi32, #tpu.memory_space<vmem>>)
            tpu.yield
          }) : () -> ()
        } else {
        }
        %jit3A_211 = arith.constant 32 : i32
        %div3A_212 = arith.divsi %add3A_178, %jit3A_211 : i32
        %sign3A_213 = arith.constant 0 : i32
        %sign3A_214 = arith.cmpi sgt, %add3A_178, %sign3A_213 : i32
        %sign3A_215 = arith.extui %sign3A_214 : i1 to i32
        %sign3A_216 = arith.constant 0 : i32
        %sign3A_217 = arith.cmpi slt, %add3A_178, %sign3A_216 : i32
        %sign3A_218 = arith.extui %sign3A_217 : i1 to i32
        %sign3A_219 = arith.subi %sign3A_215, %sign3A_218 : i32
        %sign3A_220 = arith.constant 0 : i32
        %sign3A_221 = arith.cmpi sgt, %jit3A_211, %sign3A_220 : i32
        %sign3A_222 = arith.extui %sign3A_221 : i1 to i32
        %sign3A_223 = arith.constant 0 : i32
        %sign3A_224 = arith.cmpi slt, %jit3A_211, %sign3A_223 : i32
        %sign3A_225 = arith.extui %sign3A_224 : i1 to i32
        %sign3A_226 = arith.subi %sign3A_222, %sign3A_225 : i32
        %ne3A_227 = arith.cmpi ne, %sign3A_219, %sign3A_226 : i32
        %rem3A_228 = arith.remsi %add3A_178, %jit3A_211 : i32
        %ne3A_229 = arith.constant 0 : i32
        %ne3A_230 = arith.cmpi ne, %rem3A_228, %ne3A_229 : i32
        %and3A_231 = arith.andi %ne3A_227, %ne3A_230 : i1
        %sub3A_232 = arith.constant 1 : i32
        %sub3A_233 = arith.subi %div3A_212, %sub3A_232 : i32
        %select_n3A_234 = arith.select %and3A_231, %sub3A_233, %div3A_212 : i32
        %jit3A_235 = arith.constant 2 : i32
        %eq3A_236 = arith.constant 0 : i32
        %eq3A_237 = arith.cmpi eq, %jit3A_235, %eq3A_236 : i32
        %jit3A_238 = arith.constant 1 : i32
        %select_n3A_239 = arith.select %eq3A_237, %jit3A_238, %jit3A_235 : i32
        %rem3A_240 = arith.remsi %select_n3A_234, %select_n3A_239 : i32
        %ne3A_241 = arith.constant 0 : i32
        %ne3A_242 = arith.cmpi ne, %rem3A_240, %ne3A_241 : i32
        %lt3A_243 = arith.constant 0 : i32
        %lt3A_244 = arith.cmpi slt, %rem3A_240, %lt3A_243 : i32
        %lt3A_245 = arith.constant 0 : i32
        %lt3A_246 = arith.cmpi slt, %select_n3A_239, %lt3A_245 : i32
        %ne3A_247 = arith.xori %lt3A_244, %lt3A_246 : i1
        %and3A_248 = arith.andi %ne3A_247, %ne3A_242 : i1
        %add3A_249 = arith.addi %rem3A_240, %select_n3A_239 : i32
        %select_n3A_250 = arith.select %and3A_248, %add3A_249, %rem3A_240 : i32
        %jit3A_251 = arith.constant 32 : i32
        %eq3A_252 = arith.constant 0 : i32
        %eq3A_253 = arith.cmpi eq, %jit3A_251, %eq3A_252 : i32
        %jit3A_254 = arith.constant 1 : i32
        %select_n3A_255 = arith.select %eq3A_253, %jit3A_254, %jit3A_251 : i32
        %rem3A_256 = arith.remsi %add3A_178, %select_n3A_255 : i32
        %ne3A_257 = arith.constant 0 : i32
        %ne3A_258 = arith.cmpi ne, %rem3A_256, %ne3A_257 : i32
        %lt3A_259 = arith.constant 0 : i32
        %lt3A_260 = arith.cmpi slt, %rem3A_256, %lt3A_259 : i32
        %lt3A_261 = arith.constant 0 : i32
        %lt3A_262 = arith.cmpi slt, %select_n3A_255, %lt3A_261 : i32
        %ne3A_263 = arith.xori %lt3A_260, %lt3A_262 : i1
        %and3A_264 = arith.andi %ne3A_263, %ne3A_258 : i1
        %add3A_265 = arith.addi %rem3A_256, %select_n3A_255 : i32
        %select_n3A_266 = arith.select %and3A_264, %add3A_265, %rem3A_256 : i32
        %dma_start3A_267 = arith.constant 0 : i32
        %dma_start3A_268 = tpu.memref_slice %arg7[%select_n3A_250, %select_n3A_266, %dma_start3A_267] : memref<2x32x128xi32, #tpu.memory_space<vmem>> -> memref<1x1x128xi32, #tpu.memory_space<vmem>>
        %dma_start3A_269 = tpu.memref_squeeze %dma_start3A_268 : memref<1x1x128xi32, #tpu.memory_space<vmem>> -> memref<128xi32, #tpu.memory_space<vmem>>
        %dma_start3A_270 = arith.constant 0 : i32
        %dma_start3A_271 = arith.constant 0 : i32
        %dma_start3A_272 = tpu.memref_slice %arg2[%dma_start3A_270, %dma_start3A_271] : memref<20000x128xf32, #tpu.memory_space<hbm>> -> memref<20000x128xf32, #tpu.memory_space<hbm>>
        tpu.enqueue_indirect_dma source(%dma_start3A_272 : memref<20000x128xf32, #tpu.memory_space<hbm>>) target(%arg9 : memref<128x128xf32, #tpu.memory_space<vmem>>) offsets(%dma_start3A_269 : memref<128xi32, #tpu.memory_space<vmem>>) semaphore(%arg12 : memref<!tpu.dma_semaphore, #tpu.memory_space<semaphore_mem>>)
      } else {
      }
    }
    %scan3A_13 = arith.constant 80 : i32
    %dma_wait3A = arith.constant 0 : i32
    %dma_wait3A_14 = arith.constant 0 : i32
    %dma_wait3A_15 = tpu.memref_slice %arg11[%dma_wait3A, %dma_wait3A_14] : memref<10112x128xf32, #tpu.memory_space<vmem_shared>> -> memref<128x128xf32, #tpu.memory_space<vmem_shared>>
    %dma_wait3A_16 = arith.constant 0 : i32
    %dma_wait3A_17 = arith.constant 0 : i32
    %dma_wait3A_18 = tpu.memref_slice %arg11[%dma_wait3A_16, %dma_wait3A_17] : memref<10112x128xf32, #tpu.memory_space<vmem_shared>> -> memref<128x128xf32, #tpu.memory_space<vmem_shared>>
    tpu.wait_dma2 semaphore(%arg14 : memref<!tpu.dma_semaphore, #tpu.memory_space<semaphore_mem>>) src(%arg9 : memref<128x128xf32, #tpu.memory_space<vmem>>) dst(%dma_wait3A_18 : memref<128x128xf32, #tpu.memory_space<vmem_shared>>)
    %dma_wait3A_19 = arith.constant 0 : i32
    %dma_wait3A_20 = arith.constant 0 : i32
    %dma_wait3A_21 = tpu.memref_slice %arg11[%dma_wait3A_19, %dma_wait3A_20] : memref<10112x128xf32, #tpu.memory_space<vmem_shared>> -> memref<128x128xf32, #tpu.memory_space<vmem_shared>>
    %dma_wait3A_22 = arith.constant 0 : i32
    %dma_wait3A_23 = arith.constant 0 : i32
    %dma_wait3A_24 = tpu.memref_slice %arg11[%dma_wait3A_22, %dma_wait3A_23] : memref<10112x128xf32, #tpu.memory_space<vmem_shared>> -> memref<128x128xf32, #tpu.memory_space<vmem_shared>>
    tpu.wait_dma2 semaphore(%arg15 : memref<!tpu.dma_semaphore, #tpu.memory_space<semaphore_mem>>) src(%arg10 : memref<128x128xf32, #tpu.memory_space<vmem>>) dst(%dma_wait3A_24 : memref<128x128xf32, #tpu.memory_space<vmem_shared>>)
    %barrier3A_25 = arith.constant 0 : index
    tpu.barrier barrier_id(%barrier3A_25)
    %lt3A = arith.constant 15 : i32
    %lt3A_26 = arith.cmpi slt, %arg1, %lt3A : i32
    %convert_element_type3A = arith.extui %lt3A_26 : i1 to i32
    %cond3A = arith.constant 0 : i32
    %cond3A_27 = arith.cmpi ne, %convert_element_type3A, %cond3A : i32
    scf.if %cond3A_27 {
      %mul3A_32 = arith.constant 640 : i32
      %mul3A_33 = arith.muli %arg1, %mul3A_32 : i32
      %mul3A_34 = arith.constant 640 : i32
      %mul3A_35 = arith.muli %arg1, %mul3A_34 : i32
      "tpu.region"() ({
        %run_scoped3A_36 = tpu.sem_alloc : memref<!tpu.dma_semaphore, #tpu.memory_space<semaphore_mem>>
        %dma_start3A_37 = arith.constant 0 : i32
        %dma_start3A_38 = tpu.memref_slice %arg6[%arg0, %mul3A_35, %dma_start3A_37] : memref<2x10000x128xf32, #tpu.memory_space<hbm>> -> memref<1x640x128xf32, #tpu.memory_space<hbm>>
        %dma_start3A_39 = tpu.memref_squeeze %dma_start3A_38 : memref<1x640x128xf32, #tpu.memory_space<hbm>> -> memref<640x128xf32, #tpu.memory_space<hbm>>
        %dma_start3A_40 = arith.constant 0 : i32
        %dma_start3A_41 = tpu.memref_slice %arg11[%mul3A_33, %dma_start3A_40] : memref<10112x128xf32, #tpu.memory_space<vmem_shared>> -> memref<640x128xf32, #tpu.memory_space<vmem_shared>>
        tpu.enqueue_dma source(%dma_start3A_41 : memref<640x128xf32, #tpu.memory_space<vmem_shared>>) target(%dma_start3A_39 : memref<640x128xf32, #tpu.memory_space<hbm>>) target_semaphore(%run_scoped3A_36 : memref<!tpu.dma_semaphore, #tpu.memory_space<semaphore_mem>>)
        %dma_wait3A_42 = arith.constant 0 : i32
        %dma_wait3A_43 = tpu.memref_slice %arg6[%arg0, %mul3A_35, %dma_wait3A_42] : memref<2x10000x128xf32, #tpu.memory_space<hbm>> -> memref<1x640x128xf32, #tpu.memory_space<hbm>>
        %dma_wait3A_44 = tpu.memref_squeeze %dma_wait3A_43 : memref<1x640x128xf32, #tpu.memory_space<hbm>> -> memref<640x128xf32, #tpu.memory_space<hbm>>
        %dma_wait3A_45 = arith.constant 0 : i32
        %dma_wait3A_46 = tpu.memref_slice %arg11[%mul3A_33, %dma_wait3A_45] : memref<10112x128xf32, #tpu.memory_space<vmem_shared>> -> memref<640x128xf32, #tpu.memory_space<vmem_shared>>
        tpu.wait_dma2 semaphore(%run_scoped3A_36 : memref<!tpu.dma_semaphore, #tpu.memory_space<semaphore_mem>>) src(%dma_wait3A_46 : memref<640x128xf32, #tpu.memory_space<vmem_shared>>) dst(%dma_wait3A_44 : memref<640x128xf32, #tpu.memory_space<hbm>>)
        tpu.yield
      }) : () -> ()
    } else {
    }
    %eq3A = arith.constant 15 : i32
    %eq3A_28 = arith.cmpi eq, %arg1, %eq3A : i32
    %convert_element_type3A_29 = arith.extui %eq3A_28 : i1 to i32
    %cond3A_30 = arith.constant 0 : i32
    %cond3A_31 = arith.cmpi ne, %convert_element_type3A_29, %cond3A_30 : i32
    scf.if %cond3A_31 {
      "tpu.region"() ({
        %run_scoped3A_32 = tpu.sem_alloc : memref<!tpu.dma_semaphore, #tpu.memory_space<semaphore_mem>>
        %dma_start3A_33 = arith.constant 9600 : i32
        %dma_start3A_34 = arith.constant 0 : i32
        %dma_start3A_35 = tpu.memref_slice %arg6[%arg0, %dma_start3A_33, %dma_start3A_34] : memref<2x10000x128xf32, #tpu.memory_space<hbm>> -> memref<1x400x128xf32, #tpu.memory_space<hbm>>
        %dma_start3A_36 = tpu.memref_squeeze %dma_start3A_35 : memref<1x400x128xf32, #tpu.memory_space<hbm>> -> memref<400x128xf32, #tpu.memory_space<hbm>>
        %dma_start3A_37 = arith.constant 9600 : i32
        %dma_start3A_38 = arith.constant 0 : i32
        %dma_start3A_39 = tpu.memref_slice %arg11[%dma_start3A_37, %dma_start3A_38] : memref<10112x128xf32, #tpu.memory_space<vmem_shared>> -> memref<400x128xf32, #tpu.memory_space<vmem_shared>>
        tpu.enqueue_dma source(%dma_start3A_39 : memref<400x128xf32, #tpu.memory_space<vmem_shared>>) target(%dma_start3A_36 : memref<400x128xf32, #tpu.memory_space<hbm>>) target_semaphore(%run_scoped3A_32 : memref<!tpu.dma_semaphore, #tpu.memory_space<semaphore_mem>>)
        %dma_wait3A_40 = arith.constant 9600 : i32
        %dma_wait3A_41 = arith.constant 0 : i32
        %dma_wait3A_42 = tpu.memref_slice %arg6[%arg0, %dma_wait3A_40, %dma_wait3A_41] : memref<2x10000x128xf32, #tpu.memory_space<hbm>> -> memref<1x400x128xf32, #tpu.memory_space<hbm>>
        %dma_wait3A_43 = tpu.memref_squeeze %dma_wait3A_42 : memref<1x400x128xf32, #tpu.memory_space<hbm>> -> memref<400x128xf32, #tpu.memory_space<hbm>>
        %dma_wait3A_44 = arith.constant 9600 : i32
        %dma_wait3A_45 = arith.constant 0 : i32
        %dma_wait3A_46 = tpu.memref_slice %arg11[%dma_wait3A_44, %dma_wait3A_45] : memref<10112x128xf32, #tpu.memory_space<vmem_shared>> -> memref<400x128xf32, #tpu.memory_space<vmem_shared>>
        tpu.wait_dma2 semaphore(%run_scoped3A_32 : memref<!tpu.dma_semaphore, #tpu.memory_space<semaphore_mem>>) src(%dma_wait3A_46 : memref<400x128xf32, #tpu.memory_space<vmem_shared>>) dst(%dma_wait3A_43 : memref<400x128xf32, #tpu.memory_space<hbm>>)
        tpu.yield
      }) : () -> ()
    } else {
    }
    return
  }
}

#map = affine_map<(d0, d1) -> (0, 0, 0)>
#map1 = affine_map<(d0, d1) -> (0, 0)>
module attributes {stable_mosaic.version = 14 : i64} {
  func.func @k(%arg0: i32, %arg1: i32, %arg2: memref<32x79x128xi32, #tpu.memory_space<hbm>>, %arg3: memref<640x128xf32, #tpu.memory_space<hbm>>, %arg4: memref<2x10000x128xf32, #tpu.memory_space<hbm>>, %arg5: memref<79x128xi32, #tpu.memory_space<vmem>>, %arg6: memref<128x128xf32, #tpu.memory_space<vmem>>, %arg7: memref<10240x128xf32, #tpu.memory_space<vmem_shared>>) attributes {dimension_semantics = [#tpu.dimension_semantics<core_parallel>, #tpu.dimension_semantics<subcore_parallel>], iteration_bounds = array<i64: 2, 16>, scalar_prefetch = 0 : i64, scratch_operands = 3 : i64, tpu.core_type = #tpu.core_type<sc_vector_subcore>, window_params = [{transform_indices = #map}, {transform_indices = #map1}, {transform_indices = #map}]} {
    %mul3A = arith.constant 16 : i32
    %mul3A_0 = arith.muli %arg0, %mul3A : i32
    %add3A = arith.addi %mul3A_0, %arg1 : i32
    "tpu.region"() ({
      %run_scoped3A = tpu.sem_alloc : memref<!tpu.dma_semaphore, #tpu.memory_space<semaphore_mem>>
      %dma_start3A = arith.constant 0 : i32
      %dma_start3A_21 = arith.constant 0 : i32
      %dma_start3A_22 = tpu.memref_slice %arg2[%add3A, %dma_start3A, %dma_start3A_21] : memref<32x79x128xi32, #tpu.memory_space<hbm>> -> memref<1x79x128xi32, #tpu.memory_space<hbm>>
      %dma_start3A_23 = tpu.memref_squeeze %dma_start3A_22 : memref<1x79x128xi32, #tpu.memory_space<hbm>> -> memref<79x128xi32, #tpu.memory_space<hbm>>
      %dma_start3A_24 = arith.constant 0 : i32
      %dma_start3A_25 = arith.constant 0 : i32
      %dma_start3A_26 = tpu.memref_slice %arg2[%add3A, %dma_start3A_24, %dma_start3A_25] : memref<32x79x128xi32, #tpu.memory_space<hbm>> -> memref<1x79x128xi32, #tpu.memory_space<hbm>>
      %dma_start3A_27 = tpu.memref_squeeze %dma_start3A_26 : memref<1x79x128xi32, #tpu.memory_space<hbm>> -> memref<79x128xi32, #tpu.memory_space<hbm>>
      tpu.enqueue_dma source(%dma_start3A_27 : memref<79x128xi32, #tpu.memory_space<hbm>>) target(%arg5 : memref<79x128xi32, #tpu.memory_space<vmem>>) target_semaphore(%run_scoped3A : memref<!tpu.dma_semaphore, #tpu.memory_space<semaphore_mem>>)
      %dma_wait3A = arith.constant 0 : i32
      %dma_wait3A_28 = arith.constant 0 : i32
      %dma_wait3A_29 = tpu.memref_slice %arg2[%add3A, %dma_wait3A, %dma_wait3A_28] : memref<32x79x128xi32, #tpu.memory_space<hbm>> -> memref<1x79x128xi32, #tpu.memory_space<hbm>>
      %dma_wait3A_30 = tpu.memref_squeeze %dma_wait3A_29 : memref<1x79x128xi32, #tpu.memory_space<hbm>> -> memref<79x128xi32, #tpu.memory_space<hbm>>
      %dma_wait3A_31 = arith.constant 0 : i32
      %dma_wait3A_32 = arith.constant 0 : i32
      %dma_wait3A_33 = tpu.memref_slice %arg2[%add3A, %dma_wait3A_31, %dma_wait3A_32] : memref<32x79x128xi32, #tpu.memory_space<hbm>> -> memref<1x79x128xi32, #tpu.memory_space<hbm>>
      %dma_wait3A_34 = tpu.memref_squeeze %dma_wait3A_33 : memref<1x79x128xi32, #tpu.memory_space<hbm>> -> memref<79x128xi32, #tpu.memory_space<hbm>>
      tpu.wait_dma2 semaphore(%run_scoped3A : memref<!tpu.dma_semaphore, #tpu.memory_space<semaphore_mem>>) src(%dma_wait3A_34 : memref<79x128xi32, #tpu.memory_space<hbm>>) dst(%arg5 : memref<79x128xi32, #tpu.memory_space<vmem>>)
      tpu.yield
    }) : () -> ()
    %scan3A = arith.constant 0 : i32
    %scan3A_1 = arith.constant 0 : i32
    %scan3A_2 = arith.constant 128 : i32
    %scan3A_3 = arith.addi %scan3A_1, %scan3A_2 : i32
    %scan3A_4 = arith.constant 1 : i32
    scf.for %scan3A_21 = %scan3A_1 to %scan3A_3 step %scan3A_4  : i32 {
      %broadcast_in_dim3A = arith.constant 1.000000e+00 : f32
      %broadcast_in_dim3A_22 = vector.broadcast %broadcast_in_dim3A : f32 to vector<16xf32>
      %swap3A = arith.index_cast %scan3A_21 : i32 to index
      %swap3A_23 = arith.constant 0 : index
      %swap3A_24 = tpu.vector_load %arg6[%swap3A, %swap3A_23] {strides = array<i32>} : memref<128x128xf32, #tpu.memory_space<vmem>>, vector<1x16xf32>,
      %swap3A_25 = vector.shape_cast %swap3A_24 : vector<1x16xf32> to vector<16xf32>
      %swap3A_26 = vector.shape_cast %broadcast_in_dim3A_22 : vector<16xf32> to vector<1x16xf32>
      tpu.vector_store %arg6[%swap3A, %swap3A_23], %swap3A_26 {strides = array<i32>} : memref<128x128xf32, #tpu.memory_space<vmem>>, vector<1x16xf32>,
      %broadcast_in_dim3A_27 = arith.constant 1.000000e+00 : f32
      %broadcast_in_dim3A_28 = vector.broadcast %broadcast_in_dim3A_27 : f32 to vector<16xf32>
      %swap3A_29 = arith.index_cast %scan3A_21 : i32 to index
      %swap3A_30 = arith.constant 16 : index
      %swap3A_31 = tpu.vector_load %arg6[%swap3A_29, %swap3A_30] {strides = array<i32>} : memref<128x128xf32, #tpu.memory_space<vmem>>, vector<1x16xf32>,
      %swap3A_32 = vector.shape_cast %swap3A_31 : vector<1x16xf32> to vector<16xf32>
      %swap3A_33 = vector.shape_cast %broadcast_in_dim3A_28 : vector<16xf32> to vector<1x16xf32>
      tpu.vector_store %arg6[%swap3A_29, %swap3A_30], %swap3A_33 {strides = array<i32>} : memref<128x128xf32, #tpu.memory_space<vmem>>, vector<1x16xf32>,
      %broadcast_in_dim3A_34 = arith.constant 1.000000e+00 : f32
      %broadcast_in_dim3A_35 = vector.broadcast %broadcast_in_dim3A_34 : f32 to vector<16xf32>
      %swap3A_36 = arith.index_cast %scan3A_21 : i32 to index
      %swap3A_37 = arith.constant 32 : index
      %swap3A_38 = tpu.vector_load %arg6[%swap3A_36, %swap3A_37] {strides = array<i32>} : memref<128x128xf32, #tpu.memory_space<vmem>>, vector<1x16xf32>,
      %swap3A_39 = vector.shape_cast %swap3A_38 : vector<1x16xf32> to vector<16xf32>
      %swap3A_40 = vector.shape_cast %broadcast_in_dim3A_35 : vector<16xf32> to vector<1x16xf32>
      tpu.vector_store %arg6[%swap3A_36, %swap3A_37], %swap3A_40 {strides = array<i32>} : memref<128x128xf32, #tpu.memory_space<vmem>>, vector<1x16xf32>,
      %broadcast_in_dim3A_41 = arith.constant 1.000000e+00 : f32
      %broadcast_in_dim3A_42 = vector.broadcast %broadcast_in_dim3A_41 : f32 to vector<16xf32>
      %swap3A_43 = arith.index_cast %scan3A_21 : i32 to index
      %swap3A_44 = arith.constant 48 : index
      %swap3A_45 = tpu.vector_load %arg6[%swap3A_43, %swap3A_44] {strides = array<i32>} : memref<128x128xf32, #tpu.memory_space<vmem>>, vector<1x16xf32>,
      %swap3A_46 = vector.shape_cast %swap3A_45 : vector<1x16xf32> to vector<16xf32>
      %swap3A_47 = vector.shape_cast %broadcast_in_dim3A_42 : vector<16xf32> to vector<1x16xf32>
      tpu.vector_store %arg6[%swap3A_43, %swap3A_44], %swap3A_47 {strides = array<i32>} : memref<128x128xf32, #tpu.memory_space<vmem>>, vector<1x16xf32>,
      %broadcast_in_dim3A_48 = arith.constant 1.000000e+00 : f32
      %broadcast_in_dim3A_49 = vector.broadcast %broadcast_in_dim3A_48 : f32 to vector<16xf32>
      %swap3A_50 = arith.index_cast %scan3A_21 : i32 to index
      %swap3A_51 = arith.constant 64 : index
      %swap3A_52 = tpu.vector_load %arg6[%swap3A_50, %swap3A_51] {strides = array<i32>} : memref<128x128xf32, #tpu.memory_space<vmem>>, vector<1x16xf32>,
      %swap3A_53 = vector.shape_cast %swap3A_52 : vector<1x16xf32> to vector<16xf32>
      %swap3A_54 = vector.shape_cast %broadcast_in_dim3A_49 : vector<16xf32> to vector<1x16xf32>
      tpu.vector_store %arg6[%swap3A_50, %swap3A_51], %swap3A_54 {strides = array<i32>} : memref<128x128xf32, #tpu.memory_space<vmem>>, vector<1x16xf32>,
      %broadcast_in_dim3A_55 = arith.constant 1.000000e+00 : f32
      %broadcast_in_dim3A_56 = vector.broadcast %broadcast_in_dim3A_55 : f32 to vector<16xf32>
      %swap3A_57 = arith.index_cast %scan3A_21 : i32 to index
      %swap3A_58 = arith.constant 80 : index
      %swap3A_59 = tpu.vector_load %arg6[%swap3A_57, %swap3A_58] {strides = array<i32>} : memref<128x128xf32, #tpu.memory_space<vmem>>, vector<1x16xf32>,
      %swap3A_60 = vector.shape_cast %swap3A_59 : vector<1x16xf32> to vector<16xf32>
      %swap3A_61 = vector.shape_cast %broadcast_in_dim3A_56 : vector<16xf32> to vector<1x16xf32>
      tpu.vector_store %arg6[%swap3A_57, %swap3A_58], %swap3A_61 {strides = array<i32>} : memref<128x128xf32, #tpu.memory_space<vmem>>, vector<1x16xf32>,
      %broadcast_in_dim3A_62 = arith.constant 1.000000e+00 : f32
      %broadcast_in_dim3A_63 = vector.broadcast %broadcast_in_dim3A_62 : f32 to vector<16xf32>
      %swap3A_64 = arith.index_cast %scan3A_21 : i32 to index
      %swap3A_65 = arith.constant 96 : index
      %swap3A_66 = tpu.vector_load %arg6[%swap3A_64, %swap3A_65] {strides = array<i32>} : memref<128x128xf32, #tpu.memory_space<vmem>>, vector<1x16xf32>,
      %swap3A_67 = vector.shape_cast %swap3A_66 : vector<1x16xf32> to vector<16xf32>
      %swap3A_68 = vector.shape_cast %broadcast_in_dim3A_63 : vector<16xf32> to vector<1x16xf32>
      tpu.vector_store %arg6[%swap3A_64, %swap3A_65], %swap3A_68 {strides = array<i32>} : memref<128x128xf32, #tpu.memory_space<vmem>>, vector<1x16xf32>,
      %broadcast_in_dim3A_69 = arith.constant 1.000000e+00 : f32
      %broadcast_in_dim3A_70 = vector.broadcast %broadcast_in_dim3A_69 : f32 to vector<16xf32>
      %swap3A_71 = arith.index_cast %scan3A_21 : i32 to index
      %swap3A_72 = arith.constant 112 : index
      %swap3A_73 = tpu.vector_load %arg6[%swap3A_71, %swap3A_72] {strides = array<i32>} : memref<128x128xf32, #tpu.memory_space<vmem>>, vector<1x16xf32>,
      %swap3A_74 = vector.shape_cast %swap3A_73 : vector<1x16xf32> to vector<16xf32>
      %swap3A_75 = vector.shape_cast %broadcast_in_dim3A_70 : vector<16xf32> to vector<1x16xf32>
      tpu.vector_store %arg6[%swap3A_71, %swap3A_72], %swap3A_75 {strides = array<i32>} : memref<128x128xf32, #tpu.memory_space<vmem>>, vector<1x16xf32>,
    }
    %scan3A_5 = arith.constant 128 : i32
    %mul3A_6 = arith.constant 640 : i32
    %mul3A_7 = arith.muli %arg1, %mul3A_6 : i32
    "tpu.region"() ({
      %run_scoped3A = tpu.sem_alloc : memref<!tpu.dma_semaphore, #tpu.memory_space<semaphore_mem>>
      %dma_start3A = arith.constant 0 : i32
      %dma_start3A_21 = tpu.memref_slice %arg7[%mul3A_7, %dma_start3A] : memref<10240x128xf32, #tpu.memory_space<vmem_shared>> -> memref<640x128xf32, #tpu.memory_space<vmem_shared>>
      tpu.enqueue_dma source(%arg3 : memref<640x128xf32, #tpu.memory_space<hbm>>) target(%dma_start3A_21 : memref<640x128xf32, #tpu.memory_space<vmem_shared>>) target_semaphore(%run_scoped3A : memref<!tpu.dma_semaphore, #tpu.memory_space<semaphore_mem>>)
      %dma_wait3A = arith.constant 0 : i32
      %dma_wait3A_22 = tpu.memref_slice %arg7[%mul3A_7, %dma_wait3A] : memref<10240x128xf32, #tpu.memory_space<vmem_shared>> -> memref<640x128xf32, #tpu.memory_space<vmem_shared>>
      tpu.wait_dma2 semaphore(%run_scoped3A : memref<!tpu.dma_semaphore, #tpu.memory_space<semaphore_mem>>) src(%arg3 : memref<640x128xf32, #tpu.memory_space<hbm>>) dst(%dma_wait3A_22 : memref<640x128xf32, #tpu.memory_space<vmem_shared>>)
      tpu.yield
    }) : () -> ()
    %barrier3A = arith.constant 0 : index
    tpu.barrier barrier_id(%barrier3A)
    %scan3A_8 = arith.constant 0 : i32
    %scan3A_9 = arith.constant 0 : i32
    %scan3A_10 = arith.constant 79 : i32
    %scan3A_11 = arith.addi %scan3A_9, %scan3A_10 : i32
    %scan3A_12 = arith.constant 1 : i32
    scf.for %scan3A_21 = %scan3A_9 to %scan3A_11 step %scan3A_12  : i32 {
      "tpu.region"() ({
        %run_scoped3A = tpu.sem_alloc : memref<!tpu.dma_semaphore, #tpu.memory_space<semaphore_mem>>
        %dma_start3A = arith.constant 0 : i32
        %dma_start3A_22 = tpu.memref_slice %arg5[%scan3A_21, %dma_start3A] : memref<79x128xi32, #tpu.memory_space<vmem>> -> memref<1x128xi32, #tpu.memory_space<vmem>>
        %dma_start3A_23 = tpu.memref_squeeze %dma_start3A_22 : memref<1x128xi32, #tpu.memory_space<vmem>> -> memref<128xi32, #tpu.memory_space<vmem>>
        %dma_start3A_24 = arith.constant 0 : i32
        %dma_start3A_25 = arith.constant 0 : i32
        %dma_start3A_26 = tpu.memref_slice %arg7[%dma_start3A_24, %dma_start3A_25] : memref<10240x128xf32, #tpu.memory_space<vmem_shared>> -> memref<10240x128xf32, #tpu.memory_space<vmem_shared>>
        tpu.enqueue_indirect_dma source(%arg6 : memref<128x128xf32, #tpu.memory_space<vmem>>) target(%dma_start3A_26 : memref<10240x128xf32, #tpu.memory_space<vmem_shared>>) offsets(%dma_start3A_23 : memref<128xi32, #tpu.memory_space<vmem>>) semaphore(%run_scoped3A : memref<!tpu.dma_semaphore, #tpu.memory_space<semaphore_mem>>) {add = true}
        %dma_wait3A = arith.constant 0 : i32
        %dma_wait3A_27 = tpu.memref_slice %arg5[%scan3A_21, %dma_wait3A] : memref<79x128xi32, #tpu.memory_space<vmem>> -> memref<1x128xi32, #tpu.memory_space<vmem>>
        %dma_wait3A_28 = tpu.memref_squeeze %dma_wait3A_27 : memref<1x128xi32, #tpu.memory_space<vmem>> -> memref<128xi32, #tpu.memory_space<vmem>>
        %dma_wait3A_29 = arith.constant 0 : i32
        %dma_wait3A_30 = arith.constant 0 : i32
        %dma_wait3A_31 = tpu.memref_slice %arg7[%dma_wait3A_29, %dma_wait3A_30] : memref<10240x128xf32, #tpu.memory_space<vmem_shared>> -> memref<10240x128xf32, #tpu.memory_space<vmem_shared>>
        tpu.wait_indirect_dma semaphore(%run_scoped3A : memref<!tpu.dma_semaphore, #tpu.memory_space<semaphore_mem>>) src(%arg6 : memref<128x128xf32, #tpu.memory_space<vmem>>) dst(%dma_wait3A_31 : memref<10240x128xf32, #tpu.memory_space<vmem_shared>>)
        tpu.yield
      }) : () -> ()
    }
    %scan3A_13 = arith.constant 79 : i32
    %barrier3A_14 = arith.constant 0 : index
    tpu.barrier barrier_id(%barrier3A_14)
    %lt3A = arith.constant 15 : i32
    %lt3A_15 = arith.cmpi slt, %arg1, %lt3A : i32
    %convert_element_type3A = arith.extui %lt3A_15 : i1 to i32
    %cond3A = arith.constant 0 : i32
    %cond3A_16 = arith.cmpi ne, %convert_element_type3A, %cond3A : i32
    scf.if %cond3A_16 {
      %mul3A_21 = arith.constant 640 : i32
      %mul3A_22 = arith.muli %arg1, %mul3A_21 : i32
      %mul3A_23 = arith.constant 640 : i32
      %mul3A_24 = arith.muli %arg1, %mul3A_23 : i32
      "tpu.region"() ({
        %run_scoped3A = tpu.sem_alloc : memref<!tpu.dma_semaphore, #tpu.memory_space<semaphore_mem>>
        %dma_start3A = arith.constant 0 : i32
        %dma_start3A_25 = tpu.memref_slice %arg4[%arg0, %mul3A_24, %dma_start3A] : memref<2x10000x128xf32, #tpu.memory_space<hbm>> -> memref<1x640x128xf32, #tpu.memory_space<hbm>>
        %dma_start3A_26 = tpu.memref_squeeze %dma_start3A_25 : memref<1x640x128xf32, #tpu.memory_space<hbm>> -> memref<640x128xf32, #tpu.memory_space<hbm>>
        %dma_start3A_27 = arith.constant 0 : i32
        %dma_start3A_28 = tpu.memref_slice %arg7[%mul3A_22, %dma_start3A_27] : memref<10240x128xf32, #tpu.memory_space<vmem_shared>> -> memref<640x128xf32, #tpu.memory_space<vmem_shared>>
        tpu.enqueue_dma source(%dma_start3A_28 : memref<640x128xf32, #tpu.memory_space<vmem_shared>>) target(%dma_start3A_26 : memref<640x128xf32, #tpu.memory_space<hbm>>) target_semaphore(%run_scoped3A : memref<!tpu.dma_semaphore, #tpu.memory_space<semaphore_mem>>)
        %dma_wait3A = arith.constant 0 : i32
        %dma_wait3A_29 = tpu.memref_slice %arg4[%arg0, %mul3A_24, %dma_wait3A] : memref<2x10000x128xf32, #tpu.memory_space<hbm>> -> memref<1x640x128xf32, #tpu.memory_space<hbm>>
        %dma_wait3A_30 = tpu.memref_squeeze %dma_wait3A_29 : memref<1x640x128xf32, #tpu.memory_space<hbm>> -> memref<640x128xf32, #tpu.memory_space<hbm>>
        %dma_wait3A_31 = arith.constant 0 : i32
        %dma_wait3A_32 = tpu.memref_slice %arg7[%mul3A_22, %dma_wait3A_31] : memref<10240x128xf32, #tpu.memory_space<vmem_shared>> -> memref<640x128xf32, #tpu.memory_space<vmem_shared>>
        tpu.wait_dma2 semaphore(%run_scoped3A : memref<!tpu.dma_semaphore, #tpu.memory_space<semaphore_mem>>) src(%dma_wait3A_32 : memref<640x128xf32, #tpu.memory_space<vmem_shared>>) dst(%dma_wait3A_30 : memref<640x128xf32, #tpu.memory_space<hbm>>)
        tpu.yield
      }) : () -> ()
    } else {
    }
    %eq3A = arith.constant 15 : i32
    %eq3A_17 = arith.cmpi eq, %arg1, %eq3A : i32
    %convert_element_type3A_18 = arith.extui %eq3A_17 : i1 to i32
    %cond3A_19 = arith.constant 0 : i32
    %cond3A_20 = arith.cmpi ne, %convert_element_type3A_18, %cond3A_19 : i32
    scf.if %cond3A_20 {
      "tpu.region"() ({
        %run_scoped3A = tpu.sem_alloc : memref<!tpu.dma_semaphore, #tpu.memory_space<semaphore_mem>>
        %dma_start3A = arith.constant 9600 : i32
        %dma_start3A_21 = arith.constant 0 : i32
        %dma_start3A_22 = tpu.memref_slice %arg4[%arg0, %dma_start3A, %dma_start3A_21] : memref<2x10000x128xf32, #tpu.memory_space<hbm>> -> memref<1x400x128xf32, #tpu.memory_space<hbm>>
        %dma_start3A_23 = tpu.memref_squeeze %dma_start3A_22 : memref<1x400x128xf32, #tpu.memory_space<hbm>> -> memref<400x128xf32, #tpu.memory_space<hbm>>
        %dma_start3A_24 = arith.constant 9600 : i32
        %dma_start3A_25 = arith.constant 0 : i32
        %dma_start3A_26 = tpu.memref_slice %arg7[%dma_start3A_24, %dma_start3A_25] : memref<10240x128xf32, #tpu.memory_space<vmem_shared>> -> memref<400x128xf32, #tpu.memory_space<vmem_shared>>
        tpu.enqueue_dma source(%dma_start3A_26 : memref<400x128xf32, #tpu.memory_space<vmem_shared>>) target(%dma_start3A_23 : memref<400x128xf32, #tpu.memory_space<hbm>>) target_semaphore(%run_scoped3A : memref<!tpu.dma_semaphore, #tpu.memory_space<semaphore_mem>>)
        %dma_wait3A = arith.constant 9600 : i32
        %dma_wait3A_27 = arith.constant 0 : i32
        %dma_wait3A_28 = tpu.memref_slice %arg4[%arg0, %dma_wait3A, %dma_wait3A_27] : memref<2x10000x128xf32, #tpu.memory_space<hbm>> -> memref<1x400x128xf32, #tpu.memory_space<hbm>>
        %dma_wait3A_29 = tpu.memref_squeeze %dma_wait3A_28 : memref<1x400x128xf32, #tpu.memory_space<hbm>> -> memref<400x128xf32, #tpu.memory_space<hbm>>
        %dma_wait3A_30 = arith.constant 9600 : i32
        %dma_wait3A_31 = arith.constant 0 : i32
        %dma_wait3A_32 = tpu.memref_slice %arg7[%dma_wait3A_30, %dma_wait3A_31] : memref<10240x128xf32, #tpu.memory_space<vmem_shared>> -> memref<400x128xf32, #tpu.memory_space<vmem_shared>>
        tpu.wait_dma2 semaphore(%run_scoped3A : memref<!tpu.dma_semaphore, #tpu.memory_space<semaphore_mem>>) src(%dma_wait3A_32 : memref<400x128xf32, #tpu.memory_space<vmem_shared>>) dst(%dma_wait3A_29 : memref<400x128xf32, #tpu.memory_space<hbm>>)
        tpu.yield
      }) : () -> ()
    } else {
    }
    return
  }
}

module attributes {stable_mosaic.version = 14 : i64} {
  func.func @body(%arg0: i32, %arg1: memref<1000x128xf32, #tpu.memory_space<vmem>>, %arg2: memref<128x256xf32, #tpu.memory_space<vmem>>, %arg3: memref<1x256xf32, #tpu.memory_space<vmem>>, %arg4: memref<256x256xf32, #tpu.memory_space<vmem>>, %arg5: memref<1x256xf32, #tpu.memory_space<vmem>>, %arg6: memref<1000x256xf32, #tpu.memory_space<vmem>>) attributes {dimension_semantics = [#tpu.dimension_semantics<arbitrary>], iteration_bounds = array<i64: 10>, scalar_prefetch = 0 : i64, scratch_operands = 0 : i64, tpu.core_type = #tpu.core_type<tc>, window_params = [{transform_indices = @transform_0, window_bounds = array<i64: 1000, 128>}, {pipeline_mode = #tpu.pipeline_mode<synchronous>, transform_indices = @transform_1, window_bounds = array<i64: 128, 256>}, {pipeline_mode = #tpu.pipeline_mode<synchronous>, transform_indices = @transform_2, window_bounds = array<i64: 1, 256>}, {pipeline_mode = #tpu.pipeline_mode<synchronous>, transform_indices = @transform_3, window_bounds = array<i64: 256, 256>}, {pipeline_mode = #tpu.pipeline_mode<synchronous>, transform_indices = @transform_4, window_bounds = array<i64: 1, 256>}, {transform_indices = @transform_5, window_bounds = array<i64: 1000, 256>}]} {
    %get3A = arith.constant 0 : index
    %get3A_0 = arith.constant 0 : index
    %get3A_1 = vector.load %arg1[%get3A, %get3A_0] : memref<1000x128xf32, #tpu.memory_space<vmem>>, vector<1000x128xf32>
    %get3A_2 = arith.constant 0 : index
    %get3A_3 = arith.constant 0 : index
    %get3A_4 = vector.load %arg2[%get3A_2, %get3A_3] : memref<128x256xf32, #tpu.memory_space<vmem>>, vector<128x256xf32>
    %dot_general3A = arith.constant dense<0.000000e+00> : vector<1000x256xf32>
    %dot_general3A_5 = tpu.matmul %get3A_1, %get3A_4, %dot_general3A {dimension_numbers = #tpu.dot_dimension_numbers<[1], [0], [0], [1], [0, 0, 1, 1], [], []>, transpose_lhs_hint = false} : vector<1000x128xf32>, vector<128x256xf32>, vector<1000x256xf32> -> vector<1000x256xf32>
    %get3A_6 = arith.constant 0 : index
    %get3A_7 = arith.constant 0 : index
    %get3A_8 = vector.load %arg3[%get3A_6, %get3A_7] : memref<1x256xf32, #tpu.memory_space<vmem>>, vector<1x256xf32>
    %add3A = vector.broadcast %get3A_8 : vector<1x256xf32> to vector<1000x256xf32>
    %add3A_9 = arith.addf %dot_general3A_5, %add3A : vector<1000x256xf32>
    %max3A = arith.constant 0.000000e+00 : f32
    %max3A_10 = vector.broadcast %max3A : f32 to vector<1000x256xf32>
    %max3A_11 = arith.maximumf %add3A_9, %max3A_10 : vector<1000x256xf32>
    %get3A_12 = arith.constant 0 : index
    %get3A_13 = arith.constant 0 : index
    %get3A_14 = vector.load %arg4[%get3A_12, %get3A_13] : memref<256x256xf32, #tpu.memory_space<vmem>>, vector<256x256xf32>
    %dot_general3A_15 = arith.constant dense<0.000000e+00> : vector<1000x256xf32>
    %dot_general3A_16 = tpu.matmul %max3A_11, %get3A_14, %dot_general3A_15 {dimension_numbers = #tpu.dot_dimension_numbers<[1], [0], [0], [1], [0, 0, 1, 1], [], []>, transpose_lhs_hint = false} : vector<1000x256xf32>, vector<256x256xf32>, vector<1000x256xf32> -> vector<1000x256xf32>
    %get3A_17 = arith.constant 0 : index
    %get3A_18 = arith.constant 0 : index
    %get3A_19 = vector.load %arg5[%get3A_17, %get3A_18] : memref<1x256xf32, #tpu.memory_space<vmem>>, vector<1x256xf32>
    %add3A_20 = vector.broadcast %get3A_19 : vector<1x256xf32> to vector<1000x256xf32>
    %add3A_21 = arith.addf %dot_general3A_16, %add3A_20 : vector<1000x256xf32>
    %swap3A = arith.constant 0 : index
    %swap3A_22 = arith.constant 0 : index
    %swap3A_23 = vector.load %arg6[%swap3A, %swap3A_22] : memref<1000x256xf32, #tpu.memory_space<vmem>>, vector<1000x256xf32>
    tpu.vector_store %arg6[%swap3A, %swap3A_22], %add3A_21 {strides = array<i32>} : memref<1000x256xf32, #tpu.memory_space<vmem>>, vector<1000x256xf32>,
    return
  }
  func.func @transform_0(%arg0: i32) -> (i32, i32) {
    %c0_i32 = arith.constant 0 : i32
    %c0_i32_0 = arith.constant 0 : i32
    return %arg0, %c0_i32 : i32, i32
  }
  func.func @transform_1(%arg0: i32) -> (i32, i32) {
    %c0_i32 = arith.constant 0 : i32
    %c0_i32_0 = arith.constant 0 : i32
    %c0_i32_1 = arith.constant 0 : i32
    return %c0_i32, %c0_i32_0 : i32, i32
  }
  func.func @transform_2(%arg0: i32) -> (i32, i32) {
    %c0_i32 = arith.constant 0 : i32
    %c0_i32_0 = arith.constant 0 : i32
    %c0_i32_1 = arith.constant 0 : i32
    return %c0_i32, %c0_i32_0 : i32, i32
  }
  func.func @transform_3(%arg0: i32) -> (i32, i32) {
    %c0_i32 = arith.constant 0 : i32
    %c0_i32_0 = arith.constant 0 : i32
    %c0_i32_1 = arith.constant 0 : i32
    return %c0_i32, %c0_i32_0 : i32, i32
  }
  func.func @transform_4(%arg0: i32) -> (i32, i32) {
    %c0_i32 = arith.constant 0 : i32
    %c0_i32_0 = arith.constant 0 : i32
    %c0_i32_1 = arith.constant 0 : i32
    return %c0_i32, %c0_i32_0 : i32, i32
  }
  func.func @transform_5(%arg0: i32) -> (i32, i32) {
    %c0_i32 = arith.constant 0 : i32
    %c0_i32_0 = arith.constant 0 : i32
    return %arg0, %c0_i32 : i32, i32
  }
}

module attributes {stable_mosaic.version = 14 : i64} {
  func.func @body(%arg0: i32, %arg1: memref<1000x256xf32, #tpu.memory_space<vmem>>, %arg2: memref<2x1000x16xf32, #tpu.memory_space<vmem>>, %arg3: memref<256x256xf32, #tpu.memory_space<vmem>>, %arg4: memref<1000x2x128xf32, #tpu.memory_space<vmem>>, %arg5: memref<1000x16xf32, #tpu.memory_space<vmem>>) attributes {dimension_semantics = [#tpu.dimension_semantics<arbitrary>], iteration_bounds = array<i64: 10>, scalar_prefetch = 0 : i64, scratch_operands = 0 : i64, tpu.core_type = #tpu.core_type<tc>, window_params = [{transform_indices = @transform_0, window_bounds = array<i64: 1000, 256>}, {transform_indices = @transform_1, window_bounds = array<i64: 2, 1000, 16>}, {pipeline_mode = #tpu.pipeline_mode<synchronous>, transform_indices = @transform_2, window_bounds = array<i64: 256, 256>}, {transform_indices = @transform_3, window_bounds = array<i64: 1000, 2, 128>}, {transform_indices = @transform_4, window_bounds = array<i64: 1000, 16>}]} {
    %get3A = arith.constant 0 : index
    %get3A_0 = arith.constant 0 : index
    %get3A_1 = arith.constant 0 : index
    %get3A_2 = vector.load %arg2[%get3A, %get3A_0, %get3A_1] : memref<2x1000x16xf32, #tpu.memory_space<vmem>>, vector<1x1000x16xf32>
    %get3A_3 = vector.shape_cast %get3A_2 : vector<1x1000x16xf32> to vector<1000x16xf32>
    %get3A_4 = arith.constant 1 : index
    %get3A_5 = arith.constant 0 : index
    %get3A_6 = arith.constant 0 : index
    %get3A_7 = vector.load %arg2[%get3A_4, %get3A_5, %get3A_6] : memref<2x1000x16xf32, #tpu.memory_space<vmem>>, vector<1x1000x16xf32>
    %get3A_8 = vector.shape_cast %get3A_7 : vector<1x1000x16xf32> to vector<1000x16xf32>
    %add3A = arith.addf %get3A_3, %get3A_8 : vector<1000x16xf32>
    %add3A_9 = arith.constant 1.000000e+00 : f32
    %add3A_10 = vector.broadcast %add3A_9 : f32 to vector<1000x16xf32>
    %add3A_11 = arith.addf %add3A, %add3A_10 : vector<1000x16xf32>
    %rsqrt3A = math.rsqrt %add3A_11 : vector<1000x16xf32>
    %swap3A = arith.constant 0 : index
    %swap3A_12 = arith.constant 0 : index
    %swap3A_13 = vector.load %arg5[%swap3A, %swap3A_12] : memref<1000x16xf32, #tpu.memory_space<vmem>>, vector<1000x16xf32>
    tpu.vector_store %arg5[%swap3A, %swap3A_12], %rsqrt3A {strides = array<i32>} : memref<1000x16xf32, #tpu.memory_space<vmem>>, vector<1000x16xf32>,
    %get3A_14 = arith.constant 0 : index
    %get3A_15 = arith.constant 0 : index
    %get3A_16 = vector.load %arg1[%get3A_14, %get3A_15] : memref<1000x256xf32, #tpu.memory_space<vmem>>, vector<1000x256xf32>
    %get3A_17 = arith.constant 0 : index
    %get3A_18 = arith.constant 0 : index
    %get3A_19 = vector.load %arg3[%get3A_17, %get3A_18] : memref<256x256xf32, #tpu.memory_space<vmem>>, vector<256x256xf32>
    %dot_general3A = arith.constant dense<0.000000e+00> : vector<1000x256xf32>
    %dot_general3A_20 = tpu.matmul %get3A_16, %get3A_19, %dot_general3A {dimension_numbers = #tpu.dot_dimension_numbers<[1], [0], [0], [1], [0, 0, 1, 1], [], []>, transpose_lhs_hint = false} : vector<1000x256xf32>, vector<256x256xf32>, vector<1000x256xf32> -> vector<1000x256xf32>
    %slice3A = vector.extract_strided_slice %rsqrt3A {offsets = [0, 0], sizes = [1000, 1], strides = [1, 1]} : vector<1000x16xf32> to vector<1000x1xf32>
    %mul3A = vector.broadcast %slice3A : vector<1000x1xf32> to vector<1000x256xf32>
    %mul3A_21 = arith.mulf %dot_general3A_20, %mul3A : vector<1000x256xf32>
    %reshape3A = vector.shape_cast %mul3A_21 : vector<1000x256xf32> to vector<1000x2x128xf32>
    %swap3A_22 = arith.constant 0 : index
    %swap3A_23 = arith.constant 0 : index
    %swap3A_24 = arith.constant 0 : index
    %swap3A_25 = vector.load %arg4[%swap3A_22, %swap3A_23, %swap3A_24] : memref<1000x2x128xf32, #tpu.memory_space<vmem>>, vector<1000x2x128xf32>
    tpu.vector_store %arg4[%swap3A_22, %swap3A_23, %swap3A_24], %reshape3A {strides = array<i32>} : memref<1000x2x128xf32, #tpu.memory_space<vmem>>, vector<1000x2x128xf32>,
    return
  }
  func.func @transform_0(%arg0: i32) -> (i32, i32) {
    %c0_i32 = arith.constant 0 : i32
    %c0_i32_0 = arith.constant 0 : i32
    return %arg0, %c0_i32 : i32, i32
  }
  func.func @transform_1(%arg0: i32) -> (i32, i32, i32) {
    %c0_i32 = arith.constant 0 : i32
    %c0_i32_0 = arith.constant 0 : i32
    %c0_i32_1 = arith.constant 0 : i32
    return %c0_i32, %arg0, %c0_i32_0 : i32, i32, i32
  }
  func.func @transform_2(%arg0: i32) -> (i32, i32) {
    %c0_i32 = arith.constant 0 : i32
    %c0_i32_0 = arith.constant 0 : i32
    %c0_i32_1 = arith.constant 0 : i32
    return %c0_i32, %c0_i32_0 : i32, i32
  }
  func.func @transform_3(%arg0: i32) -> (i32, i32, i32) {
    %c0_i32 = arith.constant 0 : i32
    %c0_i32_0 = arith.constant 0 : i32
    %c0_i32_1 = arith.constant 0 : i32
    return %arg0, %c0_i32, %c0_i32_0 : i32, i32, i32
  }
  func.func @transform_4(%arg0: i32) -> (i32, i32) {
    %c0_i32 = arith.constant 0 : i32
    %c0_i32_0 = arith.constant 0 : i32
    return %arg0, %c0_i32 : i32, i32
  }
}

module attributes {stable_mosaic.version = 14 : i64} {
  func.func @body(%arg0: i32, %arg1: memref<2x1000x128xf32, #tpu.memory_space<vmem>>, %arg2: memref<1000x2x128xf32, #tpu.memory_space<vmem>>, %arg3: memref<1000x16xf32, #tpu.memory_space<vmem>>, %arg4: memref<1x256xf32, #tpu.memory_space<vmem>>, %arg5: memref<256x256xf32, #tpu.memory_space<vmem>>, %arg6: memref<1000x2x128xf32, #tpu.memory_space<vmem>>) attributes {dimension_semantics = [#tpu.dimension_semantics<arbitrary>], iteration_bounds = array<i64: 10>, scalar_prefetch = 0 : i64, scratch_operands = 0 : i64, tpu.core_type = #tpu.core_type<tc>, window_params = [{transform_indices = @transform_0, window_bounds = array<i64: 2, 1000, 128>}, {transform_indices = @transform_1, window_bounds = array<i64: 1000, 2, 128>}, {transform_indices = @transform_2, window_bounds = array<i64: 1000, 16>}, {pipeline_mode = #tpu.pipeline_mode<synchronous>, transform_indices = @transform_3, window_bounds = array<i64: 1, 256>}, {pipeline_mode = #tpu.pipeline_mode<synchronous>, transform_indices = @transform_4, window_bounds = array<i64: 256, 256>}, {transform_indices = @transform_5, window_bounds = array<i64: 1000, 2, 128>}]} {
    %get3A = arith.constant 0 : index
    %get3A_0 = arith.constant 0 : index
    %get3A_1 = arith.constant 0 : index
    %get3A_2 = vector.load %arg1[%get3A, %get3A_0, %get3A_1] : memref<2x1000x128xf32, #tpu.memory_space<vmem>>, vector<2x1000x128xf32>
    %slice3A = vector.extract_strided_slice %get3A_2 {offsets = [0, 0, 0], sizes = [1, 1000, 128], strides = [1, 1, 1]} : vector<2x1000x128xf32> to vector<1x1000x128xf32>
    %squeeze3A = vector.shape_cast %slice3A : vector<1x1000x128xf32> to vector<1000x128xf32>
    %slice3A_3 = vector.extract_strided_slice %get3A_2 {offsets = [1, 0, 0], sizes = [1, 1000, 128], strides = [1, 1, 1]} : vector<2x1000x128xf32> to vector<1x1000x128xf32>
    %squeeze3A_4 = vector.shape_cast %slice3A_3 : vector<1x1000x128xf32> to vector<1000x128xf32>
    %concatenate3A = tpu.concatenate %squeeze3A, %squeeze3A_4 in 1 : vector<1000x128xf32>, vector<1000x128xf32> -> vector<1000x256xf32>
    %get3A_5 = arith.constant 0 : index
    %get3A_6 = arith.constant 0 : index
    %get3A_7 = arith.constant 0 : index
    %get3A_8 = vector.load %arg2[%get3A_5, %get3A_6, %get3A_7] : memref<1000x2x128xf32, #tpu.memory_space<vmem>>, vector<1000x2x128xf32>
    %reshape3A = vector.shape_cast %get3A_8 : vector<1000x2x128xf32> to vector<1000x256xf32>
    %get3A_9 = arith.constant 0 : index
    %get3A_10 = arith.constant 0 : index
    %get3A_11 = vector.load %arg3[%get3A_9, %get3A_10] : memref<1000x16xf32, #tpu.memory_space<vmem>>, vector<1000x16xf32>
    %slice3A_12 = vector.extract_strided_slice %get3A_11 {offsets = [0, 0], sizes = [1000, 1], strides = [1, 1]} : vector<1000x16xf32> to vector<1000x1xf32>
    %add3A = arith.addf %concatenate3A, %reshape3A : vector<1000x256xf32>
    %mul3A = vector.broadcast %slice3A_12 : vector<1000x1xf32> to vector<1000x256xf32>
    %mul3A_13 = arith.mulf %mul3A, %add3A : vector<1000x256xf32>
    %get3A_14 = arith.constant 0 : index
    %get3A_15 = arith.constant 0 : index
    %get3A_16 = vector.load %arg4[%get3A_14, %get3A_15] : memref<1x256xf32, #tpu.memory_space<vmem>>, vector<1x256xf32>
    %add3A_17 = vector.broadcast %get3A_16 : vector<1x256xf32> to vector<1000x256xf32>
    %add3A_18 = arith.addf %mul3A_13, %add3A_17 : vector<1000x256xf32>
    %max3A = arith.constant 0.000000e+00 : f32
    %max3A_19 = vector.broadcast %max3A : f32 to vector<1000x256xf32>
    %max3A_20 = arith.maximumf %add3A_18, %max3A_19 : vector<1000x256xf32>
    %get3A_21 = arith.constant 0 : index
    %get3A_22 = arith.constant 0 : index
    %get3A_23 = vector.load %arg5[%get3A_21, %get3A_22] : memref<256x256xf32, #tpu.memory_space<vmem>>, vector<256x256xf32>
    %dot_general3A = arith.constant dense<0.000000e+00> : vector<1000x256xf32>
    %dot_general3A_24 = tpu.matmul %max3A_20, %get3A_23, %dot_general3A {dimension_numbers = #tpu.dot_dimension_numbers<[1], [0], [0], [1], [0, 0, 1, 1], [], []>, transpose_lhs_hint = false} : vector<1000x256xf32>, vector<256x256xf32>, vector<1000x256xf32> -> vector<1000x256xf32>
    %mul3A_25 = vector.broadcast %slice3A_12 : vector<1000x1xf32> to vector<1000x256xf32>
    %mul3A_26 = arith.mulf %mul3A_25, %dot_general3A_24 : vector<1000x256xf32>
    %reshape3A_27 = vector.shape_cast %mul3A_26 : vector<1000x256xf32> to vector<1000x2x128xf32>
    %swap3A = arith.constant 0 : index
    %swap3A_28 = arith.constant 0 : index
    %swap3A_29 = arith.constant 0 : index
    %swap3A_30 = vector.load %arg6[%swap3A, %swap3A_28, %swap3A_29] : memref<1000x2x128xf32, #tpu.memory_space<vmem>>, vector<1000x2x128xf32>
    tpu.vector_store %arg6[%swap3A, %swap3A_28, %swap3A_29], %reshape3A_27 {strides = array<i32>} : memref<1000x2x128xf32, #tpu.memory_space<vmem>>, vector<1000x2x128xf32>,
    return
  }
  func.func @transform_0(%arg0: i32) -> (i32, i32, i32) {
    %c0_i32 = arith.constant 0 : i32
    %c0_i32_0 = arith.constant 0 : i32
    %c0_i32_1 = arith.constant 0 : i32
    return %c0_i32, %arg0, %c0_i32_0 : i32, i32, i32
  }
  func.func @transform_1(%arg0: i32) -> (i32, i32, i32) {
    %c0_i32 = arith.constant 0 : i32
    %c0_i32_0 = arith.constant 0 : i32
    %c0_i32_1 = arith.constant 0 : i32
    return %arg0, %c0_i32, %c0_i32_0 : i32, i32, i32
  }
  func.func @transform_2(%arg0: i32) -> (i32, i32) {
    %c0_i32 = arith.constant 0 : i32
    %c0_i32_0 = arith.constant 0 : i32
    return %arg0, %c0_i32 : i32, i32
  }
  func.func @transform_3(%arg0: i32) -> (i32, i32) {
    %c0_i32 = arith.constant 0 : i32
    %c0_i32_0 = arith.constant 0 : i32
    %c0_i32_1 = arith.constant 0 : i32
    return %c0_i32, %c0_i32_0 : i32, i32
  }
  func.func @transform_4(%arg0: i32) -> (i32, i32) {
    %c0_i32 = arith.constant 0 : i32
    %c0_i32_0 = arith.constant 0 : i32
    %c0_i32_1 = arith.constant 0 : i32
    return %c0_i32, %c0_i32_0 : i32, i32
  }
  func.func @transform_5(%arg0: i32) -> (i32, i32, i32) {
    %c0_i32 = arith.constant 0 : i32
    %c0_i32_0 = arith.constant 0 : i32
    %c0_i32_1 = arith.constant 0 : i32
    return %arg0, %c0_i32, %c0_i32_0 : i32, i32, i32
  }
}

module attributes {stable_mosaic.version = 14 : i64} {
  func.func @body(%arg0: memref<2x10000x128xf32, #tpu.memory_space<vmem>>, %arg1: memref<10000x2x128xf32, #tpu.memory_space<vmem>>, %arg2: memref<10000x16xf32, #tpu.memory_space<vmem>>, %arg3: memref<1x256xf32, #tpu.memory_space<vmem>>, %arg4: memref<512x256xf32, #tpu.memory_space<vmem>>, %arg5: memref<1x256xf32, #tpu.memory_space<vmem>>, %arg6: memref<256x128xf32, #tpu.memory_space<vmem>>, %arg7: memref<1x128xf32, #tpu.memory_space<vmem>>, %arg8: memref<1x128xf32, #tpu.memory_space<vmem>>) attributes {dimension_semantics = [], scalar_prefetch = 0 : i64, scratch_operands = 0 : i64, tpu.core_type = #tpu.core_type<tc>} {
    %get3A = arith.constant 0 : index
    %get3A_0 = arith.constant 0 : index
    %get3A_1 = arith.constant 0 : index
    %get3A_2 = vector.load %arg0[%get3A, %get3A_0, %get3A_1] : memref<2x10000x128xf32, #tpu.memory_space<vmem>>, vector<2x10000x128xf32>
    %slice3A = vector.extract_strided_slice %get3A_2 {offsets = [0, 0, 0], sizes = [1, 10000, 128], strides = [1, 1, 1]} : vector<2x10000x128xf32> to vector<1x10000x128xf32>
    %squeeze3A = vector.shape_cast %slice3A : vector<1x10000x128xf32> to vector<10000x128xf32>
    %slice3A_3 = vector.extract_strided_slice %get3A_2 {offsets = [1, 0, 0], sizes = [1, 10000, 128], strides = [1, 1, 1]} : vector<2x10000x128xf32> to vector<1x10000x128xf32>
    %squeeze3A_4 = vector.shape_cast %slice3A_3 : vector<1x10000x128xf32> to vector<10000x128xf32>
    %concatenate3A = tpu.concatenate %squeeze3A, %squeeze3A_4 in 1 : vector<10000x128xf32>, vector<10000x128xf32> -> vector<10000x256xf32>
    %get3A_5 = arith.constant 0 : index
    %get3A_6 = arith.constant 0 : index
    %get3A_7 = arith.constant 0 : index
    %get3A_8 = vector.load %arg1[%get3A_5, %get3A_6, %get3A_7] : memref<10000x2x128xf32, #tpu.memory_space<vmem>>, vector<10000x2x128xf32>
    %reshape3A = vector.shape_cast %get3A_8 : vector<10000x2x128xf32> to vector<10000x256xf32>
    %get3A_9 = arith.constant 0 : index
    %get3A_10 = arith.constant 0 : index
    %get3A_11 = vector.load %arg2[%get3A_9, %get3A_10] : memref<10000x16xf32, #tpu.memory_space<vmem>>, vector<10000x16xf32>
    %slice3A_12 = vector.extract_strided_slice %get3A_11 {offsets = [0, 0], sizes = [10000, 1], strides = [1, 1]} : vector<10000x16xf32> to vector<10000x1xf32>
    %add3A = arith.addf %concatenate3A, %reshape3A : vector<10000x256xf32>
    %mul3A = vector.broadcast %slice3A_12 : vector<10000x1xf32> to vector<10000x256xf32>
    %mul3A_13 = arith.mulf %mul3A, %add3A : vector<10000x256xf32>
    %get3A_14 = arith.constant 0 : index
    %get3A_15 = arith.constant 0 : index
    %get3A_16 = vector.load %arg3[%get3A_14, %get3A_15] : memref<1x256xf32, #tpu.memory_space<vmem>>, vector<1x256xf32>
    %add3A_17 = vector.broadcast %get3A_16 : vector<1x256xf32> to vector<10000x256xf32>
    %add3A_18 = arith.addf %mul3A_13, %add3A_17 : vector<10000x256xf32>
    %max3A = arith.constant 0.000000e+00 : f32
    %max3A_19 = vector.broadcast %max3A : f32 to vector<10000x256xf32>
    %max3A_20 = arith.maximumf %add3A_18, %max3A_19 : vector<10000x256xf32>
    %reduce_sum3A = arith.constant dense<0.000000e+00> : vector<256xf32>
    %reduce_sum3A_21 = vector.multi_reduction <add>, %max3A_20, %reduce_sum3A [0] : vector<10000x256xf32> to vector<256xf32>
    %broadcast_in_dim3A = vector.shape_cast %reduce_sum3A_21 : vector<256xf32> to vector<1x256xf32>
    %mul3A_22 = arith.constant 9.99999974E-5 : f32
    %mul3A_23 = vector.broadcast %mul3A_22 : f32 to vector<1x256xf32>
    %mul3A_24 = arith.mulf %broadcast_in_dim3A, %mul3A_23 : vector<1x256xf32>
    %reduce_max3A = arith.constant dense<0xFF800000> : vector<256xf32>
    %reduce_max3A_25 = vector.multi_reduction <maximumf>, %max3A_20, %reduce_max3A [0] : vector<10000x256xf32> to vector<256xf32>
    %broadcast_in_dim3A_26 = vector.shape_cast %reduce_max3A_25 : vector<256xf32> to vector<1x256xf32>
    %concatenate3A_27 = tpu.concatenate %mul3A_24, %broadcast_in_dim3A_26 in 1 : vector<1x256xf32>, vector<1x256xf32> -> vector<1x512xf32>
    %get3A_28 = arith.constant 0 : index
    %get3A_29 = arith.constant 0 : index
    %get3A_30 = vector.load %arg4[%get3A_28, %get3A_29] : memref<512x256xf32, #tpu.memory_space<vmem>>, vector<512x256xf32>
    %dot_general3A = arith.constant dense<0.000000e+00> : vector<1x256xf32>
    %dot_general3A_31 = tpu.matmul %concatenate3A_27, %get3A_30, %dot_general3A {dimension_numbers = #tpu.dot_dimension_numbers<[1], [0], [0], [1], [0, 0, 1, 1], [], []>, transpose_lhs_hint = false} : vector<1x512xf32>, vector<512x256xf32>, vector<1x256xf32> -> vector<1x256xf32>
    %get3A_32 = arith.constant 0 : index
    %get3A_33 = arith.constant 0 : index
    %get3A_34 = vector.load %arg5[%get3A_32, %get3A_33] : memref<1x256xf32, #tpu.memory_space<vmem>>, vector<1x256xf32>
    %add3A_35 = arith.addf %dot_general3A_31, %get3A_34 : vector<1x256xf32>
    %max3A_36 = arith.constant 0.000000e+00 : f32
    %max3A_37 = vector.broadcast %max3A_36 : f32 to vector<1x256xf32>
    %max3A_38 = arith.maximumf %add3A_35, %max3A_37 : vector<1x256xf32>
    %get3A_39 = arith.constant 0 : index
    %get3A_40 = arith.constant 0 : index
    %get3A_41 = vector.load %arg6[%get3A_39, %get3A_40] : memref<256x128xf32, #tpu.memory_space<vmem>>, vector<256x128xf32>
    %dot_general3A_42 = arith.constant dense<0.000000e+00> : vector<1x128xf32>
    %dot_general3A_43 = tpu.matmul %max3A_38, %get3A_41, %dot_general3A_42 {dimension_numbers = #tpu.dot_dimension_numbers<[1], [0], [0], [1], [0, 0, 1, 1], [], []>, transpose_lhs_hint = false} : vector<1x256xf32>, vector<256x128xf32>, vector<1x128xf32> -> vector<1x128xf32>
    %get3A_44 = arith.constant 0 : index
    %get3A_45 = arith.constant 0 : index
    %get3A_46 = vector.load %arg7[%get3A_44, %get3A_45] : memref<1x128xf32, #tpu.memory_space<vmem>>, vector<1x128xf32>
    %add3A_47 = arith.addf %dot_general3A_43, %get3A_46 : vector<1x128xf32>
    %swap3A = arith.constant 0 : index
    %swap3A_48 = arith.constant 0 : index
    %swap3A_49 = vector.load %arg8[%swap3A, %swap3A_48] : memref<1x128xf32, #tpu.memory_space<vmem>>, vector<1x128xf32>
    tpu.vector_store %arg8[%swap3A, %swap3A_48], %add3A_47 {strides = array<i32>} : memref<1x128xf32, #tpu.memory_space<vmem>>, vector<1x128xf32>,
    return
  }
}

</mosaic_0001>

<sc_bundles>
// kernel: kernel.11.cloned.1.call-start
scs
__scs_entry_jumppad:
0x0: {  	(pc) =	sbr.rel $0x88, $3  }
0x1: {  	(tag) =	ssettag $0x0;
	lr =	simm.s32 $0x1  }
0x2: {  	[smem:$0x3F91] =	sst lr;
	_ =	strace $0xD0000000  }
0x3: {  	_ = 	snop  }
0x4: {  	_ = 	snop  }
0x5: {  	_ = 	snop  }
0x6: {  	_ = 	snop  }
0x7: {  	_ = 	snop  }
__scs_overlays_trampoline_lowered:
0x8: {  	[smem:$0x3FA0] =	sst s0  }
0x9: {  	[smem:$0x3FA1] =	sst s1  }
0xa: {  	[smem:$0x3FA2] =	sst s2  }
0xb: {  	[smem:$0x3FA3] =	sst s3  }
0xc: {  	[smem:$0x3FA4] =	sst s4  }
0xd: {  	[smem:$0x3FA5] =	sst s5  }
0xe: {  	[smem:$0x3FA6] =	sst s6  }
0xf: {  	[smem:$0x3FA7] =	sst s7  }
0x10: {  	[smem:$0x3FA8] =	sst s8  }
0x11: {  	[smem:$0x3FA9] =	sst s9;
	s0 =	simm.s32 @!p0 $0x0  }
0x12: {  	s1 =	sld [smem:$0x3F8F];
	s0 =	simm.s32 @p0 $0x1  }
0x13: {  	[smem:$0x3FAA] =	sst s0;
	s0 =	simm.s32 @!p1 $0x0  }
0x14: {  	s2 =	sld [smem:$0x3F8E];
	s0 =	simm.s32 @p1 $0x1  }
0x15: {  	[smem:$0x3FAB] =	sst s0;
	s0 =	simm.s32 @!p2 $0x0  }
0x16: {  	s3 =	sld [smem:$0x3FDB];
	s0 =	simm.s32 @p2 $0x1  }
0x17: {  	s4 =	simm.s32 $0x1BF5;
	[smem:$0x3FAD] =	sst s0  }
0x18: {  	s0 =	sld [smem:$0x3F90];
	_ =	swait.ge [sflag:s4], $0x0  }
0x19: {  	s7 =	sld [smem:$0x3F91]  }
0x1a: {  	s8 =	sadd.s32 $0xFFFFE003, lr  }
0x1b: {  	s9 =	sadd.s32 $0xFFFFFEF7, lr;
	s5 =	simm.s32 $0xFFFFFFFF;
	p2 =	slt.u32 s8, $0xFFFFF086  }
0x1c: {  	p1 =	slt.u32 s9, $0xF7A;
	s5 =	simm.s32 @!p2 $0x0  }
0x1d: {  	s5 =	simm.s32 @p1 $0x1;
	p0 =	seq.s32 s7, s2  }
0x1e: {  	s7 =	smul.u32 @!p0 $0xF7A, s2;
	p2 =	seq.s32 @!p0 s5, $0x0  }
0x1f: {  	s9 =	smul.u32 $0xF7A, s1;
	s8 =	simm.s32 @!p0 $0x1BF5;
	p2 =	por !p2, p0  }
0x20: {  	[sflag:s8] =	ssyncset.s32 @!p0 $0xFFFFF086;
	s6 =	sadd.s32 @!p0 s3, s7;
	s7 =	simm.s32 @!p0 $0x108  }
0x21: {  	s3 =	sadd.s32 s3, s9;
	s6 =	sadd.s32 @!p0 $0x88, s6;
	s7 =	simm.s32 @p2 $0x1082  }
0x22: {  	[simem:s7], [sflag:s8] =	dma.local @!p0 [hbm:s6], $0xF7A  }
0x23: {  	s9 =	sor.u32 $0xD0000000, s2;
	s6 =	simm.s32 $0x108;
	_ =	swait.ge @!p0 [sflag:s8], $0x0  }
0x24: {  	s3 =	sadd.s32 $0x88, s3;
	s6 =	simm.s32 @!p1 $0x1082;
	[sflag:s4] =	ssyncset.s32 $0xFFFFF086  }
0x25: {  	[simem:s6], [sflag:s4] =	dma.local [hbm:s3], $0xF7A  }
0x26: {  	[smem:$0x3F91] =	sst s1;
	(tag) =	ssettag s2;
	_ =	strace s9  }
0x27: {  	s1 =	sld [smem:$0x3FA1]  }
0x28: {  	s2 =	sld [smem:$0x3FA2]  }
0x29: {  	s4 =	sld [smem:$0x3FA4]  }
0x2a: {  	p0 =	seq.s32 s5, $0x0;
	s5 =	sld [smem:$0x3FA5]  }
0x2b: {  	s6 =	sld [smem:$0x3FA6]  }
0x2c: {  	s7 =	sld [smem:$0x3FA7]  }
0x2d: {  	s3 =	simm.s32 $0x108;
	s8 =	sld [smem:$0x3FA8]  }
0x2e: {  	s3 =	simm.s32 @!p0 $0x1082;
	s9 =	sld [smem:$0x3FA9]  }
0x2f: {  	lr =	sadd.s32 s0, s3;
	s0 =	sld [smem:$0x3FA0]  }
0x30: {  	s3 =	sld [smem:$0x3FA3]  }
0x31: {  	[smem:$0x3FAC] =	sst s10  }
0x32: {  	s10 =	sld [smem:$0x3FAA];
	_ =	sdelay $0x3  }
0x33: {  	p0 =	seq.s32 s10, $0x1;
	s10 =	sld [smem:$0x3FAC];
	_ =	sdelay $0x3  }
0x34: {  	[smem:$0x3FAC] =	sst s10  }
0x35: {  	s10 =	sld [smem:$0x3FAB];
	_ =	sdelay $0x3  }
0x36: {  	p1 =	seq.s32 s10, $0x1;
	s10 =	sld [smem:$0x3FAC];
	_ =	sdelay $0x3  }
0x37: {  	[smem:$0x3FAC] =	sst s10  }
0x38: {  	s10 =	sld [smem:$0x3FAD]  }
0x39: {  	_ = 	snop;
	(pc) =	sbr.ind lr, $3  }
0x3a: {  	_ = 	snop  }
0x3b: {  	_ = 	snop  }
0x3c: {  	p2 =	seq.s32 s10, $0x1;
	s10 =	sld [smem:$0x3FAC]  }
0x3d: {  	_ =	shalt  }
0x3e: {  	_ =	shalt  }
0x3f: {  	_ =	shalt  }
0x40: {  	_ =	shalt  }
0x41: {  	_ =	shalt  }
0x42: {  	_ =	shalt  }
0x43: {  	_ =	shalt  }
0x44: {  	_ =	shalt  }
0x45: {  	_ =	shalt  }
0x46: {  	_ =	shalt  }
0x47: {  	_ =	shalt  }
0x48: {  	_ =	shalt  }
0x49: {  	_ =	shalt  }
0x4a: {  	_ =	shalt  }
0x4b: {  	_ =	shalt  }
0x4c: {  	_ =	shalt  }
0x4d: {  	_ =	shalt  }
0x4e: {  	_ =	shalt  }
0x4f: {  	_ =	shalt  }
0x50: {  	_ =	shalt  }
0x51: {  	_ =	shalt  }
0x52: {  	_ =	shalt  }
0x53: {  	_ =	shalt  }
0x54: {  	_ =	shalt  }
0x55: {  	_ =	shalt  }
0x56: {  	_ =	shalt  }
0x57: {  	_ =	shalt  }
0x58: {  	_ =	shalt  }
0x59: {  	_ =	shalt  }
0x5a: {  	_ =	shalt  }
0x5b: {  	_ =	shalt  }
0x5c: {  	_ =	shalt  }
0x5d: {  	_ =	shalt  }
0x5e: {  	_ =	shalt  }
0x5f: {  	_ =	shalt  }
0x60: {  	_ =	shalt  }
0x61: {  	_ =	shalt  }
0x62: {  	_ =	shalt  }
0x63: {  	_ =	shalt  }
0x64: {  	_ =	shalt  }
0x65: {  	_ =	shalt  }
0x66: {  	_ =	shalt  }
0x67: {  	_ =	shalt  }
0x68: {  	_ =	shalt  }
0x69: {  	_ =	shalt  }
0x6a: {  	_ =	shalt  }
0x6b: {  	_ =	shalt  }
0x6c: {  	_ =	shalt  }
0x6d: {  	_ =	shalt  }
0x6e: {  	_ =	shalt  }
0x6f: {  	_ =	shalt  }
0x70: {  	_ =	shalt  }
0x71: {  	_ =	shalt  }
0x72: {  	_ =	shalt  }
0x73: {  	_ =	shalt  }
0x74: {  	_ =	shalt  }
0x75: {  	_ =	shalt  }
0x76: {  	_ =	shalt  }
0x77: {  	_ =	shalt  }
0x78: {  	_ =	shalt  }
0x79: {  	_ =	shalt  }
0x7a: {  	_ =	shalt  }
0x7b: {  	_ =	shalt  }
0x7c: {  	_ =	shalt  }
0x7d: {  	_ =	shalt  }
0x7e: {  	_ =	shalt  }
0x7f: {  	_ =	shalt  }
0x80: {  	_ =	shalt  }
0x81: {  	_ =	shalt  }
0x82: {  	_ =	shalt  }
0x83: {  	_ =	shalt  }
0x84: {  	_ =	shalt  }
0x85: {  	_ =	shalt  }
0x86: {  	_ =	shalt  }
0x87: {  	_ =	shalt  }
.Lfunc_end0:
.L_simem_size_0:
called_computation_lowered:
.L_overlay_start_0:
0x88: {  	s2 =	sld [smem:$0x3FD9]  }
0x89: {  	s3 =	sld [smem:$0x3FFE];
	_ =	sdelay $0x1  }
0x8a: {  	s1 =	srdreg.scid  }
0x8b: {  	s0 =	sand.u32 $0x1, s1  }
0x8c: {  	s16 =	sshll.u32 s0, $0xA;
	s2 =	sadd.s32 s3, s2  }
0x8d: {  	s2 =	sadd.s32 s2, s16  }
0x8e: {  	[smem:$0x3FB8] =	sst s2  }
0x8f: {  	_ = 	snop  }
0x90: {  	(tm) =	ssettm $0x1  }
0x91: {  	s17 =	sld [smem:$0x3FFB];
	_ =	sdelay $0x3  }
0x92: {  	_ =	strace s17  }
0x93: {  	s2 =	sld [smem:$0x3FFC];
	_ =	sdelay $0x3  }
0x94: {  	_ =	strace s2  }
0x95: {  	s2 =	sld [smem:$0x3FFD];
	_ =	sdelay $0x3  }
0x96: {  	_ =	strace s2  }
0x97: {  	_ =	strace $0x8FFFFFFF  }
0x98: {  	s18 =	sld [smem:$0x3FDB];
	_ =	sdelay $0x1  }
0x99: {  	s19 =	simm.s32 $_scs_section_size  }
0x9a: {  	s4 =	simm.s32 $_size__tile_overlayer_lowered;
	s5 =	simm.s32 $_tile_overlayer_lowered  }
0x9b: {  	s22 =	simm.s32 $0x1BFF;
	s21 =	sshll.u32 s5, $0x1;
	s2 =	sadd.s32 s19, s18  }
0x9c: {  	s6 =	simm.s32 $0x0;
	s20 =	sshll.u32 s4, $0x1;
	s4 =	sadd.s32 s21, s2  }
0x9d: {  	[timem:s6], [sflag:s22] =	dma.local [hbm:s4], s20  }
0x9e: {  	_ =	swait.ge [sflag:s22], s20  }
0x9f: {  	s3 =	ssub.s32 $0x0, s20;
	[sflag:s22] =	ssyncset.done $0x0  }
0xa0: {  	[sflag:s22] =	ssyncadd.s32 s3;
	_ =	sdelay $0x1  }
0xa1: {  	s23 =	simm.s32 $0x1B8B  }
0xa2: {  	_ =	swait.ge [sflag:s23], $0x1  }
0xa3: {  	[sflag:s23] =	ssyncset.done $0x0  }
0xa4: {  	s25 =	simm.s32 $0x1B8E;
	s24 =	sld [smem:$0x3FFE];
	[sflag:s23] =	ssyncadd.s32 $0xFFFFFFFF  }
0xa5: {  	s26 =	simm.s32 $execute0_lowered;
	[smem:$0x3FD2] =	sst s25  }
0xa6: {  	s4 =	sshll.u32 s26, $0x1;
	_ =	strace $0x80000046;
	[dreg:$0x1] =	wrdreg $0xFFFFFFFF  }
0xa7: {  	s28 =	simm.s32 $_size_execute0_lowered;
	s2 =	sadd.s32 s2, s4;
	[dreg:$0x0] =	wrdreg $0x0  }
0xa8: {  	s4 =	sshll.u32 s28, $0x1;
	[dreg:$0x2] =	wrdreg s2  }
0xa9: {  	[dreg:$0x3] =	wrdreg s4  }
0xaa: {  	[dreg:$0x4] =	wrdreg $0xC0  }
0xab: {  	_ =	task [dreg:s6], $0x5FFFF  }
0xac: {  	[dreg:$0x1] =	wrdreg $0xFFFFFFFF  }
0xad: {  	[dreg:$0x0] =	wrdreg $0x60  }
0xae: {  	[dreg:$0x2] =	wrdreg s24  }
0xaf: {  	[dreg:$0x3] =	wrdreg $0x68000  }
0xb0: {  	[dreg:$0x4] =	wrdreg $0x9  }
0xb1: {  	_ =	task.clear_ibuf [dreg:s6], $0x5FFFF;
	_ =	strace $0x90000046  }
0xb2: {  	s29 =	simm.s32 $0x9;
	_ =	strace $0x80000048  }
0xb3: {  	_ =	swait.ge [sflag:s29], $0x1  }
0xb4: {  	[sflag:s29] =	ssyncadd.s32 $0xFFFFFFFF  }
0xb5: {  	_ =	strace $0x90000048  }
0xb6: {  	_ =	sfence  }
0xb7: {  	s30 =	sld [smem:$0x0];
	_ =	sdelay $0x2  }
0xb8: {  	s31 =	sshll.u32 s1, $0xD;
	s1 =	sshrl.u32 s1, $0x2  }
0xb9: {  	s3 =	sand.u32 $0x4000, s31;
	s1 =	sadd.s32 s1, s30  }
0xba: {  	s0 =	sor.u32 s3, s0;
	s1 =	sshll.u32 s1, $0x11  }
0xbb: {  	s0 =	sor.u32 s1, s0  }
0xbc: {  	s0 =	sadd.s32 $0x8F2B, s0  }
0xbd: {  	[sflag:s0] =	ssyncadd.remote.s32 $0x1  }
0xbe: {  	_ =	sfence.sel $0xFFFF  }
0xbf: {  	[dreg:$0x0] =	wrdreg $0xFFFFFFFF;
	(pc) =	sbr.abs _section_cstart, $3  }
0xc0: {  	[dreg:$0x1] =	wrdreg $0xFFFFFFFF  }
0xc1: {  	_ =	task.clear_ibuf [dreg:s6], $0x2FFFF;
	_ =	strace $0x9FFFFFFF  }
0xc2: {  	(tm) =	ssettm $0x7FFFFFFF  }
0xc3: {  	_ =	shalt  }
tec
execute0_lowered:
.L_overlay_start_1:
0x0: {  	(tag) =	ssettag $0x1  }
0x1: {  	s5 =	rddreg [dreg:$0x0]  }
0x2: {  	s0 =	srdreg.scid;
	s2 =	rddreg [dreg:$0x1]  }
0x3: {  	s1 =	stileid.u32;
	s3 =	simm.s32 $0x0;
	s12 =	simm.s32 $0x80  }
0x4: {  	s13 =	simm.s32 $0x2800;
	s4 =	sand.u32 $0x1, s0;
	s0 =	rddreg [dreg:$0x2]  }
0x5: {  	s16 =	simm.s32 $0x0;
	[smem:$0x7FF] =	sst s3;
	s10 =	smul.u32 $0x14000, s1  }
0x6: {  	s11 =	sadd.s32 $0xFA00, s5;
	s29 =	smul.u32 $0x50000, s1;
	s14 =	sadd.s32 $0x12C000, s2  }
0x7: {  	s31 =	sshll.u32 s1, $0x6;
	p0 =	seq.s32 s1, $0xF;
	s6 =	sshll.u32 s4, $0x4  }
0x8: {  	_ =	strace $0x80000047;
	s7 =	ssub.s32 $0x2, s4;
	s8 =	smul.u32 $0x138800, s4  }
0x9: {  	s4 =	sadd.s32 $0xD200, s5;
	s6 =	sor.u32 s1, s6;
	s9 =	sshrl.u32 s7, $0x1  }
0xa: {  	s14 =	sshrl.u32 @p0 s14, $0x3;
	s6 =	smul.u32 $0x500, s6;
	s9 =	ssub.s32 s7, s9  }
0xb: {  	s30 =	sadd.s32 s10, s8;
	s8 =	sshrl.u32 s8, $0x3;
	s7 =	sshrl.u32 s29, $0x2  }
0xc: {  	s10 =	sor.u32 $0x1C01, s31;
	s8 =	sadd.s32 s11, s8;
	s15 =	sadd.s32 s7, s2  }
0xd: {  	s6 =	sadd.s32 s6, s5;
	s7 =	sadd.s32 $0x25800, s8;
	s8 =	smax.u32 s9, $0x1  }
0xe: {  	s9 =	simm.s32 $0x1;
	s5 =	sadd.s32 $0x3200, s6;
	s6 =	sshrl.u32 s30, $0x3  }
0xf: {  	v0 =	vimm.f32 $1.000000000e+00;
	s6 =	sadd.s32 s11, s6;
	s11 =	sshrl.u32 s15, $0x3;
	s15 =	sshrl.u32 @!p0 s15, $0x3  }
.LBB2_1:
0x10: {  	[tilespmem:s3], [sflag:$0x1] =	stream.linear.gather [hbm4b:s5+s3], $0x2780, $0x38;
	[tilespmem:$0x1A800] =	vst v63  }
0x11: {  	_ =	swait.ge [sflag:s9], $0x2780  }
0x12: {  	[sflag:s9] =	ssyncset.done $0x0  }
0x13: {  	s17 =	simm.s32 $0x0;
	s18 =	simm.s32 $0x200;
	[sflag:s9] =	ssyncadd.s32 $0xFFFFD880  }
.LBB2_2:
0x14: {  	p1 =	sne.s32 s18, $0xFE00;
	[tilespmem:s17+$0x2870] =	vst v0  }
0x15: {  	[tilespmem:s17+$0x2800] =	vst v0  }
0x16: {  	[tilespmem:s17+$0x2810] =	vst v0  }
.Ltmp0:
0x17: {  	[tilespmem:s17+$0x2820] =	vst v0;
	(pc) =	sbr.rel @p1 .LBB2_2-.Ltmp0, $4  }
0x18: {  	[tilespmem:s17+$0x2830] =	vst v0  }
0x19: {  	[tilespmem:s17+$0x2840] =	vst v0  }
0x1a: {  	[tilespmem:s17+$0x2850] =	vst v0  }
0x1b: {  	[tilespmem:s17+$0x2860] =	vst v0;
	s17 =	sshra.s32 s18, $0x2;
	s18 =	sadd.s32 $0x200, s18  }
0x1c: {  	[tilespmem:s17+$0x2870] =	vst v0  }
0x1d: {  	[tilespmem:s17+$0x2800] =	vst v0  }
0x1e: {  	[tilespmem:s17+$0x2810] =	vst v0  }
0x1f: {  	[tilespmem:s17+$0x2820] =	vst v0  }
0x20: {  	[tilespmem:s17+$0x2830] =	vst v0  }
0x21: {  	[tilespmem:s17+$0x2840] =	vst v0  }
0x22: {  	[tilespmem:s17+$0x2850] =	vst v0  }
0x23: {  	[tilespmem:s17+$0x2860] =	vst v0  }
0x24: {  	[spmem:s11], [sflag:s10] =	dma.local [hbm:s4], $0x2800  }
0x25: {  	_ =	swait.ge [sflag:s9], $0x2800  }
0x26: {  	[sflag:s9] =	ssyncset.done $0x0  }
0x27: {  	[sflag:s9] =	ssyncadd.s32 $0xFFFFD800  }
0x28: {  	s31 =	simm.s32 $0x0;
	[bflag:$0x0] =	sbarrier.arrive $0xFFFF  }
0x29: {  	[spmem:s2] =	stream.indirect.scatter.add.f32 [tilespmem:s13], [sflag:$0x1], $0x80, s31, s12, $0xb8;
	[tilespmem:$0x1A800] =	vst v63  }
0x2a: {  	_ =	swait.ge [sflag:s9], $0x4000  }
0x2b: {  	s17 =	simm.s32 $0x200;
	[sflag:s9] =	ssyncset.done $0x0  }
.LBB2_4:
0x2c: {  	s18 =	sshra.s32 s17, $0x2;
	[sflag:s9] =	ssyncadd.s32 $0xFFFFC000;
	p1 =	sne.s32 s17, $0x9C00  }
0x2d: {  	[spmem:s2] =	stream.indirect.scatter.add.f32 [tilespmem:s13], [sflag:$0x1], $0x80, s18, s12, $0xb8;
	[tilespmem:$0x1A800] =	vst v63  }
.Ltmp1:
0x2e: {  	_ = 	snop;
	(pc) =	sbr.rel @p1 .LBB2_4-.Ltmp1, $4  }
0x2f: {  	_ = 	snop  }
0x30: {  	s17 =	sadd.s32 $0x200, s17  }
0x31: {  	_ =	swait.ge [sflag:s9], $0x4000  }
0x32: {  	[sflag:s9] =	ssyncset.done $0x0  }
0x33: {  	[sflag:s9] =	ssyncadd.s32 $0xFFFFC000  }
0x34: {  	s17 =	simm.s32 @p0 $0x1;
	[bflag:$0x0] =	sbarrier.arrive $0xFFFF  }
0x35: {  	[hbm:s7], [sflag:s10] =	dma.local @p0 [spmem:s14], $0x1900  }
0x36: {  	s16 =	sadd.s32 $0x1, s16;
	_ =	swait.ge @p0 [sflag:s17], $0x1900  }
0x37: {  	p1 =	sne.s32 s16, s8;
	[sflag:s17] =	ssyncset.done @p0 $0x0  }
.Ltmp2:
0x38: {  	[sflag:s17] =	ssyncadd.s32 @p0 $0xFFFFE700;
	s17 =	simm.s32 @!p0 $0x1;
	(pc) =	sbr.rel @p1 .LBB2_1-.Ltmp2, $4  }
0x39: {  	[hbm:s6], [sflag:s10] =	dma.local @!p0 [spmem:s15], $0x2800  }
0x3a: {  	_ =	swait.ge @!p0 [sflag:s17], $0x2800  }
0x3b: {  	[sflag:s17] =	ssyncset.done @!p0 $0x0  }
0x3c: {  	[sflag:s17] =	ssyncadd.s32 @!p0 $0xFFFFD800  }
0x3d: {  	_ =	sfence.sel $0x180000  }
0x3e: {  	[bflag:$0x0] =	sbarrier.arrive $0xFFFF  }
0x3f: {  	p0 =	sne.s32 s1, $0x0;
	_ =	strace $0x90000047  }
0x40: {  	s0 =	sadd.s32 @!p0 $0x100000, s0;
	[bflag:$0x2] =	sbarrier.arrive $0xFFFF  }
0x41: {  	[sflag:s0] =	ssyncadd.tile.s32 @!p0 $0x1;
	_ =	shalt  }
.Lfunc_end2:
_tile_overlayer_lowered:
.L_overlay_start_2:
0x42: {  	(tag) =	ssettag $0x2  }
0x43: {  	s0 =	rddreg [dreg:$0x0];
	s2 =	stileid.u32  }
0x44: {  	s1 =	rddreg [dreg:$0x1];
	p0 =	sne.s32 s2, $0x0  }
0x45: {  	s3 =	rddreg [dreg:$0x2];
	[bflag:$0x3] =	sbarrier.arrive $0xFFFF;
	s2 =	simm.s32 @!p0 $0x1C01  }
0x46: {  	[timem:s3], [sflag:s2] =	dma.local @!p0 [hbm:s0], s1  }
0x47: {  	s0 =	simm.s32 @!p0 $0x1  }
0x48: {  	_ =	swait.ge @!p0 [sflag:s0], s1  }
0x49: {  	s1 =	ssub.s32 @!p0 $0x0, s1;
	[sflag:s0] =	ssyncset.done @!p0 $0x0  }
0x4a: {  	[sflag:s0] =	ssyncadd.s32 @!p0 s1  }
0x4b: {  	[bflag:$0x3] =	sbarrier.arrive $0xFFFF  }
0x4c: {  	_ =	shalt  }

// kernel: kernel.14.cloned.1.call-start
scs
__scs_entry_jumppad:
0x0: {  	(pc) =	sbr.rel $0x88, $3  }
0x1: {  	(tag) =	ssettag $0x0;
	lr =	simm.s32 $0x1  }
0x2: {  	[smem:$0x3F91] =	sst lr;
	_ =	strace $0xD0000000  }
0x3: {  	_ = 	snop  }
0x4: {  	_ = 	snop  }
0x5: {  	_ = 	snop  }
0x6: {  	_ = 	snop  }
0x7: {  	_ = 	snop  }
__scs_overlays_trampoline_lowered:
0x8: {  	[smem:$0x3FA0] =	sst s0  }
0x9: {  	[smem:$0x3FA1] =	sst s1  }
0xa: {  	[smem:$0x3FA2] =	sst s2  }
0xb: {  	[smem:$0x3FA3] =	sst s3  }
0xc: {  	[smem:$0x3FA4] =	sst s4  }
0xd: {  	[smem:$0x3FA5] =	sst s5  }
0xe: {  	[smem:$0x3FA6] =	sst s6  }
0xf: {  	[smem:$0x3FA7] =	sst s7  }
0x10: {  	[smem:$0x3FA8] =	sst s8  }
0x11: {  	[smem:$0x3FA9] =	sst s9;
	s0 =	simm.s32 @!p0 $0x0  }
0x12: {  	s1 =	sld [smem:$0x3F8F];
	s0 =	simm.s32 @p0 $0x1  }
0x13: {  	[smem:$0x3FAA] =	sst s0;
	s0 =	simm.s32 @!p1 $0x0  }
0x14: {  	s2 =	sld [smem:$0x3F8E];
	s0 =	simm.s32 @p1 $0x1  }
0x15: {  	[smem:$0x3FAB] =	sst s0;
	s0 =	simm.s32 @!p2 $0x0  }
0x16: {  	s3 =	sld [smem:$0x3FDB];
	s0 =	simm.s32 @p2 $0x1  }
0x17: {  	s4 =	simm.s32 $0x1BF5;
	[smem:$0x3FAD] =	sst s0  }
0x18: {  	s0 =	sld [smem:$0x3F90];
	_ =	swait.ge [sflag:s4], $0x0  }
0x19: {  	s7 =	sld [smem:$0x3F91]  }
0x1a: {  	s8 =	sadd.s32 $0xFFFFE003, lr  }
0x1b: {  	s9 =	sadd.s32 $0xFFFFFEF7, lr;
	s5 =	simm.s32 $0xFFFFFFFF;
	p2 =	slt.u32 s8, $0xFFFFF086  }
0x1c: {  	p1 =	slt.u32 s9, $0xF7A;
	s5 =	simm.s32 @!p2 $0x0  }
0x1d: {  	s5 =	simm.s32 @p1 $0x1;
	p0 =	seq.s32 s7, s2  }
0x1e: {  	s7 =	smul.u32 @!p0 $0xF7A, s2;
	p2 =	seq.s32 @!p0 s5, $0x0  }
0x1f: {  	s9 =	smul.u32 $0xF7A, s1;
	s8 =	simm.s32 @!p0 $0x1BF5;
	p2 =	por !p2, p0  }
0x20: {  	[sflag:s8] =	ssyncset.s32 @!p0 $0xFFFFF086;
	s6 =	sadd.s32 @!p0 s3, s7;
	s7 =	simm.s32 @!p0 $0x108  }
0x21: {  	s3 =	sadd.s32 s3, s9;
	s6 =	sadd.s32 @!p0 $0x88, s6;
	s7 =	simm.s32 @p2 $0x1082  }
0x22: {  	[simem:s7], [sflag:s8] =	dma.local @!p0 [hbm:s6], $0xF7A  }
0x23: {  	s9 =	sor.u32 $0xD0000000, s2;
	s6 =	simm.s32 $0x108;
	_ =	swait.ge @!p0 [sflag:s8], $0x0  }
0x24: {  	s3 =	sadd.s32 $0x88, s3;
	s6 =	simm.s32 @!p1 $0x1082;
	[sflag:s4] =	ssyncset.s32 $0xFFFFF086  }
0x25: {  	[simem:s6], [sflag:s4] =	dma.local [hbm:s3], $0xF7A  }
0x26: {  	[smem:$0x3F91] =	sst s1;
	(tag) =	ssettag s2;
	_ =	strace s9  }
0x27: {  	s1 =	sld [smem:$0x3FA1]  }
0x28: {  	s2 =	sld [smem:$0x3FA2]  }
0x29: {  	s4 =	sld [smem:$0x3FA4]  }
0x2a: {  	p0 =	seq.s32 s5, $0x0;
	s5 =	sld [smem:$0x3FA5]  }
0x2b: {  	s6 =	sld [smem:$0x3FA6]  }
0x2c: {  	s7 =	sld [smem:$0x3FA7]  }
0x2d: {  	s3 =	simm.s32 $0x108;
	s8 =	sld [smem:$0x3FA8]  }
0x2e: {  	s3 =	simm.s32 @!p0 $0x1082;
	s9 =	sld [smem:$0x3FA9]  }
0x2f: {  	lr =	sadd.s32 s0, s3;
	s0 =	sld [smem:$0x3FA0]  }
0x30: {  	s3 =	sld [smem:$0x3FA3]  }
0x31: {  	[smem:$0x3FAC] =	sst s10  }
0x32: {  	s10 =	sld [smem:$0x3FAA];
	_ =	sdelay $0x3  }
0x33: {  	p0 =	seq.s32 s10, $0x1;
	s10 =	sld [smem:$0x3FAC];
	_ =	sdelay $0x3  }
0x34: {  	[smem:$0x3FAC] =	sst s10  }
0x35: {  	s10 =	sld [smem:$0x3FAB];
	_ =	sdelay $0x3  }
0x36: {  	p1 =	seq.s32 s10, $0x1;
	s10 =	sld [smem:$0x3FAC];
	_ =	sdelay $0x3  }
0x37: {  	[smem:$0x3FAC] =	sst s10  }
0x38: {  	s10 =	sld [smem:$0x3FAD]  }
0x39: {  	_ = 	snop;
	(pc) =	sbr.ind lr, $3  }
0x3a: {  	_ = 	snop  }
0x3b: {  	_ = 	snop  }
0x3c: {  	p2 =	seq.s32 s10, $0x1;
	s10 =	sld [smem:$0x3FAC]  }
0x3d: {  	_ =	shalt  }
0x3e: {  	_ =	shalt  }
0x3f: {  	_ =	shalt  }
0x40: {  	_ =	shalt  }
0x41: {  	_ =	shalt  }
0x42: {  	_ =	shalt  }
0x43: {  	_ =	shalt  }
0x44: {  	_ =	shalt  }
0x45: {  	_ =	shalt  }
0x46: {  	_ =	shalt  }
0x47: {  	_ =	shalt  }
0x48: {  	_ =	shalt  }
0x49: {  	_ =	shalt  }
0x4a: {  	_ =	shalt  }
0x4b: {  	_ =	shalt  }
0x4c: {  	_ =	shalt  }
0x4d: {  	_ =	shalt  }
0x4e: {  	_ =	shalt  }
0x4f: {  	_ =	shalt  }
0x50: {  	_ =	shalt  }
0x51: {  	_ =	shalt  }
0x52: {  	_ =	shalt  }
0x53: {  	_ =	shalt  }
0x54: {  	_ =	shalt  }
0x55: {  	_ =	shalt  }
0x56: {  	_ =	shalt  }
0x57: {  	_ =	shalt  }
0x58: {  	_ =	shalt  }
0x59: {  	_ =	shalt  }
0x5a: {  	_ =	shalt  }
0x5b: {  	_ =	shalt  }
0x5c: {  	_ =	shalt  }
0x5d: {  	_ =	shalt  }
0x5e: {  	_ =	shalt  }
0x5f: {  	_ =	shalt  }
0x60: {  	_ =	shalt  }
0x61: {  	_ =	shalt  }
0x62: {  	_ =	shalt  }
0x63: {  	_ =	shalt  }
0x64: {  	_ =	shalt  }
0x65: {  	_ =	shalt  }
0x66: {  	_ =	shalt  }
0x67: {  	_ =	shalt  }
0x68: {  	_ =	shalt  }
0x69: {  	_ =	shalt  }
0x6a: {  	_ =	shalt  }
0x6b: {  	_ =	shalt  }
0x6c: {  	_ =	shalt  }
0x6d: {  	_ =	shalt  }
0x6e: {  	_ =	shalt  }
0x6f: {  	_ =	shalt  }
0x70: {  	_ =	shalt  }
0x71: {  	_ =	shalt  }
0x72: {  	_ =	shalt  }
0x73: {  	_ =	shalt  }
0x74: {  	_ =	shalt  }
0x75: {  	_ =	shalt  }
0x76: {  	_ =	shalt  }
0x77: {  	_ =	shalt  }
0x78: {  	_ =	shalt  }
0x79: {  	_ =	shalt  }
0x7a: {  	_ =	shalt  }
0x7b: {  	_ =	shalt  }
0x7c: {  	_ =	shalt  }
0x7d: {  	_ =	shalt  }
0x7e: {  	_ =	shalt  }
0x7f: {  	_ =	shalt  }
0x80: {  	_ =	shalt  }
0x81: {  	_ =	shalt  }
0x82: {  	_ =	shalt  }
0x83: {  	_ =	shalt  }
0x84: {  	_ =	shalt  }
0x85: {  	_ =	shalt  }
0x86: {  	_ =	shalt  }
0x87: {  	_ =	shalt  }
.Lfunc_end0:
.L_simem_size_0:
called_computation.1_lowered:
.L_overlay_start_0:
0x88: {  	s2 =	sld [smem:$0x3FD9]  }
0x89: {  	s3 =	sld [smem:$0x3FFE];
	_ =	sdelay $0x1  }
0x8a: {  	s1 =	srdreg.scid  }
0x8b: {  	s0 =	sand.u32 $0x1, s1  }
0x8c: {  	s16 =	sshll.u32 s0, $0xA;
	s2 =	sadd.s32 s3, s2  }
0x8d: {  	s2 =	sadd.s32 s2, s16  }
0x8e: {  	[smem:$0x3FB8] =	sst s2  }
0x8f: {  	_ = 	snop  }
0x90: {  	(tm) =	ssettm $0x1  }
0x91: {  	s17 =	sld [smem:$0x3FFB];
	_ =	sdelay $0x3  }
0x92: {  	_ =	strace s17  }
0x93: {  	s2 =	sld [smem:$0x3FFC];
	_ =	sdelay $0x3  }
0x94: {  	_ =	strace s2  }
0x95: {  	s2 =	sld [smem:$0x3FFD];
	_ =	sdelay $0x3  }
0x96: {  	_ =	strace s2  }
0x97: {  	_ =	strace $0x8FFFFFFF  }
0x98: {  	s18 =	sld [smem:$0x3FDB];
	_ =	sdelay $0x1  }
0x99: {  	s19 =	simm.s32 $_scs_section_size  }
0x9a: {  	s4 =	simm.s32 $_size__tile_overlayer_lowered;
	s5 =	simm.s32 $_tile_overlayer_lowered  }
0x9b: {  	s22 =	simm.s32 $0x1BFF;
	s21 =	sshll.u32 s5, $0x1;
	s2 =	sadd.s32 s19, s18  }
0x9c: {  	s6 =	simm.s32 $0x0;
	s20 =	sshll.u32 s4, $0x1;
	s4 =	sadd.s32 s21, s2  }
0x9d: {  	[timem:s6], [sflag:s22] =	dma.local [hbm:s4], s20  }
0x9e: {  	_ =	swait.ge [sflag:s22], s20  }
0x9f: {  	s3 =	ssub.s32 $0x0, s20;
	[sflag:s22] =	ssyncset.done $0x0  }
0xa0: {  	[sflag:s22] =	ssyncadd.s32 s3;
	_ =	sdelay $0x1  }
0xa1: {  	s23 =	simm.s32 $0x1B8B  }
0xa2: {  	_ =	swait.ge [sflag:s23], $0x1  }
0xa3: {  	[sflag:s23] =	ssyncset.done $0x0  }
0xa4: {  	s25 =	simm.s32 $0x1B8E;
	s24 =	sld [smem:$0x3FFE];
	[sflag:s23] =	ssyncadd.s32 $0xFFFFFFFF  }
0xa5: {  	s26 =	simm.s32 $execute0_lowered;
	[smem:$0x3FD2] =	sst s25  }
0xa6: {  	s4 =	sshll.u32 s26, $0x1;
	_ =	strace $0x80000049;
	[dreg:$0x1] =	wrdreg $0xFFFFFFFF  }
0xa7: {  	s28 =	simm.s32 $_size_execute0_lowered;
	s2 =	sadd.s32 s2, s4;
	[dreg:$0x0] =	wrdreg $0x0  }
0xa8: {  	s4 =	sshll.u32 s28, $0x1;
	[dreg:$0x2] =	wrdreg s2  }
0xa9: {  	[dreg:$0x3] =	wrdreg s4  }
0xaa: {  	[dreg:$0x4] =	wrdreg $0xC0  }
0xab: {  	_ =	task [dreg:s6], $0x5FFFF  }
0xac: {  	[dreg:$0x1] =	wrdreg $0xFFFFFFFF  }
0xad: {  	[dreg:$0x0] =	wrdreg $0x60  }
0xae: {  	[dreg:$0x2] =	wrdreg s24  }
0xaf: {  	[dreg:$0x3] =	wrdreg $0xC0000  }
0xb0: {  	[dreg:$0x4] =	wrdreg $0x9  }
0xb1: {  	_ =	task.clear_ibuf [dreg:s6], $0x5FFFF;
	_ =	strace $0x90000049  }
0xb2: {  	s29 =	simm.s32 $0x9;
	_ =	strace $0x8000004B  }
0xb3: {  	_ =	swait.ge [sflag:s29], $0x1  }
0xb4: {  	[sflag:s29] =	ssyncadd.s32 $0xFFFFFFFF  }
0xb5: {  	_ =	strace $0x9000004B  }
0xb6: {  	_ =	sfence  }
0xb7: {  	s30 =	sld [smem:$0x0];
	_ =	sdelay $0x2  }
0xb8: {  	s31 =	sshll.u32 s1, $0xD;
	s1 =	sshrl.u32 s1, $0x2  }
0xb9: {  	s3 =	sand.u32 $0x4000, s31;
	s1 =	sadd.s32 s1, s30  }
0xba: {  	s0 =	sor.u32 s3, s0;
	s1 =	sshll.u32 s1, $0x11  }
0xbb: {  	s0 =	sor.u32 s1, s0  }
0xbc: {  	s0 =	sadd.s32 $0x8F2B, s0  }
0xbd: {  	[sflag:s0] =	ssyncadd.remote.s32 $0x1  }
0xbe: {  	_ =	sfence.sel $0xFFFF  }
0xbf: {  	[dreg:$0x0] =	wrdreg $0xFFFFFFFF;
	(pc) =	sbr.abs _section_cstart, $3  }
0xc0: {  	[dreg:$0x1] =	wrdreg $0xFFFFFFFF  }
0xc1: {  	_ =	task.clear_ibuf [dreg:s6], $0x2FFFF;
	_ =	strace $0x9FFFFFFF  }
0xc2: {  	(tm) =	ssettm $0x7FFFFFFF  }
0xc3: {  	_ =	shalt  }
tec
execute0_lowered:
.L_overlay_start_1:
0x0: {  	(tag) =	ssettag $0x1  }
0x1: {  	s0 =	rddreg [dreg:$0x0]  }
0x2: {  	s1 =	rddreg [dreg:$0x1]  }
0x3: {  	s2 =	simm.s32 $0x0;
	s3 =	srdreg.scid;
	s5 =	stileid.u32  }
0x4: {  	s17 =	simm.s32 $0x80;
	s28 =	simm.s32 $0x4;
	s29 =	simm.s32 $0x0  }
0x5: {  	[smem:$0x7FF] =	sst s2;
	s4 =	sadd.s32 $0xFA00, s0;
	s6 =	smul.u32 $0x4F000, s5  }
0x6: {  	s12 =	sadd.s32 $0xB5E00, s0;
	s13 =	sadd.s32 $0x5DC00, s0;
	s10 =	smul.u32 $0x5000, s5  }
0x7: {  	s3 =	sand.u32 $0x1, s3;
	s7 =	sadd.s32 $0xD200, s0;
	s20 =	smul.u32 $0x14000, s5  }
0x8: {  	s0 =	sadd.s32 $0x67C00, s0;
	s19 =	sshll.u32 s5, $0x6;
	s16 =	smul.u32 $0x50000, s5  }
0x9: {  	s30 =	smul.u32 $0xA00, s5;
	p0 =	seq.s32 s5, $0xF;
	_ =	strace $0x8000004A  }
0xa: {  	[dreg:$0x3] =	wrdreg s7;
	s18 =	ssub.s32 $0x2, s3;
	s8 =	smul.u32 $0x50000, s3  }
0xb: {  	s3 =	smul.u32 $0x138800, s3;
	s9 =	sshrl.u32 s18, $0x1;
	s6 =	sshrl.u32 s6, $0x2  }
0xc: {  	s22 =	sshrl.u32 s10, $0x3;
	s26 =	sshrl.u32 s16, $0x2;
	s16 =	simm.s32 $0x2000  }
0xd: {  	s11 =	ssub.s32 s18, s9;
	s14 =	sadd.s32 s10, s8;
	s15 =	sadd.s32 s6, s1  }
0xe: {  	s6 =	sor.u32 $0x1C05, s19;
	s23 =	sadd.s32 s20, s3;
	s24 =	sadd.s32 s13, s22  }
0xf: {  	s3 =	sshrl.u32 s3, $0x3;
	s18 =	simm.s32 $0x4000;
	s19 =	simm.s32 $0x1  }
0x10: {  	s20 =	simm.s32 $0x8000;
	s21 =	sshrl.u32 s14, $0x3;
	[dreg:$0x5] =	wrdreg s24  }
0x11: {  	s25 =	sshrl.u32 s23, $0x3;
	s24 =	sadd.s32 $0x12C000, s1;
	s31 =	sor.u32 $0x200, s14  }
0x12: {  	s11 =	smax.u32 s11, $0x1;
	s14 =	sshrl.u32 s15, $0x3;
	s15 =	simm.s32 $0x5  }
.Ltmp0:
0x13: {  	s23 =	simm.s32 $0x3;
	s7 =	sadd.s32 s12, s21;
	(pc) =	sbr.rel .LBB2_1-.Ltmp0, $4  }
0x14: {  	s9 =	sadd.s32 s0, s25;
	s25 =	sadd.s32 s26, s1;
	s0 =	sadd.s32 s0, s3  }
0x15: {  	s3 =	sadd.s32 s30, s13;
	s21 =	simm.s32 $0x2;
	s24 =	sshrl.u32 @p0 s24, $0x3  }
0x16: {  	[dreg:$0x4] =	wrdreg s7;
	s10 =	sadd.s32 $0x25800, s0;
	s0 =	sshrl.u32 s31, $0x3  }
0x17: {  	s3 =	sadd.s32 $0x40, s3;
	s25 =	sshrl.u32 @!p0 s25, $0x3;
	s0 =	sadd.s32 s0, s12  }
.LBB2_4:
0x18: {  	_ =	swait.ge [sflag:s28], $0x4000  }
0x19: {  	[sflag:s28] =	ssyncset.done $0x0  }
0x1a: {  	[sflag:s28] =	ssyncadd.s32 $0xFFFFC000  }
0x1b: {  	s5 =	simm.s32 @p0 $0x5;
	[bflag:$0x0] =	sbarrier.arrive $0xFFFF  }
0x1c: {  	[hbm:s10], [sflag:s6] =	dma.local @p0 [spmem:s24], $0x1900  }
0x1d: {  	s29 =	sadd.s32 $0x1, s29;
	_ =	swait.ge @p0 [sflag:s5], $0x1900  }
0x1e: {  	p1 =	sne.s32 s29, s11;
	[sflag:s5] =	ssyncset.done @p0 $0x0  }
.Ltmp1:
0x1f: {  	[sflag:s5] =	ssyncadd.s32 @p0 $0xFFFFE700;
	s5 =	simm.s32 @!p0 $0x5;
	(pc) =	sbr.rel @!p1 .LBB2_5-.Ltmp1, $4  }
0x20: {  	[hbm:s9], [sflag:s6] =	dma.local @!p0 [spmem:s25], $0x2800  }
0x21: {  	_ =	swait.ge @!p0 [sflag:s5], $0x2800  }
0x22: {  	[sflag:s5] =	ssyncset.done @!p0 $0x0  }
0x23: {  	[sflag:s5] =	ssyncadd.s32 @!p0 $0xFFFFD800  }
.LBB2_1:
0x24: {  	s5 =	rddreg [dreg:$0x3]  }
0x25: {  	[spmem:s14], [sflag:s6] =	dma.local [hbm:s5], $0x2780  }
0x26: {  	_ =	swait.ge [sflag:s15], $0x2780  }
0x27: {  	[sflag:s15] =	ssyncset.done $0x0  }
0x28: {  	s12 =	rddreg [dreg:$0x4];
	[sflag:s15] =	ssyncadd.s32 $0xFFFFD880  }
0x29: {  	[tilespmem:s2], [sflag:$0x5] =	stream.linear.gather [hbm4b:s12+s2], $0x1000, $0x38;
	[tilespmem:$0x1FC00] =	vst v63  }
0x2a: {  	_ =	swait.ge [sflag:s15], $0x1000  }
0x2b: {  	[sflag:s15] =	ssyncset.done $0x0  }
0x2c: {  	s13 =	rddreg [dreg:$0x5];
	[sflag:s15] =	ssyncadd.s32 $0xFFFFF000  }
0x2d: {  	[tilespmem:s16], [sflag:$0x5] =	stream.linear.gather [hbm4b:s13+s2], $0x1000, $0x38;
	[tilespmem:$0x1FC00] =	vst v63  }
0x2e: {  	_ =	swait.ge [sflag:s15], $0x1000  }
0x2f: {  	[sflag:s15] =	ssyncset.done $0x0  }
0x30: {  	[sflag:s15] =	ssyncadd.s32 $0xFFFFF000  }
0x31: {  	[bflag:$0x0] =	sbarrier.arrive $0xFFFF  }
0x32: {  	[tilespmem:s18], [sflag:$0x1] =	stream.indirect.gather [hbm4b:s4+s17], $0x80, s2, s17, $0xb8;
	[tilespmem:$0x1FC00] =	vst v63  }
0x33: {  	_ =	swait.ge [sflag:s19], $0x4000  }
0x34: {  	[sflag:s19] =	ssyncset.done $0x0  }
0x35: {  	[sflag:s19] =	ssyncadd.s32 $0xFFFFC000  }
0x36: {  	[spmem:s1] =	stream.indirect.scatter.add.f32 [tilespmem:s18], [sflag:$0x3], $0x80, s16, s17, $0xb8;
	[tilespmem:$0x1FC00] =	vst v63  }
0x37: {  	_ = 	snop  }
0x38: {  	[tilespmem:s20], [sflag:$0x2] =	stream.indirect.gather [hbm4b:s4+s17], $0x80, s17, s17, $0xb8;
	[tilespmem:$0x1FC00] =	vst v63  }
0x39: {  	_ =	swait.ge [sflag:s21], $0x4000  }
0x3a: {  	[sflag:s21] =	ssyncset.done $0x0  }
0x3b: {  	s22 =	simm.s32 $0x2080;
	[sflag:s21] =	ssyncadd.s32 $0xFFFFC000  }
0x3c: {  	[spmem:s1] =	stream.indirect.scatter.add.f32 [tilespmem:s20], [sflag:$0x4], $0x80, s22, s17, $0xb8;
	[tilespmem:$0x1FC00] =	vst v63  }
0x3d: {  	s26 =	simm.s32 $0x100;
	_ =	swait.ge [sflag:s23], $0x4000  }
0x3e: {  	s30 =	simm.s32 $0x200;
	s31 =	simm.s32 $0x4;
	[sflag:s23] =	ssyncset.done $0x0  }
0x3f: {  	s12 =	smov.u32 s3;
	s13 =	smov.u32 s0;
	[sflag:s23] =	ssyncadd.s32 $0xFFFFC000  }
0x40: {  	[tilespmem:s18], [sflag:$0x1] =	stream.indirect.gather [hbm4b:s4+s17], $0x80, s26, s17, $0xb8;
	[tilespmem:$0x1FC00] =	vst v63  }
.LBB2_2:
0x41: {  	s22 =	sadd.s32 $0xFFFFFF00, s30  }
0x42: {  	_ =	swait.ge [sflag:s19], $0x4000;
	s26 =	sand.u32 $0x1000, s22  }
0x43: {  	[sflag:s19] =	ssyncset.done $0x0;
	s22 =	sand.u32 $0xF00, s22;
	s5 =	sor.u32 $0x2000, s26  }
0x44: {  	[sflag:s19] =	ssyncadd.s32 $0xFFFFC000;
	s7 =	sor.u32 s22, s5  }
0x45: {  	[spmem:s1] =	stream.indirect.scatter.add.f32 [tilespmem:s18], [sflag:$0x3], $0x80, s7, s17, $0xb8;
	[tilespmem:$0x1FC00] =	vst v63  }
0x46: {  	_ =	swait.ge [sflag:s28], $0x4000  }
0x47: {  	s8 =	sor.u32 $0x80, s22;
	[sflag:s28] =	ssyncset.done $0x0  }
0x48: {  	s22 =	sor.u32 s8, s26;
	[sflag:s28] =	ssyncadd.s32 $0xFFFFC000  }
0x49: {  	[tilespmem:s20], [sflag:$0x2] =	stream.indirect.gather [hbm4b:s4+s17], $0x80, s22, s17, $0xb8;
	[tilespmem:$0x1FC00] =	vst v63  }
0x4a: {  	_ =	swait.ge [sflag:s21], $0x4000  }
0x4b: {  	p1 =	seq.s32 s31, $0xA0;
	[sflag:s21] =	ssyncset.done $0x0  }
.Ltmp2:
0x4c: {  	s5 =	sor.u32 s8, s5;
	[sflag:s21] =	ssyncadd.s32 $0xFFFFC000;
	(pc) =	sbr.rel @p1 .LBB2_4-.Ltmp2, $4  }
0x4d: {  	[spmem:s1] =	stream.indirect.scatter.add.f32 [tilespmem:s20], [sflag:$0x4], $0x80, s5, s17, $0xb8;
	[tilespmem:$0x1FC00] =	vst v63  }
0x4e: {  	_ =	swait.ge [sflag:s23], $0x4000  }
0x4f: {  	[sflag:s23] =	ssyncset.done $0x0  }
0x50: {  	[sflag:s23] =	ssyncadd.s32 $0xFFFFC000  }
0x51: {  	s5 =	sand.u32 $0x1E, s31  }
0x52: {  	p1 =	seq.s32 s5, $0x0  }
0x53: {  	s7 =	sand.u32 @p1 $0x1000, s30;
	s22 =	simm.s32 @p1 $0x0;
	s26 =	simm.s32 @p1 $0x5  }
0x54: {  	[tilespmem:s7], [sflag:$0x5] =	stream.linear.gather @p1 [hbm4b:s13+s22], $0x1000, $0x38;
	[tilespmem:$0x1FC00] =	vst v63  }
0x55: {  	_ =	swait.ge @p1 [sflag:s26], $0x1000  }
0x56: {  	[sflag:s26] =	ssyncset.done @p1 $0x0  }
0x57: {  	s8 =	sor.u32 @p1 $0x2000, s7;
	[sflag:s26] =	ssyncadd.s32 @p1 $0xFFFFF000  }
0x58: {  	[tilespmem:s8], [sflag:$0x5] =	stream.linear.gather @p1 [hbm4b:s12+s22], $0x1000, $0x38;
	[tilespmem:$0x1FC00] =	vst v63  }
.Ltmp3:
0x59: {  	s31 =	sadd.s32 $0x2, s31;
	s5 =	sshll.u32 s5, $0x7;
	(pc) =	sbr.rel .LBB2_2-.Ltmp3, $4  }
0x5a: {  	s13 =	sadd.s32 $0x20, s13;
	s8 =	sand.u32 @!p1 $0x1000, s30;
	_ =	swait.ge @p1 [sflag:s26], $0x1000  }
0x5b: {  	s30 =	sadd.s32 $0x100, s30;
	s8 =	smov.u32 @p1 s7;
	[sflag:s26] =	ssyncset.done @p1 $0x0  }
0x5c: {  	s12 =	sadd.s32 $0x20, s12;
	s5 =	sadd.s32 s5, s8;
	[sflag:s26] =	ssyncadd.s32 @p1 $0xFFFFF000  }
0x5d: {  	[tilespmem:s18], [sflag:$0x1] =	stream.indirect.gather [hbm4b:s4+s17], $0x80, s5, s17, $0xb8;
	[tilespmem:$0x1FC00] =	vst v63  }
.LBB2_5:
0x5e: {  	_ =	sfence.sel $0x180000  }
0x5f: {  	[bflag:$0x0] =	sbarrier.arrive $0xFFFF  }
0x60: {  	_ =	strace $0x9000004A  }
0x61: {  	s0 =	stileid.u32;
	[bflag:$0x2] =	sbarrier.arrive $0xFFFF  }
0x62: {  	p0 =	sne.s32 s0, $0x0;
	s0 =	rddreg [dreg:$0x2]  }
0x63: {  	s0 =	sadd.s32 @!p0 $0x100000, s0  }
0x64: {  	[sflag:s0] =	ssyncadd.tile.s32 @!p0 $0x1;
	_ =	shalt  }
.Lfunc_end2:
_tile_overlayer_lowered:
.L_overlay_start_2:
0x65: {  	(tag) =	ssettag $0x2  }
0x66: {  	s0 =	rddreg [dreg:$0x0];
	s2 =	stileid.u32  }
0x67: {  	s1 =	rddreg [dreg:$0x1];
	p0 =	sne.s32 s2, $0x0  }
0x68: {  	s3 =	rddreg [dreg:$0x2];
	[bflag:$0x3] =	sbarrier.arrive $0xFFFF;
	s2 =	simm.s32 @!p0 $0x1C05  }
0x69: {  	[timem:s3], [sflag:s2] =	dma.local @!p0 [hbm:s0], s1  }
0x6a: {  	s0 =	simm.s32 @!p0 $0x5  }
0x6b: {  	_ =	swait.ge @!p0 [sflag:s0], s1  }
0x6c: {  	s1 =	ssub.s32 @!p0 $0x0, s1;
	[sflag:s0] =	ssyncset.done @!p0 $0x0  }
0x6d: {  	[sflag:s0] =	ssyncadd.s32 @!p0 s1  }
0x6e: {  	[bflag:$0x3] =	sbarrier.arrive $0xFFFF  }
0x6f: {  	_ =	shalt  }

// kernel: kernel.17.cloned.1.call-start
scs
__scs_entry_jumppad:
0x0: {  	(pc) =	sbr.rel $0x88, $3  }
0x1: {  	(tag) =	ssettag $0x0;
	lr =	simm.s32 $0x1  }
0x2: {  	[smem:$0x3F91] =	sst lr;
	_ =	strace $0xD0000000  }
0x3: {  	_ = 	snop  }
0x4: {  	_ = 	snop  }
0x5: {  	_ = 	snop  }
0x6: {  	_ = 	snop  }
0x7: {  	_ = 	snop  }
__scs_overlays_trampoline_lowered:
0x8: {  	[smem:$0x3FA0] =	sst s0  }
0x9: {  	[smem:$0x3FA1] =	sst s1  }
0xa: {  	[smem:$0x3FA2] =	sst s2  }
0xb: {  	[smem:$0x3FA3] =	sst s3  }
0xc: {  	[smem:$0x3FA4] =	sst s4  }
0xd: {  	[smem:$0x3FA5] =	sst s5  }
0xe: {  	[smem:$0x3FA6] =	sst s6  }
0xf: {  	[smem:$0x3FA7] =	sst s7  }
0x10: {  	[smem:$0x3FA8] =	sst s8  }
0x11: {  	[smem:$0x3FA9] =	sst s9;
	s0 =	simm.s32 @!p0 $0x0  }
0x12: {  	s1 =	sld [smem:$0x3F8F];
	s0 =	simm.s32 @p0 $0x1  }
0x13: {  	[smem:$0x3FAA] =	sst s0;
	s0 =	simm.s32 @!p1 $0x0  }
0x14: {  	s2 =	sld [smem:$0x3F8E];
	s0 =	simm.s32 @p1 $0x1  }
0x15: {  	[smem:$0x3FAB] =	sst s0;
	s0 =	simm.s32 @!p2 $0x0  }
0x16: {  	s3 =	sld [smem:$0x3FDB];
	s0 =	simm.s32 @p2 $0x1  }
0x17: {  	s4 =	simm.s32 $0x1BF5;
	[smem:$0x3FAD] =	sst s0  }
0x18: {  	s0 =	sld [smem:$0x3F90];
	_ =	swait.ge [sflag:s4], $0x0  }
0x19: {  	s7 =	sld [smem:$0x3F91]  }
0x1a: {  	s8 =	sadd.s32 $0xFFFFE003, lr  }
0x1b: {  	s9 =	sadd.s32 $0xFFFFFEF7, lr;
	s5 =	simm.s32 $0xFFFFFFFF;
	p2 =	slt.u32 s8, $0xFFFFF086  }
0x1c: {  	p1 =	slt.u32 s9, $0xF7A;
	s5 =	simm.s32 @!p2 $0x0  }
0x1d: {  	s5 =	simm.s32 @p1 $0x1;
	p0 =	seq.s32 s7, s2  }
0x1e: {  	s7 =	smul.u32 @!p0 $0xF7A, s2;
	p2 =	seq.s32 @!p0 s5, $0x0  }
0x1f: {  	s9 =	smul.u32 $0xF7A, s1;
	s8 =	simm.s32 @!p0 $0x1BF5;
	p2 =	por !p2, p0  }
0x20: {  	[sflag:s8] =	ssyncset.s32 @!p0 $0xFFFFF086;
	s6 =	sadd.s32 @!p0 s3, s7;
	s7 =	simm.s32 @!p0 $0x108  }
0x21: {  	s3 =	sadd.s32 s3, s9;
	s6 =	sadd.s32 @!p0 $0x88, s6;
	s7 =	simm.s32 @p2 $0x1082  }
0x22: {  	[simem:s7], [sflag:s8] =	dma.local @!p0 [hbm:s6], $0xF7A  }
0x23: {  	s9 =	sor.u32 $0xD0000000, s2;
	s6 =	simm.s32 $0x108;
	_ =	swait.ge @!p0 [sflag:s8], $0x0  }
0x24: {  	s3 =	sadd.s32 $0x88, s3;
	s6 =	simm.s32 @!p1 $0x1082;
	[sflag:s4] =	ssyncset.s32 $0xFFFFF086  }
0x25: {  	[simem:s6], [sflag:s4] =	dma.local [hbm:s3], $0xF7A  }
0x26: {  	[smem:$0x3F91] =	sst s1;
	(tag) =	ssettag s2;
	_ =	strace s9  }
0x27: {  	s1 =	sld [smem:$0x3FA1]  }
0x28: {  	s2 =	sld [smem:$0x3FA2]  }
0x29: {  	s4 =	sld [smem:$0x3FA4]  }
0x2a: {  	p0 =	seq.s32 s5, $0x0;
	s5 =	sld [smem:$0x3FA5]  }
0x2b: {  	s6 =	sld [smem:$0x3FA6]  }
0x2c: {  	s7 =	sld [smem:$0x3FA7]  }
0x2d: {  	s3 =	simm.s32 $0x108;
	s8 =	sld [smem:$0x3FA8]  }
0x2e: {  	s3 =	simm.s32 @!p0 $0x1082;
	s9 =	sld [smem:$0x3FA9]  }
0x2f: {  	lr =	sadd.s32 s0, s3;
	s0 =	sld [smem:$0x3FA0]  }
0x30: {  	s3 =	sld [smem:$0x3FA3]  }
0x31: {  	[smem:$0x3FAC] =	sst s10  }
0x32: {  	s10 =	sld [smem:$0x3FAA];
	_ =	sdelay $0x3  }
0x33: {  	p0 =	seq.s32 s10, $0x1;
	s10 =	sld [smem:$0x3FAC];
	_ =	sdelay $0x3  }
0x34: {  	[smem:$0x3FAC] =	sst s10  }
0x35: {  	s10 =	sld [smem:$0x3FAB];
	_ =	sdelay $0x3  }
0x36: {  	p1 =	seq.s32 s10, $0x1;
	s10 =	sld [smem:$0x3FAC];
	_ =	sdelay $0x3  }
0x37: {  	[smem:$0x3FAC] =	sst s10  }
0x38: {  	s10 =	sld [smem:$0x3FAD]  }
0x39: {  	_ = 	snop;
	(pc) =	sbr.ind lr, $3  }
0x3a: {  	_ = 	snop  }
0x3b: {  	_ = 	snop  }
0x3c: {  	p2 =	seq.s32 s10, $0x1;
	s10 =	sld [smem:$0x3FAC]  }
0x3d: {  	_ =	shalt  }
0x3e: {  	_ =	shalt  }
0x3f: {  	_ =	shalt  }
0x40: {  	_ =	shalt  }
0x41: {  	_ =	shalt  }
0x42: {  	_ =	shalt  }
0x43: {  	_ =	shalt  }
0x44: {  	_ =	shalt  }
0x45: {  	_ =	shalt  }
0x46: {  	_ =	shalt  }
0x47: {  	_ =	shalt  }
0x48: {  	_ =	shalt  }
0x49: {  	_ =	shalt  }
0x4a: {  	_ =	shalt  }
0x4b: {  	_ =	shalt  }
0x4c: {  	_ =	shalt  }
0x4d: {  	_ =	shalt  }
0x4e: {  	_ =	shalt  }
0x4f: {  	_ =	shalt  }
0x50: {  	_ =	shalt  }
0x51: {  	_ =	shalt  }
0x52: {  	_ =	shalt  }
0x53: {  	_ =	shalt  }
0x54: {  	_ =	shalt  }
0x55: {  	_ =	shalt  }
0x56: {  	_ =	shalt  }
0x57: {  	_ =	shalt  }
0x58: {  	_ =	shalt  }
0x59: {  	_ =	shalt  }
0x5a: {  	_ =	shalt  }
0x5b: {  	_ =	shalt  }
0x5c: {  	_ =	shalt  }
0x5d: {  	_ =	shalt  }
0x5e: {  	_ =	shalt  }
0x5f: {  	_ =	shalt  }
0x60: {  	_ =	shalt  }
0x61: {  	_ =	shalt  }
0x62: {  	_ =	shalt  }
0x63: {  	_ =	shalt  }
0x64: {  	_ =	shalt  }
0x65: {  	_ =	shalt  }
0x66: {  	_ =	shalt  }
0x67: {  	_ =	shalt  }
0x68: {  	_ =	shalt  }
0x69: {  	_ =	shalt  }
0x6a: {  	_ =	shalt  }
0x6b: {  	_ =	shalt  }
0x6c: {  	_ =	shalt  }
0x6d: {  	_ =	shalt  }
0x6e: {  	_ =	shalt  }
0x6f: {  	_ =	shalt  }
0x70: {  	_ =	shalt  }
0x71: {  	_ =	shalt  }
0x72: {  	_ =	shalt  }
0x73: {  	_ =	shalt  }
0x74: {  	_ =	shalt  }
0x75: {  	_ =	shalt  }
0x76: {  	_ =	shalt  }
0x77: {  	_ =	shalt  }
0x78: {  	_ =	shalt  }
0x79: {  	_ =	shalt  }
0x7a: {  	_ =	shalt  }
0x7b: {  	_ =	shalt  }
0x7c: {  	_ =	shalt  }
0x7d: {  	_ =	shalt  }
0x7e: {  	_ =	shalt  }
0x7f: {  	_ =	shalt  }
0x80: {  	_ =	shalt  }
0x81: {  	_ =	shalt  }
0x82: {  	_ =	shalt  }
0x83: {  	_ =	shalt  }
0x84: {  	_ =	shalt  }
0x85: {  	_ =	shalt  }
0x86: {  	_ =	shalt  }
0x87: {  	_ =	shalt  }
.Lfunc_end0:
.L_simem_size_0:
called_computation.2_lowered:
.L_overlay_start_0:
0x88: {  	s2 =	sld [smem:$0x3FD9]  }
0x89: {  	s3 =	sld [smem:$0x3FFE];
	_ =	sdelay $0x1  }
0x8a: {  	s1 =	srdreg.scid  }
0x8b: {  	s0 =	sand.u32 $0x1, s1  }
0x8c: {  	s16 =	sshll.u32 s0, $0xA;
	s2 =	sadd.s32 s3, s2  }
0x8d: {  	s2 =	sadd.s32 s2, s16  }
0x8e: {  	[smem:$0x3FB8] =	sst s2  }
0x8f: {  	_ = 	snop  }
0x90: {  	(tm) =	ssettm $0x1  }
0x91: {  	s17 =	sld [smem:$0x3FFB];
	_ =	sdelay $0x3  }
0x92: {  	_ =	strace s17  }
0x93: {  	s2 =	sld [smem:$0x3FFC];
	_ =	sdelay $0x3  }
0x94: {  	_ =	strace s2  }
0x95: {  	s2 =	sld [smem:$0x3FFD];
	_ =	sdelay $0x3  }
0x96: {  	_ =	strace s2  }
0x97: {  	_ =	strace $0x8FFFFFFF  }
0x98: {  	s18 =	sld [smem:$0x3FDB];
	_ =	sdelay $0x1  }
0x99: {  	s19 =	simm.s32 $_scs_section_size  }
0x9a: {  	s4 =	simm.s32 $_size__tile_overlayer_lowered;
	s5 =	simm.s32 $_tile_overlayer_lowered  }
0x9b: {  	s22 =	simm.s32 $0x1BFF;
	s21 =	sshll.u32 s5, $0x1;
	s2 =	sadd.s32 s19, s18  }
0x9c: {  	s6 =	simm.s32 $0x0;
	s20 =	sshll.u32 s4, $0x1;
	s4 =	sadd.s32 s21, s2  }
0x9d: {  	[timem:s6], [sflag:s22] =	dma.local [hbm:s4], s20  }
0x9e: {  	_ =	swait.ge [sflag:s22], s20  }
0x9f: {  	s3 =	ssub.s32 $0x0, s20;
	[sflag:s22] =	ssyncset.done $0x0  }
0xa0: {  	[sflag:s22] =	ssyncadd.s32 s3;
	_ =	sdelay $0x1  }
0xa1: {  	s23 =	simm.s32 $0x1B8B  }
0xa2: {  	_ =	swait.ge [sflag:s23], $0x1  }
0xa3: {  	[sflag:s23] =	ssyncset.done $0x0  }
0xa4: {  	s25 =	simm.s32 $0x1B8E;
	s24 =	sld [smem:$0x3FFE];
	[sflag:s23] =	ssyncadd.s32 $0xFFFFFFFF  }
0xa5: {  	s26 =	simm.s32 $execute0_lowered;
	[smem:$0x3FD2] =	sst s25  }
0xa6: {  	s4 =	sshll.u32 s26, $0x1;
	_ =	strace $0x8000004C;
	[dreg:$0x1] =	wrdreg $0xFFFFFFFF  }
0xa7: {  	s28 =	simm.s32 $_size_execute0_lowered;
	s2 =	sadd.s32 s2, s4;
	[dreg:$0x0] =	wrdreg $0x0  }
0xa8: {  	s4 =	sshll.u32 s28, $0x1;
	[dreg:$0x2] =	wrdreg s2  }
0xa9: {  	[dreg:$0x3] =	wrdreg s4  }
0xaa: {  	[dreg:$0x4] =	wrdreg $0xC0  }
0xab: {  	_ =	task [dreg:s6], $0x5FFFF  }
0xac: {  	[dreg:$0x1] =	wrdreg $0xFFFFFFFF  }
0xad: {  	[dreg:$0x0] =	wrdreg $0x60  }
0xae: {  	[dreg:$0x2] =	wrdreg s24  }
0xaf: {  	[dreg:$0x3] =	wrdreg $0xC0000  }
0xb0: {  	[dreg:$0x4] =	wrdreg $0x9  }
0xb1: {  	_ =	task.clear_ibuf [dreg:s6], $0x5FFFF;
	_ =	strace $0x9000004C  }
0xb2: {  	s29 =	simm.s32 $0x9;
	_ =	strace $0x8000004E  }
0xb3: {  	_ =	swait.ge [sflag:s29], $0x1  }
0xb4: {  	[sflag:s29] =	ssyncadd.s32 $0xFFFFFFFF  }
0xb5: {  	_ =	strace $0x9000004E  }
0xb6: {  	_ =	sfence  }
0xb7: {  	s30 =	sld [smem:$0x0];
	_ =	sdelay $0x2  }
0xb8: {  	s31 =	sshll.u32 s1, $0xD;
	s1 =	sshrl.u32 s1, $0x2  }
0xb9: {  	s3 =	sand.u32 $0x4000, s31;
	s1 =	sadd.s32 s1, s30  }
0xba: {  	s0 =	sor.u32 s3, s0;
	s1 =	sshll.u32 s1, $0x11  }
0xbb: {  	s0 =	sor.u32 s1, s0  }
0xbc: {  	s0 =	sadd.s32 $0x8F2B, s0  }
0xbd: {  	[sflag:s0] =	ssyncadd.remote.s32 $0x1  }
0xbe: {  	_ =	sfence.sel $0xFFFF  }
0xbf: {  	[dreg:$0x0] =	wrdreg $0xFFFFFFFF;
	(pc) =	sbr.abs _section_cstart, $3  }
0xc0: {  	[dreg:$0x1] =	wrdreg $0xFFFFFFFF  }
0xc1: {  	_ =	task.clear_ibuf [dreg:s6], $0x2FFFF;
	_ =	strace $0x9FFFFFFF  }
0xc2: {  	(tm) =	ssettm $0x7FFFFFFF  }
0xc3: {  	_ =	shalt  }
tec
execute0_lowered:
.L_overlay_start_1:
0x0: {  	(tag) =	ssettag $0x1  }
0x1: {  	s0 =	rddreg [dreg:$0x0]  }
0x2: {  	s1 =	rddreg [dreg:$0x1]  }
0x3: {  	s2 =	simm.s32 $0x0;
	s3 =	srdreg.scid;
	s5 =	stileid.u32  }
0x4: {  	s17 =	simm.s32 $0x80;
	s28 =	simm.s32 $0x4;
	s29 =	simm.s32 $0x0  }
0x5: {  	[smem:$0x7FF] =	sst s2;
	s4 =	sadd.s32 $0xFA00, s0;
	s6 =	smul.u32 $0x4F000, s5  }
0x6: {  	s12 =	sadd.s32 $0xB5E00, s0;
	s13 =	sadd.s32 $0x5DC00, s0;
	s10 =	smul.u32 $0x5000, s5  }
0x7: {  	s3 =	sand.u32 $0x1, s3;
	s7 =	sadd.s32 $0xD200, s0;
	s20 =	smul.u32 $0x14000, s5  }
0x8: {  	s0 =	sadd.s32 $0x67C00, s0;
	s19 =	sshll.u32 s5, $0x6;
	s16 =	smul.u32 $0x50000, s5  }
0x9: {  	s30 =	smul.u32 $0xA00, s5;
	p0 =	seq.s32 s5, $0xF;
	_ =	strace $0x8000004D  }
0xa: {  	[dreg:$0x3] =	wrdreg s7;
	s18 =	ssub.s32 $0x2, s3;
	s8 =	smul.u32 $0x50000, s3  }
0xb: {  	s3 =	smul.u32 $0x138800, s3;
	s9 =	sshrl.u32 s18, $0x1;
	s6 =	sshrl.u32 s6, $0x2  }
0xc: {  	s22 =	sshrl.u32 s10, $0x3;
	s26 =	sshrl.u32 s16, $0x2;
	s16 =	simm.s32 $0x2000  }
0xd: {  	s11 =	ssub.s32 s18, s9;
	s14 =	sadd.s32 s10, s8;
	s15 =	sadd.s32 s6, s1  }
0xe: {  	s6 =	sor.u32 $0x1C05, s19;
	s23 =	sadd.s32 s20, s3;
	s24 =	sadd.s32 s13, s22  }
0xf: {  	s3 =	sshrl.u32 s3, $0x3;
	s18 =	simm.s32 $0x4000;
	s19 =	simm.s32 $0x1  }
0x10: {  	s20 =	simm.s32 $0x8000;
	s21 =	sshrl.u32 s14, $0x3;
	[dreg:$0x5] =	wrdreg s24  }
0x11: {  	s25 =	sshrl.u32 s23, $0x3;
	s24 =	sadd.s32 $0x12C000, s1;
	s31 =	sor.u32 $0x200, s14  }
0x12: {  	s11 =	smax.u32 s11, $0x1;
	s14 =	sshrl.u32 s15, $0x3;
	s15 =	simm.s32 $0x5  }
.Ltmp0:
0x13: {  	s23 =	simm.s32 $0x3;
	s7 =	sadd.s32 s12, s21;
	(pc) =	sbr.rel .LBB2_1-.Ltmp0, $4  }
0x14: {  	s9 =	sadd.s32 s0, s25;
	s25 =	sadd.s32 s26, s1;
	s0 =	sadd.s32 s0, s3  }
0x15: {  	s3 =	sadd.s32 s30, s13;
	s21 =	simm.s32 $0x2;
	s24 =	sshrl.u32 @p0 s24, $0x3  }
0x16: {  	[dreg:$0x4] =	wrdreg s7;
	s10 =	sadd.s32 $0x25800, s0;
	s0 =	sshrl.u32 s31, $0x3  }
0x17: {  	s3 =	sadd.s32 $0x40, s3;
	s25 =	sshrl.u32 @!p0 s25, $0x3;
	s0 =	sadd.s32 s0, s12  }
.LBB2_4:
0x18: {  	_ =	swait.ge [sflag:s28], $0x4000  }
0x19: {  	[sflag:s28] =	ssyncset.done $0x0  }
0x1a: {  	[sflag:s28] =	ssyncadd.s32 $0xFFFFC000  }
0x1b: {  	s5 =	simm.s32 @p0 $0x5;
	[bflag:$0x0] =	sbarrier.arrive $0xFFFF  }
0x1c: {  	[hbm:s10], [sflag:s6] =	dma.local @p0 [spmem:s24], $0x1900  }
0x1d: {  	s29 =	sadd.s32 $0x1, s29;
	_ =	swait.ge @p0 [sflag:s5], $0x1900  }
0x1e: {  	p1 =	sne.s32 s29, s11;
	[sflag:s5] =	ssyncset.done @p0 $0x0  }
.Ltmp1:
0x1f: {  	[sflag:s5] =	ssyncadd.s32 @p0 $0xFFFFE700;
	s5 =	simm.s32 @!p0 $0x5;
	(pc) =	sbr.rel @!p1 .LBB2_5-.Ltmp1, $4  }
0x20: {  	[hbm:s9], [sflag:s6] =	dma.local @!p0 [spmem:s25], $0x2800  }
0x21: {  	_ =	swait.ge @!p0 [sflag:s5], $0x2800  }
0x22: {  	[sflag:s5] =	ssyncset.done @!p0 $0x0  }
0x23: {  	[sflag:s5] =	ssyncadd.s32 @!p0 $0xFFFFD800  }
.LBB2_1:
0x24: {  	s5 =	rddreg [dreg:$0x3]  }
0x25: {  	[spmem:s14], [sflag:s6] =	dma.local [hbm:s5], $0x2780  }
0x26: {  	_ =	swait.ge [sflag:s15], $0x2780  }
0x27: {  	[sflag:s15] =	ssyncset.done $0x0  }
0x28: {  	s12 =	rddreg [dreg:$0x4];
	[sflag:s15] =	ssyncadd.s32 $0xFFFFD880  }
0x29: {  	[tilespmem:s2], [sflag:$0x5] =	stream.linear.gather [hbm4b:s12+s2], $0x1000, $0x38;
	[tilespmem:$0x1FC00] =	vst v63  }
0x2a: {  	_ =	swait.ge [sflag:s15], $0x1000  }
0x2b: {  	[sflag:s15] =	ssyncset.done $0x0  }
0x2c: {  	s13 =	rddreg [dreg:$0x5];
	[sflag:s15] =	ssyncadd.s32 $0xFFFFF000  }
0x2d: {  	[tilespmem:s16], [sflag:$0x5] =	stream.linear.gather [hbm4b:s13+s2], $0x1000, $0x38;
	[tilespmem:$0x1FC00] =	vst v63  }
0x2e: {  	_ =	swait.ge [sflag:s15], $0x1000  }
0x2f: {  	[sflag:s15] =	ssyncset.done $0x0  }
0x30: {  	[sflag:s15] =	ssyncadd.s32 $0xFFFFF000  }
0x31: {  	[bflag:$0x0] =	sbarrier.arrive $0xFFFF  }
0x32: {  	[tilespmem:s18], [sflag:$0x1] =	stream.indirect.gather [hbm4b:s4+s17], $0x80, s2, s17, $0xb8;
	[tilespmem:$0x1FC00] =	vst v63  }
0x33: {  	_ =	swait.ge [sflag:s19], $0x4000  }
0x34: {  	[sflag:s19] =	ssyncset.done $0x0  }
0x35: {  	[sflag:s19] =	ssyncadd.s32 $0xFFFFC000  }
0x36: {  	[spmem:s1] =	stream.indirect.scatter.add.f32 [tilespmem:s18], [sflag:$0x3], $0x80, s16, s17, $0xb8;
	[tilespmem:$0x1FC00] =	vst v63  }
0x37: {  	_ = 	snop  }
0x38: {  	[tilespmem:s20], [sflag:$0x2] =	stream.indirect.gather [hbm4b:s4+s17], $0x80, s17, s17, $0xb8;
	[tilespmem:$0x1FC00] =	vst v63  }
0x39: {  	_ =	swait.ge [sflag:s21], $0x4000  }
0x3a: {  	[sflag:s21] =	ssyncset.done $0x0  }
0x3b: {  	s22 =	simm.s32 $0x2080;
	[sflag:s21] =	ssyncadd.s32 $0xFFFFC000  }
0x3c: {  	[spmem:s1] =	stream.indirect.scatter.add.f32 [tilespmem:s20], [sflag:$0x4], $0x80, s22, s17, $0xb8;
	[tilespmem:$0x1FC00] =	vst v63  }
0x3d: {  	s26 =	simm.s32 $0x100;
	_ =	swait.ge [sflag:s23], $0x4000  }
0x3e: {  	s30 =	simm.s32 $0x200;
	s31 =	simm.s32 $0x4;
	[sflag:s23] =	ssyncset.done $0x0  }
0x3f: {  	s12 =	smov.u32 s3;
	s13 =	smov.u32 s0;
	[sflag:s23] =	ssyncadd.s32 $0xFFFFC000  }
0x40: {  	[tilespmem:s18], [sflag:$0x1] =	stream.indirect.gather [hbm4b:s4+s17], $0x80, s26, s17, $0xb8;
	[tilespmem:$0x1FC00] =	vst v63  }
.LBB2_2:
0x41: {  	s22 =	sadd.s32 $0xFFFFFF00, s30  }
0x42: {  	_ =	swait.ge [sflag:s19], $0x4000;
	s26 =	sand.u32 $0x1000, s22  }
0x43: {  	[sflag:s19] =	ssyncset.done $0x0;
	s22 =	sand.u32 $0xF00, s22;
	s5 =	sor.u32 $0x2000, s26  }
0x44: {  	[sflag:s19] =	ssyncadd.s32 $0xFFFFC000;
	s7 =	sor.u32 s22, s5  }
0x45: {  	[spmem:s1] =	stream.indirect.scatter.add.f32 [tilespmem:s18], [sflag:$0x3], $0x80, s7, s17, $0xb8;
	[tilespmem:$0x1FC00] =	vst v63  }
0x46: {  	_ =	swait.ge [sflag:s28], $0x4000  }
0x47: {  	s8 =	sor.u32 $0x80, s22;
	[sflag:s28] =	ssyncset.done $0x0  }
0x48: {  	s22 =	sor.u32 s8, s26;
	[sflag:s28] =	ssyncadd.s32 $0xFFFFC000  }
0x49: {  	[tilespmem:s20], [sflag:$0x2] =	stream.indirect.gather [hbm4b:s4+s17], $0x80, s22, s17, $0xb8;
	[tilespmem:$0x1FC00] =	vst v63  }
0x4a: {  	_ =	swait.ge [sflag:s21], $0x4000  }
0x4b: {  	p1 =	seq.s32 s31, $0xA0;
	[sflag:s21] =	ssyncset.done $0x0  }
.Ltmp2:
0x4c: {  	s5 =	sor.u32 s8, s5;
	[sflag:s21] =	ssyncadd.s32 $0xFFFFC000;
	(pc) =	sbr.rel @p1 .LBB2_4-.Ltmp2, $4  }
0x4d: {  	[spmem:s1] =	stream.indirect.scatter.add.f32 [tilespmem:s20], [sflag:$0x4], $0x80, s5, s17, $0xb8;
	[tilespmem:$0x1FC00] =	vst v63  }
0x4e: {  	_ =	swait.ge [sflag:s23], $0x4000  }
0x4f: {  	[sflag:s23] =	ssyncset.done $0x0  }
0x50: {  	[sflag:s23] =	ssyncadd.s32 $0xFFFFC000  }
0x51: {  	s5 =	sand.u32 $0x1E, s31  }
0x52: {  	p1 =	seq.s32 s5, $0x0  }
0x53: {  	s7 =	sand.u32 @p1 $0x1000, s30;
	s22 =	simm.s32 @p1 $0x0;
	s26 =	simm.s32 @p1 $0x5  }
0x54: {  	[tilespmem:s7], [sflag:$0x5] =	stream.linear.gather @p1 [hbm4b:s13+s22], $0x1000, $0x38;
	[tilespmem:$0x1FC00] =	vst v63  }
0x55: {  	_ =	swait.ge @p1 [sflag:s26], $0x1000  }
0x56: {  	[sflag:s26] =	ssyncset.done @p1 $0x0  }
0x57: {  	s8 =	sor.u32 @p1 $0x2000, s7;
	[sflag:s26] =	ssyncadd.s32 @p1 $0xFFFFF000  }
0x58: {  	[tilespmem:s8], [sflag:$0x5] =	stream.linear.gather @p1 [hbm4b:s12+s22], $0x1000, $0x38;
	[tilespmem:$0x1FC00] =	vst v63  }
.Ltmp3:
0x59: {  	s31 =	sadd.s32 $0x2, s31;
	s5 =	sshll.u32 s5, $0x7;
	(pc) =	sbr.rel .LBB2_2-.Ltmp3, $4  }
0x5a: {  	s13 =	sadd.s32 $0x20, s13;
	s8 =	sand.u32 @!p1 $0x1000, s30;
	_ =	swait.ge @p1 [sflag:s26], $0x1000  }
0x5b: {  	s30 =	sadd.s32 $0x100, s30;
	s8 =	smov.u32 @p1 s7;
	[sflag:s26] =	ssyncset.done @p1 $0x0  }
0x5c: {  	s12 =	sadd.s32 $0x20, s12;
	s5 =	sadd.s32 s5, s8;
	[sflag:s26] =	ssyncadd.s32 @p1 $0xFFFFF000  }
0x5d: {  	[tilespmem:s18], [sflag:$0x1] =	stream.indirect.gather [hbm4b:s4+s17], $0x80, s5, s17, $0xb8;
	[tilespmem:$0x1FC00] =	vst v63  }
.LBB2_5:
0x5e: {  	_ =	sfence.sel $0x180000  }
0x5f: {  	[bflag:$0x0] =	sbarrier.arrive $0xFFFF  }
0x60: {  	_ =	strace $0x9000004D  }
0x61: {  	s0 =	stileid.u32;
	[bflag:$0x2] =	sbarrier.arrive $0xFFFF  }
0x62: {  	p0 =	sne.s32 s0, $0x0;
	s0 =	rddreg [dreg:$0x2]  }
0x63: {  	s0 =	sadd.s32 @!p0 $0x100000, s0  }
0x64: {  	[sflag:s0] =	ssyncadd.tile.s32 @!p0 $0x1;
	_ =	shalt  }
.Lfunc_end2:
_tile_overlayer_lowered:
.L_overlay_start_2:
0x65: {  	(tag) =	ssettag $0x2  }
0x66: {  	s0 =	rddreg [dreg:$0x0];
	s2 =	stileid.u32  }
0x67: {  	s1 =	rddreg [dreg:$0x1];
	p0 =	sne.s32 s2, $0x0  }
0x68: {  	s3 =	rddreg [dreg:$0x2];
	[bflag:$0x3] =	sbarrier.arrive $0xFFFF;
	s2 =	simm.s32 @!p0 $0x1C05  }
0x69: {  	[timem:s3], [sflag:s2] =	dma.local @!p0 [hbm:s0], s1  }
0x6a: {  	s0 =	simm.s32 @!p0 $0x5  }
0x6b: {  	_ =	swait.ge @!p0 [sflag:s0], s1  }
0x6c: {  	s1 =	ssub.s32 @!p0 $0x0, s1;
	[sflag:s0] =	ssyncset.done @!p0 $0x0  }
0x6d: {  	[sflag:s0] =	ssyncadd.s32 @!p0 s1  }
0x6e: {  	[bflag:$0x3] =	sbarrier.arrive $0xFFFF  }
0x6f: {  	_ =	shalt  }

// kernel: kernel.20.cloned.1.call-start
scs
__scs_entry_jumppad:
0x0: {  	(pc) =	sbr.rel $0x88, $3  }
0x1: {  	(tag) =	ssettag $0x0;
	lr =	simm.s32 $0x1  }
0x2: {  	[smem:$0x3F91] =	sst lr;
	_ =	strace $0xD0000000  }
0x3: {  	_ = 	snop  }
0x4: {  	_ = 	snop  }
0x5: {  	_ = 	snop  }
0x6: {  	_ = 	snop  }
0x7: {  	_ = 	snop  }
__scs_overlays_trampoline_lowered:
0x8: {  	[smem:$0x3FA0] =	sst s0  }
0x9: {  	[smem:$0x3FA1] =	sst s1  }
0xa: {  	[smem:$0x3FA2] =	sst s2  }
0xb: {  	[smem:$0x3FA3] =	sst s3  }
0xc: {  	[smem:$0x3FA4] =	sst s4  }
0xd: {  	[smem:$0x3FA5] =	sst s5  }
0xe: {  	[smem:$0x3FA6] =	sst s6  }
0xf: {  	[smem:$0x3FA7] =	sst s7  }
0x10: {  	[smem:$0x3FA8] =	sst s8  }
0x11: {  	[smem:$0x3FA9] =	sst s9;
	s0 =	simm.s32 @!p0 $0x0  }
0x12: {  	s1 =	sld [smem:$0x3F8F];
	s0 =	simm.s32 @p0 $0x1  }
0x13: {  	[smem:$0x3FAA] =	sst s0;
	s0 =	simm.s32 @!p1 $0x0  }
0x14: {  	s2 =	sld [smem:$0x3F8E];
	s0 =	simm.s32 @p1 $0x1  }
0x15: {  	[smem:$0x3FAB] =	sst s0;
	s0 =	simm.s32 @!p2 $0x0  }
0x16: {  	s3 =	sld [smem:$0x3FDB];
	s0 =	simm.s32 @p2 $0x1  }
0x17: {  	s4 =	simm.s32 $0x1BF5;
	[smem:$0x3FAD] =	sst s0  }
0x18: {  	s0 =	sld [smem:$0x3F90];
	_ =	swait.ge [sflag:s4], $0x0  }
0x19: {  	s7 =	sld [smem:$0x3F91]  }
0x1a: {  	s8 =	sadd.s32 $0xFFFFE003, lr  }
0x1b: {  	s9 =	sadd.s32 $0xFFFFFEF7, lr;
	s5 =	simm.s32 $0xFFFFFFFF;
	p2 =	slt.u32 s8, $0xFFFFF086  }
0x1c: {  	p1 =	slt.u32 s9, $0xF7A;
	s5 =	simm.s32 @!p2 $0x0  }
0x1d: {  	s5 =	simm.s32 @p1 $0x1;
	p0 =	seq.s32 s7, s2  }
0x1e: {  	s7 =	smul.u32 @!p0 $0xF7A, s2;
	p2 =	seq.s32 @!p0 s5, $0x0  }
0x1f: {  	s9 =	smul.u32 $0xF7A, s1;
	s8 =	simm.s32 @!p0 $0x1BF5;
	p2 =	por !p2, p0  }
0x20: {  	[sflag:s8] =	ssyncset.s32 @!p0 $0xFFFFF086;
	s6 =	sadd.s32 @!p0 s3, s7;
	s7 =	simm.s32 @!p0 $0x108  }
0x21: {  	s3 =	sadd.s32 s3, s9;
	s6 =	sadd.s32 @!p0 $0x88, s6;
	s7 =	simm.s32 @p2 $0x1082  }
0x22: {  	[simem:s7], [sflag:s8] =	dma.local @!p0 [hbm:s6], $0xF7A  }
0x23: {  	s9 =	sor.u32 $0xD0000000, s2;
	s6 =	simm.s32 $0x108;
	_ =	swait.ge @!p0 [sflag:s8], $0x0  }
0x24: {  	s3 =	sadd.s32 $0x88, s3;
	s6 =	simm.s32 @!p1 $0x1082;
	[sflag:s4] =	ssyncset.s32 $0xFFFFF086  }
0x25: {  	[simem:s6], [sflag:s4] =	dma.local [hbm:s3], $0xF7A  }
0x26: {  	[smem:$0x3F91] =	sst s1;
	(tag) =	ssettag s2;
	_ =	strace s9  }
0x27: {  	s1 =	sld [smem:$0x3FA1]  }
0x28: {  	s2 =	sld [smem:$0x3FA2]  }
0x29: {  	s4 =	sld [smem:$0x3FA4]  }
0x2a: {  	p0 =	seq.s32 s5, $0x0;
	s5 =	sld [smem:$0x3FA5]  }
0x2b: {  	s6 =	sld [smem:$0x3FA6]  }
0x2c: {  	s7 =	sld [smem:$0x3FA7]  }
0x2d: {  	s3 =	simm.s32 $0x108;
	s8 =	sld [smem:$0x3FA8]  }
0x2e: {  	s3 =	simm.s32 @!p0 $0x1082;
	s9 =	sld [smem:$0x3FA9]  }
0x2f: {  	lr =	sadd.s32 s0, s3;
	s0 =	sld [smem:$0x3FA0]  }
0x30: {  	s3 =	sld [smem:$0x3FA3]  }
0x31: {  	[smem:$0x3FAC] =	sst s10  }
0x32: {  	s10 =	sld [smem:$0x3FAA];
	_ =	sdelay $0x3  }
0x33: {  	p0 =	seq.s32 s10, $0x1;
	s10 =	sld [smem:$0x3FAC];
	_ =	sdelay $0x3  }
0x34: {  	[smem:$0x3FAC] =	sst s10  }
0x35: {  	s10 =	sld [smem:$0x3FAB];
	_ =	sdelay $0x3  }
0x36: {  	p1 =	seq.s32 s10, $0x1;
	s10 =	sld [smem:$0x3FAC];
	_ =	sdelay $0x3  }
0x37: {  	[smem:$0x3FAC] =	sst s10  }
0x38: {  	s10 =	sld [smem:$0x3FAD]  }
0x39: {  	_ = 	snop;
	(pc) =	sbr.ind lr, $3  }
0x3a: {  	_ = 	snop  }
0x3b: {  	_ = 	snop  }
0x3c: {  	p2 =	seq.s32 s10, $0x1;
	s10 =	sld [smem:$0x3FAC]  }
0x3d: {  	_ =	shalt  }
0x3e: {  	_ =	shalt  }
0x3f: {  	_ =	shalt  }
0x40: {  	_ =	shalt  }
0x41: {  	_ =	shalt  }
0x42: {  	_ =	shalt  }
0x43: {  	_ =	shalt  }
0x44: {  	_ =	shalt  }
0x45: {  	_ =	shalt  }
0x46: {  	_ =	shalt  }
0x47: {  	_ =	shalt  }
0x48: {  	_ =	shalt  }
0x49: {  	_ =	shalt  }
0x4a: {  	_ =	shalt  }
0x4b: {  	_ =	shalt  }
0x4c: {  	_ =	shalt  }
0x4d: {  	_ =	shalt  }
0x4e: {  	_ =	shalt  }
0x4f: {  	_ =	shalt  }
0x50: {  	_ =	shalt  }
0x51: {  	_ =	shalt  }
0x52: {  	_ =	shalt  }
0x53: {  	_ =	shalt  }
0x54: {  	_ =	shalt  }
0x55: {  	_ =	shalt  }
0x56: {  	_ =	shalt  }
0x57: {  	_ =	shalt  }
0x58: {  	_ =	shalt  }
0x59: {  	_ =	shalt  }
0x5a: {  	_ =	shalt  }
0x5b: {  	_ =	shalt  }
0x5c: {  	_ =	shalt  }
0x5d: {  	_ =	shalt  }
0x5e: {  	_ =	shalt  }
0x5f: {  	_ =	shalt  }
0x60: {  	_ =	shalt  }
0x61: {  	_ =	shalt  }
0x62: {  	_ =	shalt  }
0x63: {  	_ =	shalt  }
0x64: {  	_ =	shalt  }
0x65: {  	_ =	shalt  }
0x66: {  	_ =	shalt  }
0x67: {  	_ =	shalt  }
0x68: {  	_ =	shalt  }
0x69: {  	_ =	shalt  }
0x6a: {  	_ =	shalt  }
0x6b: {  	_ =	shalt  }
0x6c: {  	_ =	shalt  }
0x6d: {  	_ =	shalt  }
0x6e: {  	_ =	shalt  }
0x6f: {  	_ =	shalt  }
0x70: {  	_ =	shalt  }
0x71: {  	_ =	shalt  }
0x72: {  	_ =	shalt  }
0x73: {  	_ =	shalt  }
0x74: {  	_ =	shalt  }
0x75: {  	_ =	shalt  }
0x76: {  	_ =	shalt  }
0x77: {  	_ =	shalt  }
0x78: {  	_ =	shalt  }
0x79: {  	_ =	shalt  }
0x7a: {  	_ =	shalt  }
0x7b: {  	_ =	shalt  }
0x7c: {  	_ =	shalt  }
0x7d: {  	_ =	shalt  }
0x7e: {  	_ =	shalt  }
0x7f: {  	_ =	shalt  }
0x80: {  	_ =	shalt  }
0x81: {  	_ =	shalt  }
0x82: {  	_ =	shalt  }
0x83: {  	_ =	shalt  }
0x84: {  	_ =	shalt  }
0x85: {  	_ =	shalt  }
0x86: {  	_ =	shalt  }
0x87: {  	_ =	shalt  }
.Lfunc_end0:
.L_simem_size_0:
called_computation.3_lowered:
.L_overlay_start_0:
0x88: {  	s2 =	sld [smem:$0x3FD9]  }
0x89: {  	s3 =	sld [smem:$0x3FFE];
	_ =	sdelay $0x1  }
0x8a: {  	s1 =	srdreg.scid  }
0x8b: {  	s0 =	sand.u32 $0x1, s1  }
0x8c: {  	s16 =	sshll.u32 s0, $0xA;
	s2 =	sadd.s32 s3, s2  }
0x8d: {  	s2 =	sadd.s32 s2, s16  }
0x8e: {  	[smem:$0x3FB8] =	sst s2  }
0x8f: {  	_ = 	snop  }
0x90: {  	(tm) =	ssettm $0x1  }
0x91: {  	s17 =	sld [smem:$0x3FFB];
	_ =	sdelay $0x3  }
0x92: {  	_ =	strace s17  }
0x93: {  	s2 =	sld [smem:$0x3FFC];
	_ =	sdelay $0x3  }
0x94: {  	_ =	strace s2  }
0x95: {  	s2 =	sld [smem:$0x3FFD];
	_ =	sdelay $0x3  }
0x96: {  	_ =	strace s2  }
0x97: {  	_ =	strace $0x8FFFFFFF  }
0x98: {  	s18 =	sld [smem:$0x3FDB];
	_ =	sdelay $0x1  }
0x99: {  	s19 =	simm.s32 $_scs_section_size  }
0x9a: {  	s4 =	simm.s32 $_size__tile_overlayer_lowered;
	s5 =	simm.s32 $_tile_overlayer_lowered  }
0x9b: {  	s22 =	simm.s32 $0x1BFF;
	s21 =	sshll.u32 s5, $0x1;
	s2 =	sadd.s32 s19, s18  }
0x9c: {  	s6 =	simm.s32 $0x0;
	s20 =	sshll.u32 s4, $0x1;
	s4 =	sadd.s32 s21, s2  }
0x9d: {  	[timem:s6], [sflag:s22] =	dma.local [hbm:s4], s20  }
0x9e: {  	_ =	swait.ge [sflag:s22], s20  }
0x9f: {  	s3 =	ssub.s32 $0x0, s20;
	[sflag:s22] =	ssyncset.done $0x0  }
0xa0: {  	[sflag:s22] =	ssyncadd.s32 s3;
	_ =	sdelay $0x1  }
0xa1: {  	s23 =	simm.s32 $0x1B8B  }
0xa2: {  	_ =	swait.ge [sflag:s23], $0x1  }
0xa3: {  	[sflag:s23] =	ssyncset.done $0x0  }
0xa4: {  	s25 =	simm.s32 $0x1B8E;
	s24 =	sld [smem:$0x3FFE];
	[sflag:s23] =	ssyncadd.s32 $0xFFFFFFFF  }
0xa5: {  	s26 =	simm.s32 $execute0_lowered;
	[smem:$0x3FD2] =	sst s25  }
0xa6: {  	s4 =	sshll.u32 s26, $0x1;
	_ =	strace $0x8000004F;
	[dreg:$0x1] =	wrdreg $0xFFFFFFFF  }
0xa7: {  	s28 =	simm.s32 $_size_execute0_lowered;
	s2 =	sadd.s32 s2, s4;
	[dreg:$0x0] =	wrdreg $0x0  }
0xa8: {  	s4 =	sshll.u32 s28, $0x1;
	[dreg:$0x2] =	wrdreg s2  }
0xa9: {  	[dreg:$0x3] =	wrdreg s4  }
0xaa: {  	[dreg:$0x4] =	wrdreg $0xC0  }
0xab: {  	_ =	task [dreg:s6], $0x5FFFF  }
0xac: {  	[dreg:$0x1] =	wrdreg $0xFFFFFFFF  }
0xad: {  	[dreg:$0x0] =	wrdreg $0x60  }
0xae: {  	[dreg:$0x2] =	wrdreg s24  }
0xaf: {  	[dreg:$0x3] =	wrdreg $0xC0000  }
0xb0: {  	[dreg:$0x4] =	wrdreg $0x9  }
0xb1: {  	_ =	task.clear_ibuf [dreg:s6], $0x5FFFF;
	_ =	strace $0x9000004F  }
0xb2: {  	s29 =	simm.s32 $0x9;
	_ =	strace $0x80000051  }
0xb3: {  	_ =	swait.ge [sflag:s29], $0x1  }
0xb4: {  	[sflag:s29] =	ssyncadd.s32 $0xFFFFFFFF  }
0xb5: {  	_ =	strace $0x90000051  }
0xb6: {  	_ =	sfence  }
0xb7: {  	s30 =	sld [smem:$0x0];
	_ =	sdelay $0x2  }
0xb8: {  	s31 =	sshll.u32 s1, $0xD;
	s1 =	sshrl.u32 s1, $0x2  }
0xb9: {  	s3 =	sand.u32 $0x4000, s31;
	s1 =	sadd.s32 s1, s30  }
0xba: {  	s0 =	sor.u32 s3, s0;
	s1 =	sshll.u32 s1, $0x11  }
0xbb: {  	s0 =	sor.u32 s1, s0  }
0xbc: {  	s0 =	sadd.s32 $0x8F2B, s0  }
0xbd: {  	[sflag:s0] =	ssyncadd.remote.s32 $0x1  }
0xbe: {  	_ =	sfence.sel $0xFFFF  }
0xbf: {  	[dreg:$0x0] =	wrdreg $0xFFFFFFFF;
	(pc) =	sbr.abs _section_cstart, $3  }
0xc0: {  	[dreg:$0x1] =	wrdreg $0xFFFFFFFF  }
0xc1: {  	_ =	task.clear_ibuf [dreg:s6], $0x2FFFF;
	_ =	strace $0x9FFFFFFF  }
0xc2: {  	(tm) =	ssettm $0x7FFFFFFF  }
0xc3: {  	_ =	shalt  }
tec
execute0_lowered:
.L_overlay_start_1:
0x0: {  	(tag) =	ssettag $0x1  }
0x1: {  	s0 =	rddreg [dreg:$0x0]  }
0x2: {  	s1 =	rddreg [dreg:$0x1]  }
0x3: {  	s2 =	simm.s32 $0x0;
	s3 =	srdreg.scid;
	s5 =	stileid.u32  }
0x4: {  	s17 =	simm.s32 $0x80;
	s28 =	simm.s32 $0x4;
	s29 =	simm.s32 $0x0  }
0x5: {  	[smem:$0x7FF] =	sst s2;
	s4 =	sadd.s32 $0xFA00, s0;
	s6 =	smul.u32 $0x4F000, s5  }
0x6: {  	s12 =	sadd.s32 $0xB5E00, s0;
	s13 =	sadd.s32 $0x5DC00, s0;
	s10 =	smul.u32 $0x5000, s5  }
0x7: {  	s3 =	sand.u32 $0x1, s3;
	s7 =	sadd.s32 $0xD200, s0;
	s20 =	smul.u32 $0x14000, s5  }
0x8: {  	s0 =	sadd.s32 $0x67C00, s0;
	s19 =	sshll.u32 s5, $0x6;
	s16 =	smul.u32 $0x50000, s5  }
0x9: {  	s30 =	smul.u32 $0xA00, s5;
	p0 =	seq.s32 s5, $0xF;
	_ =	strace $0x80000050  }
0xa: {  	[dreg:$0x3] =	wrdreg s7;
	s18 =	ssub.s32 $0x2, s3;
	s8 =	smul.u32 $0x50000, s3  }
0xb: {  	s3 =	smul.u32 $0x138800, s3;
	s9 =	sshrl.u32 s18, $0x1;
	s6 =	sshrl.u32 s6, $0x2  }
0xc: {  	s22 =	sshrl.u32 s10, $0x3;
	s26 =	sshrl.u32 s16, $0x2;
	s16 =	simm.s32 $0x2000  }
0xd: {  	s11 =	ssub.s32 s18, s9;
	s14 =	sadd.s32 s10, s8;
	s15 =	sadd.s32 s6, s1  }
0xe: {  	s6 =	sor.u32 $0x1C05, s19;
	s23 =	sadd.s32 s20, s3;
	s24 =	sadd.s32 s13, s22  }
0xf: {  	s3 =	sshrl.u32 s3, $0x3;
	s18 =	simm.s32 $0x4000;
	s19 =	simm.s32 $0x1  }
0x10: {  	s20 =	simm.s32 $0x8000;
	s21 =	sshrl.u32 s14, $0x3;
	[dreg:$0x5] =	wrdreg s24  }
0x11: {  	s25 =	sshrl.u32 s23, $0x3;
	s24 =	sadd.s32 $0x12C000, s1;
	s31 =	sor.u32 $0x200, s14  }
0x12: {  	s11 =	smax.u32 s11, $0x1;
	s14 =	sshrl.u32 s15, $0x3;
	s15 =	simm.s32 $0x5  }
.Ltmp0:
0x13: {  	s23 =	simm.s32 $0x3;
	s7 =	sadd.s32 s12, s21;
	(pc) =	sbr.rel .LBB2_1-.Ltmp0, $4  }
0x14: {  	s9 =	sadd.s32 s0, s25;
	s25 =	sadd.s32 s26, s1;
	s0 =	sadd.s32 s0, s3  }
0x15: {  	s3 =	sadd.s32 s30, s13;
	s21 =	simm.s32 $0x2;
	s24 =	sshrl.u32 @p0 s24, $0x3  }
0x16: {  	[dreg:$0x4] =	wrdreg s7;
	s10 =	sadd.s32 $0x25800, s0;
	s0 =	sshrl.u32 s31, $0x3  }
0x17: {  	s3 =	sadd.s32 $0x40, s3;
	s25 =	sshrl.u32 @!p0 s25, $0x3;
	s0 =	sadd.s32 s0, s12  }
.LBB2_4:
0x18: {  	_ =	swait.ge [sflag:s28], $0x4000  }
0x19: {  	[sflag:s28] =	ssyncset.done $0x0  }
0x1a: {  	[sflag:s28] =	ssyncadd.s32 $0xFFFFC000  }
0x1b: {  	s5 =	simm.s32 @p0 $0x5;
	[bflag:$0x0] =	sbarrier.arrive $0xFFFF  }
0x1c: {  	[hbm:s10], [sflag:s6] =	dma.local @p0 [spmem:s24], $0x1900  }
0x1d: {  	s29 =	sadd.s32 $0x1, s29;
	_ =	swait.ge @p0 [sflag:s5], $0x1900  }
0x1e: {  	p1 =	sne.s32 s29, s11;
	[sflag:s5] =	ssyncset.done @p0 $0x0  }
.Ltmp1:
0x1f: {  	[sflag:s5] =	ssyncadd.s32 @p0 $0xFFFFE700;
	s5 =	simm.s32 @!p0 $0x5;
	(pc) =	sbr.rel @!p1 .LBB2_5-.Ltmp1, $4  }
0x20: {  	[hbm:s9], [sflag:s6] =	dma.local @!p0 [spmem:s25], $0x2800  }
0x21: {  	_ =	swait.ge @!p0 [sflag:s5], $0x2800  }
0x22: {  	[sflag:s5] =	ssyncset.done @!p0 $0x0  }
0x23: {  	[sflag:s5] =	ssyncadd.s32 @!p0 $0xFFFFD800  }
.LBB2_1:
0x24: {  	s5 =	rddreg [dreg:$0x3]  }
0x25: {  	[spmem:s14], [sflag:s6] =	dma.local [hbm:s5], $0x2780  }
0x26: {  	_ =	swait.ge [sflag:s15], $0x2780  }
0x27: {  	[sflag:s15] =	ssyncset.done $0x0  }
0x28: {  	s12 =	rddreg [dreg:$0x4];
	[sflag:s15] =	ssyncadd.s32 $0xFFFFD880  }
0x29: {  	[tilespmem:s2], [sflag:$0x5] =	stream.linear.gather [hbm4b:s12+s2], $0x1000, $0x38;
	[tilespmem:$0x1FC00] =	vst v63  }
0x2a: {  	_ =	swait.ge [sflag:s15], $0x1000  }
0x2b: {  	[sflag:s15] =	ssyncset.done $0x0  }
0x2c: {  	s13 =	rddreg [dreg:$0x5];
	[sflag:s15] =	ssyncadd.s32 $0xFFFFF000  }
0x2d: {  	[tilespmem:s16], [sflag:$0x5] =	stream.linear.gather [hbm4b:s13+s2], $0x1000, $0x38;
	[tilespmem:$0x1FC00] =	vst v63  }
0x2e: {  	_ =	swait.ge [sflag:s15], $0x1000  }
0x2f: {  	[sflag:s15] =	ssyncset.done $0x0  }
0x30: {  	[sflag:s15] =	ssyncadd.s32 $0xFFFFF000  }
0x31: {  	[bflag:$0x0] =	sbarrier.arrive $0xFFFF  }
0x32: {  	[tilespmem:s18], [sflag:$0x1] =	stream.indirect.gather [hbm4b:s4+s17], $0x80, s2, s17, $0xb8;
	[tilespmem:$0x1FC00] =	vst v63  }
0x33: {  	_ =	swait.ge [sflag:s19], $0x4000  }
0x34: {  	[sflag:s19] =	ssyncset.done $0x0  }
0x35: {  	[sflag:s19] =	ssyncadd.s32 $0xFFFFC000  }
0x36: {  	[spmem:s1] =	stream.indirect.scatter.add.f32 [tilespmem:s18], [sflag:$0x3], $0x80, s16, s17, $0xb8;
	[tilespmem:$0x1FC00] =	vst v63  }
0x37: {  	_ = 	snop  }
0x38: {  	[tilespmem:s20], [sflag:$0x2] =	stream.indirect.gather [hbm4b:s4+s17], $0x80, s17, s17, $0xb8;
	[tilespmem:$0x1FC00] =	vst v63  }
0x39: {  	_ =	swait.ge [sflag:s21], $0x4000  }
0x3a: {  	[sflag:s21] =	ssyncset.done $0x0  }
0x3b: {  	s22 =	simm.s32 $0x2080;
	[sflag:s21] =	ssyncadd.s32 $0xFFFFC000  }
0x3c: {  	[spmem:s1] =	stream.indirect.scatter.add.f32 [tilespmem:s20], [sflag:$0x4], $0x80, s22, s17, $0xb8;
	[tilespmem:$0x1FC00] =	vst v63  }
0x3d: {  	s26 =	simm.s32 $0x100;
	_ =	swait.ge [sflag:s23], $0x4000  }
0x3e: {  	s30 =	simm.s32 $0x200;
	s31 =	simm.s32 $0x4;
	[sflag:s23] =	ssyncset.done $0x0  }
0x3f: {  	s12 =	smov.u32 s3;
	s13 =	smov.u32 s0;
	[sflag:s23] =	ssyncadd.s32 $0xFFFFC000  }
0x40: {  	[tilespmem:s18], [sflag:$0x1] =	stream.indirect.gather [hbm4b:s4+s17], $0x80, s26, s17, $0xb8;
	[tilespmem:$0x1FC00] =	vst v63  }
.LBB2_2:
0x41: {  	s22 =	sadd.s32 $0xFFFFFF00, s30  }
0x42: {  	_ =	swait.ge [sflag:s19], $0x4000;
	s26 =	sand.u32 $0x1000, s22  }
0x43: {  	[sflag:s19] =	ssyncset.done $0x0;
	s22 =	sand.u32 $0xF00, s22;
	s5 =	sor.u32 $0x2000, s26  }
0x44: {  	[sflag:s19] =	ssyncadd.s32 $0xFFFFC000;
	s7 =	sor.u32 s22, s5  }
0x45: {  	[spmem:s1] =	stream.indirect.scatter.add.f32 [tilespmem:s18], [sflag:$0x3], $0x80, s7, s17, $0xb8;
	[tilespmem:$0x1FC00] =	vst v63  }
0x46: {  	_ =	swait.ge [sflag:s28], $0x4000  }
0x47: {  	s8 =	sor.u32 $0x80, s22;
	[sflag:s28] =	ssyncset.done $0x0  }
0x48: {  	s22 =	sor.u32 s8, s26;
	[sflag:s28] =	ssyncadd.s32 $0xFFFFC000  }
0x49: {  	[tilespmem:s20], [sflag:$0x2] =	stream.indirect.gather [hbm4b:s4+s17], $0x80, s22, s17, $0xb8;
	[tilespmem:$0x1FC00] =	vst v63  }
0x4a: {  	_ =	swait.ge [sflag:s21], $0x4000  }
0x4b: {  	p1 =	seq.s32 s31, $0xA0;
	[sflag:s21] =	ssyncset.done $0x0  }
.Ltmp2:
0x4c: {  	s5 =	sor.u32 s8, s5;
	[sflag:s21] =	ssyncadd.s32 $0xFFFFC000;
	(pc) =	sbr.rel @p1 .LBB2_4-.Ltmp2, $4  }
0x4d: {  	[spmem:s1] =	stream.indirect.scatter.add.f32 [tilespmem:s20], [sflag:$0x4], $0x80, s5, s17, $0xb8;
	[tilespmem:$0x1FC00] =	vst v63  }
0x4e: {  	_ =	swait.ge [sflag:s23], $0x4000  }
0x4f: {  	[sflag:s23] =	ssyncset.done $0x0  }
0x50: {  	[sflag:s23] =	ssyncadd.s32 $0xFFFFC000  }
0x51: {  	s5 =	sand.u32 $0x1E, s31  }
0x52: {  	p1 =	seq.s32 s5, $0x0  }
0x53: {  	s7 =	sand.u32 @p1 $0x1000, s30;
	s22 =	simm.s32 @p1 $0x0;
	s26 =	simm.s32 @p1 $0x5  }
0x54: {  	[tilespmem:s7], [sflag:$0x5] =	stream.linear.gather @p1 [hbm4b:s13+s22], $0x1000, $0x38;
	[tilespmem:$0x1FC00] =	vst v63  }
0x55: {  	_ =	swait.ge @p1 [sflag:s26], $0x1000  }
0x56: {  	[sflag:s26] =	ssyncset.done @p1 $0x0  }
0x57: {  	s8 =	sor.u32 @p1 $0x2000, s7;
	[sflag:s26] =	ssyncadd.s32 @p1 $0xFFFFF000  }
0x58: {  	[tilespmem:s8], [sflag:$0x5] =	stream.linear.gather @p1 [hbm4b:s12+s22], $0x1000, $0x38;
	[tilespmem:$0x1FC00] =	vst v63  }
.Ltmp3:
0x59: {  	s31 =	sadd.s32 $0x2, s31;
	s5 =	sshll.u32 s5, $0x7;
	(pc) =	sbr.rel .LBB2_2-.Ltmp3, $4  }
0x5a: {  	s13 =	sadd.s32 $0x20, s13;
	s8 =	sand.u32 @!p1 $0x1000, s30;
	_ =	swait.ge @p1 [sflag:s26], $0x1000  }
0x5b: {  	s30 =	sadd.s32 $0x100, s30;
	s8 =	smov.u32 @p1 s7;
	[sflag:s26] =	ssyncset.done @p1 $0x0  }
0x5c: {  	s12 =	sadd.s32 $0x20, s12;
	s5 =	sadd.s32 s5, s8;
	[sflag:s26] =	ssyncadd.s32 @p1 $0xFFFFF000  }
0x5d: {  	[tilespmem:s18], [sflag:$0x1] =	stream.indirect.gather [hbm4b:s4+s17], $0x80, s5, s17, $0xb8;
	[tilespmem:$0x1FC00] =	vst v63  }
.LBB2_5:
0x5e: {  	_ =	sfence.sel $0x180000  }
0x5f: {  	[bflag:$0x0] =	sbarrier.arrive $0xFFFF  }
0x60: {  	_ =	strace $0x90000050  }
0x61: {  	s0 =	stileid.u32;
	[bflag:$0x2] =	sbarrier.arrive $0xFFFF  }
0x62: {  	p0 =	sne.s32 s0, $0x0;
	s0 =	rddreg [dreg:$0x2]  }
0x63: {  	s0 =	sadd.s32 @!p0 $0x100000, s0  }
0x64: {  	[sflag:s0] =	ssyncadd.tile.s32 @!p0 $0x1;
	_ =	shalt  }
.Lfunc_end2:
_tile_overlayer_lowered:
.L_overlay_start_2:
0x65: {  	(tag) =	ssettag $0x2  }
0x66: {  	s0 =	rddreg [dreg:$0x0];
	s2 =	stileid.u32  }
0x67: {  	s1 =	rddreg [dreg:$0x1];
	p0 =	sne.s32 s2, $0x0  }
0x68: {  	s3 =	rddreg [dreg:$0x2];
	[bflag:$0x3] =	sbarrier.arrive $0xFFFF;
	s2 =	simm.s32 @!p0 $0x1C05  }
0x69: {  	[timem:s3], [sflag:s2] =	dma.local @!p0 [hbm:s0], s1  }
0x6a: {  	s0 =	simm.s32 @!p0 $0x5  }
0x6b: {  	_ =	swait.ge @!p0 [sflag:s0], s1  }
0x6c: {  	s1 =	ssub.s32 @!p0 $0x0, s1;
	[sflag:s0] =	ssyncset.done @!p0 $0x0  }
0x6d: {  	[sflag:s0] =	ssyncadd.s32 @!p0 s1  }
0x6e: {  	[bflag:$0x3] =	sbarrier.arrive $0xFFFF  }
0x6f: {  	_ =	shalt  }

</sc_bundles>
